<compile_context>
chip_gen: v7x
topology: tpu7x:2x2x1
jax: 0.10.2.dev20260603
libtpu: 0.0.44.dev20260713+nightly
codegen_flags: <defaults>
</compile_context>

<pallas_src>
import functools

import jax
import jax.numpy as jnp
from jax import lax
from jax.experimental import pallas as pl
from jax.experimental.pallas import tpu as pltpu
from jax.experimental.pallas import tpu_sc as plsc

N = 10000
E = 320000
D = 128
G = 16
OUT = 5

NC = 2
NS = 16
L = 16
NW = NC * NS

C = 120
NBUF = 3
IB = 4
STEP = 12
CH = -(-(-(-E // (NW * C))) // STEP) * STEP
E_PAD = NW * C * CH
ACC_ROWS = 10112
ZROWS = ACC_ROWS // NS
ZCH = -(-ZROWS // C)
WB = N // NS // 8 * 8
WB_LAST = N - (NS - 1) * WB


def _sc_body(x_hbm, sd_hbm, ew_hbm, w_hbm, out_hbm,
             sd_c, ew_c, rows0, rows1, rows2, w_v,
             gs0, gs1, gs2, ss0, ss1, ss2, is0, is1, is2, is3, acc):
    rows = [rows0, rows1, rows2]
    gsem = [gs0, gs1, gs2]
    ssem = [ss0, ss1, ss2]
    isem = [is0, is1, is2, is3]
    c = lax.axis_index("c")
    s = lax.axis_index("s")
    w = c * NS + s

    pltpu.sync_copy(w_hbm, w_v)

    def zrow(i, _):
        for f in range(D // L):
            rows0[i, pl.ds(f * L, L)] = jnp.zeros((L,), jnp.float32)
        return 0
    lax.fori_loop(0, C, zrow, 0)
    for k in range(ZCH):
        off = min(k * C, ZROWS - C)
        pltpu.sync_copy(rows0, acc.at[pl.ds(s * ZROWS + off, C)])
    plsc.subcore_barrier()

    wecol = [w_v[0, pl.ds(f * L, L)] for f in range(D // L)]
    bev = [w_v[1, pl.ds(f * L, L)] for f in range(D // L)]

    def idx_descs(ci, j):
        g = w * CH + ci
        return (pltpu.make_async_copy(sd_hbm.at[pl.ds(2 * g, 2)],
                                      sd_c.at[pl.ds(2 * j, 2)], isem[j]),
                pltpu.make_async_copy(ew_hbm.at[pl.ds(g * C, C)],
                                      ew_c.at[pl.ds(j * C, C)], isem[j]))

    def idx_start(ci, j):
        for d in idx_descs(ci, j):
            d.start()

    def idx_wait(ci, j):
        for d in idx_descs(ci, j):
            d.wait()

    def gather_desc(j, b):
        return pltpu.make_async_copy(
            x_hbm.at[sd_c.at[2 * j]], rows[b], gsem[b])

    def scatter_desc(j, b):
        return pltpu.make_async_copy(
            rows[b], acc.at[sd_c.at[2 * j + 1]], ssem[b])

    idx_start(0, 0)
    idx_start(1, 1)
    idx_wait(0, 0)
    gather_desc(0, 0).start()

    def outer(k, _):
        for j in range(STEP):
            ci = k * STEP + j
            b = j % NBUF
            b1 = (j + 1) % NBUF
            jj = j % IB

            @pl.when(jnp.logical_and(ci >= 2, ci + 1 < CH))
            def _():
                scatter_desc((jj + 2) % IB, b1).wait()

            @pl.when(ci + 1 < CH)
            def _():
                idx_wait(ci + 1, (jj + 1) % IB)
                gather_desc((jj + 1) % IB, b1).start()

            gather_desc(jj, b).wait()

            @pl.when(ci + 2 < CH)
            def _():
                idx_start(ci + 2, (jj + 2) % IB)

            def edge(i, _):
                ewv = plsc.load_gather(
                    ew_c, [jnp.full((L,), jj * C, jnp.int32) + i])
                for f in range(D // L):
                    v = rows[b][i, pl.ds(f * L, L)]
                    rows[b][i, pl.ds(f * L, L)] = jnp.maximum(
                        v + ewv * wecol[f] + bev[f], 0.0)
                return 0
            lax.fori_loop(0, C, edge, 0)
            scatter_desc(jj, b).start(add=True)
        return 0
    lax.fori_loop(0, CH // STEP, outer, 0)
    for t in range(NBUF):
        ci = CH - NBUF + t
        scatter_desc(ci % IB, ci % NBUF).wait()
    plsc.subcore_barrier()

    @pl.when(s < NS - 1)
    def _():
        pltpu.sync_copy(acc.at[pl.ds(s * WB, WB)],
                        out_hbm.at[c, pl.ds(s * WB, WB)])

    @pl.when(s == NS - 1)
    def _():
        pltpu.sync_copy(acc.at[pl.ds((NS - 1) * WB, WB_LAST)],
                        out_hbm.at[c, pl.ds((NS - 1) * WB, WB_LAST)])


@jax.jit
def _sc_layer(x, sd, ew2, wparams):
    mesh = plsc.VectorSubcoreMesh(core_axis_name="c", subcore_axis_name="s")
    return pl.kernel(
        _sc_body,
        out_type=jax.ShapeDtypeStruct((NC, N, D), jnp.float32),
        mesh=mesh,
        scratch_types=[
            pltpu.VMEM((IB * 2, C), jnp.int32),
            pltpu.VMEM((IB * C,), jnp.float32),
            pltpu.VMEM((C, D), jnp.float32),
            pltpu.VMEM((C, D), jnp.float32),
            pltpu.VMEM((C, D), jnp.float32),
            pltpu.VMEM((2, D), jnp.float32),
        ] + [pltpu.SemaphoreType.DMA] * (NBUF * 2 + IB) + [
            pltpu.VMEM_SHARED((ACC_ROWS, D), jnp.float32),
        ],
        compiler_params=pltpu.CompilerParams(needs_layout_passes=False),
    )(x, sd, ew2, wparams)


def _mlp_body(x_ref, a0_ref, a1_ref, w1_ref, b1_ref, g_ref, bt_ref,
              w2_ref, b2_ref, o_ref):
    h = x_ref[...] + a0_ref[...] + a1_ref[...]
    h1 = jnp.dot(h, w1_ref[...], preferred_element_type=jnp.float32) + b1_ref[...]
    mu = jnp.mean(h1, axis=0, keepdims=True)
    var = jnp.mean((h1 - mu) ** 2, axis=0, keepdims=True)
    hn = (h1 - mu) * lax.rsqrt(var + 1e-5) * g_ref[...] + bt_ref[...]
    r = jnp.maximum(hn, 0.0)
    o_ref[...] = jnp.maximum(
        jnp.dot(r, w2_ref[...], preferred_element_type=jnp.float32) + b2_ref[...],
        0.0)


@jax.jit
def _mlp_layer(x, a0, a1, w1t, b1, g, bt, w2t, b2):
    return pl.pallas_call(
        _mlp_body,
        out_shape=jax.ShapeDtypeStruct((N, D), jnp.float32),
    )(x, a0, a1, w1t, b1.reshape(1, D), g.reshape(1, D), bt.reshape(1, D),
      w2t, b2.reshape(1, D))


def _final_body(x_ref, a0_ref, a1_ref, w1_ref, b1_ref, g_ref, bt_ref,
                w2_ref, b2_ref, batch_ref, wo_ref, bo_ref, o_ref):
    h = x_ref[...] + a0_ref[...] + a1_ref[...]
    h1 = jnp.dot(h, w1_ref[...], preferred_element_type=jnp.float32) + b1_ref[...]
    mu = jnp.mean(h1, axis=0, keepdims=True)
    var = jnp.mean((h1 - mu) ** 2, axis=0, keepdims=True)
    hn = (h1 - mu) * lax.rsqrt(var + 1e-5) * g_ref[...] + bt_ref[...]
    r = jnp.maximum(hn, 0.0)
    x2 = jnp.maximum(
        jnp.dot(r, w2_ref[...], preferred_element_type=jnp.float32) + b2_ref[...],
        0.0)
    b = batch_ref[...]
    neg = jnp.float32(-jnp.inf)
    rows = [jnp.max(jnp.where(b == gi, x2, neg), axis=0, keepdims=True)
            for gi in range(G)]
    pooled = jnp.concatenate(rows, axis=0)
    o_ref[...] = (jnp.dot(pooled, wo_ref[...], preferred_element_type=jnp.float32)
                  + bo_ref[...])


@jax.jit
def _final_layer(x, a0, a1, w1t, b1, g, bt, w2t, b2, batch, wot, bout):
    return pl.pallas_call(
        _final_body,
        out_shape=jax.ShapeDtypeStruct((G, OUT), jnp.float32),
    )(x, a0, a1, w1t, b1.reshape(1, D), g.reshape(1, D), bt.reshape(1, D),
      w2t, b2.reshape(1, D), batch.reshape(N, 1), wot, bout.reshape(1, OUT))


def kernel(x, edge_index, egde_weights, batch,
           We0, be0, W1_0, b1_0, g0, bt0, W2_0, b2_0,
           We1, be1, W1_1, b1_1, g1, bt1, W2_1, b2_1,
           Wout, bout):
    pad = E_PAD - E
    srcp = jnp.concatenate(
        [edge_index[0], jnp.zeros((pad,), jnp.int32)]).reshape(NW * CH, C)
    dstp = jnp.concatenate(
        [edge_index[1], jnp.full((pad,), N, jnp.int32)]).reshape(NW * CH, C)
    sd = jnp.stack([srcp, dstp], axis=1).reshape(NW * CH * 2, C)
    ew2 = jnp.concatenate([egde_weights[:, 0], jnp.zeros((pad,), jnp.float32)])
    wp0 = jnp.stack([We0[:, 0], be0])
    wp1 = jnp.stack([We1[:, 0], be1])

    agg0 = _sc_layer(x, sd, ew2, wp0)
    x1 = _mlp_layer(x, agg0[0], agg0[1], W1_0.T, b1_0, g0, bt0, W2_0.T, b2_0)
    agg1 = _sc_layer(x1, sd, ew2, wp1)
    return _final_layer(x1, agg1[0], agg1[1], W1_1.T, b1_1, g1, bt1,
                        W2_1.T, b2_1, batch, Wout.T, bout)

# --- scband reference (transcript-rebuilt; emitter-appended) ---
"""Pipeline reference for scband-gin-35665408425999 (READ-ONLY COPY).

The authoritative reference and input builder live on the scoring server;
editing this copy changes nothing except your own understanding.
"""

import jax, jax.numpy as jnp
import numpy as np

N = 10000
E = 320000
D = 128
G = 16
OUT = 5

def _lin_init(key, out_f, in_f):
    bound = 1.0 / np.sqrt(in_f)
    kw, kb = jax.random.split(key)
    W = jax.random.uniform(kw, (out_f, in_f), minval=-bound, maxval=bound, dtype=jnp.float32)
    b = jax.random.uniform(kb, (out_f,), minval=-bound, maxval=bound, dtype=jnp.float32)
    return W, b

def setup_inputs(seed: int = 0) -> dict:
    key = jax.random.key(seed)
    ks = jax.random.split(key, 12)
    inp = {}
    inp['x'] = jax.random.normal(ks[0], (N, D), dtype=jnp.float32)
    inp['edge_index'] = jax.random.randint(ks[1], (2, E), 0, N, dtype=jnp.int32)
    inp['egde_weights'] = jax.random.uniform(ks[2], (E, 1), dtype=jnp.float32)
    inp['batch'] = jnp.sort(jax.random.randint(ks[3], (N,), 0, G, dtype=jnp.int32))
    # layer 0 params
    inp['We0'], inp['be0'] = _lin_init(ks[4], D, 1)
    inp['W1_0'], inp['b1_0'] = _lin_init(ks[5], D, D)
    inp['g0'] = jnp.ones((D,), dtype=jnp.float32)
    inp['bt0'] = jnp.zeros((D,), dtype=jnp.float32)
    inp['W2_0'], inp['b2_0'] = _lin_init(ks[6], D, D)
    # layer 1 params
    inp['We1'], inp['be1'] = _lin_init(ks[7], D, 1)
    inp['W1_1'], inp['b1_1'] = _lin_init(ks[8], D, D)
    inp['g1'] = jnp.ones((D,), dtype=jnp.float32)
    inp['bt1'] = jnp.zeros((D,), dtype=jnp.float32)
    inp['W2_1'], inp['b2_1'] = _lin_init(ks[9], D, D)
    # final linear
    inp['Wout'], inp['bout'] = _lin_init(ks[10], OUT, D)
    return inp

def _gine_conv(x, edge_index, edge_attr, We, be, W1, b1, g, bt, W2, b2):
    # GINEConv(eps=0): out = MLP(x + sum_{j->i} relu(x_j + edge_lin(e_ji)))
    src = edge_index[0]
    dst = edge_index[1]
    e = edge_attr @ We.T + be                      # (E, D) edge feature lift
    m = jax.nn.relu(x[src] + e)                    # messages (gather)
    agg = jax.ops.segment_sum(m, dst, num_segments=x.shape[0])  # scatter-add
    h = x + agg                                    # (1 + eps) * x with eps = 0
    # tg.nn.MLP num_layers=2: Linear -> BatchNorm (train mode, batch stats) -> ReLU -> Linear
    h1 = h @ W1.T + b1
    mu = h1.mean(axis=0)
    var = h1.var(axis=0)
    hn = (h1 - mu) / jnp.sqrt(var + 1e-5) * g + bt
    return jax.nn.relu(hn) @ W2.T + b2

def reference(x, edge_index, egde_weights, batch, We0, be0, W1_0, b1_0, g0, bt0, W2_0, b2_0, We1, be1, W1_1, b1_1, g1, bt1, W2_1, b2_1, Wout, bout):
    x = jax.nn.relu(_gine_conv(x, edge_index, egde_weights, We0, be0, W1_0, b1_0, g0, bt0, W2_0, b2_0))
    x = jax.nn.relu(_gine_conv(x, edge_index, egde_weights, We1, be1, W1_1, b1_1, g1, bt1, W2_1, b2_1))
    # pool_method='avg' falls through to global_max_pool in get_pool_method
    pooled = jax.ops.segment_max(x, batch, num_segments=G)
    return pooled @ Wout.T + bout

if __name__ == "__main__":
    import jax
    _d = setup_inputs()
    print(jax.jit(kernel)(*tuple(_d.values())))

</pallas_src>

<mosaic_0001>
#map = affine_map<(d0, d1) -> (0, 0)>
#map1 = affine_map<(d0, d1) -> (0)>
#map2 = affine_map<(d0, d1) -> (0, 0, 0)>
module attributes {stable_mosaic.version = 14 : i64} {
  func.func @_sc_body(%arg0: i32, %arg1: i32, %arg2: memref<10000x128xf32, #tpu.memory_space<hbm>>, %arg3: memref<5376x120xi32, #tpu.memory_space<hbm>>, %arg4: memref<322560xf32, #tpu.memory_space<hbm>>, %arg5: memref<2x128xf32, #tpu.memory_space<hbm>>, %arg6: memref<2x10000x128xf32, #tpu.memory_space<hbm>>, %arg7: memref<8x120xi32, #tpu.memory_space<vmem>>, %arg8: memref<480xf32, #tpu.memory_space<vmem>>, %arg9: memref<120x128xf32, #tpu.memory_space<vmem>>, %arg10: memref<120x128xf32, #tpu.memory_space<vmem>>, %arg11: memref<120x128xf32, #tpu.memory_space<vmem>>, %arg12: memref<2x128xf32, #tpu.memory_space<vmem>>, %arg13: memref<!tpu.dma_semaphore, #tpu.memory_space<semaphore_mem>>, %arg14: memref<!tpu.dma_semaphore, #tpu.memory_space<semaphore_mem>>, %arg15: memref<!tpu.dma_semaphore, #tpu.memory_space<semaphore_mem>>, %arg16: memref<!tpu.dma_semaphore, #tpu.memory_space<semaphore_mem>>, %arg17: memref<!tpu.dma_semaphore, #tpu.memory_space<semaphore_mem>>, %arg18: memref<!tpu.dma_semaphore, #tpu.memory_space<semaphore_mem>>, %arg19: memref<!tpu.dma_semaphore, #tpu.memory_space<semaphore_mem>>, %arg20: memref<!tpu.dma_semaphore, #tpu.memory_space<semaphore_mem>>, %arg21: memref<!tpu.dma_semaphore, #tpu.memory_space<semaphore_mem>>, %arg22: memref<!tpu.dma_semaphore, #tpu.memory_space<semaphore_mem>>, %arg23: memref<10112x128xf32, #tpu.memory_space<vmem_shared>>) attributes {dimension_semantics = [#tpu.dimension_semantics<core_parallel>, #tpu.dimension_semantics<subcore_parallel>], iteration_bounds = array<i64: 2, 16>, scalar_prefetch = 0 : i64, scratch_operands = 17 : i64, tpu.core_type = #tpu.core_type<sc_vector_subcore>, window_params = [{transform_indices = #map}, {transform_indices = #map}, {transform_indices = #map1}, {transform_indices = #map}, {transform_indices = #map2}]} {
    %mul3A = arith.constant 16 : i32
    %mul3A_0 = arith.muli %arg0, %mul3A : i32
    %add3A = arith.addi %mul3A_0, %arg1 : i32
    "tpu.region"() ({
      %run_scoped3A = tpu.sem_alloc : memref<!tpu.dma_semaphore, #tpu.memory_space<semaphore_mem>>
      tpu.enqueue_dma source(%arg5 : memref<2x128xf32, #tpu.memory_space<hbm>>) target(%arg12 : memref<2x128xf32, #tpu.memory_space<vmem>>) target_semaphore(%run_scoped3A : memref<!tpu.dma_semaphore, #tpu.memory_space<semaphore_mem>>)
      tpu.wait_dma2 semaphore(%run_scoped3A : memref<!tpu.dma_semaphore, #tpu.memory_space<semaphore_mem>>) src(%arg5 : memref<2x128xf32, #tpu.memory_space<hbm>>) dst(%arg12 : memref<2x128xf32, #tpu.memory_space<vmem>>)
      tpu.yield
    }) : () -> ()
    %scan3A = arith.constant 0 : i32
    %scan3A_1 = arith.constant 0 : i32
    %scan3A_2 = arith.constant 120 : i32
    %scan3A_3 = arith.addi %scan3A_1, %scan3A_2 : i32
    %scan3A_4 = arith.constant 1 : i32
    %scan3A_5 = scf.for %scan3A_206 = %scan3A_1 to %scan3A_3 step %scan3A_4 iter_args(%scan3A_207 = %scan3A) -> (i32)  : i32 {
      %broadcast_in_dim3A = arith.constant 0.000000e+00 : f32
      %broadcast_in_dim3A_208 = vector.broadcast %broadcast_in_dim3A : f32 to vector<16xf32>
      %swap3A = arith.index_cast %scan3A_206 : i32 to index
      %swap3A_209 = arith.constant 0 : index
      %swap3A_210 = tpu.vector_load %arg9[%swap3A, %swap3A_209] {strides = array<i32>} : memref<120x128xf32, #tpu.memory_space<vmem>>, vector<16xf32>,
      tpu.vector_store %arg9[%swap3A, %swap3A_209], %broadcast_in_dim3A_208 {strides = array<i32>} : memref<120x128xf32, #tpu.memory_space<vmem>>, vector<16xf32>,
      %broadcast_in_dim3A_211 = arith.constant 0.000000e+00 : f32
      %broadcast_in_dim3A_212 = vector.broadcast %broadcast_in_dim3A_211 : f32 to vector<16xf32>
      %swap3A_213 = arith.index_cast %scan3A_206 : i32 to index
      %swap3A_214 = arith.constant 16 : index
      %swap3A_215 = tpu.vector_load %arg9[%swap3A_213, %swap3A_214] {strides = array<i32>} : memref<120x128xf32, #tpu.memory_space<vmem>>, vector<16xf32>,
      tpu.vector_store %arg9[%swap3A_213, %swap3A_214], %broadcast_in_dim3A_212 {strides = array<i32>} : memref<120x128xf32, #tpu.memory_space<vmem>>, vector<16xf32>,
      %broadcast_in_dim3A_216 = arith.constant 0.000000e+00 : f32
      %broadcast_in_dim3A_217 = vector.broadcast %broadcast_in_dim3A_216 : f32 to vector<16xf32>
      %swap3A_218 = arith.index_cast %scan3A_206 : i32 to index
      %swap3A_219 = arith.constant 32 : index
      %swap3A_220 = tpu.vector_load %arg9[%swap3A_218, %swap3A_219] {strides = array<i32>} : memref<120x128xf32, #tpu.memory_space<vmem>>, vector<16xf32>,
      tpu.vector_store %arg9[%swap3A_218, %swap3A_219], %broadcast_in_dim3A_217 {strides = array<i32>} : memref<120x128xf32, #tpu.memory_space<vmem>>, vector<16xf32>,
      %broadcast_in_dim3A_221 = arith.constant 0.000000e+00 : f32
      %broadcast_in_dim3A_222 = vector.broadcast %broadcast_in_dim3A_221 : f32 to vector<16xf32>
      %swap3A_223 = arith.index_cast %scan3A_206 : i32 to index
      %swap3A_224 = arith.constant 48 : index
      %swap3A_225 = tpu.vector_load %arg9[%swap3A_223, %swap3A_224] {strides = array<i32>} : memref<120x128xf32, #tpu.memory_space<vmem>>, vector<16xf32>,
      tpu.vector_store %arg9[%swap3A_223, %swap3A_224], %broadcast_in_dim3A_222 {strides = array<i32>} : memref<120x128xf32, #tpu.memory_space<vmem>>, vector<16xf32>,
      %broadcast_in_dim3A_226 = arith.constant 0.000000e+00 : f32
      %broadcast_in_dim3A_227 = vector.broadcast %broadcast_in_dim3A_226 : f32 to vector<16xf32>
      %swap3A_228 = arith.index_cast %scan3A_206 : i32 to index
      %swap3A_229 = arith.constant 64 : index
      %swap3A_230 = tpu.vector_load %arg9[%swap3A_228, %swap3A_229] {strides = array<i32>} : memref<120x128xf32, #tpu.memory_space<vmem>>, vector<16xf32>,
      tpu.vector_store %arg9[%swap3A_228, %swap3A_229], %broadcast_in_dim3A_227 {strides = array<i32>} : memref<120x128xf32, #tpu.memory_space<vmem>>, vector<16xf32>,
      %broadcast_in_dim3A_231 = arith.constant 0.000000e+00 : f32
      %broadcast_in_dim3A_232 = vector.broadcast %broadcast_in_dim3A_231 : f32 to vector<16xf32>
      %swap3A_233 = arith.index_cast %scan3A_206 : i32 to index
      %swap3A_234 = arith.constant 80 : index
      %swap3A_235 = tpu.vector_load %arg9[%swap3A_233, %swap3A_234] {strides = array<i32>} : memref<120x128xf32, #tpu.memory_space<vmem>>, vector<16xf32>,
      tpu.vector_store %arg9[%swap3A_233, %swap3A_234], %broadcast_in_dim3A_232 {strides = array<i32>} : memref<120x128xf32, #tpu.memory_space<vmem>>, vector<16xf32>,
      %broadcast_in_dim3A_236 = arith.constant 0.000000e+00 : f32
      %broadcast_in_dim3A_237 = vector.broadcast %broadcast_in_dim3A_236 : f32 to vector<16xf32>
      %swap3A_238 = arith.index_cast %scan3A_206 : i32 to index
      %swap3A_239 = arith.constant 96 : index
      %swap3A_240 = tpu.vector_load %arg9[%swap3A_238, %swap3A_239] {strides = array<i32>} : memref<120x128xf32, #tpu.memory_space<vmem>>, vector<16xf32>,
      tpu.vector_store %arg9[%swap3A_238, %swap3A_239], %broadcast_in_dim3A_237 {strides = array<i32>} : memref<120x128xf32, #tpu.memory_space<vmem>>, vector<16xf32>,
      %broadcast_in_dim3A_241 = arith.constant 0.000000e+00 : f32
      %broadcast_in_dim3A_242 = vector.broadcast %broadcast_in_dim3A_241 : f32 to vector<16xf32>
      %swap3A_243 = arith.index_cast %scan3A_206 : i32 to index
      %swap3A_244 = arith.constant 112 : index
      %swap3A_245 = tpu.vector_load %arg9[%swap3A_243, %swap3A_244] {strides = array<i32>} : memref<120x128xf32, #tpu.memory_space<vmem>>, vector<16xf32>,
      tpu.vector_store %arg9[%swap3A_243, %swap3A_244], %broadcast_in_dim3A_242 {strides = array<i32>} : memref<120x128xf32, #tpu.memory_space<vmem>>, vector<16xf32>,
      %scan3A_246 = arith.constant 0 : i32
      scf.yield %scan3A_246 : i32
    }
    %scan3A_6 = arith.constant 120 : i32
    %mul3A_7 = arith.constant 632 : i32
    %mul3A_8 = arith.muli %arg1, %mul3A_7 : i32
    %add3A_9 = arith.constant 0 : i32
    %add3A_10 = arith.addi %mul3A_8, %add3A_9 : i32
    "tpu.region"() ({
      %run_scoped3A = tpu.sem_alloc : memref<!tpu.dma_semaphore, #tpu.memory_space<semaphore_mem>>
      %dma_start3A_206 = arith.constant 0 : i32
      %dma_start3A_207 = tpu.memref_slice %arg23[%add3A_10, %dma_start3A_206] : memref<10112x128xf32, #tpu.memory_space<vmem_shared>> -> memref<120x128xf32, #tpu.memory_space<vmem_shared>>
      %dma_start3A_208 = arith.constant 0 : i32
      %dma_start3A_209 = tpu.memref_slice %arg23[%add3A_10, %dma_start3A_208] : memref<10112x128xf32, #tpu.memory_space<vmem_shared>> -> memref<120x128xf32, #tpu.memory_space<vmem_shared>>
      tpu.enqueue_dma source(%arg9 : memref<120x128xf32, #tpu.memory_space<vmem>>) target(%dma_start3A_209 : memref<120x128xf32, #tpu.memory_space<vmem_shared>>) target_semaphore(%run_scoped3A : memref<!tpu.dma_semaphore, #tpu.memory_space<semaphore_mem>>)
      %dma_wait3A_210 = arith.constant 0 : i32
      %dma_wait3A_211 = tpu.memref_slice %arg23[%add3A_10, %dma_wait3A_210] : memref<10112x128xf32, #tpu.memory_space<vmem_shared>> -> memref<120x128xf32, #tpu.memory_space<vmem_shared>>
      %dma_wait3A_212 = arith.constant 0 : i32
      %dma_wait3A_213 = tpu.memref_slice %arg23[%add3A_10, %dma_wait3A_212] : memref<10112x128xf32, #tpu.memory_space<vmem_shared>> -> memref<120x128xf32, #tpu.memory_space<vmem_shared>>
      tpu.wait_dma2 semaphore(%run_scoped3A : memref<!tpu.dma_semaphore, #tpu.memory_space<semaphore_mem>>) src(%arg9 : memref<120x128xf32, #tpu.memory_space<vmem>>) dst(%dma_wait3A_213 : memref<120x128xf32, #tpu.memory_space<vmem_shared>>)
      tpu.yield
    }) : () -> ()
    %mul3A_11 = arith.constant 632 : i32
    %mul3A_12 = arith.muli %arg1, %mul3A_11 : i32
    %add3A_13 = arith.constant 120 : i32
    %add3A_14 = arith.addi %mul3A_12, %add3A_13 : i32
    "tpu.region"() ({
      %run_scoped3A = tpu.sem_alloc : memref<!tpu.dma_semaphore, #tpu.memory_space<semaphore_mem>>
      %dma_start3A_206 = arith.constant 0 : i32
      %dma_start3A_207 = tpu.memref_slice %arg23[%add3A_14, %dma_start3A_206] : memref<10112x128xf32, #tpu.memory_space<vmem_shared>> -> memref<120x128xf32, #tpu.memory_space<vmem_shared>>
      %dma_start3A_208 = arith.constant 0 : i32
      %dma_start3A_209 = tpu.memref_slice %arg23[%add3A_14, %dma_start3A_208] : memref<10112x128xf32, #tpu.memory_space<vmem_shared>> -> memref<120x128xf32, #tpu.memory_space<vmem_shared>>
      tpu.enqueue_dma source(%arg9 : memref<120x128xf32, #tpu.memory_space<vmem>>) target(%dma_start3A_209 : memref<120x128xf32, #tpu.memory_space<vmem_shared>>) target_semaphore(%run_scoped3A : memref<!tpu.dma_semaphore, #tpu.memory_space<semaphore_mem>>)
      %dma_wait3A_210 = arith.constant 0 : i32
      %dma_wait3A_211 = tpu.memref_slice %arg23[%add3A_14, %dma_wait3A_210] : memref<10112x128xf32, #tpu.memory_space<vmem_shared>> -> memref<120x128xf32, #tpu.memory_space<vmem_shared>>
      %dma_wait3A_212 = arith.constant 0 : i32
      %dma_wait3A_213 = tpu.memref_slice %arg23[%add3A_14, %dma_wait3A_212] : memref<10112x128xf32, #tpu.memory_space<vmem_shared>> -> memref<120x128xf32, #tpu.memory_space<vmem_shared>>
      tpu.wait_dma2 semaphore(%run_scoped3A : memref<!tpu.dma_semaphore, #tpu.memory_space<semaphore_mem>>) src(%arg9 : memref<120x128xf32, #tpu.memory_space<vmem>>) dst(%dma_wait3A_213 : memref<120x128xf32, #tpu.memory_space<vmem_shared>>)
      tpu.yield
    }) : () -> ()
    %mul3A_15 = arith.constant 632 : i32
    %mul3A_16 = arith.muli %arg1, %mul3A_15 : i32
    %add3A_17 = arith.constant 240 : i32
    %add3A_18 = arith.addi %mul3A_16, %add3A_17 : i32
    "tpu.region"() ({
      %run_scoped3A = tpu.sem_alloc : memref<!tpu.dma_semaphore, #tpu.memory_space<semaphore_mem>>
      %dma_start3A_206 = arith.constant 0 : i32
      %dma_start3A_207 = tpu.memref_slice %arg23[%add3A_18, %dma_start3A_206] : memref<10112x128xf32, #tpu.memory_space<vmem_shared>> -> memref<120x128xf32, #tpu.memory_space<vmem_shared>>
      %dma_start3A_208 = arith.constant 0 : i32
      %dma_start3A_209 = tpu.memref_slice %arg23[%add3A_18, %dma_start3A_208] : memref<10112x128xf32, #tpu.memory_space<vmem_shared>> -> memref<120x128xf32, #tpu.memory_space<vmem_shared>>
      tpu.enqueue_dma source(%arg9 : memref<120x128xf32, #tpu.memory_space<vmem>>) target(%dma_start3A_209 : memref<120x128xf32, #tpu.memory_space<vmem_shared>>) target_semaphore(%run_scoped3A : memref<!tpu.dma_semaphore, #tpu.memory_space<semaphore_mem>>)
      %dma_wait3A_210 = arith.constant 0 : i32
      %dma_wait3A_211 = tpu.memref_slice %arg23[%add3A_18, %dma_wait3A_210] : memref<10112x128xf32, #tpu.memory_space<vmem_shared>> -> memref<120x128xf32, #tpu.memory_space<vmem_shared>>
      %dma_wait3A_212 = arith.constant 0 : i32
      %dma_wait3A_213 = tpu.memref_slice %arg23[%add3A_18, %dma_wait3A_212] : memref<10112x128xf32, #tpu.memory_space<vmem_shared>> -> memref<120x128xf32, #tpu.memory_space<vmem_shared>>
      tpu.wait_dma2 semaphore(%run_scoped3A : memref<!tpu.dma_semaphore, #tpu.memory_space<semaphore_mem>>) src(%arg9 : memref<120x128xf32, #tpu.memory_space<vmem>>) dst(%dma_wait3A_213 : memref<120x128xf32, #tpu.memory_space<vmem_shared>>)
      tpu.yield
    }) : () -> ()
    %mul3A_19 = arith.constant 632 : i32
    %mul3A_20 = arith.muli %arg1, %mul3A_19 : i32
    %add3A_21 = arith.constant 360 : i32
    %add3A_22 = arith.addi %mul3A_20, %add3A_21 : i32
    "tpu.region"() ({
      %run_scoped3A = tpu.sem_alloc : memref<!tpu.dma_semaphore, #tpu.memory_space<semaphore_mem>>
      %dma_start3A_206 = arith.constant 0 : i32
      %dma_start3A_207 = tpu.memref_slice %arg23[%add3A_22, %dma_start3A_206] : memref<10112x128xf32, #tpu.memory_space<vmem_shared>> -> memref<120x128xf32, #tpu.memory_space<vmem_shared>>
      %dma_start3A_208 = arith.constant 0 : i32
      %dma_start3A_209 = tpu.memref_slice %arg23[%add3A_22, %dma_start3A_208] : memref<10112x128xf32, #tpu.memory_space<vmem_shared>> -> memref<120x128xf32, #tpu.memory_space<vmem_shared>>
      tpu.enqueue_dma source(%arg9 : memref<120x128xf32, #tpu.memory_space<vmem>>) target(%dma_start3A_209 : memref<120x128xf32, #tpu.memory_space<vmem_shared>>) target_semaphore(%run_scoped3A : memref<!tpu.dma_semaphore, #tpu.memory_space<semaphore_mem>>)
      %dma_wait3A_210 = arith.constant 0 : i32
      %dma_wait3A_211 = tpu.memref_slice %arg23[%add3A_22, %dma_wait3A_210] : memref<10112x128xf32, #tpu.memory_space<vmem_shared>> -> memref<120x128xf32, #tpu.memory_space<vmem_shared>>
      %dma_wait3A_212 = arith.constant 0 : i32
      %dma_wait3A_213 = tpu.memref_slice %arg23[%add3A_22, %dma_wait3A_212] : memref<10112x128xf32, #tpu.memory_space<vmem_shared>> -> memref<120x128xf32, #tpu.memory_space<vmem_shared>>
      tpu.wait_dma2 semaphore(%run_scoped3A : memref<!tpu.dma_semaphore, #tpu.memory_space<semaphore_mem>>) src(%arg9 : memref<120x128xf32, #tpu.memory_space<vmem>>) dst(%dma_wait3A_213 : memref<120x128xf32, #tpu.memory_space<vmem_shared>>)
      tpu.yield
    }) : () -> ()
    %mul3A_23 = arith.constant 632 : i32
    %mul3A_24 = arith.muli %arg1, %mul3A_23 : i32
    %add3A_25 = arith.constant 480 : i32
    %add3A_26 = arith.addi %mul3A_24, %add3A_25 : i32
    "tpu.region"() ({
      %run_scoped3A = tpu.sem_alloc : memref<!tpu.dma_semaphore, #tpu.memory_space<semaphore_mem>>
      %dma_start3A_206 = arith.constant 0 : i32
      %dma_start3A_207 = tpu.memref_slice %arg23[%add3A_26, %dma_start3A_206] : memref<10112x128xf32, #tpu.memory_space<vmem_shared>> -> memref<120x128xf32, #tpu.memory_space<vmem_shared>>
      %dma_start3A_208 = arith.constant 0 : i32
      %dma_start3A_209 = tpu.memref_slice %arg23[%add3A_26, %dma_start3A_208] : memref<10112x128xf32, #tpu.memory_space<vmem_shared>> -> memref<120x128xf32, #tpu.memory_space<vmem_shared>>
      tpu.enqueue_dma source(%arg9 : memref<120x128xf32, #tpu.memory_space<vmem>>) target(%dma_start3A_209 : memref<120x128xf32, #tpu.memory_space<vmem_shared>>) target_semaphore(%run_scoped3A : memref<!tpu.dma_semaphore, #tpu.memory_space<semaphore_mem>>)
      %dma_wait3A_210 = arith.constant 0 : i32
      %dma_wait3A_211 = tpu.memref_slice %arg23[%add3A_26, %dma_wait3A_210] : memref<10112x128xf32, #tpu.memory_space<vmem_shared>> -> memref<120x128xf32, #tpu.memory_space<vmem_shared>>
      %dma_wait3A_212 = arith.constant 0 : i32
      %dma_wait3A_213 = tpu.memref_slice %arg23[%add3A_26, %dma_wait3A_212] : memref<10112x128xf32, #tpu.memory_space<vmem_shared>> -> memref<120x128xf32, #tpu.memory_space<vmem_shared>>
      tpu.wait_dma2 semaphore(%run_scoped3A : memref<!tpu.dma_semaphore, #tpu.memory_space<semaphore_mem>>) src(%arg9 : memref<120x128xf32, #tpu.memory_space<vmem>>) dst(%dma_wait3A_213 : memref<120x128xf32, #tpu.memory_space<vmem_shared>>)
      tpu.yield
    }) : () -> ()
    %mul3A_27 = arith.constant 632 : i32
    %mul3A_28 = arith.muli %arg1, %mul3A_27 : i32
    %add3A_29 = arith.constant 512 : i32
    %add3A_30 = arith.addi %mul3A_28, %add3A_29 : i32
    "tpu.region"() ({
      %run_scoped3A = tpu.sem_alloc : memref<!tpu.dma_semaphore, #tpu.memory_space<semaphore_mem>>
      %dma_start3A_206 = arith.constant 0 : i32
      %dma_start3A_207 = tpu.memref_slice %arg23[%add3A_30, %dma_start3A_206] : memref<10112x128xf32, #tpu.memory_space<vmem_shared>> -> memref<120x128xf32, #tpu.memory_space<vmem_shared>>
      %dma_start3A_208 = arith.constant 0 : i32
      %dma_start3A_209 = tpu.memref_slice %arg23[%add3A_30, %dma_start3A_208] : memref<10112x128xf32, #tpu.memory_space<vmem_shared>> -> memref<120x128xf32, #tpu.memory_space<vmem_shared>>
      tpu.enqueue_dma source(%arg9 : memref<120x128xf32, #tpu.memory_space<vmem>>) target(%dma_start3A_209 : memref<120x128xf32, #tpu.memory_space<vmem_shared>>) target_semaphore(%run_scoped3A : memref<!tpu.dma_semaphore, #tpu.memory_space<semaphore_mem>>)
      %dma_wait3A_210 = arith.constant 0 : i32
      %dma_wait3A_211 = tpu.memref_slice %arg23[%add3A_30, %dma_wait3A_210] : memref<10112x128xf32, #tpu.memory_space<vmem_shared>> -> memref<120x128xf32, #tpu.memory_space<vmem_shared>>
      %dma_wait3A_212 = arith.constant 0 : i32
      %dma_wait3A_213 = tpu.memref_slice %arg23[%add3A_30, %dma_wait3A_212] : memref<10112x128xf32, #tpu.memory_space<vmem_shared>> -> memref<120x128xf32, #tpu.memory_space<vmem_shared>>
      tpu.wait_dma2 semaphore(%run_scoped3A : memref<!tpu.dma_semaphore, #tpu.memory_space<semaphore_mem>>) src(%arg9 : memref<120x128xf32, #tpu.memory_space<vmem>>) dst(%dma_wait3A_213 : memref<120x128xf32, #tpu.memory_space<vmem_shared>>)
      tpu.yield
    }) : () -> ()
    %barrier3A = arith.constant 0 : index
    tpu.barrier barrier_id(%barrier3A)
    %get3A = arith.constant 0 : i32
    %get3A_31 = arith.index_cast %get3A : i32 to index
    %get3A_32 = arith.constant 0 : index
    %get3A_33 = tpu.vector_load %arg12[%get3A_31, %get3A_32] {strides = array<i32>} : memref<2x128xf32, #tpu.memory_space<vmem>>, vector<16xf32>,
    %get3A_34 = arith.constant 0 : i32
    %get3A_35 = arith.index_cast %get3A_34 : i32 to index
    %get3A_36 = arith.constant 16 : index
    %get3A_37 = tpu.vector_load %arg12[%get3A_35, %get3A_36] {strides = array<i32>} : memref<2x128xf32, #tpu.memory_space<vmem>>, vector<16xf32>,
    %get3A_38 = arith.constant 0 : i32
    %get3A_39 = arith.index_cast %get3A_38 : i32 to index
    %get3A_40 = arith.constant 32 : index
    %get3A_41 = tpu.vector_load %arg12[%get3A_39, %get3A_40] {strides = array<i32>} : memref<2x128xf32, #tpu.memory_space<vmem>>, vector<16xf32>,
    %get3A_42 = arith.constant 0 : i32
    %get3A_43 = arith.index_cast %get3A_42 : i32 to index
    %get3A_44 = arith.constant 48 : index
    %get3A_45 = tpu.vector_load %arg12[%get3A_43, %get3A_44] {strides = array<i32>} : memref<2x128xf32, #tpu.memory_space<vmem>>, vector<16xf32>,
    %get3A_46 = arith.constant 0 : i32
    %get3A_47 = arith.index_cast %get3A_46 : i32 to index
    %get3A_48 = arith.constant 64 : index
    %get3A_49 = tpu.vector_load %arg12[%get3A_47, %get3A_48] {strides = array<i32>} : memref<2x128xf32, #tpu.memory_space<vmem>>, vector<16xf32>,
    %get3A_50 = arith.constant 0 : i32
    %get3A_51 = arith.index_cast %get3A_50 : i32 to index
    %get3A_52 = arith.constant 80 : index
    %get3A_53 = tpu.vector_load %arg12[%get3A_51, %get3A_52] {strides = array<i32>} : memref<2x128xf32, #tpu.memory_space<vmem>>, vector<16xf32>,
    %get3A_54 = arith.constant 0 : i32
    %get3A_55 = arith.index_cast %get3A_54 : i32 to index
    %get3A_56 = arith.constant 96 : index
    %get3A_57 = tpu.vector_load %arg12[%get3A_55, %get3A_56] {strides = array<i32>} : memref<2x128xf32, #tpu.memory_space<vmem>>, vector<16xf32>,
    %get3A_58 = arith.constant 0 : i32
    %get3A_59 = arith.index_cast %get3A_58 : i32 to index
    %get3A_60 = arith.constant 112 : index
    %get3A_61 = tpu.vector_load %arg12[%get3A_59, %get3A_60] {strides = array<i32>} : memref<2x128xf32, #tpu.memory_space<vmem>>, vector<16xf32>,
    %get3A_62 = arith.constant 1 : i32
    %get3A_63 = arith.index_cast %get3A_62 : i32 to index
    %get3A_64 = arith.constant 0 : index
    %get3A_65 = tpu.vector_load %arg12[%get3A_63, %get3A_64] {strides = array<i32>} : memref<2x128xf32, #tpu.memory_space<vmem>>, vector<16xf32>,
    %get3A_66 = arith.constant 1 : i32
    %get3A_67 = arith.index_cast %get3A_66 : i32 to index
    %get3A_68 = arith.constant 16 : index
    %get3A_69 = tpu.vector_load %arg12[%get3A_67, %get3A_68] {strides = array<i32>} : memref<2x128xf32, #tpu.memory_space<vmem>>, vector<16xf32>,
    %get3A_70 = arith.constant 1 : i32
    %get3A_71 = arith.index_cast %get3A_70 : i32 to index
    %get3A_72 = arith.constant 32 : index
    %get3A_73 = tpu.vector_load %arg12[%get3A_71, %get3A_72] {strides = array<i32>} : memref<2x128xf32, #tpu.memory_space<vmem>>, vector<16xf32>,
    %get3A_74 = arith.constant 1 : i32
    %get3A_75 = arith.index_cast %get3A_74 : i32 to index
    %get3A_76 = arith.constant 48 : index
    %get3A_77 = tpu.vector_load %arg12[%get3A_75, %get3A_76] {strides = array<i32>} : memref<2x128xf32, #tpu.memory_space<vmem>>, vector<16xf32>,
    %get3A_78 = arith.constant 1 : i32
    %get3A_79 = arith.index_cast %get3A_78 : i32 to index
    %get3A_80 = arith.constant 64 : index
    %get3A_81 = tpu.vector_load %arg12[%get3A_79, %get3A_80] {strides = array<i32>} : memref<2x128xf32, #tpu.memory_space<vmem>>, vector<16xf32>,
    %get3A_82 = arith.constant 1 : i32
    %get3A_83 = arith.index_cast %get3A_82 : i32 to index
    %get3A_84 = arith.constant 80 : index
    %get3A_85 = tpu.vector_load %arg12[%get3A_83, %get3A_84] {strides = array<i32>} : memref<2x128xf32, #tpu.memory_space<vmem>>, vector<16xf32>,
    %get3A_86 = arith.constant 1 : i32
    %get3A_87 = arith.index_cast %get3A_86 : i32 to index
    %get3A_88 = arith.constant 96 : index
    %get3A_89 = tpu.vector_load %arg12[%get3A_87, %get3A_88] {strides = array<i32>} : memref<2x128xf32, #tpu.memory_space<vmem>>, vector<16xf32>,
    %get3A_90 = arith.constant 1 : i32
    %get3A_91 = arith.index_cast %get3A_90 : i32 to index
    %get3A_92 = arith.constant 112 : index
    %get3A_93 = tpu.vector_load %arg12[%get3A_91, %get3A_92] {strides = array<i32>} : memref<2x128xf32, #tpu.memory_space<vmem>>, vector<16xf32>,
    %mul3A_94 = arith.constant 84 : i32
    %mul3A_95 = arith.muli %add3A, %mul3A_94 : i32
    %add3A_96 = arith.constant 0 : i32
    %add3A_97 = arith.addi %mul3A_95, %add3A_96 : i32
    %mul3A_98 = arith.constant 2 : i32
    %mul3A_99 = arith.muli %mul3A_98, %add3A_97 : i32
    %mul3A_100 = arith.constant 120 : i32
    %mul3A_101 = arith.muli %add3A_97, %mul3A_100 : i32
    %dma_start3A = arith.constant 0 : i32
    %dma_start3A_102 = arith.constant 0 : i32
    %dma_start3A_103 = tpu.memref_slice %arg7[%dma_start3A, %dma_start3A_102] : memref<8x120xi32, #tpu.memory_space<vmem>> -> memref<2x120xi32, #tpu.memory_space<vmem>>
    %dma_start3A_104 = arith.constant 0 : i32
    %dma_start3A_105 = tpu.memref_slice %arg3[%mul3A_99, %dma_start3A_104] : memref<5376x120xi32, #tpu.memory_space<hbm>> -> memref<2x120xi32, #tpu.memory_space<hbm>>
    %dma_start3A_106 = arith.constant 0 : i32
    %dma_start3A_107 = arith.constant 0 : i32
    %dma_start3A_108 = tpu.memref_slice %arg7[%dma_start3A_106, %dma_start3A_107] : memref<8x120xi32, #tpu.memory_space<vmem>> -> memref<2x120xi32, #tpu.memory_space<vmem>>
    %dma_start3A_109 = arith.constant 0 : i32
    %dma_start3A_110 = tpu.memref_slice %arg3[%mul3A_99, %dma_start3A_109] : memref<5376x120xi32, #tpu.memory_space<hbm>> -> memref<2x120xi32, #tpu.memory_space<hbm>>
    tpu.enqueue_dma source(%dma_start3A_110 : memref<2x120xi32, #tpu.memory_space<hbm>>) target(%dma_start3A_108 : memref<2x120xi32, #tpu.memory_space<vmem>>) target_semaphore(%arg19 : memref<!tpu.dma_semaphore, #tpu.memory_space<semaphore_mem>>)
    %dma_start3A_111 = arith.constant 0 : i32
    %dma_start3A_112 = tpu.memref_slice %arg8[%dma_start3A_111] : memref<480xf32, #tpu.memory_space<vmem>> -> memref<120xf32, #tpu.memory_space<vmem>>
    %dma_start3A_113 = tpu.memref_slice %arg4[%mul3A_101] : memref<322560xf32, #tpu.memory_space<hbm>> -> memref<120xf32, #tpu.memory_space<hbm>>
    %dma_start3A_114 = arith.constant 0 : i32
    %dma_start3A_115 = tpu.memref_slice %arg8[%dma_start3A_114] : memref<480xf32, #tpu.memory_space<vmem>> -> memref<120xf32, #tpu.memory_space<vmem>>
    %dma_start3A_116 = tpu.memref_slice %arg4[%mul3A_101] : memref<322560xf32, #tpu.memory_space<hbm>> -> memref<120xf32, #tpu.memory_space<hbm>>
    tpu.enqueue_dma source(%dma_start3A_116 : memref<120xf32, #tpu.memory_space<hbm>>) target(%dma_start3A_115 : memref<120xf32, #tpu.memory_space<vmem>>) target_semaphore(%arg19 : memref<!tpu.dma_semaphore, #tpu.memory_space<semaphore_mem>>)
    %mul3A_117 = arith.constant 84 : i32
    %mul3A_118 = arith.muli %add3A, %mul3A_117 : i32
    %add3A_119 = arith.constant 1 : i32
    %add3A_120 = arith.addi %mul3A_118, %add3A_119 : i32
    %mul3A_121 = arith.constant 2 : i32
    %mul3A_122 = arith.muli %mul3A_121, %add3A_120 : i32
    %mul3A_123 = arith.constant 120 : i32
    %mul3A_124 = arith.muli %add3A_120, %mul3A_123 : i32
    %dma_start3A_125 = arith.constant 2 : i32
    %dma_start3A_126 = arith.constant 0 : i32
    %dma_start3A_127 = tpu.memref_slice %arg7[%dma_start3A_125, %dma_start3A_126] : memref<8x120xi32, #tpu.memory_space<vmem>> -> memref<2x120xi32, #tpu.memory_space<vmem>>
    %dma_start3A_128 = arith.constant 0 : i32
    %dma_start3A_129 = tpu.memref_slice %arg3[%mul3A_122, %dma_start3A_128] : memref<5376x120xi32, #tpu.memory_space<hbm>> -> memref<2x120xi32, #tpu.memory_space<hbm>>
    %dma_start3A_130 = arith.constant 2 : i32
    %dma_start3A_131 = arith.constant 0 : i32
    %dma_start3A_132 = tpu.memref_slice %arg7[%dma_start3A_130, %dma_start3A_131] : memref<8x120xi32, #tpu.memory_space<vmem>> -> memref<2x120xi32, #tpu.memory_space<vmem>>
    %dma_start3A_133 = arith.constant 0 : i32
    %dma_start3A_134 = tpu.memref_slice %arg3[%mul3A_122, %dma_start3A_133] : memref<5376x120xi32, #tpu.memory_space<hbm>> -> memref<2x120xi32, #tpu.memory_space<hbm>>
    tpu.enqueue_dma source(%dma_start3A_134 : memref<2x120xi32, #tpu.memory_space<hbm>>) target(%dma_start3A_132 : memref<2x120xi32, #tpu.memory_space<vmem>>) target_semaphore(%arg20 : memref<!tpu.dma_semaphore, #tpu.memory_space<semaphore_mem>>)
    %dma_start3A_135 = arith.constant 120 : i32
    %dma_start3A_136 = tpu.memref_slice %arg8[%dma_start3A_135] : memref<480xf32, #tpu.memory_space<vmem>> -> memref<120xf32, #tpu.memory_space<vmem>>
    %dma_start3A_137 = tpu.memref_slice %arg4[%mul3A_124] : memref<322560xf32, #tpu.memory_space<hbm>> -> memref<120xf32, #tpu.memory_space<hbm>>
    %dma_start3A_138 = arith.constant 120 : i32
    %dma_start3A_139 = tpu.memref_slice %arg8[%dma_start3A_138] : memref<480xf32, #tpu.memory_space<vmem>> -> memref<120xf32, #tpu.memory_space<vmem>>
    %dma_start3A_140 = tpu.memref_slice %arg4[%mul3A_124] : memref<322560xf32, #tpu.memory_space<hbm>> -> memref<120xf32, #tpu.memory_space<hbm>>
    tpu.enqueue_dma source(%dma_start3A_140 : memref<120xf32, #tpu.memory_space<hbm>>) target(%dma_start3A_139 : memref<120xf32, #tpu.memory_space<vmem>>) target_semaphore(%arg20 : memref<!tpu.dma_semaphore, #tpu.memory_space<semaphore_mem>>)
    %mul3A_141 = arith.constant 84 : i32
    %mul3A_142 = arith.muli %add3A, %mul3A_141 : i32
    %add3A_143 = arith.constant 0 : i32
    %add3A_144 = arith.addi %mul3A_142, %add3A_143 : i32
    %mul3A_145 = arith.constant 2 : i32
    %mul3A_146 = arith.muli %mul3A_145, %add3A_144 : i32
    %mul3A_147 = arith.constant 120 : i32
    %mul3A_148 = arith.muli %add3A_144, %mul3A_147 : i32
    %dma_wait3A = arith.constant 0 : i32
    %dma_wait3A_149 = arith.constant 0 : i32
    %dma_wait3A_150 = tpu.memref_slice %arg7[%dma_wait3A, %dma_wait3A_149] : memref<8x120xi32, #tpu.memory_space<vmem>> -> memref<2x120xi32, #tpu.memory_space<vmem>>
    %dma_wait3A_151 = arith.constant 0 : i32
    %dma_wait3A_152 = tpu.memref_slice %arg3[%mul3A_146, %dma_wait3A_151] : memref<5376x120xi32, #tpu.memory_space<hbm>> -> memref<2x120xi32, #tpu.memory_space<hbm>>
    %dma_wait3A_153 = arith.constant 0 : i32
    %dma_wait3A_154 = arith.constant 0 : i32
    %dma_wait3A_155 = tpu.memref_slice %arg7[%dma_wait3A_153, %dma_wait3A_154] : memref<8x120xi32, #tpu.memory_space<vmem>> -> memref<2x120xi32, #tpu.memory_space<vmem>>
    %dma_wait3A_156 = arith.constant 0 : i32
    %dma_wait3A_157 = tpu.memref_slice %arg3[%mul3A_146, %dma_wait3A_156] : memref<5376x120xi32, #tpu.memory_space<hbm>> -> memref<2x120xi32, #tpu.memory_space<hbm>>
    tpu.wait_dma2 semaphore(%arg19 : memref<!tpu.dma_semaphore, #tpu.memory_space<semaphore_mem>>) src(%dma_wait3A_157 : memref<2x120xi32, #tpu.memory_space<hbm>>) dst(%dma_wait3A_155 : memref<2x120xi32, #tpu.memory_space<vmem>>)
    %dma_wait3A_158 = arith.constant 0 : i32
    %dma_wait3A_159 = tpu.memref_slice %arg8[%dma_wait3A_158] : memref<480xf32, #tpu.memory_space<vmem>> -> memref<120xf32, #tpu.memory_space<vmem>>
    %dma_wait3A_160 = tpu.memref_slice %arg4[%mul3A_148] : memref<322560xf32, #tpu.memory_space<hbm>> -> memref<120xf32, #tpu.memory_space<hbm>>
    %dma_wait3A_161 = arith.constant 0 : i32
    %dma_wait3A_162 = tpu.memref_slice %arg8[%dma_wait3A_161] : memref<480xf32, #tpu.memory_space<vmem>> -> memref<120xf32, #tpu.memory_space<vmem>>
    %dma_wait3A_163 = tpu.memref_slice %arg4[%mul3A_148] : memref<322560xf32, #tpu.memory_space<hbm>> -> memref<120xf32, #tpu.memory_space<hbm>>
    tpu.wait_dma2 semaphore(%arg19 : memref<!tpu.dma_semaphore, #tpu.memory_space<semaphore_mem>>) src(%dma_wait3A_163 : memref<120xf32, #tpu.memory_space<hbm>>) dst(%dma_wait3A_162 : memref<120xf32, #tpu.memory_space<vmem>>)
    %dma_start3A_164 = arith.constant 0 : i32
    %dma_start3A_165 = arith.constant 0 : i32
    %dma_start3A_166 = tpu.memref_slice %arg7[%dma_start3A_164, %dma_start3A_165] : memref<8x120xi32, #tpu.memory_space<vmem>> -> memref<1x120xi32, #tpu.memory_space<vmem>>
    %dma_start3A_167 = tpu.memref_squeeze %dma_start3A_166 : memref<1x120xi32, #tpu.memory_space<vmem>> -> memref<120xi32, #tpu.memory_space<vmem>>
    %dma_start3A_168 = arith.constant 0 : i32
    %dma_start3A_169 = arith.constant 0 : i32
    %dma_start3A_170 = tpu.memref_slice %arg2[%dma_start3A_168, %dma_start3A_169] : memref<10000x128xf32, #tpu.memory_space<hbm>> -> memref<10000x128xf32, #tpu.memory_space<hbm>>
    tpu.enqueue_indirect_dma source(%dma_start3A_170 : memref<10000x128xf32, #tpu.memory_space<hbm>>) target(%arg9 : memref<120x128xf32, #tpu.memory_space<vmem>>) offsets(%dma_start3A_167 : memref<120xi32, #tpu.memory_space<vmem>>) semaphore(%arg13 : memref<!tpu.dma_semaphore, #tpu.memory_space<semaphore_mem>>)
    %scan3A_171 = arith.constant 0 : i32
    %scan3A_172 = arith.constant 0 : i32
    %scan3A_173 = arith.constant 7 : i32
    %scan3A_174 = arith.addi %scan3A_172, %scan3A_173 : i32
    %scan3A_175 = arith.constant 1 : i32
    %scan3A_176 = scf.for %scan3A_206 = %scan3A_172 to %scan3A_174 step %scan3A_175 iter_args(%scan3A_207 = %scan3A_171) -> (i32)  : i32 {
      %mul3A_208 = arith.constant 12 : i32
      %mul3A_209 = arith.muli %scan3A_206, %mul3A_208 : i32
      %add3A_210 = arith.constant 0 : i32
      %add3A_211 = arith.addi %mul3A_209, %add3A_210 : i32
      %ge3A = arith.constant 2 : i32
      %ge3A_212 = arith.cmpi sge, %add3A_211, %ge3A : i32
      %add3A_213 = arith.constant 1 : i32
      %add3A_214 = arith.addi %add3A_211, %add3A_213 : i32
      %lt3A_215 = arith.constant 84 : i32
      %lt3A_216 = arith.cmpi slt, %add3A_214, %lt3A_215 : i32
      %and3A = arith.andi %ge3A_212, %lt3A_216 : i1
      %convert_element_type3A_217 = arith.extui %and3A : i1 to i32
      %cond3A_218 = arith.constant 0 : i32
      %cond3A_219 = arith.cmpi ne, %convert_element_type3A_217, %cond3A_218 : i32
      scf.if %cond3A_219 {
        %dma_wait3A_795 = arith.constant 5 : i32
        %dma_wait3A_796 = arith.constant 0 : i32
        %dma_wait3A_797 = tpu.memref_slice %arg7[%dma_wait3A_795, %dma_wait3A_796] : memref<8x120xi32, #tpu.memory_space<vmem>> -> memref<1x120xi32, #tpu.memory_space<vmem>>
        %dma_wait3A_798 = tpu.memref_squeeze %dma_wait3A_797 : memref<1x120xi32, #tpu.memory_space<vmem>> -> memref<120xi32, #tpu.memory_space<vmem>>
        %dma_wait3A_799 = arith.constant 0 : i32
        %dma_wait3A_800 = arith.constant 0 : i32
        %dma_wait3A_801 = tpu.memref_slice %arg23[%dma_wait3A_799, %dma_wait3A_800] : memref<10112x128xf32, #tpu.memory_space<vmem_shared>> -> memref<10112x128xf32, #tpu.memory_space<vmem_shared>>
        tpu.wait_indirect_dma semaphore(%arg17 : memref<!tpu.dma_semaphore, #tpu.memory_space<semaphore_mem>>) src(%arg10 : memref<120x128xf32, #tpu.memory_space<vmem>>) dst(%dma_wait3A_801 : memref<10112x128xf32, #tpu.memory_space<vmem_shared>>)
      } else {
      }
      %add3A_220 = arith.constant 1 : i32
      %add3A_221 = arith.addi %add3A_211, %add3A_220 : i32
      %lt3A_222 = arith.constant 84 : i32
      %lt3A_223 = arith.cmpi slt, %add3A_221, %lt3A_222 : i32
      %convert_element_type3A_224 = arith.extui %lt3A_223 : i1 to i32
      %cond3A_225 = arith.constant 0 : i32
      %cond3A_226 = arith.cmpi ne, %convert_element_type3A_224, %cond3A_225 : i32
      scf.if %cond3A_226 {
        %add3A_795 = arith.constant 1 : i32
        %add3A_796 = arith.addi %add3A_211, %add3A_795 : i32
        %mul3A_797 = arith.constant 84 : i32
        %mul3A_798 = arith.muli %add3A, %mul3A_797 : i32
        %add3A_799 = arith.addi %mul3A_798, %add3A_796 : i32
        %mul3A_800 = arith.constant 2 : i32
        %mul3A_801 = arith.muli %mul3A_800, %add3A_799 : i32
        %mul3A_802 = arith.constant 120 : i32
        %mul3A_803 = arith.muli %add3A_799, %mul3A_802 : i32
        %dma_wait3A_804 = arith.constant 2 : i32
        %dma_wait3A_805 = arith.constant 0 : i32
        %dma_wait3A_806 = tpu.memref_slice %arg7[%dma_wait3A_804, %dma_wait3A_805] : memref<8x120xi32, #tpu.memory_space<vmem>> -> memref<2x120xi32, #tpu.memory_space<vmem>>
        %dma_wait3A_807 = arith.constant 0 : i32
        %dma_wait3A_808 = tpu.memref_slice %arg3[%mul3A_801, %dma_wait3A_807] : memref<5376x120xi32, #tpu.memory_space<hbm>> -> memref<2x120xi32, #tpu.memory_space<hbm>>
        %dma_wait3A_809 = arith.constant 2 : i32
        %dma_wait3A_810 = arith.constant 0 : i32
        %dma_wait3A_811 = tpu.memref_slice %arg7[%dma_wait3A_809, %dma_wait3A_810] : memref<8x120xi32, #tpu.memory_space<vmem>> -> memref<2x120xi32, #tpu.memory_space<vmem>>
        %dma_wait3A_812 = arith.constant 0 : i32
        %dma_wait3A_813 = tpu.memref_slice %arg3[%mul3A_801, %dma_wait3A_812] : memref<5376x120xi32, #tpu.memory_space<hbm>> -> memref<2x120xi32, #tpu.memory_space<hbm>>
        tpu.wait_dma2 semaphore(%arg20 : memref<!tpu.dma_semaphore, #tpu.memory_space<semaphore_mem>>) src(%dma_wait3A_813 : memref<2x120xi32, #tpu.memory_space<hbm>>) dst(%dma_wait3A_811 : memref<2x120xi32, #tpu.memory_space<vmem>>)
        %dma_wait3A_814 = arith.constant 120 : i32
        %dma_wait3A_815 = tpu.memref_slice %arg8[%dma_wait3A_814] : memref<480xf32, #tpu.memory_space<vmem>> -> memref<120xf32, #tpu.memory_space<vmem>>
        %dma_wait3A_816 = tpu.memref_slice %arg4[%mul3A_803] : memref<322560xf32, #tpu.memory_space<hbm>> -> memref<120xf32, #tpu.memory_space<hbm>>
        %dma_wait3A_817 = arith.constant 120 : i32
        %dma_wait3A_818 = tpu.memref_slice %arg8[%dma_wait3A_817] : memref<480xf32, #tpu.memory_space<vmem>> -> memref<120xf32, #tpu.memory_space<vmem>>
        %dma_wait3A_819 = tpu.memref_slice %arg4[%mul3A_803] : memref<322560xf32, #tpu.memory_space<hbm>> -> memref<120xf32, #tpu.memory_space<hbm>>
        tpu.wait_dma2 semaphore(%arg20 : memref<!tpu.dma_semaphore, #tpu.memory_space<semaphore_mem>>) src(%dma_wait3A_819 : memref<120xf32, #tpu.memory_space<hbm>>) dst(%dma_wait3A_818 : memref<120xf32, #tpu.memory_space<vmem>>)
        %dma_start3A_820 = arith.constant 2 : i32
        %dma_start3A_821 = arith.constant 0 : i32
        %dma_start3A_822 = tpu.memref_slice %arg7[%dma_start3A_820, %dma_start3A_821] : memref<8x120xi32, #tpu.memory_space<vmem>> -> memref<1x120xi32, #tpu.memory_space<vmem>>
        %dma_start3A_823 = tpu.memref_squeeze %dma_start3A_822 : memref<1x120xi32, #tpu.memory_space<vmem>> -> memref<120xi32, #tpu.memory_space<vmem>>
        %dma_start3A_824 = arith.constant 0 : i32
        %dma_start3A_825 = arith.constant 0 : i32
        %dma_start3A_826 = tpu.memref_slice %arg2[%dma_start3A_824, %dma_start3A_825] : memref<10000x128xf32, #tpu.memory_space<hbm>> -> memref<10000x128xf32, #tpu.memory_space<hbm>>
        tpu.enqueue_indirect_dma source(%dma_start3A_826 : memref<10000x128xf32, #tpu.memory_space<hbm>>) target(%arg10 : memref<120x128xf32, #tpu.memory_space<vmem>>) offsets(%dma_start3A_823 : memref<120xi32, #tpu.memory_space<vmem>>) semaphore(%arg14 : memref<!tpu.dma_semaphore, #tpu.memory_space<semaphore_mem>>)
      } else {
      }
      %dma_wait3A_227 = arith.constant 0 : i32
      %dma_wait3A_228 = arith.constant 0 : i32
      %dma_wait3A_229 = tpu.memref_slice %arg7[%dma_wait3A_227, %dma_wait3A_228] : memref<8x120xi32, #tpu.memory_space<vmem>> -> memref<1x120xi32, #tpu.memory_space<vmem>>
      %dma_wait3A_230 = tpu.memref_squeeze %dma_wait3A_229 : memref<1x120xi32, #tpu.memory_space<vmem>> -> memref<120xi32, #tpu.memory_space<vmem>>
      %dma_wait3A_231 = arith.constant 0 : i32
      %dma_wait3A_232 = arith.constant 0 : i32
      %dma_wait3A_233 = tpu.memref_slice %arg2[%dma_wait3A_231, %dma_wait3A_232] : memref<10000x128xf32, #tpu.memory_space<hbm>> -> memref<10000x128xf32, #tpu.memory_space<hbm>>
      tpu.wait_indirect_dma semaphore(%arg13 : memref<!tpu.dma_semaphore, #tpu.memory_space<semaphore_mem>>) src(%dma_wait3A_233 : memref<10000x128xf32, #tpu.memory_space<hbm>>) dst(%arg9 : memref<120x128xf32, #tpu.memory_space<vmem>>)
      %add3A_234 = arith.constant 2 : i32
      %add3A_235 = arith.addi %add3A_211, %add3A_234 : i32
      %lt3A_236 = arith.constant 84 : i32
      %lt3A_237 = arith.cmpi slt, %add3A_235, %lt3A_236 : i32
      %convert_element_type3A_238 = arith.extui %lt3A_237 : i1 to i32
      %cond3A_239 = arith.constant 0 : i32
      %cond3A_240 = arith.cmpi ne, %convert_element_type3A_238, %cond3A_239 : i32
      scf.if %cond3A_240 {
        %add3A_795 = arith.constant 2 : i32
        %add3A_796 = arith.addi %add3A_211, %add3A_795 : i32
        %mul3A_797 = arith.constant 84 : i32
        %mul3A_798 = arith.muli %add3A, %mul3A_797 : i32
        %add3A_799 = arith.addi %mul3A_798, %add3A_796 : i32
        %mul3A_800 = arith.constant 2 : i32
        %mul3A_801 = arith.muli %mul3A_800, %add3A_799 : i32
        %mul3A_802 = arith.constant 120 : i32
        %mul3A_803 = arith.muli %add3A_799, %mul3A_802 : i32
        %dma_start3A_804 = arith.constant 4 : i32
        %dma_start3A_805 = arith.constant 0 : i32
        %dma_start3A_806 = tpu.memref_slice %arg7[%dma_start3A_804, %dma_start3A_805] : memref<8x120xi32, #tpu.memory_space<vmem>> -> memref<2x120xi32, #tpu.memory_space<vmem>>
        %dma_start3A_807 = arith.constant 0 : i32
        %dma_start3A_808 = tpu.memref_slice %arg3[%mul3A_801, %dma_start3A_807] : memref<5376x120xi32, #tpu.memory_space<hbm>> -> memref<2x120xi32, #tpu.memory_space<hbm>>
        %dma_start3A_809 = arith.constant 4 : i32
        %dma_start3A_810 = arith.constant 0 : i32
        %dma_start3A_811 = tpu.memref_slice %arg7[%dma_start3A_809, %dma_start3A_810] : memref<8x120xi32, #tpu.memory_space<vmem>> -> memref<2x120xi32, #tpu.memory_space<vmem>>
        %dma_start3A_812 = arith.constant 0 : i32
        %dma_start3A_813 = tpu.memref_slice %arg3[%mul3A_801, %dma_start3A_812] : memref<5376x120xi32, #tpu.memory_space<hbm>> -> memref<2x120xi32, #tpu.memory_space<hbm>>
        tpu.enqueue_dma source(%dma_start3A_813 : memref<2x120xi32, #tpu.memory_space<hbm>>) target(%dma_start3A_811 : memref<2x120xi32, #tpu.memory_space<vmem>>) target_semaphore(%arg21 : memref<!tpu.dma_semaphore, #tpu.memory_space<semaphore_mem>>)
        %dma_start3A_814 = arith.constant 240 : i32
        %dma_start3A_815 = tpu.memref_slice %arg8[%dma_start3A_814] : memref<480xf32, #tpu.memory_space<vmem>> -> memref<120xf32, #tpu.memory_space<vmem>>
        %dma_start3A_816 = tpu.memref_slice %arg4[%mul3A_803] : memref<322560xf32, #tpu.memory_space<hbm>> -> memref<120xf32, #tpu.memory_space<hbm>>
        %dma_start3A_817 = arith.constant 240 : i32
        %dma_start3A_818 = tpu.memref_slice %arg8[%dma_start3A_817] : memref<480xf32, #tpu.memory_space<vmem>> -> memref<120xf32, #tpu.memory_space<vmem>>
        %dma_start3A_819 = tpu.memref_slice %arg4[%mul3A_803] : memref<322560xf32, #tpu.memory_space<hbm>> -> memref<120xf32, #tpu.memory_space<hbm>>
        tpu.enqueue_dma source(%dma_start3A_819 : memref<120xf32, #tpu.memory_space<hbm>>) target(%dma_start3A_818 : memref<120xf32, #tpu.memory_space<vmem>>) target_semaphore(%arg21 : memref<!tpu.dma_semaphore, #tpu.memory_space<semaphore_mem>>)
      } else {
      }
      %scan3A_241 = arith.constant 0 : i32
      %scan3A_242 = arith.constant 0 : i32
      %scan3A_243 = arith.constant 120 : i32
      %scan3A_244 = arith.addi %scan3A_242, %scan3A_243 : i32
      %scan3A_245 = arith.constant 1 : i32
      %scan3A_246 = scf.for %scan3A_795 = %scan3A_242 to %scan3A_244 step %scan3A_245 iter_args(%scan3A_796 = %scan3A_241) -> (i32)  : i32 {
        %broadcast_in_dim3A = arith.constant 0 : i32
        %broadcast_in_dim3A_797 = vector.broadcast %broadcast_in_dim3A : i32 to vector<16xi32>
        %add3A_798 = vector.broadcast %scan3A_795 : i32 to vector<16xi32>
        %add3A_799 = arith.addi %broadcast_in_dim3A_797, %add3A_798 : vector<16xi32>
        %gather3A = tpu.vector_load_idx %arg8[%add3A_799] : memref<480xf32, #tpu.memory_space<vmem>>[vector<16xi32>], vector<16xf32>,
        %get3A_800 = arith.index_cast %scan3A_795 : i32 to index
        %get3A_801 = arith.constant 0 : index
        %get3A_802 = tpu.vector_load %arg9[%get3A_800, %get3A_801] {strides = array<i32>} : memref<120x128xf32, #tpu.memory_space<vmem>>, vector<16xf32>,
        %mul3A_803 = arith.mulf %gather3A, %get3A_33 : vector<16xf32>
        %add3A_804 = arith.addf %get3A_802, %mul3A_803 : vector<16xf32>
        %add3A_805 = arith.addf %add3A_804, %get3A_65 : vector<16xf32>
        %max3A = arith.constant 0.000000e+00 : f32
        %max3A_806 = vector.broadcast %max3A : f32 to vector<16xf32>
        %max3A_807 = arith.maximumf %add3A_805, %max3A_806 : vector<16xf32>
        %swap3A = arith.index_cast %scan3A_795 : i32 to index
        %swap3A_808 = arith.constant 0 : index
        %swap3A_809 = tpu.vector_load %arg9[%swap3A, %swap3A_808] {strides = array<i32>} : memref<120x128xf32, #tpu.memory_space<vmem>>, vector<16xf32>,
        tpu.vector_store %arg9[%swap3A, %swap3A_808], %max3A_807 {strides = array<i32>} : memref<120x128xf32, #tpu.memory_space<vmem>>, vector<16xf32>,
        %get3A_810 = arith.index_cast %scan3A_795 : i32 to index
        %get3A_811 = arith.constant 16 : index
        %get3A_812 = tpu.vector_load %arg9[%get3A_810, %get3A_811] {strides = array<i32>} : memref<120x128xf32, #tpu.memory_space<vmem>>, vector<16xf32>,
        %mul3A_813 = arith.mulf %gather3A, %get3A_37 : vector<16xf32>
        %add3A_814 = arith.addf %get3A_812, %mul3A_813 : vector<16xf32>
        %add3A_815 = arith.addf %add3A_814, %get3A_69 : vector<16xf32>
        %max3A_816 = arith.constant 0.000000e+00 : f32
        %max3A_817 = vector.broadcast %max3A_816 : f32 to vector<16xf32>
        %max3A_818 = arith.maximumf %add3A_815, %max3A_817 : vector<16xf32>
        %swap3A_819 = arith.index_cast %scan3A_795 : i32 to index
        %swap3A_820 = arith.constant 16 : index
        %swap3A_821 = tpu.vector_load %arg9[%swap3A_819, %swap3A_820] {strides = array<i32>} : memref<120x128xf32, #tpu.memory_space<vmem>>, vector<16xf32>,
        tpu.vector_store %arg9[%swap3A_819, %swap3A_820], %max3A_818 {strides = array<i32>} : memref<120x128xf32, #tpu.memory_space<vmem>>, vector<16xf32>,
        %get3A_822 = arith.index_cast %scan3A_795 : i32 to index
        %get3A_823 = arith.constant 32 : index
        %get3A_824 = tpu.vector_load %arg9[%get3A_822, %get3A_823] {strides = array<i32>} : memref<120x128xf32, #tpu.memory_space<vmem>>, vector<16xf32>,
        %mul3A_825 = arith.mulf %gather3A, %get3A_41 : vector<16xf32>
        %add3A_826 = arith.addf %get3A_824, %mul3A_825 : vector<16xf32>
        %add3A_827 = arith.addf %add3A_826, %get3A_73 : vector<16xf32>
        %max3A_828 = arith.constant 0.000000e+00 : f32
        %max3A_829 = vector.broadcast %max3A_828 : f32 to vector<16xf32>
        %max3A_830 = arith.maximumf %add3A_827, %max3A_829 : vector<16xf32>
        %swap3A_831 = arith.index_cast %scan3A_795 : i32 to index
        %swap3A_832 = arith.constant 32 : index
        %swap3A_833 = tpu.vector_load %arg9[%swap3A_831, %swap3A_832] {strides = array<i32>} : memref<120x128xf32, #tpu.memory_space<vmem>>, vector<16xf32>,
        tpu.vector_store %arg9[%swap3A_831, %swap3A_832], %max3A_830 {strides = array<i32>} : memref<120x128xf32, #tpu.memory_space<vmem>>, vector<16xf32>,
        %get3A_834 = arith.index_cast %scan3A_795 : i32 to index
        %get3A_835 = arith.constant 48 : index
        %get3A_836 = tpu.vector_load %arg9[%get3A_834, %get3A_835] {strides = array<i32>} : memref<120x128xf32, #tpu.memory_space<vmem>>, vector<16xf32>,
        %mul3A_837 = arith.mulf %gather3A, %get3A_45 : vector<16xf32>
        %add3A_838 = arith.addf %get3A_836, %mul3A_837 : vector<16xf32>
        %add3A_839 = arith.addf %add3A_838, %get3A_77 : vector<16xf32>
        %max3A_840 = arith.constant 0.000000e+00 : f32
        %max3A_841 = vector.broadcast %max3A_840 : f32 to vector<16xf32>
        %max3A_842 = arith.maximumf %add3A_839, %max3A_841 : vector<16xf32>
        %swap3A_843 = arith.index_cast %scan3A_795 : i32 to index
        %swap3A_844 = arith.constant 48 : index
        %swap3A_845 = tpu.vector_load %arg9[%swap3A_843, %swap3A_844] {strides = array<i32>} : memref<120x128xf32, #tpu.memory_space<vmem>>, vector<16xf32>,
        tpu.vector_store %arg9[%swap3A_843, %swap3A_844], %max3A_842 {strides = array<i32>} : memref<120x128xf32, #tpu.memory_space<vmem>>, vector<16xf32>,
        %get3A_846 = arith.index_cast %scan3A_795 : i32 to index
        %get3A_847 = arith.constant 64 : index
        %get3A_848 = tpu.vector_load %arg9[%get3A_846, %get3A_847] {strides = array<i32>} : memref<120x128xf32, #tpu.memory_space<vmem>>, vector<16xf32>,
        %mul3A_849 = arith.mulf %gather3A, %get3A_49 : vector<16xf32>
        %add3A_850 = arith.addf %get3A_848, %mul3A_849 : vector<16xf32>
        %add3A_851 = arith.addf %add3A_850, %get3A_81 : vector<16xf32>
        %max3A_852 = arith.constant 0.000000e+00 : f32
        %max3A_853 = vector.broadcast %max3A_852 : f32 to vector<16xf32>
        %max3A_854 = arith.maximumf %add3A_851, %max3A_853 : vector<16xf32>
        %swap3A_855 = arith.index_cast %scan3A_795 : i32 to index
        %swap3A_856 = arith.constant 64 : index
        %swap3A_857 = tpu.vector_load %arg9[%swap3A_855, %swap3A_856] {strides = array<i32>} : memref<120x128xf32, #tpu.memory_space<vmem>>, vector<16xf32>,
        tpu.vector_store %arg9[%swap3A_855, %swap3A_856], %max3A_854 {strides = array<i32>} : memref<120x128xf32, #tpu.memory_space<vmem>>, vector<16xf32>,
        %get3A_858 = arith.index_cast %scan3A_795 : i32 to index
        %get3A_859 = arith.constant 80 : index
        %get3A_860 = tpu.vector_load %arg9[%get3A_858, %get3A_859] {strides = array<i32>} : memref<120x128xf32, #tpu.memory_space<vmem>>, vector<16xf32>,
        %mul3A_861 = arith.mulf %gather3A, %get3A_53 : vector<16xf32>
        %add3A_862 = arith.addf %get3A_860, %mul3A_861 : vector<16xf32>
        %add3A_863 = arith.addf %add3A_862, %get3A_85 : vector<16xf32>
        %max3A_864 = arith.constant 0.000000e+00 : f32
        %max3A_865 = vector.broadcast %max3A_864 : f32 to vector<16xf32>
        %max3A_866 = arith.maximumf %add3A_863, %max3A_865 : vector<16xf32>
        %swap3A_867 = arith.index_cast %scan3A_795 : i32 to index
        %swap3A_868 = arith.constant 80 : index
        %swap3A_869 = tpu.vector_load %arg9[%swap3A_867, %swap3A_868] {strides = array<i32>} : memref<120x128xf32, #tpu.memory_space<vmem>>, vector<16xf32>,
        tpu.vector_store %arg9[%swap3A_867, %swap3A_868], %max3A_866 {strides = array<i32>} : memref<120x128xf32, #tpu.memory_space<vmem>>, vector<16xf32>,
        %get3A_870 = arith.index_cast %scan3A_795 : i32 to index
        %get3A_871 = arith.constant 96 : index
        %get3A_872 = tpu.vector_load %arg9[%get3A_870, %get3A_871] {strides = array<i32>} : memref<120x128xf32, #tpu.memory_space<vmem>>, vector<16xf32>,
        %mul3A_873 = arith.mulf %gather3A, %get3A_57 : vector<16xf32>
        %add3A_874 = arith.addf %get3A_872, %mul3A_873 : vector<16xf32>
        %add3A_875 = arith.addf %add3A_874, %get3A_89 : vector<16xf32>
        %max3A_876 = arith.constant 0.000000e+00 : f32
        %max3A_877 = vector.broadcast %max3A_876 : f32 to vector<16xf32>
        %max3A_878 = arith.maximumf %add3A_875, %max3A_877 : vector<16xf32>
        %swap3A_879 = arith.index_cast %scan3A_795 : i32 to index
        %swap3A_880 = arith.constant 96 : index
        %swap3A_881 = tpu.vector_load %arg9[%swap3A_879, %swap3A_880] {strides = array<i32>} : memref<120x128xf32, #tpu.memory_space<vmem>>, vector<16xf32>,
        tpu.vector_store %arg9[%swap3A_879, %swap3A_880], %max3A_878 {strides = array<i32>} : memref<120x128xf32, #tpu.memory_space<vmem>>, vector<16xf32>,
        %get3A_882 = arith.index_cast %scan3A_795 : i32 to index
        %get3A_883 = arith.constant 112 : index
        %get3A_884 = tpu.vector_load %arg9[%get3A_882, %get3A_883] {strides = array<i32>} : memref<120x128xf32, #tpu.memory_space<vmem>>, vector<16xf32>,
        %mul3A_885 = arith.mulf %gather3A, %get3A_61 : vector<16xf32>
        %add3A_886 = arith.addf %get3A_884, %mul3A_885 : vector<16xf32>
        %add3A_887 = arith.addf %add3A_886, %get3A_93 : vector<16xf32>
        %max3A_888 = arith.constant 0.000000e+00 : f32
        %max3A_889 = vector.broadcast %max3A_888 : f32 to vector<16xf32>
        %max3A_890 = arith.maximumf %add3A_887, %max3A_889 : vector<16xf32>
        %swap3A_891 = arith.index_cast %scan3A_795 : i32 to index
        %swap3A_892 = arith.constant 112 : index
        %swap3A_893 = tpu.vector_load %arg9[%swap3A_891, %swap3A_892] {strides = array<i32>} : memref<120x128xf32, #tpu.memory_space<vmem>>, vector<16xf32>,
        tpu.vector_store %arg9[%swap3A_891, %swap3A_892], %max3A_890 {strides = array<i32>} : memref<120x128xf32, #tpu.memory_space<vmem>>, vector<16xf32>,
        %scan3A_894 = arith.constant 0 : i32
        scf.yield %scan3A_894 : i32
      }
      %scan3A_247 = arith.constant 120 : i32
      %dma_start3A_248 = arith.constant 1 : i32
      %dma_start3A_249 = arith.constant 0 : i32
      %dma_start3A_250 = tpu.memref_slice %arg7[%dma_start3A_248, %dma_start3A_249] : memref<8x120xi32, #tpu.memory_space<vmem>> -> memref<1x120xi32, #tpu.memory_space<vmem>>
      %dma_start3A_251 = tpu.memref_squeeze %dma_start3A_250 : memref<1x120xi32, #tpu.memory_space<vmem>> -> memref<120xi32, #tpu.memory_space<vmem>>
      %dma_start3A_252 = arith.constant 0 : i32
      %dma_start3A_253 = arith.constant 0 : i32
      %dma_start3A_254 = tpu.memref_slice %arg23[%dma_start3A_252, %dma_start3A_253] : memref<10112x128xf32, #tpu.memory_space<vmem_shared>> -> memref<10112x128xf32, #tpu.memory_space<vmem_shared>>
      tpu.enqueue_indirect_dma source(%arg9 : memref<120x128xf32, #tpu.memory_space<vmem>>) target(%dma_start3A_254 : memref<10112x128xf32, #tpu.memory_space<vmem_shared>>) offsets(%dma_start3A_251 : memref<120xi32, #tpu.memory_space<vmem>>) semaphore(%arg16 : memref<!tpu.dma_semaphore, #tpu.memory_space<semaphore_mem>>) {add = true}
      %mul3A_255 = arith.constant 12 : i32
      %mul3A_256 = arith.muli %scan3A_206, %mul3A_255 : i32
      %add3A_257 = arith.constant 1 : i32
      %add3A_258 = arith.addi %mul3A_256, %add3A_257 : i32
      %ge3A_259 = arith.constant 2 : i32
      %ge3A_260 = arith.cmpi sge, %add3A_258, %ge3A_259 : i32
      %add3A_261 = arith.constant 1 : i32
      %add3A_262 = arith.addi %add3A_258, %add3A_261 : i32
      %lt3A_263 = arith.constant 84 : i32
      %lt3A_264 = arith.cmpi slt, %add3A_262, %lt3A_263 : i32
      %and3A_265 = arith.andi %ge3A_260, %lt3A_264 : i1
      %convert_element_type3A_266 = arith.extui %and3A_265 : i1 to i32
      %cond3A_267 = arith.constant 0 : i32
      %cond3A_268 = arith.cmpi ne, %convert_element_type3A_266, %cond3A_267 : i32
      scf.if %cond3A_268 {
        %dma_wait3A_795 = arith.constant 7 : i32
        %dma_wait3A_796 = arith.constant 0 : i32
        %dma_wait3A_797 = tpu.memref_slice %arg7[%dma_wait3A_795, %dma_wait3A_796] : memref<8x120xi32, #tpu.memory_space<vmem>> -> memref<1x120xi32, #tpu.memory_space<vmem>>
        %dma_wait3A_798 = tpu.memref_squeeze %dma_wait3A_797 : memref<1x120xi32, #tpu.memory_space<vmem>> -> memref<120xi32, #tpu.memory_space<vmem>>
        %dma_wait3A_799 = arith.constant 0 : i32
        %dma_wait3A_800 = arith.constant 0 : i32
        %dma_wait3A_801 = tpu.memref_slice %arg23[%dma_wait3A_799, %dma_wait3A_800] : memref<10112x128xf32, #tpu.memory_space<vmem_shared>> -> memref<10112x128xf32, #tpu.memory_space<vmem_shared>>
        tpu.wait_indirect_dma semaphore(%arg18 : memref<!tpu.dma_semaphore, #tpu.memory_space<semaphore_mem>>) src(%arg11 : memref<120x128xf32, #tpu.memory_space<vmem>>) dst(%dma_wait3A_801 : memref<10112x128xf32, #tpu.memory_space<vmem_shared>>)
      } else {
      }
      %add3A_269 = arith.constant 1 : i32
      %add3A_270 = arith.addi %add3A_258, %add3A_269 : i32
      %lt3A_271 = arith.constant 84 : i32
      %lt3A_272 = arith.cmpi slt, %add3A_270, %lt3A_271 : i32
      %convert_element_type3A_273 = arith.extui %lt3A_272 : i1 to i32
      %cond3A_274 = arith.constant 0 : i32
      %cond3A_275 = arith.cmpi ne, %convert_element_type3A_273, %cond3A_274 : i32
      scf.if %cond3A_275 {
        %add3A_795 = arith.constant 1 : i32
        %add3A_796 = arith.addi %add3A_258, %add3A_795 : i32
        %mul3A_797 = arith.constant 84 : i32
        %mul3A_798 = arith.muli %add3A, %mul3A_797 : i32
        %add3A_799 = arith.addi %mul3A_798, %add3A_796 : i32
        %mul3A_800 = arith.constant 2 : i32
        %mul3A_801 = arith.muli %mul3A_800, %add3A_799 : i32
        %mul3A_802 = arith.constant 120 : i32
        %mul3A_803 = arith.muli %add3A_799, %mul3A_802 : i32
        %dma_wait3A_804 = arith.constant 4 : i32
        %dma_wait3A_805 = arith.constant 0 : i32
        %dma_wait3A_806 = tpu.memref_slice %arg7[%dma_wait3A_804, %dma_wait3A_805] : memref<8x120xi32, #tpu.memory_space<vmem>> -> memref<2x120xi32, #tpu.memory_space<vmem>>
        %dma_wait3A_807 = arith.constant 0 : i32
        %dma_wait3A_808 = tpu.memref_slice %arg3[%mul3A_801, %dma_wait3A_807] : memref<5376x120xi32, #tpu.memory_space<hbm>> -> memref<2x120xi32, #tpu.memory_space<hbm>>
        %dma_wait3A_809 = arith.constant 4 : i32
        %dma_wait3A_810 = arith.constant 0 : i32
        %dma_wait3A_811 = tpu.memref_slice %arg7[%dma_wait3A_809, %dma_wait3A_810] : memref<8x120xi32, #tpu.memory_space<vmem>> -> memref<2x120xi32, #tpu.memory_space<vmem>>
        %dma_wait3A_812 = arith.constant 0 : i32
        %dma_wait3A_813 = tpu.memref_slice %arg3[%mul3A_801, %dma_wait3A_812] : memref<5376x120xi32, #tpu.memory_space<hbm>> -> memref<2x120xi32, #tpu.memory_space<hbm>>
        tpu.wait_dma2 semaphore(%arg21 : memref<!tpu.dma_semaphore, #tpu.memory_space<semaphore_mem>>) src(%dma_wait3A_813 : memref<2x120xi32, #tpu.memory_space<hbm>>) dst(%dma_wait3A_811 : memref<2x120xi32, #tpu.memory_space<vmem>>)
        %dma_wait3A_814 = arith.constant 240 : i32
        %dma_wait3A_815 = tpu.memref_slice %arg8[%dma_wait3A_814] : memref<480xf32, #tpu.memory_space<vmem>> -> memref<120xf32, #tpu.memory_space<vmem>>
        %dma_wait3A_816 = tpu.memref_slice %arg4[%mul3A_803] : memref<322560xf32, #tpu.memory_space<hbm>> -> memref<120xf32, #tpu.memory_space<hbm>>
        %dma_wait3A_817 = arith.constant 240 : i32
        %dma_wait3A_818 = tpu.memref_slice %arg8[%dma_wait3A_817] : memref<480xf32, #tpu.memory_space<vmem>> -> memref<120xf32, #tpu.memory_space<vmem>>
        %dma_wait3A_819 = tpu.memref_slice %arg4[%mul3A_803] : memref<322560xf32, #tpu.memory_space<hbm>> -> memref<120xf32, #tpu.memory_space<hbm>>
        tpu.wait_dma2 semaphore(%arg21 : memref<!tpu.dma_semaphore, #tpu.memory_space<semaphore_mem>>) src(%dma_wait3A_819 : memref<120xf32, #tpu.memory_space<hbm>>) dst(%dma_wait3A_818 : memref<120xf32, #tpu.memory_space<vmem>>)
        %dma_start3A_820 = arith.constant 4 : i32
        %dma_start3A_821 = arith.constant 0 : i32
        %dma_start3A_822 = tpu.memref_slice %arg7[%dma_start3A_820, %dma_start3A_821] : memref<8x120xi32, #tpu.memory_space<vmem>> -> memref<1x120xi32, #tpu.memory_space<vmem>>
        %dma_start3A_823 = tpu.memref_squeeze %dma_start3A_822 : memref<1x120xi32, #tpu.memory_space<vmem>> -> memref<120xi32, #tpu.memory_space<vmem>>
        %dma_start3A_824 = arith.constant 0 : i32
        %dma_start3A_825 = arith.constant 0 : i32
        %dma_start3A_826 = tpu.memref_slice %arg2[%dma_start3A_824, %dma_start3A_825] : memref<10000x128xf32, #tpu.memory_space<hbm>> -> memref<10000x128xf32, #tpu.memory_space<hbm>>
        tpu.enqueue_indirect_dma source(%dma_start3A_826 : memref<10000x128xf32, #tpu.memory_space<hbm>>) target(%arg11 : memref<120x128xf32, #tpu.memory_space<vmem>>) offsets(%dma_start3A_823 : memref<120xi32, #tpu.memory_space<vmem>>) semaphore(%arg15 : memref<!tpu.dma_semaphore, #tpu.memory_space<semaphore_mem>>)
      } else {
      }
      %dma_wait3A_276 = arith.constant 2 : i32
      %dma_wait3A_277 = arith.constant 0 : i32
      %dma_wait3A_278 = tpu.memref_slice %arg7[%dma_wait3A_276, %dma_wait3A_277] : memref<8x120xi32, #tpu.memory_space<vmem>> -> memref<1x120xi32, #tpu.memory_space<vmem>>
      %dma_wait3A_279 = tpu.memref_squeeze %dma_wait3A_278 : memref<1x120xi32, #tpu.memory_space<vmem>> -> memref<120xi32, #tpu.memory_space<vmem>>
      %dma_wait3A_280 = arith.constant 0 : i32
      %dma_wait3A_281 = arith.constant 0 : i32
      %dma_wait3A_282 = tpu.memref_slice %arg2[%dma_wait3A_280, %dma_wait3A_281] : memref<10000x128xf32, #tpu.memory_space<hbm>> -> memref<10000x128xf32, #tpu.memory_space<hbm>>
      tpu.wait_indirect_dma semaphore(%arg14 : memref<!tpu.dma_semaphore, #tpu.memory_space<semaphore_mem>>) src(%dma_wait3A_282 : memref<10000x128xf32, #tpu.memory_space<hbm>>) dst(%arg10 : memref<120x128xf32, #tpu.memory_space<vmem>>)
      %add3A_283 = arith.constant 2 : i32
      %add3A_284 = arith.addi %add3A_258, %add3A_283 : i32
      %lt3A_285 = arith.constant 84 : i32
      %lt3A_286 = arith.cmpi slt, %add3A_284, %lt3A_285 : i32
      %convert_element_type3A_287 = arith.extui %lt3A_286 : i1 to i32
      %cond3A_288 = arith.constant 0 : i32
      %cond3A_289 = arith.cmpi ne, %convert_element_type3A_287, %cond3A_288 : i32
      scf.if %cond3A_289 {
        %add3A_795 = arith.constant 2 : i32
        %add3A_796 = arith.addi %add3A_258, %add3A_795 : i32
        %mul3A_797 = arith.constant 84 : i32
        %mul3A_798 = arith.muli %add3A, %mul3A_797 : i32
        %add3A_799 = arith.addi %mul3A_798, %add3A_796 : i32
        %mul3A_800 = arith.constant 2 : i32
        %mul3A_801 = arith.muli %mul3A_800, %add3A_799 : i32
        %mul3A_802 = arith.constant 120 : i32
        %mul3A_803 = arith.muli %add3A_799, %mul3A_802 : i32
        %dma_start3A_804 = arith.constant 6 : i32
        %dma_start3A_805 = arith.constant 0 : i32
        %dma_start3A_806 = tpu.memref_slice %arg7[%dma_start3A_804, %dma_start3A_805] : memref<8x120xi32, #tpu.memory_space<vmem>> -> memref<2x120xi32, #tpu.memory_space<vmem>>
        %dma_start3A_807 = arith.constant 0 : i32
        %dma_start3A_808 = tpu.memref_slice %arg3[%mul3A_801, %dma_start3A_807] : memref<5376x120xi32, #tpu.memory_space<hbm>> -> memref<2x120xi32, #tpu.memory_space<hbm>>
        %dma_start3A_809 = arith.constant 6 : i32
        %dma_start3A_810 = arith.constant 0 : i32
        %dma_start3A_811 = tpu.memref_slice %arg7[%dma_start3A_809, %dma_start3A_810] : memref<8x120xi32, #tpu.memory_space<vmem>> -> memref<2x120xi32, #tpu.memory_space<vmem>>
        %dma_start3A_812 = arith.constant 0 : i32
        %dma_start3A_813 = tpu.memref_slice %arg3[%mul3A_801, %dma_start3A_812] : memref<5376x120xi32, #tpu.memory_space<hbm>> -> memref<2x120xi32, #tpu.memory_space<hbm>>
        tpu.enqueue_dma source(%dma_start3A_813 : memref<2x120xi32, #tpu.memory_space<hbm>>) target(%dma_start3A_811 : memref<2x120xi32, #tpu.memory_space<vmem>>) target_semaphore(%arg22 : memref<!tpu.dma_semaphore, #tpu.memory_space<semaphore_mem>>)
        %dma_start3A_814 = arith.constant 360 : i32
        %dma_start3A_815 = tpu.memref_slice %arg8[%dma_start3A_814] : memref<480xf32, #tpu.memory_space<vmem>> -> memref<120xf32, #tpu.memory_space<vmem>>
        %dma_start3A_816 = tpu.memref_slice %arg4[%mul3A_803] : memref<322560xf32, #tpu.memory_space<hbm>> -> memref<120xf32, #tpu.memory_space<hbm>>
        %dma_start3A_817 = arith.constant 360 : i32
        %dma_start3A_818 = tpu.memref_slice %arg8[%dma_start3A_817] : memref<480xf32, #tpu.memory_space<vmem>> -> memref<120xf32, #tpu.memory_space<vmem>>
        %dma_start3A_819 = tpu.memref_slice %arg4[%mul3A_803] : memref<322560xf32, #tpu.memory_space<hbm>> -> memref<120xf32, #tpu.memory_space<hbm>>
        tpu.enqueue_dma source(%dma_start3A_819 : memref<120xf32, #tpu.memory_space<hbm>>) target(%dma_start3A_818 : memref<120xf32, #tpu.memory_space<vmem>>) target_semaphore(%arg22 : memref<!tpu.dma_semaphore, #tpu.memory_space<semaphore_mem>>)
      } else {
      }
      %scan3A_290 = arith.constant 0 : i32
      %scan3A_291 = arith.constant 0 : i32
      %scan3A_292 = arith.constant 120 : i32
      %scan3A_293 = arith.addi %scan3A_291, %scan3A_292 : i32
      %scan3A_294 = arith.constant 1 : i32
      %scan3A_295 = scf.for %scan3A_795 = %scan3A_291 to %scan3A_293 step %scan3A_294 iter_args(%scan3A_796 = %scan3A_290) -> (i32)  : i32 {
        %broadcast_in_dim3A = arith.constant 120 : i32
        %broadcast_in_dim3A_797 = vector.broadcast %broadcast_in_dim3A : i32 to vector<16xi32>
        %add3A_798 = vector.broadcast %scan3A_795 : i32 to vector<16xi32>
        %add3A_799 = arith.addi %broadcast_in_dim3A_797, %add3A_798 : vector<16xi32>
        %gather3A = tpu.vector_load_idx %arg8[%add3A_799] : memref<480xf32, #tpu.memory_space<vmem>>[vector<16xi32>], vector<16xf32>,
        %get3A_800 = arith.index_cast %scan3A_795 : i32 to index
        %get3A_801 = arith.constant 0 : index
        %get3A_802 = tpu.vector_load %arg10[%get3A_800, %get3A_801] {strides = array<i32>} : memref<120x128xf32, #tpu.memory_space<vmem>>, vector<16xf32>,
        %mul3A_803 = arith.mulf %gather3A, %get3A_33 : vector<16xf32>
        %add3A_804 = arith.addf %get3A_802, %mul3A_803 : vector<16xf32>
        %add3A_805 = arith.addf %add3A_804, %get3A_65 : vector<16xf32>
        %max3A = arith.constant 0.000000e+00 : f32
        %max3A_806 = vector.broadcast %max3A : f32 to vector<16xf32>
        %max3A_807 = arith.maximumf %add3A_805, %max3A_806 : vector<16xf32>
        %swap3A = arith.index_cast %scan3A_795 : i32 to index
        %swap3A_808 = arith.constant 0 : index
        %swap3A_809 = tpu.vector_load %arg10[%swap3A, %swap3A_808] {strides = array<i32>} : memref<120x128xf32, #tpu.memory_space<vmem>>, vector<16xf32>,
        tpu.vector_store %arg10[%swap3A, %swap3A_808], %max3A_807 {strides = array<i32>} : memref<120x128xf32, #tpu.memory_space<vmem>>, vector<16xf32>,
        %get3A_810 = arith.index_cast %scan3A_795 : i32 to index
        %get3A_811 = arith.constant 16 : index
        %get3A_812 = tpu.vector_load %arg10[%get3A_810, %get3A_811] {strides = array<i32>} : memref<120x128xf32, #tpu.memory_space<vmem>>, vector<16xf32>,
        %mul3A_813 = arith.mulf %gather3A, %get3A_37 : vector<16xf32>
        %add3A_814 = arith.addf %get3A_812, %mul3A_813 : vector<16xf32>
        %add3A_815 = arith.addf %add3A_814, %get3A_69 : vector<16xf32>
        %max3A_816 = arith.constant 0.000000e+00 : f32
        %max3A_817 = vector.broadcast %max3A_816 : f32 to vector<16xf32>
        %max3A_818 = arith.maximumf %add3A_815, %max3A_817 : vector<16xf32>
        %swap3A_819 = arith.index_cast %scan3A_795 : i32 to index
        %swap3A_820 = arith.constant 16 : index
        %swap3A_821 = tpu.vector_load %arg10[%swap3A_819, %swap3A_820] {strides = array<i32>} : memref<120x128xf32, #tpu.memory_space<vmem>>, vector<16xf32>,
        tpu.vector_store %arg10[%swap3A_819, %swap3A_820], %max3A_818 {strides = array<i32>} : memref<120x128xf32, #tpu.memory_space<vmem>>, vector<16xf32>,
        %get3A_822 = arith.index_cast %scan3A_795 : i32 to index
        %get3A_823 = arith.constant 32 : index
        %get3A_824 = tpu.vector_load %arg10[%get3A_822, %get3A_823] {strides = array<i32>} : memref<120x128xf32, #tpu.memory_space<vmem>>, vector<16xf32>,
        %mul3A_825 = arith.mulf %gather3A, %get3A_41 : vector<16xf32>
        %add3A_826 = arith.addf %get3A_824, %mul3A_825 : vector<16xf32>
        %add3A_827 = arith.addf %add3A_826, %get3A_73 : vector<16xf32>
        %max3A_828 = arith.constant 0.000000e+00 : f32
        %max3A_829 = vector.broadcast %max3A_828 : f32 to vector<16xf32>
        %max3A_830 = arith.maximumf %add3A_827, %max3A_829 : vector<16xf32>
        %swap3A_831 = arith.index_cast %scan3A_795 : i32 to index
        %swap3A_832 = arith.constant 32 : index
        %swap3A_833 = tpu.vector_load %arg10[%swap3A_831, %swap3A_832] {strides = array<i32>} : memref<120x128xf32, #tpu.memory_space<vmem>>, vector<16xf32>,
        tpu.vector_store %arg10[%swap3A_831, %swap3A_832], %max3A_830 {strides = array<i32>} : memref<120x128xf32, #tpu.memory_space<vmem>>, vector<16xf32>,
        %get3A_834 = arith.index_cast %scan3A_795 : i32 to index
        %get3A_835 = arith.constant 48 : index
        %get3A_836 = tpu.vector_load %arg10[%get3A_834, %get3A_835] {strides = array<i32>} : memref<120x128xf32, #tpu.memory_space<vmem>>, vector<16xf32>,
        %mul3A_837 = arith.mulf %gather3A, %get3A_45 : vector<16xf32>
        %add3A_838 = arith.addf %get3A_836, %mul3A_837 : vector<16xf32>
        %add3A_839 = arith.addf %add3A_838, %get3A_77 : vector<16xf32>
        %max3A_840 = arith.constant 0.000000e+00 : f32
        %max3A_841 = vector.broadcast %max3A_840 : f32 to vector<16xf32>
        %max3A_842 = arith.maximumf %add3A_839, %max3A_841 : vector<16xf32>
        %swap3A_843 = arith.index_cast %scan3A_795 : i32 to index
        %swap3A_844 = arith.constant 48 : index
        %swap3A_845 = tpu.vector_load %arg10[%swap3A_843, %swap3A_844] {strides = array<i32>} : memref<120x128xf32, #tpu.memory_space<vmem>>, vector<16xf32>,
        tpu.vector_store %arg10[%swap3A_843, %swap3A_844], %max3A_842 {strides = array<i32>} : memref<120x128xf32, #tpu.memory_space<vmem>>, vector<16xf32>,
        %get3A_846 = arith.index_cast %scan3A_795 : i32 to index
        %get3A_847 = arith.constant 64 : index
        %get3A_848 = tpu.vector_load %arg10[%get3A_846, %get3A_847] {strides = array<i32>} : memref<120x128xf32, #tpu.memory_space<vmem>>, vector<16xf32>,
        %mul3A_849 = arith.mulf %gather3A, %get3A_49 : vector<16xf32>
        %add3A_850 = arith.addf %get3A_848, %mul3A_849 : vector<16xf32>
        %add3A_851 = arith.addf %add3A_850, %get3A_81 : vector<16xf32>
        %max3A_852 = arith.constant 0.000000e+00 : f32
        %max3A_853 = vector.broadcast %max3A_852 : f32 to vector<16xf32>
        %max3A_854 = arith.maximumf %add3A_851, %max3A_853 : vector<16xf32>
        %swap3A_855 = arith.index_cast %scan3A_795 : i32 to index
        %swap3A_856 = arith.constant 64 : index
        %swap3A_857 = tpu.vector_load %arg10[%swap3A_855, %swap3A_856] {strides = array<i32>} : memref<120x128xf32, #tpu.memory_space<vmem>>, vector<16xf32>,
        tpu.vector_store %arg10[%swap3A_855, %swap3A_856], %max3A_854 {strides = array<i32>} : memref<120x128xf32, #tpu.memory_space<vmem>>, vector<16xf32>,
        %get3A_858 = arith.index_cast %scan3A_795 : i32 to index
        %get3A_859 = arith.constant 80 : index
        %get3A_860 = tpu.vector_load %arg10[%get3A_858, %get3A_859] {strides = array<i32>} : memref<120x128xf32, #tpu.memory_space<vmem>>, vector<16xf32>,
        %mul3A_861 = arith.mulf %gather3A, %get3A_53 : vector<16xf32>
        %add3A_862 = arith.addf %get3A_860, %mul3A_861 : vector<16xf32>
        %add3A_863 = arith.addf %add3A_862, %get3A_85 : vector<16xf32>
        %max3A_864 = arith.constant 0.000000e+00 : f32
        %max3A_865 = vector.broadcast %max3A_864 : f32 to vector<16xf32>
        %max3A_866 = arith.maximumf %add3A_863, %max3A_865 : vector<16xf32>
        %swap3A_867 = arith.index_cast %scan3A_795 : i32 to index
        %swap3A_868 = arith.constant 80 : index
        %swap3A_869 = tpu.vector_load %arg10[%swap3A_867, %swap3A_868] {strides = array<i32>} : memref<120x128xf32, #tpu.memory_space<vmem>>, vector<16xf32>,
        tpu.vector_store %arg10[%swap3A_867, %swap3A_868], %max3A_866 {strides = array<i32>} : memref<120x128xf32, #tpu.memory_space<vmem>>, vector<16xf32>,
        %get3A_870 = arith.index_cast %scan3A_795 : i32 to index
        %get3A_871 = arith.constant 96 : index
        %get3A_872 = tpu.vector_load %arg10[%get3A_870, %get3A_871] {strides = array<i32>} : memref<120x128xf32, #tpu.memory_space<vmem>>, vector<16xf32>,
        %mul3A_873 = arith.mulf %gather3A, %get3A_57 : vector<16xf32>
        %add3A_874 = arith.addf %get3A_872, %mul3A_873 : vector<16xf32>
        %add3A_875 = arith.addf %add3A_874, %get3A_89 : vector<16xf32>
        %max3A_876 = arith.constant 0.000000e+00 : f32
        %max3A_877 = vector.broadcast %max3A_876 : f32 to vector<16xf32>
        %max3A_878 = arith.maximumf %add3A_875, %max3A_877 : vector<16xf32>
        %swap3A_879 = arith.index_cast %scan3A_795 : i32 to index
        %swap3A_880 = arith.constant 96 : index
        %swap3A_881 = tpu.vector_load %arg10[%swap3A_879, %swap3A_880] {strides = array<i32>} : memref<120x128xf32, #tpu.memory_space<vmem>>, vector<16xf32>,
        tpu.vector_store %arg10[%swap3A_879, %swap3A_880], %max3A_878 {strides = array<i32>} : memref<120x128xf32, #tpu.memory_space<vmem>>, vector<16xf32>,
        %get3A_882 = arith.index_cast %scan3A_795 : i32 to index
        %get3A_883 = arith.constant 112 : index
        %get3A_884 = tpu.vector_load %arg10[%get3A_882, %get3A_883] {strides = array<i32>} : memref<120x128xf32, #tpu.memory_space<vmem>>, vector<16xf32>,
        %mul3A_885 = arith.mulf %gather3A, %get3A_61 : vector<16xf32>
        %add3A_886 = arith.addf %get3A_884, %mul3A_885 : vector<16xf32>
        %add3A_887 = arith.addf %add3A_886, %get3A_93 : vector<16xf32>
        %max3A_888 = arith.constant 0.000000e+00 : f32
        %max3A_889 = vector.broadcast %max3A_888 : f32 to vector<16xf32>
        %max3A_890 = arith.maximumf %add3A_887, %max3A_889 : vector<16xf32>
        %swap3A_891 = arith.index_cast %scan3A_795 : i32 to index
        %swap3A_892 = arith.constant 112 : index
        %swap3A_893 = tpu.vector_load %arg10[%swap3A_891, %swap3A_892] {strides = array<i32>} : memref<120x128xf32, #tpu.memory_space<vmem>>, vector<16xf32>,
        tpu.vector_store %arg10[%swap3A_891, %swap3A_892], %max3A_890 {strides = array<i32>} : memref<120x128xf32, #tpu.memory_space<vmem>>, vector<16xf32>,
        %scan3A_894 = arith.constant 0 : i32
        scf.yield %scan3A_894 : i32
      }
      %scan3A_296 = arith.constant 120 : i32
      %dma_start3A_297 = arith.constant 3 : i32
      %dma_start3A_298 = arith.constant 0 : i32
      %dma_start3A_299 = tpu.memref_slice %arg7[%dma_start3A_297, %dma_start3A_298] : memref<8x120xi32, #tpu.memory_space<vmem>> -> memref<1x120xi32, #tpu.memory_space<vmem>>
      %dma_start3A_300 = tpu.memref_squeeze %dma_start3A_299 : memref<1x120xi32, #tpu.memory_space<vmem>> -> memref<120xi32, #tpu.memory_space<vmem>>
      %dma_start3A_301 = arith.constant 0 : i32
      %dma_start3A_302 = arith.constant 0 : i32
      %dma_start3A_303 = tpu.memref_slice %arg23[%dma_start3A_301, %dma_start3A_302] : memref<10112x128xf32, #tpu.memory_space<vmem_shared>> -> memref<10112x128xf32, #tpu.memory_space<vmem_shared>>
      tpu.enqueue_indirect_dma source(%arg10 : memref<120x128xf32, #tpu.memory_space<vmem>>) target(%dma_start3A_303 : memref<10112x128xf32, #tpu.memory_space<vmem_shared>>) offsets(%dma_start3A_300 : memref<120xi32, #tpu.memory_space<vmem>>) semaphore(%arg17 : memref<!tpu.dma_semaphore, #tpu.memory_space<semaphore_mem>>) {add = true}
      %mul3A_304 = arith.constant 12 : i32
      %mul3A_305 = arith.muli %scan3A_206, %mul3A_304 : i32
      %add3A_306 = arith.constant 2 : i32
      %add3A_307 = arith.addi %mul3A_305, %add3A_306 : i32
      %ge3A_308 = arith.constant 2 : i32
      %ge3A_309 = arith.cmpi sge, %add3A_307, %ge3A_308 : i32
      %add3A_310 = arith.constant 1 : i32
      %add3A_311 = arith.addi %add3A_307, %add3A_310 : i32
      %lt3A_312 = arith.constant 84 : i32
      %lt3A_313 = arith.cmpi slt, %add3A_311, %lt3A_312 : i32
      %and3A_314 = arith.andi %ge3A_309, %lt3A_313 : i1
      %convert_element_type3A_315 = arith.extui %and3A_314 : i1 to i32
      %cond3A_316 = arith.constant 0 : i32
      %cond3A_317 = arith.cmpi ne, %convert_element_type3A_315, %cond3A_316 : i32
      scf.if %cond3A_317 {
        %dma_wait3A_795 = arith.constant 1 : i32
        %dma_wait3A_796 = arith.constant 0 : i32
        %dma_wait3A_797 = tpu.memref_slice %arg7[%dma_wait3A_795, %dma_wait3A_796] : memref<8x120xi32, #tpu.memory_space<vmem>> -> memref<1x120xi32, #tpu.memory_space<vmem>>
        %dma_wait3A_798 = tpu.memref_squeeze %dma_wait3A_797 : memref<1x120xi32, #tpu.memory_space<vmem>> -> memref<120xi32, #tpu.memory_space<vmem>>
        %dma_wait3A_799 = arith.constant 0 : i32
        %dma_wait3A_800 = arith.constant 0 : i32
        %dma_wait3A_801 = tpu.memref_slice %arg23[%dma_wait3A_799, %dma_wait3A_800] : memref<10112x128xf32, #tpu.memory_space<vmem_shared>> -> memref<10112x128xf32, #tpu.memory_space<vmem_shared>>
        tpu.wait_indirect_dma semaphore(%arg16 : memref<!tpu.dma_semaphore, #tpu.memory_space<semaphore_mem>>) src(%arg9 : memref<120x128xf32, #tpu.memory_space<vmem>>) dst(%dma_wait3A_801 : memref<10112x128xf32, #tpu.memory_space<vmem_shared>>)
      } else {
      }
      %add3A_318 = arith.constant 1 : i32
      %add3A_319 = arith.addi %add3A_307, %add3A_318 : i32
      %lt3A_320 = arith.constant 84 : i32
      %lt3A_321 = arith.cmpi slt, %add3A_319, %lt3A_320 : i32
      %convert_element_type3A_322 = arith.extui %lt3A_321 : i1 to i32
      %cond3A_323 = arith.constant 0 : i32
      %cond3A_324 = arith.cmpi ne, %convert_element_type3A_322, %cond3A_323 : i32
      scf.if %cond3A_324 {
        %add3A_795 = arith.constant 1 : i32
        %add3A_796 = arith.addi %add3A_307, %add3A_795 : i32
        %mul3A_797 = arith.constant 84 : i32
        %mul3A_798 = arith.muli %add3A, %mul3A_797 : i32
        %add3A_799 = arith.addi %mul3A_798, %add3A_796 : i32
        %mul3A_800 = arith.constant 2 : i32
        %mul3A_801 = arith.muli %mul3A_800, %add3A_799 : i32
        %mul3A_802 = arith.constant 120 : i32
        %mul3A_803 = arith.muli %add3A_799, %mul3A_802 : i32
        %dma_wait3A_804 = arith.constant 6 : i32
        %dma_wait3A_805 = arith.constant 0 : i32
        %dma_wait3A_806 = tpu.memref_slice %arg7[%dma_wait3A_804, %dma_wait3A_805] : memref<8x120xi32, #tpu.memory_space<vmem>> -> memref<2x120xi32, #tpu.memory_space<vmem>>
        %dma_wait3A_807 = arith.constant 0 : i32
        %dma_wait3A_808 = tpu.memref_slice %arg3[%mul3A_801, %dma_wait3A_807] : memref<5376x120xi32, #tpu.memory_space<hbm>> -> memref<2x120xi32, #tpu.memory_space<hbm>>
        %dma_wait3A_809 = arith.constant 6 : i32
        %dma_wait3A_810 = arith.constant 0 : i32
        %dma_wait3A_811 = tpu.memref_slice %arg7[%dma_wait3A_809, %dma_wait3A_810] : memref<8x120xi32, #tpu.memory_space<vmem>> -> memref<2x120xi32, #tpu.memory_space<vmem>>
        %dma_wait3A_812 = arith.constant 0 : i32
        %dma_wait3A_813 = tpu.memref_slice %arg3[%mul3A_801, %dma_wait3A_812] : memref<5376x120xi32, #tpu.memory_space<hbm>> -> memref<2x120xi32, #tpu.memory_space<hbm>>
        tpu.wait_dma2 semaphore(%arg22 : memref<!tpu.dma_semaphore, #tpu.memory_space<semaphore_mem>>) src(%dma_wait3A_813 : memref<2x120xi32, #tpu.memory_space<hbm>>) dst(%dma_wait3A_811 : memref<2x120xi32, #tpu.memory_space<vmem>>)
        %dma_wait3A_814 = arith.constant 360 : i32
        %dma_wait3A_815 = tpu.memref_slice %arg8[%dma_wait3A_814] : memref<480xf32, #tpu.memory_space<vmem>> -> memref<120xf32, #tpu.memory_space<vmem>>
        %dma_wait3A_816 = tpu.memref_slice %arg4[%mul3A_803] : memref<322560xf32, #tpu.memory_space<hbm>> -> memref<120xf32, #tpu.memory_space<hbm>>
        %dma_wait3A_817 = arith.constant 360 : i32
        %dma_wait3A_818 = tpu.memref_slice %arg8[%dma_wait3A_817] : memref<480xf32, #tpu.memory_space<vmem>> -> memref<120xf32, #tpu.memory_space<vmem>>
        %dma_wait3A_819 = tpu.memref_slice %arg4[%mul3A_803] : memref<322560xf32, #tpu.memory_space<hbm>> -> memref<120xf32, #tpu.memory_space<hbm>>
        tpu.wait_dma2 semaphore(%arg22 : memref<!tpu.dma_semaphore, #tpu.memory_space<semaphore_mem>>) src(%dma_wait3A_819 : memref<120xf32, #tpu.memory_space<hbm>>) dst(%dma_wait3A_818 : memref<120xf32, #tpu.memory_space<vmem>>)
        %dma_start3A_820 = arith.constant 6 : i32
        %dma_start3A_821 = arith.constant 0 : i32
        %dma_start3A_822 = tpu.memref_slice %arg7[%dma_start3A_820, %dma_start3A_821] : memref<8x120xi32, #tpu.memory_space<vmem>> -> memref<1x120xi32, #tpu.memory_space<vmem>>
        %dma_start3A_823 = tpu.memref_squeeze %dma_start3A_822 : memref<1x120xi32, #tpu.memory_space<vmem>> -> memref<120xi32, #tpu.memory_space<vmem>>
        %dma_start3A_824 = arith.constant 0 : i32
        %dma_start3A_825 = arith.constant 0 : i32
        %dma_start3A_826 = tpu.memref_slice %arg2[%dma_start3A_824, %dma_start3A_825] : memref<10000x128xf32, #tpu.memory_space<hbm>> -> memref<10000x128xf32, #tpu.memory_space<hbm>>
        tpu.enqueue_indirect_dma source(%dma_start3A_826 : memref<10000x128xf32, #tpu.memory_space<hbm>>) target(%arg9 : memref<120x128xf32, #tpu.memory_space<vmem>>) offsets(%dma_start3A_823 : memref<120xi32, #tpu.memory_space<vmem>>) semaphore(%arg13 : memref<!tpu.dma_semaphore, #tpu.memory_space<semaphore_mem>>)
      } else {
      }
      %dma_wait3A_325 = arith.constant 4 : i32
      %dma_wait3A_326 = arith.constant 0 : i32
      %dma_wait3A_327 = tpu.memref_slice %arg7[%dma_wait3A_325, %dma_wait3A_326] : memref<8x120xi32, #tpu.memory_space<vmem>> -> memref<1x120xi32, #tpu.memory_space<vmem>>
      %dma_wait3A_328 = tpu.memref_squeeze %dma_wait3A_327 : memref<1x120xi32, #tpu.memory_space<vmem>> -> memref<120xi32, #tpu.memory_space<vmem>>
      %dma_wait3A_329 = arith.constant 0 : i32
      %dma_wait3A_330 = arith.constant 0 : i32
      %dma_wait3A_331 = tpu.memref_slice %arg2[%dma_wait3A_329, %dma_wait3A_330] : memref<10000x128xf32, #tpu.memory_space<hbm>> -> memref<10000x128xf32, #tpu.memory_space<hbm>>
      tpu.wait_indirect_dma semaphore(%arg15 : memref<!tpu.dma_semaphore, #tpu.memory_space<semaphore_mem>>) src(%dma_wait3A_331 : memref<10000x128xf32, #tpu.memory_space<hbm>>) dst(%arg11 : memref<120x128xf32, #tpu.memory_space<vmem>>)
      %add3A_332 = arith.constant 2 : i32
      %add3A_333 = arith.addi %add3A_307, %add3A_332 : i32
      %lt3A_334 = arith.constant 84 : i32
      %lt3A_335 = arith.cmpi slt, %add3A_333, %lt3A_334 : i32
      %convert_element_type3A_336 = arith.extui %lt3A_335 : i1 to i32
      %cond3A_337 = arith.constant 0 : i32
      %cond3A_338 = arith.cmpi ne, %convert_element_type3A_336, %cond3A_337 : i32
      scf.if %cond3A_338 {
        %add3A_795 = arith.constant 2 : i32
        %add3A_796 = arith.addi %add3A_307, %add3A_795 : i32
        %mul3A_797 = arith.constant 84 : i32
        %mul3A_798 = arith.muli %add3A, %mul3A_797 : i32
        %add3A_799 = arith.addi %mul3A_798, %add3A_796 : i32
        %mul3A_800 = arith.constant 2 : i32
        %mul3A_801 = arith.muli %mul3A_800, %add3A_799 : i32
        %mul3A_802 = arith.constant 120 : i32
        %mul3A_803 = arith.muli %add3A_799, %mul3A_802 : i32
        %dma_start3A_804 = arith.constant 0 : i32
        %dma_start3A_805 = arith.constant 0 : i32
        %dma_start3A_806 = tpu.memref_slice %arg7[%dma_start3A_804, %dma_start3A_805] : memref<8x120xi32, #tpu.memory_space<vmem>> -> memref<2x120xi32, #tpu.memory_space<vmem>>
        %dma_start3A_807 = arith.constant 0 : i32
        %dma_start3A_808 = tpu.memref_slice %arg3[%mul3A_801, %dma_start3A_807] : memref<5376x120xi32, #tpu.memory_space<hbm>> -> memref<2x120xi32, #tpu.memory_space<hbm>>
        %dma_start3A_809 = arith.constant 0 : i32
        %dma_start3A_810 = arith.constant 0 : i32
        %dma_start3A_811 = tpu.memref_slice %arg7[%dma_start3A_809, %dma_start3A_810] : memref<8x120xi32, #tpu.memory_space<vmem>> -> memref<2x120xi32, #tpu.memory_space<vmem>>
        %dma_start3A_812 = arith.constant 0 : i32
        %dma_start3A_813 = tpu.memref_slice %arg3[%mul3A_801, %dma_start3A_812] : memref<5376x120xi32, #tpu.memory_space<hbm>> -> memref<2x120xi32, #tpu.memory_space<hbm>>
        tpu.enqueue_dma source(%dma_start3A_813 : memref<2x120xi32, #tpu.memory_space<hbm>>) target(%dma_start3A_811 : memref<2x120xi32, #tpu.memory_space<vmem>>) target_semaphore(%arg19 : memref<!tpu.dma_semaphore, #tpu.memory_space<semaphore_mem>>)
        %dma_start3A_814 = arith.constant 0 : i32
        %dma_start3A_815 = tpu.memref_slice %arg8[%dma_start3A_814] : memref<480xf32, #tpu.memory_space<vmem>> -> memref<120xf32, #tpu.memory_space<vmem>>
        %dma_start3A_816 = tpu.memref_slice %arg4[%mul3A_803] : memref<322560xf32, #tpu.memory_space<hbm>> -> memref<120xf32, #tpu.memory_space<hbm>>
        %dma_start3A_817 = arith.constant 0 : i32
        %dma_start3A_818 = tpu.memref_slice %arg8[%dma_start3A_817] : memref<480xf32, #tpu.memory_space<vmem>> -> memref<120xf32, #tpu.memory_space<vmem>>
        %dma_start3A_819 = tpu.memref_slice %arg4[%mul3A_803] : memref<322560xf32, #tpu.memory_space<hbm>> -> memref<120xf32, #tpu.memory_space<hbm>>
        tpu.enqueue_dma source(%dma_start3A_819 : memref<120xf32, #tpu.memory_space<hbm>>) target(%dma_start3A_818 : memref<120xf32, #tpu.memory_space<vmem>>) target_semaphore(%arg19 : memref<!tpu.dma_semaphore, #tpu.memory_space<semaphore_mem>>)
      } else {
      }
      %scan3A_339 = arith.constant 0 : i32
      %scan3A_340 = arith.constant 0 : i32
      %scan3A_341 = arith.constant 120 : i32
      %scan3A_342 = arith.addi %scan3A_340, %scan3A_341 : i32
      %scan3A_343 = arith.constant 1 : i32
      %scan3A_344 = scf.for %scan3A_795 = %scan3A_340 to %scan3A_342 step %scan3A_343 iter_args(%scan3A_796 = %scan3A_339) -> (i32)  : i32 {
        %broadcast_in_dim3A = arith.constant 240 : i32
        %broadcast_in_dim3A_797 = vector.broadcast %broadcast_in_dim3A : i32 to vector<16xi32>
        %add3A_798 = vector.broadcast %scan3A_795 : i32 to vector<16xi32>
        %add3A_799 = arith.addi %broadcast_in_dim3A_797, %add3A_798 : vector<16xi32>
        %gather3A = tpu.vector_load_idx %arg8[%add3A_799] : memref<480xf32, #tpu.memory_space<vmem>>[vector<16xi32>], vector<16xf32>,
        %get3A_800 = arith.index_cast %scan3A_795 : i32 to index
        %get3A_801 = arith.constant 0 : index
        %get3A_802 = tpu.vector_load %arg11[%get3A_800, %get3A_801] {strides = array<i32>} : memref<120x128xf32, #tpu.memory_space<vmem>>, vector<16xf32>,
        %mul3A_803 = arith.mulf %gather3A, %get3A_33 : vector<16xf32>
        %add3A_804 = arith.addf %get3A_802, %mul3A_803 : vector<16xf32>
        %add3A_805 = arith.addf %add3A_804, %get3A_65 : vector<16xf32>
        %max3A = arith.constant 0.000000e+00 : f32
        %max3A_806 = vector.broadcast %max3A : f32 to vector<16xf32>
        %max3A_807 = arith.maximumf %add3A_805, %max3A_806 : vector<16xf32>
        %swap3A = arith.index_cast %scan3A_795 : i32 to index
        %swap3A_808 = arith.constant 0 : index
        %swap3A_809 = tpu.vector_load %arg11[%swap3A, %swap3A_808] {strides = array<i32>} : memref<120x128xf32, #tpu.memory_space<vmem>>, vector<16xf32>,
        tpu.vector_store %arg11[%swap3A, %swap3A_808], %max3A_807 {strides = array<i32>} : memref<120x128xf32, #tpu.memory_space<vmem>>, vector<16xf32>,
        %get3A_810 = arith.index_cast %scan3A_795 : i32 to index
        %get3A_811 = arith.constant 16 : index
        %get3A_812 = tpu.vector_load %arg11[%get3A_810, %get3A_811] {strides = array<i32>} : memref<120x128xf32, #tpu.memory_space<vmem>>, vector<16xf32>,
        %mul3A_813 = arith.mulf %gather3A, %get3A_37 : vector<16xf32>
        %add3A_814 = arith.addf %get3A_812, %mul3A_813 : vector<16xf32>
        %add3A_815 = arith.addf %add3A_814, %get3A_69 : vector<16xf32>
        %max3A_816 = arith.constant 0.000000e+00 : f32
        %max3A_817 = vector.broadcast %max3A_816 : f32 to vector<16xf32>
        %max3A_818 = arith.maximumf %add3A_815, %max3A_817 : vector<16xf32>
        %swap3A_819 = arith.index_cast %scan3A_795 : i32 to index
        %swap3A_820 = arith.constant 16 : index
        %swap3A_821 = tpu.vector_load %arg11[%swap3A_819, %swap3A_820] {strides = array<i32>} : memref<120x128xf32, #tpu.memory_space<vmem>>, vector<16xf32>,
        tpu.vector_store %arg11[%swap3A_819, %swap3A_820], %max3A_818 {strides = array<i32>} : memref<120x128xf32, #tpu.memory_space<vmem>>, vector<16xf32>,
        %get3A_822 = arith.index_cast %scan3A_795 : i32 to index
        %get3A_823 = arith.constant 32 : index
        %get3A_824 = tpu.vector_load %arg11[%get3A_822, %get3A_823] {strides = array<i32>} : memref<120x128xf32, #tpu.memory_space<vmem>>, vector<16xf32>,
        %mul3A_825 = arith.mulf %gather3A, %get3A_41 : vector<16xf32>
        %add3A_826 = arith.addf %get3A_824, %mul3A_825 : vector<16xf32>
        %add3A_827 = arith.addf %add3A_826, %get3A_73 : vector<16xf32>
        %max3A_828 = arith.constant 0.000000e+00 : f32
        %max3A_829 = vector.broadcast %max3A_828 : f32 to vector<16xf32>
        %max3A_830 = arith.maximumf %add3A_827, %max3A_829 : vector<16xf32>
        %swap3A_831 = arith.index_cast %scan3A_795 : i32 to index
        %swap3A_832 = arith.constant 32 : index
        %swap3A_833 = tpu.vector_load %arg11[%swap3A_831, %swap3A_832] {strides = array<i32>} : memref<120x128xf32, #tpu.memory_space<vmem>>, vector<16xf32>,
        tpu.vector_store %arg11[%swap3A_831, %swap3A_832], %max3A_830 {strides = array<i32>} : memref<120x128xf32, #tpu.memory_space<vmem>>, vector<16xf32>,
        %get3A_834 = arith.index_cast %scan3A_795 : i32 to index
        %get3A_835 = arith.constant 48 : index
        %get3A_836 = tpu.vector_load %arg11[%get3A_834, %get3A_835] {strides = array<i32>} : memref<120x128xf32, #tpu.memory_space<vmem>>, vector<16xf32>,
        %mul3A_837 = arith.mulf %gather3A, %get3A_45 : vector<16xf32>
        %add3A_838 = arith.addf %get3A_836, %mul3A_837 : vector<16xf32>
        %add3A_839 = arith.addf %add3A_838, %get3A_77 : vector<16xf32>
        %max3A_840 = arith.constant 0.000000e+00 : f32
        %max3A_841 = vector.broadcast %max3A_840 : f32 to vector<16xf32>
        %max3A_842 = arith.maximumf %add3A_839, %max3A_841 : vector<16xf32>
        %swap3A_843 = arith.index_cast %scan3A_795 : i32 to index
        %swap3A_844 = arith.constant 48 : index
        %swap3A_845 = tpu.vector_load %arg11[%swap3A_843, %swap3A_844] {strides = array<i32>} : memref<120x128xf32, #tpu.memory_space<vmem>>, vector<16xf32>,
        tpu.vector_store %arg11[%swap3A_843, %swap3A_844], %max3A_842 {strides = array<i32>} : memref<120x128xf32, #tpu.memory_space<vmem>>, vector<16xf32>,
        %get3A_846 = arith.index_cast %scan3A_795 : i32 to index
        %get3A_847 = arith.constant 64 : index
        %get3A_848 = tpu.vector_load %arg11[%get3A_846, %get3A_847] {strides = array<i32>} : memref<120x128xf32, #tpu.memory_space<vmem>>, vector<16xf32>,
        %mul3A_849 = arith.mulf %gather3A, %get3A_49 : vector<16xf32>
        %add3A_850 = arith.addf %get3A_848, %mul3A_849 : vector<16xf32>
        %add3A_851 = arith.addf %add3A_850, %get3A_81 : vector<16xf32>
        %max3A_852 = arith.constant 0.000000e+00 : f32
        %max3A_853 = vector.broadcast %max3A_852 : f32 to vector<16xf32>
        %max3A_854 = arith.maximumf %add3A_851, %max3A_853 : vector<16xf32>
        %swap3A_855 = arith.index_cast %scan3A_795 : i32 to index
        %swap3A_856 = arith.constant 64 : index
        %swap3A_857 = tpu.vector_load %arg11[%swap3A_855, %swap3A_856] {strides = array<i32>} : memref<120x128xf32, #tpu.memory_space<vmem>>, vector<16xf32>,
        tpu.vector_store %arg11[%swap3A_855, %swap3A_856], %max3A_854 {strides = array<i32>} : memref<120x128xf32, #tpu.memory_space<vmem>>, vector<16xf32>,
        %get3A_858 = arith.index_cast %scan3A_795 : i32 to index
        %get3A_859 = arith.constant 80 : index
        %get3A_860 = tpu.vector_load %arg11[%get3A_858, %get3A_859] {strides = array<i32>} : memref<120x128xf32, #tpu.memory_space<vmem>>, vector<16xf32>,
        %mul3A_861 = arith.mulf %gather3A, %get3A_53 : vector<16xf32>
        %add3A_862 = arith.addf %get3A_860, %mul3A_861 : vector<16xf32>
        %add3A_863 = arith.addf %add3A_862, %get3A_85 : vector<16xf32>
        %max3A_864 = arith.constant 0.000000e+00 : f32
        %max3A_865 = vector.broadcast %max3A_864 : f32 to vector<16xf32>
        %max3A_866 = arith.maximumf %add3A_863, %max3A_865 : vector<16xf32>
        %swap3A_867 = arith.index_cast %scan3A_795 : i32 to index
        %swap3A_868 = arith.constant 80 : index
        %swap3A_869 = tpu.vector_load %arg11[%swap3A_867, %swap3A_868] {strides = array<i32>} : memref<120x128xf32, #tpu.memory_space<vmem>>, vector<16xf32>,
        tpu.vector_store %arg11[%swap3A_867, %swap3A_868], %max3A_866 {strides = array<i32>} : memref<120x128xf32, #tpu.memory_space<vmem>>, vector<16xf32>,
        %get3A_870 = arith.index_cast %scan3A_795 : i32 to index
        %get3A_871 = arith.constant 96 : index
        %get3A_872 = tpu.vector_load %arg11[%get3A_870, %get3A_871] {strides = array<i32>} : memref<120x128xf32, #tpu.memory_space<vmem>>, vector<16xf32>,
        %mul3A_873 = arith.mulf %gather3A, %get3A_57 : vector<16xf32>
        %add3A_874 = arith.addf %get3A_872, %mul3A_873 : vector<16xf32>
        %add3A_875 = arith.addf %add3A_874, %get3A_89 : vector<16xf32>
        %max3A_876 = arith.constant 0.000000e+00 : f32
        %max3A_877 = vector.broadcast %max3A_876 : f32 to vector<16xf32>
        %max3A_878 = arith.maximumf %add3A_875, %max3A_877 : vector<16xf32>
        %swap3A_879 = arith.index_cast %scan3A_795 : i32 to index
        %swap3A_880 = arith.constant 96 : index
        %swap3A_881 = tpu.vector_load %arg11[%swap3A_879, %swap3A_880] {strides = array<i32>} : memref<120x128xf32, #tpu.memory_space<vmem>>, vector<16xf32>,
        tpu.vector_store %arg11[%swap3A_879, %swap3A_880], %max3A_878 {strides = array<i32>} : memref<120x128xf32, #tpu.memory_space<vmem>>, vector<16xf32>,
        %get3A_882 = arith.index_cast %scan3A_795 : i32 to index
        %get3A_883 = arith.constant 112 : index
        %get3A_884 = tpu.vector_load %arg11[%get3A_882, %get3A_883] {strides = array<i32>} : memref<120x128xf32, #tpu.memory_space<vmem>>, vector<16xf32>,
        %mul3A_885 = arith.mulf %gather3A, %get3A_61 : vector<16xf32>
        %add3A_886 = arith.addf %get3A_884, %mul3A_885 : vector<16xf32>
        %add3A_887 = arith.addf %add3A_886, %get3A_93 : vector<16xf32>
        %max3A_888 = arith.constant 0.000000e+00 : f32
        %max3A_889 = vector.broadcast %max3A_888 : f32 to vector<16xf32>
        %max3A_890 = arith.maximumf %add3A_887, %max3A_889 : vector<16xf32>
        %swap3A_891 = arith.index_cast %scan3A_795 : i32 to index
        %swap3A_892 = arith.constant 112 : index
        %swap3A_893 = tpu.vector_load %arg11[%swap3A_891, %swap3A_892] {strides = array<i32>} : memref<120x128xf32, #tpu.memory_space<vmem>>, vector<16xf32>,
        tpu.vector_store %arg11[%swap3A_891, %swap3A_892], %max3A_890 {strides = array<i32>} : memref<120x128xf32, #tpu.memory_space<vmem>>, vector<16xf32>,
        %scan3A_894 = arith.constant 0 : i32
        scf.yield %scan3A_894 : i32
      }
      %scan3A_345 = arith.constant 120 : i32
      %dma_start3A_346 = arith.constant 5 : i32
      %dma_start3A_347 = arith.constant 0 : i32
      %dma_start3A_348 = tpu.memref_slice %arg7[%dma_start3A_346, %dma_start3A_347] : memref<8x120xi32, #tpu.memory_space<vmem>> -> memref<1x120xi32, #tpu.memory_space<vmem>>
      %dma_start3A_349 = tpu.memref_squeeze %dma_start3A_348 : memref<1x120xi32, #tpu.memory_space<vmem>> -> memref<120xi32, #tpu.memory_space<vmem>>
      %dma_start3A_350 = arith.constant 0 : i32
      %dma_start3A_351 = arith.constant 0 : i32
      %dma_start3A_352 = tpu.memref_slice %arg23[%dma_start3A_350, %dma_start3A_351] : memref<10112x128xf32, #tpu.memory_space<vmem_shared>> -> memref<10112x128xf32, #tpu.memory_space<vmem_shared>>
      tpu.enqueue_indirect_dma source(%arg11 : memref<120x128xf32, #tpu.memory_space<vmem>>) target(%dma_start3A_352 : memref<10112x128xf32, #tpu.memory_space<vmem_shared>>) offsets(%dma_start3A_349 : memref<120xi32, #tpu.memory_space<vmem>>) semaphore(%arg18 : memref<!tpu.dma_semaphore, #tpu.memory_space<semaphore_mem>>) {add = true}
      %mul3A_353 = arith.constant 12 : i32
      %mul3A_354 = arith.muli %scan3A_206, %mul3A_353 : i32
      %add3A_355 = arith.constant 3 : i32
      %add3A_356 = arith.addi %mul3A_354, %add3A_355 : i32
      %ge3A_357 = arith.constant 2 : i32
      %ge3A_358 = arith.cmpi sge, %add3A_356, %ge3A_357 : i32
      %add3A_359 = arith.constant 1 : i32
      %add3A_360 = arith.addi %add3A_356, %add3A_359 : i32
      %lt3A_361 = arith.constant 84 : i32
      %lt3A_362 = arith.cmpi slt, %add3A_360, %lt3A_361 : i32
      %and3A_363 = arith.andi %ge3A_358, %lt3A_362 : i1
      %convert_element_type3A_364 = arith.extui %and3A_363 : i1 to i32
      %cond3A_365 = arith.constant 0 : i32
      %cond3A_366 = arith.cmpi ne, %convert_element_type3A_364, %cond3A_365 : i32
      scf.if %cond3A_366 {
        %dma_wait3A_795 = arith.constant 3 : i32
        %dma_wait3A_796 = arith.constant 0 : i32
        %dma_wait3A_797 = tpu.memref_slice %arg7[%dma_wait3A_795, %dma_wait3A_796] : memref<8x120xi32, #tpu.memory_space<vmem>> -> memref<1x120xi32, #tpu.memory_space<vmem>>
        %dma_wait3A_798 = tpu.memref_squeeze %dma_wait3A_797 : memref<1x120xi32, #tpu.memory_space<vmem>> -> memref<120xi32, #tpu.memory_space<vmem>>
        %dma_wait3A_799 = arith.constant 0 : i32
        %dma_wait3A_800 = arith.constant 0 : i32
        %dma_wait3A_801 = tpu.memref_slice %arg23[%dma_wait3A_799, %dma_wait3A_800] : memref<10112x128xf32, #tpu.memory_space<vmem_shared>> -> memref<10112x128xf32, #tpu.memory_space<vmem_shared>>
        tpu.wait_indirect_dma semaphore(%arg17 : memref<!tpu.dma_semaphore, #tpu.memory_space<semaphore_mem>>) src(%arg10 : memref<120x128xf32, #tpu.memory_space<vmem>>) dst(%dma_wait3A_801 : memref<10112x128xf32, #tpu.memory_space<vmem_shared>>)
      } else {
      }
      %add3A_367 = arith.constant 1 : i32
      %add3A_368 = arith.addi %add3A_356, %add3A_367 : i32
      %lt3A_369 = arith.constant 84 : i32
      %lt3A_370 = arith.cmpi slt, %add3A_368, %lt3A_369 : i32
      %convert_element_type3A_371 = arith.extui %lt3A_370 : i1 to i32
      %cond3A_372 = arith.constant 0 : i32
      %cond3A_373 = arith.cmpi ne, %convert_element_type3A_371, %cond3A_372 : i32
      scf.if %cond3A_373 {
        %add3A_795 = arith.constant 1 : i32
        %add3A_796 = arith.addi %add3A_356, %add3A_795 : i32
        %mul3A_797 = arith.constant 84 : i32
        %mul3A_798 = arith.muli %add3A, %mul3A_797 : i32
        %add3A_799 = arith.addi %mul3A_798, %add3A_796 : i32
        %mul3A_800 = arith.constant 2 : i32
        %mul3A_801 = arith.muli %mul3A_800, %add3A_799 : i32
        %mul3A_802 = arith.constant 120 : i32
        %mul3A_803 = arith.muli %add3A_799, %mul3A_802 : i32
        %dma_wait3A_804 = arith.constant 0 : i32
        %dma_wait3A_805 = arith.constant 0 : i32
        %dma_wait3A_806 = tpu.memref_slice %arg7[%dma_wait3A_804, %dma_wait3A_805] : memref<8x120xi32, #tpu.memory_space<vmem>> -> memref<2x120xi32, #tpu.memory_space<vmem>>
        %dma_wait3A_807 = arith.constant 0 : i32
        %dma_wait3A_808 = tpu.memref_slice %arg3[%mul3A_801, %dma_wait3A_807] : memref<5376x120xi32, #tpu.memory_space<hbm>> -> memref<2x120xi32, #tpu.memory_space<hbm>>
        %dma_wait3A_809 = arith.constant 0 : i32
        %dma_wait3A_810 = arith.constant 0 : i32
        %dma_wait3A_811 = tpu.memref_slice %arg7[%dma_wait3A_809, %dma_wait3A_810] : memref<8x120xi32, #tpu.memory_space<vmem>> -> memref<2x120xi32, #tpu.memory_space<vmem>>
        %dma_wait3A_812 = arith.constant 0 : i32
        %dma_wait3A_813 = tpu.memref_slice %arg3[%mul3A_801, %dma_wait3A_812] : memref<5376x120xi32, #tpu.memory_space<hbm>> -> memref<2x120xi32, #tpu.memory_space<hbm>>
        tpu.wait_dma2 semaphore(%arg19 : memref<!tpu.dma_semaphore, #tpu.memory_space<semaphore_mem>>) src(%dma_wait3A_813 : memref<2x120xi32, #tpu.memory_space<hbm>>) dst(%dma_wait3A_811 : memref<2x120xi32, #tpu.memory_space<vmem>>)
        %dma_wait3A_814 = arith.constant 0 : i32
        %dma_wait3A_815 = tpu.memref_slice %arg8[%dma_wait3A_814] : memref<480xf32, #tpu.memory_space<vmem>> -> memref<120xf32, #tpu.memory_space<vmem>>
        %dma_wait3A_816 = tpu.memref_slice %arg4[%mul3A_803] : memref<322560xf32, #tpu.memory_space<hbm>> -> memref<120xf32, #tpu.memory_space<hbm>>
        %dma_wait3A_817 = arith.constant 0 : i32
        %dma_wait3A_818 = tpu.memref_slice %arg8[%dma_wait3A_817] : memref<480xf32, #tpu.memory_space<vmem>> -> memref<120xf32, #tpu.memory_space<vmem>>
        %dma_wait3A_819 = tpu.memref_slice %arg4[%mul3A_803] : memref<322560xf32, #tpu.memory_space<hbm>> -> memref<120xf32, #tpu.memory_space<hbm>>
        tpu.wait_dma2 semaphore(%arg19 : memref<!tpu.dma_semaphore, #tpu.memory_space<semaphore_mem>>) src(%dma_wait3A_819 : memref<120xf32, #tpu.memory_space<hbm>>) dst(%dma_wait3A_818 : memref<120xf32, #tpu.memory_space<vmem>>)
        %dma_start3A_820 = arith.constant 0 : i32
        %dma_start3A_821 = arith.constant 0 : i32
        %dma_start3A_822 = tpu.memref_slice %arg7[%dma_start3A_820, %dma_start3A_821] : memref<8x120xi32, #tpu.memory_space<vmem>> -> memref<1x120xi32, #tpu.memory_space<vmem>>
        %dma_start3A_823 = tpu.memref_squeeze %dma_start3A_822 : memref<1x120xi32, #tpu.memory_space<vmem>> -> memref<120xi32, #tpu.memory_space<vmem>>
        %dma_start3A_824 = arith.constant 0 : i32
        %dma_start3A_825 = arith.constant 0 : i32
        %dma_start3A_826 = tpu.memref_slice %arg2[%dma_start3A_824, %dma_start3A_825] : memref<10000x128xf32, #tpu.memory_space<hbm>> -> memref<10000x128xf32, #tpu.memory_space<hbm>>
        tpu.enqueue_indirect_dma source(%dma_start3A_826 : memref<10000x128xf32, #tpu.memory_space<hbm>>) target(%arg10 : memref<120x128xf32, #tpu.memory_space<vmem>>) offsets(%dma_start3A_823 : memref<120xi32, #tpu.memory_space<vmem>>) semaphore(%arg14 : memref<!tpu.dma_semaphore, #tpu.memory_space<semaphore_mem>>)
      } else {
      }
      %dma_wait3A_374 = arith.constant 6 : i32
      %dma_wait3A_375 = arith.constant 0 : i32
      %dma_wait3A_376 = tpu.memref_slice %arg7[%dma_wait3A_374, %dma_wait3A_375] : memref<8x120xi32, #tpu.memory_space<vmem>> -> memref<1x120xi32, #tpu.memory_space<vmem>>
      %dma_wait3A_377 = tpu.memref_squeeze %dma_wait3A_376 : memref<1x120xi32, #tpu.memory_space<vmem>> -> memref<120xi32, #tpu.memory_space<vmem>>
      %dma_wait3A_378 = arith.constant 0 : i32
      %dma_wait3A_379 = arith.constant 0 : i32
      %dma_wait3A_380 = tpu.memref_slice %arg2[%dma_wait3A_378, %dma_wait3A_379] : memref<10000x128xf32, #tpu.memory_space<hbm>> -> memref<10000x128xf32, #tpu.memory_space<hbm>>
      tpu.wait_indirect_dma semaphore(%arg13 : memref<!tpu.dma_semaphore, #tpu.memory_space<semaphore_mem>>) src(%dma_wait3A_380 : memref<10000x128xf32, #tpu.memory_space<hbm>>) dst(%arg9 : memref<120x128xf32, #tpu.memory_space<vmem>>)
      %add3A_381 = arith.constant 2 : i32
      %add3A_382 = arith.addi %add3A_356, %add3A_381 : i32
      %lt3A_383 = arith.constant 84 : i32
      %lt3A_384 = arith.cmpi slt, %add3A_382, %lt3A_383 : i32
      %convert_element_type3A_385 = arith.extui %lt3A_384 : i1 to i32
      %cond3A_386 = arith.constant 0 : i32
      %cond3A_387 = arith.cmpi ne, %convert_element_type3A_385, %cond3A_386 : i32
      scf.if %cond3A_387 {
        %add3A_795 = arith.constant 2 : i32
        %add3A_796 = arith.addi %add3A_356, %add3A_795 : i32
        %mul3A_797 = arith.constant 84 : i32
        %mul3A_798 = arith.muli %add3A, %mul3A_797 : i32
        %add3A_799 = arith.addi %mul3A_798, %add3A_796 : i32
        %mul3A_800 = arith.constant 2 : i32
        %mul3A_801 = arith.muli %mul3A_800, %add3A_799 : i32
        %mul3A_802 = arith.constant 120 : i32
        %mul3A_803 = arith.muli %add3A_799, %mul3A_802 : i32
        %dma_start3A_804 = arith.constant 2 : i32
        %dma_start3A_805 = arith.constant 0 : i32
        %dma_start3A_806 = tpu.memref_slice %arg7[%dma_start3A_804, %dma_start3A_805] : memref<8x120xi32, #tpu.memory_space<vmem>> -> memref<2x120xi32, #tpu.memory_space<vmem>>
        %dma_start3A_807 = arith.constant 0 : i32
        %dma_start3A_808 = tpu.memref_slice %arg3[%mul3A_801, %dma_start3A_807] : memref<5376x120xi32, #tpu.memory_space<hbm>> -> memref<2x120xi32, #tpu.memory_space<hbm>>
        %dma_start3A_809 = arith.constant 2 : i32
        %dma_start3A_810 = arith.constant 0 : i32
        %dma_start3A_811 = tpu.memref_slice %arg7[%dma_start3A_809, %dma_start3A_810] : memref<8x120xi32, #tpu.memory_space<vmem>> -> memref<2x120xi32, #tpu.memory_space<vmem>>
        %dma_start3A_812 = arith.constant 0 : i32
        %dma_start3A_813 = tpu.memref_slice %arg3[%mul3A_801, %dma_start3A_812] : memref<5376x120xi32, #tpu.memory_space<hbm>> -> memref<2x120xi32, #tpu.memory_space<hbm>>
        tpu.enqueue_dma source(%dma_start3A_813 : memref<2x120xi32, #tpu.memory_space<hbm>>) target(%dma_start3A_811 : memref<2x120xi32, #tpu.memory_space<vmem>>) target_semaphore(%arg20 : memref<!tpu.dma_semaphore, #tpu.memory_space<semaphore_mem>>)
        %dma_start3A_814 = arith.constant 120 : i32
        %dma_start3A_815 = tpu.memref_slice %arg8[%dma_start3A_814] : memref<480xf32, #tpu.memory_space<vmem>> -> memref<120xf32, #tpu.memory_space<vmem>>
        %dma_start3A_816 = tpu.memref_slice %arg4[%mul3A_803] : memref<322560xf32, #tpu.memory_space<hbm>> -> memref<120xf32, #tpu.memory_space<hbm>>
        %dma_start3A_817 = arith.constant 120 : i32
        %dma_start3A_818 = tpu.memref_slice %arg8[%dma_start3A_817] : memref<480xf32, #tpu.memory_space<vmem>> -> memref<120xf32, #tpu.memory_space<vmem>>
        %dma_start3A_819 = tpu.memref_slice %arg4[%mul3A_803] : memref<322560xf32, #tpu.memory_space<hbm>> -> memref<120xf32, #tpu.memory_space<hbm>>
        tpu.enqueue_dma source(%dma_start3A_819 : memref<120xf32, #tpu.memory_space<hbm>>) target(%dma_start3A_818 : memref<120xf32, #tpu.memory_space<vmem>>) target_semaphore(%arg20 : memref<!tpu.dma_semaphore, #tpu.memory_space<semaphore_mem>>)
      } else {
      }
      %scan3A_388 = arith.constant 0 : i32
      %scan3A_389 = arith.constant 0 : i32
      %scan3A_390 = arith.constant 120 : i32
      %scan3A_391 = arith.addi %scan3A_389, %scan3A_390 : i32
      %scan3A_392 = arith.constant 1 : i32
      %scan3A_393 = scf.for %scan3A_795 = %scan3A_389 to %scan3A_391 step %scan3A_392 iter_args(%scan3A_796 = %scan3A_388) -> (i32)  : i32 {
        %broadcast_in_dim3A = arith.constant 360 : i32
        %broadcast_in_dim3A_797 = vector.broadcast %broadcast_in_dim3A : i32 to vector<16xi32>
        %add3A_798 = vector.broadcast %scan3A_795 : i32 to vector<16xi32>
        %add3A_799 = arith.addi %broadcast_in_dim3A_797, %add3A_798 : vector<16xi32>
        %gather3A = tpu.vector_load_idx %arg8[%add3A_799] : memref<480xf32, #tpu.memory_space<vmem>>[vector<16xi32>], vector<16xf32>,
        %get3A_800 = arith.index_cast %scan3A_795 : i32 to index
        %get3A_801 = arith.constant 0 : index
        %get3A_802 = tpu.vector_load %arg9[%get3A_800, %get3A_801] {strides = array<i32>} : memref<120x128xf32, #tpu.memory_space<vmem>>, vector<16xf32>,
        %mul3A_803 = arith.mulf %gather3A, %get3A_33 : vector<16xf32>
        %add3A_804 = arith.addf %get3A_802, %mul3A_803 : vector<16xf32>
        %add3A_805 = arith.addf %add3A_804, %get3A_65 : vector<16xf32>
        %max3A = arith.constant 0.000000e+00 : f32
        %max3A_806 = vector.broadcast %max3A : f32 to vector<16xf32>
        %max3A_807 = arith.maximumf %add3A_805, %max3A_806 : vector<16xf32>
        %swap3A = arith.index_cast %scan3A_795 : i32 to index
        %swap3A_808 = arith.constant 0 : index
        %swap3A_809 = tpu.vector_load %arg9[%swap3A, %swap3A_808] {strides = array<i32>} : memref<120x128xf32, #tpu.memory_space<vmem>>, vector<16xf32>,
        tpu.vector_store %arg9[%swap3A, %swap3A_808], %max3A_807 {strides = array<i32>} : memref<120x128xf32, #tpu.memory_space<vmem>>, vector<16xf32>,
        %get3A_810 = arith.index_cast %scan3A_795 : i32 to index
        %get3A_811 = arith.constant 16 : index
        %get3A_812 = tpu.vector_load %arg9[%get3A_810, %get3A_811] {strides = array<i32>} : memref<120x128xf32, #tpu.memory_space<vmem>>, vector<16xf32>,
        %mul3A_813 = arith.mulf %gather3A, %get3A_37 : vector<16xf32>
        %add3A_814 = arith.addf %get3A_812, %mul3A_813 : vector<16xf32>
        %add3A_815 = arith.addf %add3A_814, %get3A_69 : vector<16xf32>
        %max3A_816 = arith.constant 0.000000e+00 : f32
        %max3A_817 = vector.broadcast %max3A_816 : f32 to vector<16xf32>
        %max3A_818 = arith.maximumf %add3A_815, %max3A_817 : vector<16xf32>
        %swap3A_819 = arith.index_cast %scan3A_795 : i32 to index
        %swap3A_820 = arith.constant 16 : index
        %swap3A_821 = tpu.vector_load %arg9[%swap3A_819, %swap3A_820] {strides = array<i32>} : memref<120x128xf32, #tpu.memory_space<vmem>>, vector<16xf32>,
        tpu.vector_store %arg9[%swap3A_819, %swap3A_820], %max3A_818 {strides = array<i32>} : memref<120x128xf32, #tpu.memory_space<vmem>>, vector<16xf32>,
        %get3A_822 = arith.index_cast %scan3A_795 : i32 to index
        %get3A_823 = arith.constant 32 : index
        %get3A_824 = tpu.vector_load %arg9[%get3A_822, %get3A_823] {strides = array<i32>} : memref<120x128xf32, #tpu.memory_space<vmem>>, vector<16xf32>,
        %mul3A_825 = arith.mulf %gather3A, %get3A_41 : vector<16xf32>
        %add3A_826 = arith.addf %get3A_824, %mul3A_825 : vector<16xf32>
        %add3A_827 = arith.addf %add3A_826, %get3A_73 : vector<16xf32>
        %max3A_828 = arith.constant 0.000000e+00 : f32
        %max3A_829 = vector.broadcast %max3A_828 : f32 to vector<16xf32>
        %max3A_830 = arith.maximumf %add3A_827, %max3A_829 : vector<16xf32>
        %swap3A_831 = arith.index_cast %scan3A_795 : i32 to index
        %swap3A_832 = arith.constant 32 : index
        %swap3A_833 = tpu.vector_load %arg9[%swap3A_831, %swap3A_832] {strides = array<i32>} : memref<120x128xf32, #tpu.memory_space<vmem>>, vector<16xf32>,
        tpu.vector_store %arg9[%swap3A_831, %swap3A_832], %max3A_830 {strides = array<i32>} : memref<120x128xf32, #tpu.memory_space<vmem>>, vector<16xf32>,
        %get3A_834 = arith.index_cast %scan3A_795 : i32 to index
        %get3A_835 = arith.constant 48 : index
        %get3A_836 = tpu.vector_load %arg9[%get3A_834, %get3A_835] {strides = array<i32>} : memref<120x128xf32, #tpu.memory_space<vmem>>, vector<16xf32>,
        %mul3A_837 = arith.mulf %gather3A, %get3A_45 : vector<16xf32>
        %add3A_838 = arith.addf %get3A_836, %mul3A_837 : vector<16xf32>
        %add3A_839 = arith.addf %add3A_838, %get3A_77 : vector<16xf32>
        %max3A_840 = arith.constant 0.000000e+00 : f32
        %max3A_841 = vector.broadcast %max3A_840 : f32 to vector<16xf32>
        %max3A_842 = arith.maximumf %add3A_839, %max3A_841 : vector<16xf32>
        %swap3A_843 = arith.index_cast %scan3A_795 : i32 to index
        %swap3A_844 = arith.constant 48 : index
        %swap3A_845 = tpu.vector_load %arg9[%swap3A_843, %swap3A_844] {strides = array<i32>} : memref<120x128xf32, #tpu.memory_space<vmem>>, vector<16xf32>,
        tpu.vector_store %arg9[%swap3A_843, %swap3A_844], %max3A_842 {strides = array<i32>} : memref<120x128xf32, #tpu.memory_space<vmem>>, vector<16xf32>,
        %get3A_846 = arith.index_cast %scan3A_795 : i32 to index
        %get3A_847 = arith.constant 64 : index
        %get3A_848 = tpu.vector_load %arg9[%get3A_846, %get3A_847] {strides = array<i32>} : memref<120x128xf32, #tpu.memory_space<vmem>>, vector<16xf32>,
        %mul3A_849 = arith.mulf %gather3A, %get3A_49 : vector<16xf32>
        %add3A_850 = arith.addf %get3A_848, %mul3A_849 : vector<16xf32>
        %add3A_851 = arith.addf %add3A_850, %get3A_81 : vector<16xf32>
        %max3A_852 = arith.constant 0.000000e+00 : f32
        %max3A_853 = vector.broadcast %max3A_852 : f32 to vector<16xf32>
        %max3A_854 = arith.maximumf %add3A_851, %max3A_853 : vector<16xf32>
        %swap3A_855 = arith.index_cast %scan3A_795 : i32 to index
        %swap3A_856 = arith.constant 64 : index
        %swap3A_857 = tpu.vector_load %arg9[%swap3A_855, %swap3A_856] {strides = array<i32>} : memref<120x128xf32, #tpu.memory_space<vmem>>, vector<16xf32>,
        tpu.vector_store %arg9[%swap3A_855, %swap3A_856], %max3A_854 {strides = array<i32>} : memref<120x128xf32, #tpu.memory_space<vmem>>, vector<16xf32>,
        %get3A_858 = arith.index_cast %scan3A_795 : i32 to index
        %get3A_859 = arith.constant 80 : index
        %get3A_860 = tpu.vector_load %arg9[%get3A_858, %get3A_859] {strides = array<i32>} : memref<120x128xf32, #tpu.memory_space<vmem>>, vector<16xf32>,
        %mul3A_861 = arith.mulf %gather3A, %get3A_53 : vector<16xf32>
        %add3A_862 = arith.addf %get3A_860, %mul3A_861 : vector<16xf32>
        %add3A_863 = arith.addf %add3A_862, %get3A_85 : vector<16xf32>
        %max3A_864 = arith.constant 0.000000e+00 : f32
        %max3A_865 = vector.broadcast %max3A_864 : f32 to vector<16xf32>
        %max3A_866 = arith.maximumf %add3A_863, %max3A_865 : vector<16xf32>
        %swap3A_867 = arith.index_cast %scan3A_795 : i32 to index
        %swap3A_868 = arith.constant 80 : index
        %swap3A_869 = tpu.vector_load %arg9[%swap3A_867, %swap3A_868] {strides = array<i32>} : memref<120x128xf32, #tpu.memory_space<vmem>>, vector<16xf32>,
        tpu.vector_store %arg9[%swap3A_867, %swap3A_868], %max3A_866 {strides = array<i32>} : memref<120x128xf32, #tpu.memory_space<vmem>>, vector<16xf32>,
        %get3A_870 = arith.index_cast %scan3A_795 : i32 to index
        %get3A_871 = arith.constant 96 : index
        %get3A_872 = tpu.vector_load %arg9[%get3A_870, %get3A_871] {strides = array<i32>} : memref<120x128xf32, #tpu.memory_space<vmem>>, vector<16xf32>,
        %mul3A_873 = arith.mulf %gather3A, %get3A_57 : vector<16xf32>
        %add3A_874 = arith.addf %get3A_872, %mul3A_873 : vector<16xf32>
        %add3A_875 = arith.addf %add3A_874, %get3A_89 : vector<16xf32>
        %max3A_876 = arith.constant 0.000000e+00 : f32
        %max3A_877 = vector.broadcast %max3A_876 : f32 to vector<16xf32>
        %max3A_878 = arith.maximumf %add3A_875, %max3A_877 : vector<16xf32>
        %swap3A_879 = arith.index_cast %scan3A_795 : i32 to index
        %swap3A_880 = arith.constant 96 : index
        %swap3A_881 = tpu.vector_load %arg9[%swap3A_879, %swap3A_880] {strides = array<i32>} : memref<120x128xf32, #tpu.memory_space<vmem>>, vector<16xf32>,
        tpu.vector_store %arg9[%swap3A_879, %swap3A_880], %max3A_878 {strides = array<i32>} : memref<120x128xf32, #tpu.memory_space<vmem>>, vector<16xf32>,
        %get3A_882 = arith.index_cast %scan3A_795 : i32 to index
        %get3A_883 = arith.constant 112 : index
        %get3A_884 = tpu.vector_load %arg9[%get3A_882, %get3A_883] {strides = array<i32>} : memref<120x128xf32, #tpu.memory_space<vmem>>, vector<16xf32>,
        %mul3A_885 = arith.mulf %gather3A, %get3A_61 : vector<16xf32>
        %add3A_886 = arith.addf %get3A_884, %mul3A_885 : vector<16xf32>
        %add3A_887 = arith.addf %add3A_886, %get3A_93 : vector<16xf32>
        %max3A_888 = arith.constant 0.000000e+00 : f32
        %max3A_889 = vector.broadcast %max3A_888 : f32 to vector<16xf32>
        %max3A_890 = arith.maximumf %add3A_887, %max3A_889 : vector<16xf32>
        %swap3A_891 = arith.index_cast %scan3A_795 : i32 to index
        %swap3A_892 = arith.constant 112 : index
        %swap3A_893 = tpu.vector_load %arg9[%swap3A_891, %swap3A_892] {strides = array<i32>} : memref<120x128xf32, #tpu.memory_space<vmem>>, vector<16xf32>,
        tpu.vector_store %arg9[%swap3A_891, %swap3A_892], %max3A_890 {strides = array<i32>} : memref<120x128xf32, #tpu.memory_space<vmem>>, vector<16xf32>,
        %scan3A_894 = arith.constant 0 : i32
        scf.yield %scan3A_894 : i32
      }
      %scan3A_394 = arith.constant 120 : i32
      %dma_start3A_395 = arith.constant 7 : i32
      %dma_start3A_396 = arith.constant 0 : i32
      %dma_start3A_397 = tpu.memref_slice %arg7[%dma_start3A_395, %dma_start3A_396] : memref<8x120xi32, #tpu.memory_space<vmem>> -> memref<1x120xi32, #tpu.memory_space<vmem>>
      %dma_start3A_398 = tpu.memref_squeeze %dma_start3A_397 : memref<1x120xi32, #tpu.memory_space<vmem>> -> memref<120xi32, #tpu.memory_space<vmem>>
      %dma_start3A_399 = arith.constant 0 : i32
      %dma_start3A_400 = arith.constant 0 : i32
      %dma_start3A_401 = tpu.memref_slice %arg23[%dma_start3A_399, %dma_start3A_400] : memref<10112x128xf32, #tpu.memory_space<vmem_shared>> -> memref<10112x128xf32, #tpu.memory_space<vmem_shared>>
      tpu.enqueue_indirect_dma source(%arg9 : memref<120x128xf32, #tpu.memory_space<vmem>>) target(%dma_start3A_401 : memref<10112x128xf32, #tpu.memory_space<vmem_shared>>) offsets(%dma_start3A_398 : memref<120xi32, #tpu.memory_space<vmem>>) semaphore(%arg16 : memref<!tpu.dma_semaphore, #tpu.memory_space<semaphore_mem>>) {add = true}
      %mul3A_402 = arith.constant 12 : i32
      %mul3A_403 = arith.muli %scan3A_206, %mul3A_402 : i32
      %add3A_404 = arith.constant 4 : i32
      %add3A_405 = arith.addi %mul3A_403, %add3A_404 : i32
      %ge3A_406 = arith.constant 2 : i32
      %ge3A_407 = arith.cmpi sge, %add3A_405, %ge3A_406 : i32
      %add3A_408 = arith.constant 1 : i32
      %add3A_409 = arith.addi %add3A_405, %add3A_408 : i32
      %lt3A_410 = arith.constant 84 : i32
      %lt3A_411 = arith.cmpi slt, %add3A_409, %lt3A_410 : i32
      %and3A_412 = arith.andi %ge3A_407, %lt3A_411 : i1
      %convert_element_type3A_413 = arith.extui %and3A_412 : i1 to i32
      %cond3A_414 = arith.constant 0 : i32
      %cond3A_415 = arith.cmpi ne, %convert_element_type3A_413, %cond3A_414 : i32
      scf.if %cond3A_415 {
        %dma_wait3A_795 = arith.constant 5 : i32
        %dma_wait3A_796 = arith.constant 0 : i32
        %dma_wait3A_797 = tpu.memref_slice %arg7[%dma_wait3A_795, %dma_wait3A_796] : memref<8x120xi32, #tpu.memory_space<vmem>> -> memref<1x120xi32, #tpu.memory_space<vmem>>
        %dma_wait3A_798 = tpu.memref_squeeze %dma_wait3A_797 : memref<1x120xi32, #tpu.memory_space<vmem>> -> memref<120xi32, #tpu.memory_space<vmem>>
        %dma_wait3A_799 = arith.constant 0 : i32
        %dma_wait3A_800 = arith.constant 0 : i32
        %dma_wait3A_801 = tpu.memref_slice %arg23[%dma_wait3A_799, %dma_wait3A_800] : memref<10112x128xf32, #tpu.memory_space<vmem_shared>> -> memref<10112x128xf32, #tpu.memory_space<vmem_shared>>
        tpu.wait_indirect_dma semaphore(%arg18 : memref<!tpu.dma_semaphore, #tpu.memory_space<semaphore_mem>>) src(%arg11 : memref<120x128xf32, #tpu.memory_space<vmem>>) dst(%dma_wait3A_801 : memref<10112x128xf32, #tpu.memory_space<vmem_shared>>)
      } else {
      }
      %add3A_416 = arith.constant 1 : i32
      %add3A_417 = arith.addi %add3A_405, %add3A_416 : i32
      %lt3A_418 = arith.constant 84 : i32
      %lt3A_419 = arith.cmpi slt, %add3A_417, %lt3A_418 : i32
      %convert_element_type3A_420 = arith.extui %lt3A_419 : i1 to i32
      %cond3A_421 = arith.constant 0 : i32
      %cond3A_422 = arith.cmpi ne, %convert_element_type3A_420, %cond3A_421 : i32
      scf.if %cond3A_422 {
        %add3A_795 = arith.constant 1 : i32
        %add3A_796 = arith.addi %add3A_405, %add3A_795 : i32
        %mul3A_797 = arith.constant 84 : i32
        %mul3A_798 = arith.muli %add3A, %mul3A_797 : i32
        %add3A_799 = arith.addi %mul3A_798, %add3A_796 : i32
        %mul3A_800 = arith.constant 2 : i32
        %mul3A_801 = arith.muli %mul3A_800, %add3A_799 : i32
        %mul3A_802 = arith.constant 120 : i32
        %mul3A_803 = arith.muli %add3A_799, %mul3A_802 : i32
        %dma_wait3A_804 = arith.constant 2 : i32
        %dma_wait3A_805 = arith.constant 0 : i32
        %dma_wait3A_806 = tpu.memref_slice %arg7[%dma_wait3A_804, %dma_wait3A_805] : memref<8x120xi32, #tpu.memory_space<vmem>> -> memref<2x120xi32, #tpu.memory_space<vmem>>
        %dma_wait3A_807 = arith.constant 0 : i32
        %dma_wait3A_808 = tpu.memref_slice %arg3[%mul3A_801, %dma_wait3A_807] : memref<5376x120xi32, #tpu.memory_space<hbm>> -> memref<2x120xi32, #tpu.memory_space<hbm>>
        %dma_wait3A_809 = arith.constant 2 : i32
        %dma_wait3A_810 = arith.constant 0 : i32
        %dma_wait3A_811 = tpu.memref_slice %arg7[%dma_wait3A_809, %dma_wait3A_810] : memref<8x120xi32, #tpu.memory_space<vmem>> -> memref<2x120xi32, #tpu.memory_space<vmem>>
        %dma_wait3A_812 = arith.constant 0 : i32
        %dma_wait3A_813 = tpu.memref_slice %arg3[%mul3A_801, %dma_wait3A_812] : memref<5376x120xi32, #tpu.memory_space<hbm>> -> memref<2x120xi32, #tpu.memory_space<hbm>>
        tpu.wait_dma2 semaphore(%arg20 : memref<!tpu.dma_semaphore, #tpu.memory_space<semaphore_mem>>) src(%dma_wait3A_813 : memref<2x120xi32, #tpu.memory_space<hbm>>) dst(%dma_wait3A_811 : memref<2x120xi32, #tpu.memory_space<vmem>>)
        %dma_wait3A_814 = arith.constant 120 : i32
        %dma_wait3A_815 = tpu.memref_slice %arg8[%dma_wait3A_814] : memref<480xf32, #tpu.memory_space<vmem>> -> memref<120xf32, #tpu.memory_space<vmem>>
        %dma_wait3A_816 = tpu.memref_slice %arg4[%mul3A_803] : memref<322560xf32, #tpu.memory_space<hbm>> -> memref<120xf32, #tpu.memory_space<hbm>>
        %dma_wait3A_817 = arith.constant 120 : i32
        %dma_wait3A_818 = tpu.memref_slice %arg8[%dma_wait3A_817] : memref<480xf32, #tpu.memory_space<vmem>> -> memref<120xf32, #tpu.memory_space<vmem>>
        %dma_wait3A_819 = tpu.memref_slice %arg4[%mul3A_803] : memref<322560xf32, #tpu.memory_space<hbm>> -> memref<120xf32, #tpu.memory_space<hbm>>
        tpu.wait_dma2 semaphore(%arg20 : memref<!tpu.dma_semaphore, #tpu.memory_space<semaphore_mem>>) src(%dma_wait3A_819 : memref<120xf32, #tpu.memory_space<hbm>>) dst(%dma_wait3A_818 : memref<120xf32, #tpu.memory_space<vmem>>)
        %dma_start3A_820 = arith.constant 2 : i32
        %dma_start3A_821 = arith.constant 0 : i32
        %dma_start3A_822 = tpu.memref_slice %arg7[%dma_start3A_820, %dma_start3A_821] : memref<8x120xi32, #tpu.memory_space<vmem>> -> memref<1x120xi32, #tpu.memory_space<vmem>>
        %dma_start3A_823 = tpu.memref_squeeze %dma_start3A_822 : memref<1x120xi32, #tpu.memory_space<vmem>> -> memref<120xi32, #tpu.memory_space<vmem>>
        %dma_start3A_824 = arith.constant 0 : i32
        %dma_start3A_825 = arith.constant 0 : i32
        %dma_start3A_826 = tpu.memref_slice %arg2[%dma_start3A_824, %dma_start3A_825] : memref<10000x128xf32, #tpu.memory_space<hbm>> -> memref<10000x128xf32, #tpu.memory_space<hbm>>
        tpu.enqueue_indirect_dma source(%dma_start3A_826 : memref<10000x128xf32, #tpu.memory_space<hbm>>) target(%arg11 : memref<120x128xf32, #tpu.memory_space<vmem>>) offsets(%dma_start3A_823 : memref<120xi32, #tpu.memory_space<vmem>>) semaphore(%arg15 : memref<!tpu.dma_semaphore, #tpu.memory_space<semaphore_mem>>)
      } else {
      }
      %dma_wait3A_423 = arith.constant 0 : i32
      %dma_wait3A_424 = arith.constant 0 : i32
      %dma_wait3A_425 = tpu.memref_slice %arg7[%dma_wait3A_423, %dma_wait3A_424] : memref<8x120xi32, #tpu.memory_space<vmem>> -> memref<1x120xi32, #tpu.memory_space<vmem>>
      %dma_wait3A_426 = tpu.memref_squeeze %dma_wait3A_425 : memref<1x120xi32, #tpu.memory_space<vmem>> -> memref<120xi32, #tpu.memory_space<vmem>>
      %dma_wait3A_427 = arith.constant 0 : i32
      %dma_wait3A_428 = arith.constant 0 : i32
      %dma_wait3A_429 = tpu.memref_slice %arg2[%dma_wait3A_427, %dma_wait3A_428] : memref<10000x128xf32, #tpu.memory_space<hbm>> -> memref<10000x128xf32, #tpu.memory_space<hbm>>
      tpu.wait_indirect_dma semaphore(%arg14 : memref<!tpu.dma_semaphore, #tpu.memory_space<semaphore_mem>>) src(%dma_wait3A_429 : memref<10000x128xf32, #tpu.memory_space<hbm>>) dst(%arg10 : memref<120x128xf32, #tpu.memory_space<vmem>>)
      %add3A_430 = arith.constant 2 : i32
      %add3A_431 = arith.addi %add3A_405, %add3A_430 : i32
      %lt3A_432 = arith.constant 84 : i32
      %lt3A_433 = arith.cmpi slt, %add3A_431, %lt3A_432 : i32
      %convert_element_type3A_434 = arith.extui %lt3A_433 : i1 to i32
      %cond3A_435 = arith.constant 0 : i32
      %cond3A_436 = arith.cmpi ne, %convert_element_type3A_434, %cond3A_435 : i32
      scf.if %cond3A_436 {
        %add3A_795 = arith.constant 2 : i32
        %add3A_796 = arith.addi %add3A_405, %add3A_795 : i32
        %mul3A_797 = arith.constant 84 : i32
        %mul3A_798 = arith.muli %add3A, %mul3A_797 : i32
        %add3A_799 = arith.addi %mul3A_798, %add3A_796 : i32
        %mul3A_800 = arith.constant 2 : i32
        %mul3A_801 = arith.muli %mul3A_800, %add3A_799 : i32
        %mul3A_802 = arith.constant 120 : i32
        %mul3A_803 = arith.muli %add3A_799, %mul3A_802 : i32
        %dma_start3A_804 = arith.constant 4 : i32
        %dma_start3A_805 = arith.constant 0 : i32
        %dma_start3A_806 = tpu.memref_slice %arg7[%dma_start3A_804, %dma_start3A_805] : memref<8x120xi32, #tpu.memory_space<vmem>> -> memref<2x120xi32, #tpu.memory_space<vmem>>
        %dma_start3A_807 = arith.constant 0 : i32
        %dma_start3A_808 = tpu.memref_slice %arg3[%mul3A_801, %dma_start3A_807] : memref<5376x120xi32, #tpu.memory_space<hbm>> -> memref<2x120xi32, #tpu.memory_space<hbm>>
        %dma_start3A_809 = arith.constant 4 : i32
        %dma_start3A_810 = arith.constant 0 : i32
        %dma_start3A_811 = tpu.memref_slice %arg7[%dma_start3A_809, %dma_start3A_810] : memref<8x120xi32, #tpu.memory_space<vmem>> -> memref<2x120xi32, #tpu.memory_space<vmem>>
        %dma_start3A_812 = arith.constant 0 : i32
        %dma_start3A_813 = tpu.memref_slice %arg3[%mul3A_801, %dma_start3A_812] : memref<5376x120xi32, #tpu.memory_space<hbm>> -> memref<2x120xi32, #tpu.memory_space<hbm>>
        tpu.enqueue_dma source(%dma_start3A_813 : memref<2x120xi32, #tpu.memory_space<hbm>>) target(%dma_start3A_811 : memref<2x120xi32, #tpu.memory_space<vmem>>) target_semaphore(%arg21 : memref<!tpu.dma_semaphore, #tpu.memory_space<semaphore_mem>>)
        %dma_start3A_814 = arith.constant 240 : i32
        %dma_start3A_815 = tpu.memref_slice %arg8[%dma_start3A_814] : memref<480xf32, #tpu.memory_space<vmem>> -> memref<120xf32, #tpu.memory_space<vmem>>
        %dma_start3A_816 = tpu.memref_slice %arg4[%mul3A_803] : memref<322560xf32, #tpu.memory_space<hbm>> -> memref<120xf32, #tpu.memory_space<hbm>>
        %dma_start3A_817 = arith.constant 240 : i32
        %dma_start3A_818 = tpu.memref_slice %arg8[%dma_start3A_817] : memref<480xf32, #tpu.memory_space<vmem>> -> memref<120xf32, #tpu.memory_space<vmem>>
        %dma_start3A_819 = tpu.memref_slice %arg4[%mul3A_803] : memref<322560xf32, #tpu.memory_space<hbm>> -> memref<120xf32, #tpu.memory_space<hbm>>
        tpu.enqueue_dma source(%dma_start3A_819 : memref<120xf32, #tpu.memory_space<hbm>>) target(%dma_start3A_818 : memref<120xf32, #tpu.memory_space<vmem>>) target_semaphore(%arg21 : memref<!tpu.dma_semaphore, #tpu.memory_space<semaphore_mem>>)
      } else {
      }
      %scan3A_437 = arith.constant 0 : i32
      %scan3A_438 = arith.constant 0 : i32
      %scan3A_439 = arith.constant 120 : i32
      %scan3A_440 = arith.addi %scan3A_438, %scan3A_439 : i32
      %scan3A_441 = arith.constant 1 : i32
      %scan3A_442 = scf.for %scan3A_795 = %scan3A_438 to %scan3A_440 step %scan3A_441 iter_args(%scan3A_796 = %scan3A_437) -> (i32)  : i32 {
        %broadcast_in_dim3A = arith.constant 0 : i32
        %broadcast_in_dim3A_797 = vector.broadcast %broadcast_in_dim3A : i32 to vector<16xi32>
        %add3A_798 = vector.broadcast %scan3A_795 : i32 to vector<16xi32>
        %add3A_799 = arith.addi %broadcast_in_dim3A_797, %add3A_798 : vector<16xi32>
        %gather3A = tpu.vector_load_idx %arg8[%add3A_799] : memref<480xf32, #tpu.memory_space<vmem>>[vector<16xi32>], vector<16xf32>,
        %get3A_800 = arith.index_cast %scan3A_795 : i32 to index
        %get3A_801 = arith.constant 0 : index
        %get3A_802 = tpu.vector_load %arg10[%get3A_800, %get3A_801] {strides = array<i32>} : memref<120x128xf32, #tpu.memory_space<vmem>>, vector<16xf32>,
        %mul3A_803 = arith.mulf %gather3A, %get3A_33 : vector<16xf32>
        %add3A_804 = arith.addf %get3A_802, %mul3A_803 : vector<16xf32>
        %add3A_805 = arith.addf %add3A_804, %get3A_65 : vector<16xf32>
        %max3A = arith.constant 0.000000e+00 : f32
        %max3A_806 = vector.broadcast %max3A : f32 to vector<16xf32>
        %max3A_807 = arith.maximumf %add3A_805, %max3A_806 : vector<16xf32>
        %swap3A = arith.index_cast %scan3A_795 : i32 to index
        %swap3A_808 = arith.constant 0 : index
        %swap3A_809 = tpu.vector_load %arg10[%swap3A, %swap3A_808] {strides = array<i32>} : memref<120x128xf32, #tpu.memory_space<vmem>>, vector<16xf32>,
        tpu.vector_store %arg10[%swap3A, %swap3A_808], %max3A_807 {strides = array<i32>} : memref<120x128xf32, #tpu.memory_space<vmem>>, vector<16xf32>,
        %get3A_810 = arith.index_cast %scan3A_795 : i32 to index
        %get3A_811 = arith.constant 16 : index
        %get3A_812 = tpu.vector_load %arg10[%get3A_810, %get3A_811] {strides = array<i32>} : memref<120x128xf32, #tpu.memory_space<vmem>>, vector<16xf32>,
        %mul3A_813 = arith.mulf %gather3A, %get3A_37 : vector<16xf32>
        %add3A_814 = arith.addf %get3A_812, %mul3A_813 : vector<16xf32>
        %add3A_815 = arith.addf %add3A_814, %get3A_69 : vector<16xf32>
        %max3A_816 = arith.constant 0.000000e+00 : f32
        %max3A_817 = vector.broadcast %max3A_816 : f32 to vector<16xf32>
        %max3A_818 = arith.maximumf %add3A_815, %max3A_817 : vector<16xf32>
        %swap3A_819 = arith.index_cast %scan3A_795 : i32 to index
        %swap3A_820 = arith.constant 16 : index
        %swap3A_821 = tpu.vector_load %arg10[%swap3A_819, %swap3A_820] {strides = array<i32>} : memref<120x128xf32, #tpu.memory_space<vmem>>, vector<16xf32>,
        tpu.vector_store %arg10[%swap3A_819, %swap3A_820], %max3A_818 {strides = array<i32>} : memref<120x128xf32, #tpu.memory_space<vmem>>, vector<16xf32>,
        %get3A_822 = arith.index_cast %scan3A_795 : i32 to index
        %get3A_823 = arith.constant 32 : index
        %get3A_824 = tpu.vector_load %arg10[%get3A_822, %get3A_823] {strides = array<i32>} : memref<120x128xf32, #tpu.memory_space<vmem>>, vector<16xf32>,
        %mul3A_825 = arith.mulf %gather3A, %get3A_41 : vector<16xf32>
        %add3A_826 = arith.addf %get3A_824, %mul3A_825 : vector<16xf32>
        %add3A_827 = arith.addf %add3A_826, %get3A_73 : vector<16xf32>
        %max3A_828 = arith.constant 0.000000e+00 : f32
        %max3A_829 = vector.broadcast %max3A_828 : f32 to vector<16xf32>
        %max3A_830 = arith.maximumf %add3A_827, %max3A_829 : vector<16xf32>
        %swap3A_831 = arith.index_cast %scan3A_795 : i32 to index
        %swap3A_832 = arith.constant 32 : index
        %swap3A_833 = tpu.vector_load %arg10[%swap3A_831, %swap3A_832] {strides = array<i32>} : memref<120x128xf32, #tpu.memory_space<vmem>>, vector<16xf32>,
        tpu.vector_store %arg10[%swap3A_831, %swap3A_832], %max3A_830 {strides = array<i32>} : memref<120x128xf32, #tpu.memory_space<vmem>>, vector<16xf32>,
        %get3A_834 = arith.index_cast %scan3A_795 : i32 to index
        %get3A_835 = arith.constant 48 : index
        %get3A_836 = tpu.vector_load %arg10[%get3A_834, %get3A_835] {strides = array<i32>} : memref<120x128xf32, #tpu.memory_space<vmem>>, vector<16xf32>,
        %mul3A_837 = arith.mulf %gather3A, %get3A_45 : vector<16xf32>
        %add3A_838 = arith.addf %get3A_836, %mul3A_837 : vector<16xf32>
        %add3A_839 = arith.addf %add3A_838, %get3A_77 : vector<16xf32>
        %max3A_840 = arith.constant 0.000000e+00 : f32
        %max3A_841 = vector.broadcast %max3A_840 : f32 to vector<16xf32>
        %max3A_842 = arith.maximumf %add3A_839, %max3A_841 : vector<16xf32>
        %swap3A_843 = arith.index_cast %scan3A_795 : i32 to index
        %swap3A_844 = arith.constant 48 : index
        %swap3A_845 = tpu.vector_load %arg10[%swap3A_843, %swap3A_844] {strides = array<i32>} : memref<120x128xf32, #tpu.memory_space<vmem>>, vector<16xf32>,
        tpu.vector_store %arg10[%swap3A_843, %swap3A_844], %max3A_842 {strides = array<i32>} : memref<120x128xf32, #tpu.memory_space<vmem>>, vector<16xf32>,
        %get3A_846 = arith.index_cast %scan3A_795 : i32 to index
        %get3A_847 = arith.constant 64 : index
        %get3A_848 = tpu.vector_load %arg10[%get3A_846, %get3A_847] {strides = array<i32>} : memref<120x128xf32, #tpu.memory_space<vmem>>, vector<16xf32>,
        %mul3A_849 = arith.mulf %gather3A, %get3A_49 : vector<16xf32>
        %add3A_850 = arith.addf %get3A_848, %mul3A_849 : vector<16xf32>
        %add3A_851 = arith.addf %add3A_850, %get3A_81 : vector<16xf32>
        %max3A_852 = arith.constant 0.000000e+00 : f32
        %max3A_853 = vector.broadcast %max3A_852 : f32 to vector<16xf32>
        %max3A_854 = arith.maximumf %add3A_851, %max3A_853 : vector<16xf32>
        %swap3A_855 = arith.index_cast %scan3A_795 : i32 to index
        %swap3A_856 = arith.constant 64 : index
        %swap3A_857 = tpu.vector_load %arg10[%swap3A_855, %swap3A_856] {strides = array<i32>} : memref<120x128xf32, #tpu.memory_space<vmem>>, vector<16xf32>,
        tpu.vector_store %arg10[%swap3A_855, %swap3A_856], %max3A_854 {strides = array<i32>} : memref<120x128xf32, #tpu.memory_space<vmem>>, vector<16xf32>,
        %get3A_858 = arith.index_cast %scan3A_795 : i32 to index
        %get3A_859 = arith.constant 80 : index
        %get3A_860 = tpu.vector_load %arg10[%get3A_858, %get3A_859] {strides = array<i32>} : memref<120x128xf32, #tpu.memory_space<vmem>>, vector<16xf32>,
        %mul3A_861 = arith.mulf %gather3A, %get3A_53 : vector<16xf32>
        %add3A_862 = arith.addf %get3A_860, %mul3A_861 : vector<16xf32>
        %add3A_863 = arith.addf %add3A_862, %get3A_85 : vector<16xf32>
        %max3A_864 = arith.constant 0.000000e+00 : f32
        %max3A_865 = vector.broadcast %max3A_864 : f32 to vector<16xf32>
        %max3A_866 = arith.maximumf %add3A_863, %max3A_865 : vector<16xf32>
        %swap3A_867 = arith.index_cast %scan3A_795 : i32 to index
        %swap3A_868 = arith.constant 80 : index
        %swap3A_869 = tpu.vector_load %arg10[%swap3A_867, %swap3A_868] {strides = array<i32>} : memref<120x128xf32, #tpu.memory_space<vmem>>, vector<16xf32>,
        tpu.vector_store %arg10[%swap3A_867, %swap3A_868], %max3A_866 {strides = array<i32>} : memref<120x128xf32, #tpu.memory_space<vmem>>, vector<16xf32>,
        %get3A_870 = arith.index_cast %scan3A_795 : i32 to index
        %get3A_871 = arith.constant 96 : index
        %get3A_872 = tpu.vector_load %arg10[%get3A_870, %get3A_871] {strides = array<i32>} : memref<120x128xf32, #tpu.memory_space<vmem>>, vector<16xf32>,
        %mul3A_873 = arith.mulf %gather3A, %get3A_57 : vector<16xf32>
        %add3A_874 = arith.addf %get3A_872, %mul3A_873 : vector<16xf32>
        %add3A_875 = arith.addf %add3A_874, %get3A_89 : vector<16xf32>
        %max3A_876 = arith.constant 0.000000e+00 : f32
        %max3A_877 = vector.broadcast %max3A_876 : f32 to vector<16xf32>
        %max3A_878 = arith.maximumf %add3A_875, %max3A_877 : vector<16xf32>
        %swap3A_879 = arith.index_cast %scan3A_795 : i32 to index
        %swap3A_880 = arith.constant 96 : index
        %swap3A_881 = tpu.vector_load %arg10[%swap3A_879, %swap3A_880] {strides = array<i32>} : memref<120x128xf32, #tpu.memory_space<vmem>>, vector<16xf32>,
        tpu.vector_store %arg10[%swap3A_879, %swap3A_880], %max3A_878 {strides = array<i32>} : memref<120x128xf32, #tpu.memory_space<vmem>>, vector<16xf32>,
        %get3A_882 = arith.index_cast %scan3A_795 : i32 to index
        %get3A_883 = arith.constant 112 : index
        %get3A_884 = tpu.vector_load %arg10[%get3A_882, %get3A_883] {strides = array<i32>} : memref<120x128xf32, #tpu.memory_space<vmem>>, vector<16xf32>,
        %mul3A_885 = arith.mulf %gather3A, %get3A_61 : vector<16xf32>
        %add3A_886 = arith.addf %get3A_884, %mul3A_885 : vector<16xf32>
        %add3A_887 = arith.addf %add3A_886, %get3A_93 : vector<16xf32>
        %max3A_888 = arith.constant 0.000000e+00 : f32
        %max3A_889 = vector.broadcast %max3A_888 : f32 to vector<16xf32>
        %max3A_890 = arith.maximumf %add3A_887, %max3A_889 : vector<16xf32>
        %swap3A_891 = arith.index_cast %scan3A_795 : i32 to index
        %swap3A_892 = arith.constant 112 : index
        %swap3A_893 = tpu.vector_load %arg10[%swap3A_891, %swap3A_892] {strides = array<i32>} : memref<120x128xf32, #tpu.memory_space<vmem>>, vector<16xf32>,
        tpu.vector_store %arg10[%swap3A_891, %swap3A_892], %max3A_890 {strides = array<i32>} : memref<120x128xf32, #tpu.memory_space<vmem>>, vector<16xf32>,
        %scan3A_894 = arith.constant 0 : i32
        scf.yield %scan3A_894 : i32
      }
      %scan3A_443 = arith.constant 120 : i32
      %dma_start3A_444 = arith.constant 1 : i32
      %dma_start3A_445 = arith.constant 0 : i32
      %dma_start3A_446 = tpu.memref_slice %arg7[%dma_start3A_444, %dma_start3A_445] : memref<8x120xi32, #tpu.memory_space<vmem>> -> memref<1x120xi32, #tpu.memory_space<vmem>>
      %dma_start3A_447 = tpu.memref_squeeze %dma_start3A_446 : memref<1x120xi32, #tpu.memory_space<vmem>> -> memref<120xi32, #tpu.memory_space<vmem>>
      %dma_start3A_448 = arith.constant 0 : i32
      %dma_start3A_449 = arith.constant 0 : i32
      %dma_start3A_450 = tpu.memref_slice %arg23[%dma_start3A_448, %dma_start3A_449] : memref<10112x128xf32, #tpu.memory_space<vmem_shared>> -> memref<10112x128xf32, #tpu.memory_space<vmem_shared>>
      tpu.enqueue_indirect_dma source(%arg10 : memref<120x128xf32, #tpu.memory_space<vmem>>) target(%dma_start3A_450 : memref<10112x128xf32, #tpu.memory_space<vmem_shared>>) offsets(%dma_start3A_447 : memref<120xi32, #tpu.memory_space<vmem>>) semaphore(%arg17 : memref<!tpu.dma_semaphore, #tpu.memory_space<semaphore_mem>>) {add = true}
      %mul3A_451 = arith.constant 12 : i32
      %mul3A_452 = arith.muli %scan3A_206, %mul3A_451 : i32
      %add3A_453 = arith.constant 5 : i32
      %add3A_454 = arith.addi %mul3A_452, %add3A_453 : i32
      %ge3A_455 = arith.constant 2 : i32
      %ge3A_456 = arith.cmpi sge, %add3A_454, %ge3A_455 : i32
      %add3A_457 = arith.constant 1 : i32
      %add3A_458 = arith.addi %add3A_454, %add3A_457 : i32
      %lt3A_459 = arith.constant 84 : i32
      %lt3A_460 = arith.cmpi slt, %add3A_458, %lt3A_459 : i32
      %and3A_461 = arith.andi %ge3A_456, %lt3A_460 : i1
      %convert_element_type3A_462 = arith.extui %and3A_461 : i1 to i32
      %cond3A_463 = arith.constant 0 : i32
      %cond3A_464 = arith.cmpi ne, %convert_element_type3A_462, %cond3A_463 : i32
      scf.if %cond3A_464 {
        %dma_wait3A_795 = arith.constant 7 : i32
        %dma_wait3A_796 = arith.constant 0 : i32
        %dma_wait3A_797 = tpu.memref_slice %arg7[%dma_wait3A_795, %dma_wait3A_796] : memref<8x120xi32, #tpu.memory_space<vmem>> -> memref<1x120xi32, #tpu.memory_space<vmem>>
        %dma_wait3A_798 = tpu.memref_squeeze %dma_wait3A_797 : memref<1x120xi32, #tpu.memory_space<vmem>> -> memref<120xi32, #tpu.memory_space<vmem>>
        %dma_wait3A_799 = arith.constant 0 : i32
        %dma_wait3A_800 = arith.constant 0 : i32
        %dma_wait3A_801 = tpu.memref_slice %arg23[%dma_wait3A_799, %dma_wait3A_800] : memref<10112x128xf32, #tpu.memory_space<vmem_shared>> -> memref<10112x128xf32, #tpu.memory_space<vmem_shared>>
        tpu.wait_indirect_dma semaphore(%arg16 : memref<!tpu.dma_semaphore, #tpu.memory_space<semaphore_mem>>) src(%arg9 : memref<120x128xf32, #tpu.memory_space<vmem>>) dst(%dma_wait3A_801 : memref<10112x128xf32, #tpu.memory_space<vmem_shared>>)
      } else {
      }
      %add3A_465 = arith.constant 1 : i32
      %add3A_466 = arith.addi %add3A_454, %add3A_465 : i32
      %lt3A_467 = arith.constant 84 : i32
      %lt3A_468 = arith.cmpi slt, %add3A_466, %lt3A_467 : i32
      %convert_element_type3A_469 = arith.extui %lt3A_468 : i1 to i32
      %cond3A_470 = arith.constant 0 : i32
      %cond3A_471 = arith.cmpi ne, %convert_element_type3A_469, %cond3A_470 : i32
      scf.if %cond3A_471 {
        %add3A_795 = arith.constant 1 : i32
        %add3A_796 = arith.addi %add3A_454, %add3A_795 : i32
        %mul3A_797 = arith.constant 84 : i32
        %mul3A_798 = arith.muli %add3A, %mul3A_797 : i32
        %add3A_799 = arith.addi %mul3A_798, %add3A_796 : i32
        %mul3A_800 = arith.constant 2 : i32
        %mul3A_801 = arith.muli %mul3A_800, %add3A_799 : i32
        %mul3A_802 = arith.constant 120 : i32
        %mul3A_803 = arith.muli %add3A_799, %mul3A_802 : i32
        %dma_wait3A_804 = arith.constant 4 : i32
        %dma_wait3A_805 = arith.constant 0 : i32
        %dma_wait3A_806 = tpu.memref_slice %arg7[%dma_wait3A_804, %dma_wait3A_805] : memref<8x120xi32, #tpu.memory_space<vmem>> -> memref<2x120xi32, #tpu.memory_space<vmem>>
        %dma_wait3A_807 = arith.constant 0 : i32
        %dma_wait3A_808 = tpu.memref_slice %arg3[%mul3A_801, %dma_wait3A_807] : memref<5376x120xi32, #tpu.memory_space<hbm>> -> memref<2x120xi32, #tpu.memory_space<hbm>>
        %dma_wait3A_809 = arith.constant 4 : i32
        %dma_wait3A_810 = arith.constant 0 : i32
        %dma_wait3A_811 = tpu.memref_slice %arg7[%dma_wait3A_809, %dma_wait3A_810] : memref<8x120xi32, #tpu.memory_space<vmem>> -> memref<2x120xi32, #tpu.memory_space<vmem>>
        %dma_wait3A_812 = arith.constant 0 : i32
        %dma_wait3A_813 = tpu.memref_slice %arg3[%mul3A_801, %dma_wait3A_812] : memref<5376x120xi32, #tpu.memory_space<hbm>> -> memref<2x120xi32, #tpu.memory_space<hbm>>
        tpu.wait_dma2 semaphore(%arg21 : memref<!tpu.dma_semaphore, #tpu.memory_space<semaphore_mem>>) src(%dma_wait3A_813 : memref<2x120xi32, #tpu.memory_space<hbm>>) dst(%dma_wait3A_811 : memref<2x120xi32, #tpu.memory_space<vmem>>)
        %dma_wait3A_814 = arith.constant 240 : i32
        %dma_wait3A_815 = tpu.memref_slice %arg8[%dma_wait3A_814] : memref<480xf32, #tpu.memory_space<vmem>> -> memref<120xf32, #tpu.memory_space<vmem>>
        %dma_wait3A_816 = tpu.memref_slice %arg4[%mul3A_803] : memref<322560xf32, #tpu.memory_space<hbm>> -> memref<120xf32, #tpu.memory_space<hbm>>
        %dma_wait3A_817 = arith.constant 240 : i32
        %dma_wait3A_818 = tpu.memref_slice %arg8[%dma_wait3A_817] : memref<480xf32, #tpu.memory_space<vmem>> -> memref<120xf32, #tpu.memory_space<vmem>>
        %dma_wait3A_819 = tpu.memref_slice %arg4[%mul3A_803] : memref<322560xf32, #tpu.memory_space<hbm>> -> memref<120xf32, #tpu.memory_space<hbm>>
        tpu.wait_dma2 semaphore(%arg21 : memref<!tpu.dma_semaphore, #tpu.memory_space<semaphore_mem>>) src(%dma_wait3A_819 : memref<120xf32, #tpu.memory_space<hbm>>) dst(%dma_wait3A_818 : memref<120xf32, #tpu.memory_space<vmem>>)
        %dma_start3A_820 = arith.constant 4 : i32
        %dma_start3A_821 = arith.constant 0 : i32
        %dma_start3A_822 = tpu.memref_slice %arg7[%dma_start3A_820, %dma_start3A_821] : memref<8x120xi32, #tpu.memory_space<vmem>> -> memref<1x120xi32, #tpu.memory_space<vmem>>
        %dma_start3A_823 = tpu.memref_squeeze %dma_start3A_822 : memref<1x120xi32, #tpu.memory_space<vmem>> -> memref<120xi32, #tpu.memory_space<vmem>>
        %dma_start3A_824 = arith.constant 0 : i32
        %dma_start3A_825 = arith.constant 0 : i32
        %dma_start3A_826 = tpu.memref_slice %arg2[%dma_start3A_824, %dma_start3A_825] : memref<10000x128xf32, #tpu.memory_space<hbm>> -> memref<10000x128xf32, #tpu.memory_space<hbm>>
        tpu.enqueue_indirect_dma source(%dma_start3A_826 : memref<10000x128xf32, #tpu.memory_space<hbm>>) target(%arg9 : memref<120x128xf32, #tpu.memory_space<vmem>>) offsets(%dma_start3A_823 : memref<120xi32, #tpu.memory_space<vmem>>) semaphore(%arg13 : memref<!tpu.dma_semaphore, #tpu.memory_space<semaphore_mem>>)
      } else {
      }
      %dma_wait3A_472 = arith.constant 2 : i32
      %dma_wait3A_473 = arith.constant 0 : i32
      %dma_wait3A_474 = tpu.memref_slice %arg7[%dma_wait3A_472, %dma_wait3A_473] : memref<8x120xi32, #tpu.memory_space<vmem>> -> memref<1x120xi32, #tpu.memory_space<vmem>>
      %dma_wait3A_475 = tpu.memref_squeeze %dma_wait3A_474 : memref<1x120xi32, #tpu.memory_space<vmem>> -> memref<120xi32, #tpu.memory_space<vmem>>
      %dma_wait3A_476 = arith.constant 0 : i32
      %dma_wait3A_477 = arith.constant 0 : i32
      %dma_wait3A_478 = tpu.memref_slice %arg2[%dma_wait3A_476, %dma_wait3A_477] : memref<10000x128xf32, #tpu.memory_space<hbm>> -> memref<10000x128xf32, #tpu.memory_space<hbm>>
      tpu.wait_indirect_dma semaphore(%arg15 : memref<!tpu.dma_semaphore, #tpu.memory_space<semaphore_mem>>) src(%dma_wait3A_478 : memref<10000x128xf32, #tpu.memory_space<hbm>>) dst(%arg11 : memref<120x128xf32, #tpu.memory_space<vmem>>)
      %add3A_479 = arith.constant 2 : i32
      %add3A_480 = arith.addi %add3A_454, %add3A_479 : i32
      %lt3A_481 = arith.constant 84 : i32
      %lt3A_482 = arith.cmpi slt, %add3A_480, %lt3A_481 : i32
      %convert_element_type3A_483 = arith.extui %lt3A_482 : i1 to i32
      %cond3A_484 = arith.constant 0 : i32
      %cond3A_485 = arith.cmpi ne, %convert_element_type3A_483, %cond3A_484 : i32
      scf.if %cond3A_485 {
        %add3A_795 = arith.constant 2 : i32
        %add3A_796 = arith.addi %add3A_454, %add3A_795 : i32
        %mul3A_797 = arith.constant 84 : i32
        %mul3A_798 = arith.muli %add3A, %mul3A_797 : i32
        %add3A_799 = arith.addi %mul3A_798, %add3A_796 : i32
        %mul3A_800 = arith.constant 2 : i32
        %mul3A_801 = arith.muli %mul3A_800, %add3A_799 : i32
        %mul3A_802 = arith.constant 120 : i32
        %mul3A_803 = arith.muli %add3A_799, %mul3A_802 : i32
        %dma_start3A_804 = arith.constant 6 : i32
        %dma_start3A_805 = arith.constant 0 : i32
        %dma_start3A_806 = tpu.memref_slice %arg7[%dma_start3A_804, %dma_start3A_805] : memref<8x120xi32, #tpu.memory_space<vmem>> -> memref<2x120xi32, #tpu.memory_space<vmem>>
        %dma_start3A_807 = arith.constant 0 : i32
        %dma_start3A_808 = tpu.memref_slice %arg3[%mul3A_801, %dma_start3A_807] : memref<5376x120xi32, #tpu.memory_space<hbm>> -> memref<2x120xi32, #tpu.memory_space<hbm>>
        %dma_start3A_809 = arith.constant 6 : i32
        %dma_start3A_810 = arith.constant 0 : i32
        %dma_start3A_811 = tpu.memref_slice %arg7[%dma_start3A_809, %dma_start3A_810] : memref<8x120xi32, #tpu.memory_space<vmem>> -> memref<2x120xi32, #tpu.memory_space<vmem>>
        %dma_start3A_812 = arith.constant 0 : i32
        %dma_start3A_813 = tpu.memref_slice %arg3[%mul3A_801, %dma_start3A_812] : memref<5376x120xi32, #tpu.memory_space<hbm>> -> memref<2x120xi32, #tpu.memory_space<hbm>>
        tpu.enqueue_dma source(%dma_start3A_813 : memref<2x120xi32, #tpu.memory_space<hbm>>) target(%dma_start3A_811 : memref<2x120xi32, #tpu.memory_space<vmem>>) target_semaphore(%arg22 : memref<!tpu.dma_semaphore, #tpu.memory_space<semaphore_mem>>)
        %dma_start3A_814 = arith.constant 360 : i32
        %dma_start3A_815 = tpu.memref_slice %arg8[%dma_start3A_814] : memref<480xf32, #tpu.memory_space<vmem>> -> memref<120xf32, #tpu.memory_space<vmem>>
        %dma_start3A_816 = tpu.memref_slice %arg4[%mul3A_803] : memref<322560xf32, #tpu.memory_space<hbm>> -> memref<120xf32, #tpu.memory_space<hbm>>
        %dma_start3A_817 = arith.constant 360 : i32
        %dma_start3A_818 = tpu.memref_slice %arg8[%dma_start3A_817] : memref<480xf32, #tpu.memory_space<vmem>> -> memref<120xf32, #tpu.memory_space<vmem>>
        %dma_start3A_819 = tpu.memref_slice %arg4[%mul3A_803] : memref<322560xf32, #tpu.memory_space<hbm>> -> memref<120xf32, #tpu.memory_space<hbm>>
        tpu.enqueue_dma source(%dma_start3A_819 : memref<120xf32, #tpu.memory_space<hbm>>) target(%dma_start3A_818 : memref<120xf32, #tpu.memory_space<vmem>>) target_semaphore(%arg22 : memref<!tpu.dma_semaphore, #tpu.memory_space<semaphore_mem>>)
      } else {
      }
      %scan3A_486 = arith.constant 0 : i32
      %scan3A_487 = arith.constant 0 : i32
      %scan3A_488 = arith.constant 120 : i32
      %scan3A_489 = arith.addi %scan3A_487, %scan3A_488 : i32
      %scan3A_490 = arith.constant 1 : i32
      %scan3A_491 = scf.for %scan3A_795 = %scan3A_487 to %scan3A_489 step %scan3A_490 iter_args(%scan3A_796 = %scan3A_486) -> (i32)  : i32 {
        %broadcast_in_dim3A = arith.constant 120 : i32
        %broadcast_in_dim3A_797 = vector.broadcast %broadcast_in_dim3A : i32 to vector<16xi32>
        %add3A_798 = vector.broadcast %scan3A_795 : i32 to vector<16xi32>
        %add3A_799 = arith.addi %broadcast_in_dim3A_797, %add3A_798 : vector<16xi32>
        %gather3A = tpu.vector_load_idx %arg8[%add3A_799] : memref<480xf32, #tpu.memory_space<vmem>>[vector<16xi32>], vector<16xf32>,
        %get3A_800 = arith.index_cast %scan3A_795 : i32 to index
        %get3A_801 = arith.constant 0 : index
        %get3A_802 = tpu.vector_load %arg11[%get3A_800, %get3A_801] {strides = array<i32>} : memref<120x128xf32, #tpu.memory_space<vmem>>, vector<16xf32>,
        %mul3A_803 = arith.mulf %gather3A, %get3A_33 : vector<16xf32>
        %add3A_804 = arith.addf %get3A_802, %mul3A_803 : vector<16xf32>
        %add3A_805 = arith.addf %add3A_804, %get3A_65 : vector<16xf32>
        %max3A = arith.constant 0.000000e+00 : f32
        %max3A_806 = vector.broadcast %max3A : f32 to vector<16xf32>
        %max3A_807 = arith.maximumf %add3A_805, %max3A_806 : vector<16xf32>
        %swap3A = arith.index_cast %scan3A_795 : i32 to index
        %swap3A_808 = arith.constant 0 : index
        %swap3A_809 = tpu.vector_load %arg11[%swap3A, %swap3A_808] {strides = array<i32>} : memref<120x128xf32, #tpu.memory_space<vmem>>, vector<16xf32>,
        tpu.vector_store %arg11[%swap3A, %swap3A_808], %max3A_807 {strides = array<i32>} : memref<120x128xf32, #tpu.memory_space<vmem>>, vector<16xf32>,
        %get3A_810 = arith.index_cast %scan3A_795 : i32 to index
        %get3A_811 = arith.constant 16 : index
        %get3A_812 = tpu.vector_load %arg11[%get3A_810, %get3A_811] {strides = array<i32>} : memref<120x128xf32, #tpu.memory_space<vmem>>, vector<16xf32>,
        %mul3A_813 = arith.mulf %gather3A, %get3A_37 : vector<16xf32>
        %add3A_814 = arith.addf %get3A_812, %mul3A_813 : vector<16xf32>
        %add3A_815 = arith.addf %add3A_814, %get3A_69 : vector<16xf32>
        %max3A_816 = arith.constant 0.000000e+00 : f32
        %max3A_817 = vector.broadcast %max3A_816 : f32 to vector<16xf32>
        %max3A_818 = arith.maximumf %add3A_815, %max3A_817 : vector<16xf32>
        %swap3A_819 = arith.index_cast %scan3A_795 : i32 to index
        %swap3A_820 = arith.constant 16 : index
        %swap3A_821 = tpu.vector_load %arg11[%swap3A_819, %swap3A_820] {strides = array<i32>} : memref<120x128xf32, #tpu.memory_space<vmem>>, vector<16xf32>,
        tpu.vector_store %arg11[%swap3A_819, %swap3A_820], %max3A_818 {strides = array<i32>} : memref<120x128xf32, #tpu.memory_space<vmem>>, vector<16xf32>,
        %get3A_822 = arith.index_cast %scan3A_795 : i32 to index
        %get3A_823 = arith.constant 32 : index
        %get3A_824 = tpu.vector_load %arg11[%get3A_822, %get3A_823] {strides = array<i32>} : memref<120x128xf32, #tpu.memory_space<vmem>>, vector<16xf32>,
        %mul3A_825 = arith.mulf %gather3A, %get3A_41 : vector<16xf32>
        %add3A_826 = arith.addf %get3A_824, %mul3A_825 : vector<16xf32>
        %add3A_827 = arith.addf %add3A_826, %get3A_73 : vector<16xf32>
        %max3A_828 = arith.constant 0.000000e+00 : f32
        %max3A_829 = vector.broadcast %max3A_828 : f32 to vector<16xf32>
        %max3A_830 = arith.maximumf %add3A_827, %max3A_829 : vector<16xf32>
        %swap3A_831 = arith.index_cast %scan3A_795 : i32 to index
        %swap3A_832 = arith.constant 32 : index
        %swap3A_833 = tpu.vector_load %arg11[%swap3A_831, %swap3A_832] {strides = array<i32>} : memref<120x128xf32, #tpu.memory_space<vmem>>, vector<16xf32>,
        tpu.vector_store %arg11[%swap3A_831, %swap3A_832], %max3A_830 {strides = array<i32>} : memref<120x128xf32, #tpu.memory_space<vmem>>, vector<16xf32>,
        %get3A_834 = arith.index_cast %scan3A_795 : i32 to index
        %get3A_835 = arith.constant 48 : index
        %get3A_836 = tpu.vector_load %arg11[%get3A_834, %get3A_835] {strides = array<i32>} : memref<120x128xf32, #tpu.memory_space<vmem>>, vector<16xf32>,
        %mul3A_837 = arith.mulf %gather3A, %get3A_45 : vector<16xf32>
        %add3A_838 = arith.addf %get3A_836, %mul3A_837 : vector<16xf32>
        %add3A_839 = arith.addf %add3A_838, %get3A_77 : vector<16xf32>
        %max3A_840 = arith.constant 0.000000e+00 : f32
        %max3A_841 = vector.broadcast %max3A_840 : f32 to vector<16xf32>
        %max3A_842 = arith.maximumf %add3A_839, %max3A_841 : vector<16xf32>
        %swap3A_843 = arith.index_cast %scan3A_795 : i32 to index
        %swap3A_844 = arith.constant 48 : index
        %swap3A_845 = tpu.vector_load %arg11[%swap3A_843, %swap3A_844] {strides = array<i32>} : memref<120x128xf32, #tpu.memory_space<vmem>>, vector<16xf32>,
        tpu.vector_store %arg11[%swap3A_843, %swap3A_844], %max3A_842 {strides = array<i32>} : memref<120x128xf32, #tpu.memory_space<vmem>>, vector<16xf32>,
        %get3A_846 = arith.index_cast %scan3A_795 : i32 to index
        %get3A_847 = arith.constant 64 : index
        %get3A_848 = tpu.vector_load %arg11[%get3A_846, %get3A_847] {strides = array<i32>} : memref<120x128xf32, #tpu.memory_space<vmem>>, vector<16xf32>,
        %mul3A_849 = arith.mulf %gather3A, %get3A_49 : vector<16xf32>
        %add3A_850 = arith.addf %get3A_848, %mul3A_849 : vector<16xf32>
        %add3A_851 = arith.addf %add3A_850, %get3A_81 : vector<16xf32>
        %max3A_852 = arith.constant 0.000000e+00 : f32
        %max3A_853 = vector.broadcast %max3A_852 : f32 to vector<16xf32>
        %max3A_854 = arith.maximumf %add3A_851, %max3A_853 : vector<16xf32>
        %swap3A_855 = arith.index_cast %scan3A_795 : i32 to index
        %swap3A_856 = arith.constant 64 : index
        %swap3A_857 = tpu.vector_load %arg11[%swap3A_855, %swap3A_856] {strides = array<i32>} : memref<120x128xf32, #tpu.memory_space<vmem>>, vector<16xf32>,
        tpu.vector_store %arg11[%swap3A_855, %swap3A_856], %max3A_854 {strides = array<i32>} : memref<120x128xf32, #tpu.memory_space<vmem>>, vector<16xf32>,
        %get3A_858 = arith.index_cast %scan3A_795 : i32 to index
        %get3A_859 = arith.constant 80 : index
        %get3A_860 = tpu.vector_load %arg11[%get3A_858, %get3A_859] {strides = array<i32>} : memref<120x128xf32, #tpu.memory_space<vmem>>, vector<16xf32>,
        %mul3A_861 = arith.mulf %gather3A, %get3A_53 : vector<16xf32>
        %add3A_862 = arith.addf %get3A_860, %mul3A_861 : vector<16xf32>
        %add3A_863 = arith.addf %add3A_862, %get3A_85 : vector<16xf32>
        %max3A_864 = arith.constant 0.000000e+00 : f32
        %max3A_865 = vector.broadcast %max3A_864 : f32 to vector<16xf32>
        %max3A_866 = arith.maximumf %add3A_863, %max3A_865 : vector<16xf32>
        %swap3A_867 = arith.index_cast %scan3A_795 : i32 to index
        %swap3A_868 = arith.constant 80 : index
        %swap3A_869 = tpu.vector_load %arg11[%swap3A_867, %swap3A_868] {strides = array<i32>} : memref<120x128xf32, #tpu.memory_space<vmem>>, vector<16xf32>,
        tpu.vector_store %arg11[%swap3A_867, %swap3A_868], %max3A_866 {strides = array<i32>} : memref<120x128xf32, #tpu.memory_space<vmem>>, vector<16xf32>,
        %get3A_870 = arith.index_cast %scan3A_795 : i32 to index
        %get3A_871 = arith.constant 96 : index
        %get3A_872 = tpu.vector_load %arg11[%get3A_870, %get3A_871] {strides = array<i32>} : memref<120x128xf32, #tpu.memory_space<vmem>>, vector<16xf32>,
        %mul3A_873 = arith.mulf %gather3A, %get3A_57 : vector<16xf32>
        %add3A_874 = arith.addf %get3A_872, %mul3A_873 : vector<16xf32>
        %add3A_875 = arith.addf %add3A_874, %get3A_89 : vector<16xf32>
        %max3A_876 = arith.constant 0.000000e+00 : f32
        %max3A_877 = vector.broadcast %max3A_876 : f32 to vector<16xf32>
        %max3A_878 = arith.maximumf %add3A_875, %max3A_877 : vector<16xf32>
        %swap3A_879 = arith.index_cast %scan3A_795 : i32 to index
        %swap3A_880 = arith.constant 96 : index
        %swap3A_881 = tpu.vector_load %arg11[%swap3A_879, %swap3A_880] {strides = array<i32>} : memref<120x128xf32, #tpu.memory_space<vmem>>, vector<16xf32>,
        tpu.vector_store %arg11[%swap3A_879, %swap3A_880], %max3A_878 {strides = array<i32>} : memref<120x128xf32, #tpu.memory_space<vmem>>, vector<16xf32>,
        %get3A_882 = arith.index_cast %scan3A_795 : i32 to index
        %get3A_883 = arith.constant 112 : index
        %get3A_884 = tpu.vector_load %arg11[%get3A_882, %get3A_883] {strides = array<i32>} : memref<120x128xf32, #tpu.memory_space<vmem>>, vector<16xf32>,
        %mul3A_885 = arith.mulf %gather3A, %get3A_61 : vector<16xf32>
        %add3A_886 = arith.addf %get3A_884, %mul3A_885 : vector<16xf32>
        %add3A_887 = arith.addf %add3A_886, %get3A_93 : vector<16xf32>
        %max3A_888 = arith.constant 0.000000e+00 : f32
        %max3A_889 = vector.broadcast %max3A_888 : f32 to vector<16xf32>
        %max3A_890 = arith.maximumf %add3A_887, %max3A_889 : vector<16xf32>
        %swap3A_891 = arith.index_cast %scan3A_795 : i32 to index
        %swap3A_892 = arith.constant 112 : index
        %swap3A_893 = tpu.vector_load %arg11[%swap3A_891, %swap3A_892] {strides = array<i32>} : memref<120x128xf32, #tpu.memory_space<vmem>>, vector<16xf32>,
        tpu.vector_store %arg11[%swap3A_891, %swap3A_892], %max3A_890 {strides = array<i32>} : memref<120x128xf32, #tpu.memory_space<vmem>>, vector<16xf32>,
        %scan3A_894 = arith.constant 0 : i32
        scf.yield %scan3A_894 : i32
      }
      %scan3A_492 = arith.constant 120 : i32
      %dma_start3A_493 = arith.constant 3 : i32
      %dma_start3A_494 = arith.constant 0 : i32
      %dma_start3A_495 = tpu.memref_slice %arg7[%dma_start3A_493, %dma_start3A_494] : memref<8x120xi32, #tpu.memory_space<vmem>> -> memref<1x120xi32, #tpu.memory_space<vmem>>
      %dma_start3A_496 = tpu.memref_squeeze %dma_start3A_495 : memref<1x120xi32, #tpu.memory_space<vmem>> -> memref<120xi32, #tpu.memory_space<vmem>>
      %dma_start3A_497 = arith.constant 0 : i32
      %dma_start3A_498 = arith.constant 0 : i32
      %dma_start3A_499 = tpu.memref_slice %arg23[%dma_start3A_497, %dma_start3A_498] : memref<10112x128xf32, #tpu.memory_space<vmem_shared>> -> memref<10112x128xf32, #tpu.memory_space<vmem_shared>>
      tpu.enqueue_indirect_dma source(%arg11 : memref<120x128xf32, #tpu.memory_space<vmem>>) target(%dma_start3A_499 : memref<10112x128xf32, #tpu.memory_space<vmem_shared>>) offsets(%dma_start3A_496 : memref<120xi32, #tpu.memory_space<vmem>>) semaphore(%arg18 : memref<!tpu.dma_semaphore, #tpu.memory_space<semaphore_mem>>) {add = true}
      %mul3A_500 = arith.constant 12 : i32
      %mul3A_501 = arith.muli %scan3A_206, %mul3A_500 : i32
      %add3A_502 = arith.constant 6 : i32
      %add3A_503 = arith.addi %mul3A_501, %add3A_502 : i32
      %ge3A_504 = arith.constant 2 : i32
      %ge3A_505 = arith.cmpi sge, %add3A_503, %ge3A_504 : i32
      %add3A_506 = arith.constant 1 : i32
      %add3A_507 = arith.addi %add3A_503, %add3A_506 : i32
      %lt3A_508 = arith.constant 84 : i32
      %lt3A_509 = arith.cmpi slt, %add3A_507, %lt3A_508 : i32
      %and3A_510 = arith.andi %ge3A_505, %lt3A_509 : i1
      %convert_element_type3A_511 = arith.extui %and3A_510 : i1 to i32
      %cond3A_512 = arith.constant 0 : i32
      %cond3A_513 = arith.cmpi ne, %convert_element_type3A_511, %cond3A_512 : i32
      scf.if %cond3A_513 {
        %dma_wait3A_795 = arith.constant 1 : i32
        %dma_wait3A_796 = arith.constant 0 : i32
        %dma_wait3A_797 = tpu.memref_slice %arg7[%dma_wait3A_795, %dma_wait3A_796] : memref<8x120xi32, #tpu.memory_space<vmem>> -> memref<1x120xi32, #tpu.memory_space<vmem>>
        %dma_wait3A_798 = tpu.memref_squeeze %dma_wait3A_797 : memref<1x120xi32, #tpu.memory_space<vmem>> -> memref<120xi32, #tpu.memory_space<vmem>>
        %dma_wait3A_799 = arith.constant 0 : i32
        %dma_wait3A_800 = arith.constant 0 : i32
        %dma_wait3A_801 = tpu.memref_slice %arg23[%dma_wait3A_799, %dma_wait3A_800] : memref<10112x128xf32, #tpu.memory_space<vmem_shared>> -> memref<10112x128xf32, #tpu.memory_space<vmem_shared>>
        tpu.wait_indirect_dma semaphore(%arg17 : memref<!tpu.dma_semaphore, #tpu.memory_space<semaphore_mem>>) src(%arg10 : memref<120x128xf32, #tpu.memory_space<vmem>>) dst(%dma_wait3A_801 : memref<10112x128xf32, #tpu.memory_space<vmem_shared>>)
      } else {
      }
      %add3A_514 = arith.constant 1 : i32
      %add3A_515 = arith.addi %add3A_503, %add3A_514 : i32
      %lt3A_516 = arith.constant 84 : i32
      %lt3A_517 = arith.cmpi slt, %add3A_515, %lt3A_516 : i32
      %convert_element_type3A_518 = arith.extui %lt3A_517 : i1 to i32
      %cond3A_519 = arith.constant 0 : i32
      %cond3A_520 = arith.cmpi ne, %convert_element_type3A_518, %cond3A_519 : i32
      scf.if %cond3A_520 {
        %add3A_795 = arith.constant 1 : i32
        %add3A_796 = arith.addi %add3A_503, %add3A_795 : i32
        %mul3A_797 = arith.constant 84 : i32
        %mul3A_798 = arith.muli %add3A, %mul3A_797 : i32
        %add3A_799 = arith.addi %mul3A_798, %add3A_796 : i32
        %mul3A_800 = arith.constant 2 : i32
        %mul3A_801 = arith.muli %mul3A_800, %add3A_799 : i32
        %mul3A_802 = arith.constant 120 : i32
        %mul3A_803 = arith.muli %add3A_799, %mul3A_802 : i32
        %dma_wait3A_804 = arith.constant 6 : i32
        %dma_wait3A_805 = arith.constant 0 : i32
        %dma_wait3A_806 = tpu.memref_slice %arg7[%dma_wait3A_804, %dma_wait3A_805] : memref<8x120xi32, #tpu.memory_space<vmem>> -> memref<2x120xi32, #tpu.memory_space<vmem>>
        %dma_wait3A_807 = arith.constant 0 : i32
        %dma_wait3A_808 = tpu.memref_slice %arg3[%mul3A_801, %dma_wait3A_807] : memref<5376x120xi32, #tpu.memory_space<hbm>> -> memref<2x120xi32, #tpu.memory_space<hbm>>
        %dma_wait3A_809 = arith.constant 6 : i32
        %dma_wait3A_810 = arith.constant 0 : i32
        %dma_wait3A_811 = tpu.memref_slice %arg7[%dma_wait3A_809, %dma_wait3A_810] : memref<8x120xi32, #tpu.memory_space<vmem>> -> memref<2x120xi32, #tpu.memory_space<vmem>>
        %dma_wait3A_812 = arith.constant 0 : i32
        %dma_wait3A_813 = tpu.memref_slice %arg3[%mul3A_801, %dma_wait3A_812] : memref<5376x120xi32, #tpu.memory_space<hbm>> -> memref<2x120xi32, #tpu.memory_space<hbm>>
        tpu.wait_dma2 semaphore(%arg22 : memref<!tpu.dma_semaphore, #tpu.memory_space<semaphore_mem>>) src(%dma_wait3A_813 : memref<2x120xi32, #tpu.memory_space<hbm>>) dst(%dma_wait3A_811 : memref<2x120xi32, #tpu.memory_space<vmem>>)
        %dma_wait3A_814 = arith.constant 360 : i32
        %dma_wait3A_815 = tpu.memref_slice %arg8[%dma_wait3A_814] : memref<480xf32, #tpu.memory_space<vmem>> -> memref<120xf32, #tpu.memory_space<vmem>>
        %dma_wait3A_816 = tpu.memref_slice %arg4[%mul3A_803] : memref<322560xf32, #tpu.memory_space<hbm>> -> memref<120xf32, #tpu.memory_space<hbm>>
        %dma_wait3A_817 = arith.constant 360 : i32
        %dma_wait3A_818 = tpu.memref_slice %arg8[%dma_wait3A_817] : memref<480xf32, #tpu.memory_space<vmem>> -> memref<120xf32, #tpu.memory_space<vmem>>
        %dma_wait3A_819 = tpu.memref_slice %arg4[%mul3A_803] : memref<322560xf32, #tpu.memory_space<hbm>> -> memref<120xf32, #tpu.memory_space<hbm>>
        tpu.wait_dma2 semaphore(%arg22 : memref<!tpu.dma_semaphore, #tpu.memory_space<semaphore_mem>>) src(%dma_wait3A_819 : memref<120xf32, #tpu.memory_space<hbm>>) dst(%dma_wait3A_818 : memref<120xf32, #tpu.memory_space<vmem>>)
        %dma_start3A_820 = arith.constant 6 : i32
        %dma_start3A_821 = arith.constant 0 : i32
        %dma_start3A_822 = tpu.memref_slice %arg7[%dma_start3A_820, %dma_start3A_821] : memref<8x120xi32, #tpu.memory_space<vmem>> -> memref<1x120xi32, #tpu.memory_space<vmem>>
        %dma_start3A_823 = tpu.memref_squeeze %dma_start3A_822 : memref<1x120xi32, #tpu.memory_space<vmem>> -> memref<120xi32, #tpu.memory_space<vmem>>
        %dma_start3A_824 = arith.constant 0 : i32
        %dma_start3A_825 = arith.constant 0 : i32
        %dma_start3A_826 = tpu.memref_slice %arg2[%dma_start3A_824, %dma_start3A_825] : memref<10000x128xf32, #tpu.memory_space<hbm>> -> memref<10000x128xf32, #tpu.memory_space<hbm>>
        tpu.enqueue_indirect_dma source(%dma_start3A_826 : memref<10000x128xf32, #tpu.memory_space<hbm>>) target(%arg10 : memref<120x128xf32, #tpu.memory_space<vmem>>) offsets(%dma_start3A_823 : memref<120xi32, #tpu.memory_space<vmem>>) semaphore(%arg14 : memref<!tpu.dma_semaphore, #tpu.memory_space<semaphore_mem>>)
      } else {
      }
      %dma_wait3A_521 = arith.constant 4 : i32
      %dma_wait3A_522 = arith.constant 0 : i32
      %dma_wait3A_523 = tpu.memref_slice %arg7[%dma_wait3A_521, %dma_wait3A_522] : memref<8x120xi32, #tpu.memory_space<vmem>> -> memref<1x120xi32, #tpu.memory_space<vmem>>
      %dma_wait3A_524 = tpu.memref_squeeze %dma_wait3A_523 : memref<1x120xi32, #tpu.memory_space<vmem>> -> memref<120xi32, #tpu.memory_space<vmem>>
      %dma_wait3A_525 = arith.constant 0 : i32
      %dma_wait3A_526 = arith.constant 0 : i32
      %dma_wait3A_527 = tpu.memref_slice %arg2[%dma_wait3A_525, %dma_wait3A_526] : memref<10000x128xf32, #tpu.memory_space<hbm>> -> memref<10000x128xf32, #tpu.memory_space<hbm>>
      tpu.wait_indirect_dma semaphore(%arg13 : memref<!tpu.dma_semaphore, #tpu.memory_space<semaphore_mem>>) src(%dma_wait3A_527 : memref<10000x128xf32, #tpu.memory_space<hbm>>) dst(%arg9 : memref<120x128xf32, #tpu.memory_space<vmem>>)
      %add3A_528 = arith.constant 2 : i32
      %add3A_529 = arith.addi %add3A_503, %add3A_528 : i32
      %lt3A_530 = arith.constant 84 : i32
      %lt3A_531 = arith.cmpi slt, %add3A_529, %lt3A_530 : i32
      %convert_element_type3A_532 = arith.extui %lt3A_531 : i1 to i32
      %cond3A_533 = arith.constant 0 : i32
      %cond3A_534 = arith.cmpi ne, %convert_element_type3A_532, %cond3A_533 : i32
      scf.if %cond3A_534 {
        %add3A_795 = arith.constant 2 : i32
        %add3A_796 = arith.addi %add3A_503, %add3A_795 : i32
        %mul3A_797 = arith.constant 84 : i32
        %mul3A_798 = arith.muli %add3A, %mul3A_797 : i32
        %add3A_799 = arith.addi %mul3A_798, %add3A_796 : i32
        %mul3A_800 = arith.constant 2 : i32
        %mul3A_801 = arith.muli %mul3A_800, %add3A_799 : i32
        %mul3A_802 = arith.constant 120 : i32
        %mul3A_803 = arith.muli %add3A_799, %mul3A_802 : i32
        %dma_start3A_804 = arith.constant 0 : i32
        %dma_start3A_805 = arith.constant 0 : i32
        %dma_start3A_806 = tpu.memref_slice %arg7[%dma_start3A_804, %dma_start3A_805] : memref<8x120xi32, #tpu.memory_space<vmem>> -> memref<2x120xi32, #tpu.memory_space<vmem>>
        %dma_start3A_807 = arith.constant 0 : i32
        %dma_start3A_808 = tpu.memref_slice %arg3[%mul3A_801, %dma_start3A_807] : memref<5376x120xi32, #tpu.memory_space<hbm>> -> memref<2x120xi32, #tpu.memory_space<hbm>>
        %dma_start3A_809 = arith.constant 0 : i32
        %dma_start3A_810 = arith.constant 0 : i32
        %dma_start3A_811 = tpu.memref_slice %arg7[%dma_start3A_809, %dma_start3A_810] : memref<8x120xi32, #tpu.memory_space<vmem>> -> memref<2x120xi32, #tpu.memory_space<vmem>>
        %dma_start3A_812 = arith.constant 0 : i32
        %dma_start3A_813 = tpu.memref_slice %arg3[%mul3A_801, %dma_start3A_812] : memref<5376x120xi32, #tpu.memory_space<hbm>> -> memref<2x120xi32, #tpu.memory_space<hbm>>
        tpu.enqueue_dma source(%dma_start3A_813 : memref<2x120xi32, #tpu.memory_space<hbm>>) target(%dma_start3A_811 : memref<2x120xi32, #tpu.memory_space<vmem>>) target_semaphore(%arg19 : memref<!tpu.dma_semaphore, #tpu.memory_space<semaphore_mem>>)
        %dma_start3A_814 = arith.constant 0 : i32
        %dma_start3A_815 = tpu.memref_slice %arg8[%dma_start3A_814] : memref<480xf32, #tpu.memory_space<vmem>> -> memref<120xf32, #tpu.memory_space<vmem>>
        %dma_start3A_816 = tpu.memref_slice %arg4[%mul3A_803] : memref<322560xf32, #tpu.memory_space<hbm>> -> memref<120xf32, #tpu.memory_space<hbm>>
        %dma_start3A_817 = arith.constant 0 : i32
        %dma_start3A_818 = tpu.memref_slice %arg8[%dma_start3A_817] : memref<480xf32, #tpu.memory_space<vmem>> -> memref<120xf32, #tpu.memory_space<vmem>>
        %dma_start3A_819 = tpu.memref_slice %arg4[%mul3A_803] : memref<322560xf32, #tpu.memory_space<hbm>> -> memref<120xf32, #tpu.memory_space<hbm>>
        tpu.enqueue_dma source(%dma_start3A_819 : memref<120xf32, #tpu.memory_space<hbm>>) target(%dma_start3A_818 : memref<120xf32, #tpu.memory_space<vmem>>) target_semaphore(%arg19 : memref<!tpu.dma_semaphore, #tpu.memory_space<semaphore_mem>>)
      } else {
      }
      %scan3A_535 = arith.constant 0 : i32
      %scan3A_536 = arith.constant 0 : i32
      %scan3A_537 = arith.constant 120 : i32
      %scan3A_538 = arith.addi %scan3A_536, %scan3A_537 : i32
      %scan3A_539 = arith.constant 1 : i32
      %scan3A_540 = scf.for %scan3A_795 = %scan3A_536 to %scan3A_538 step %scan3A_539 iter_args(%scan3A_796 = %scan3A_535) -> (i32)  : i32 {
        %broadcast_in_dim3A = arith.constant 240 : i32
        %broadcast_in_dim3A_797 = vector.broadcast %broadcast_in_dim3A : i32 to vector<16xi32>
        %add3A_798 = vector.broadcast %scan3A_795 : i32 to vector<16xi32>
        %add3A_799 = arith.addi %broadcast_in_dim3A_797, %add3A_798 : vector<16xi32>
        %gather3A = tpu.vector_load_idx %arg8[%add3A_799] : memref<480xf32, #tpu.memory_space<vmem>>[vector<16xi32>], vector<16xf32>,
        %get3A_800 = arith.index_cast %scan3A_795 : i32 to index
        %get3A_801 = arith.constant 0 : index
        %get3A_802 = tpu.vector_load %arg9[%get3A_800, %get3A_801] {strides = array<i32>} : memref<120x128xf32, #tpu.memory_space<vmem>>, vector<16xf32>,
        %mul3A_803 = arith.mulf %gather3A, %get3A_33 : vector<16xf32>
        %add3A_804 = arith.addf %get3A_802, %mul3A_803 : vector<16xf32>
        %add3A_805 = arith.addf %add3A_804, %get3A_65 : vector<16xf32>
        %max3A = arith.constant 0.000000e+00 : f32
        %max3A_806 = vector.broadcast %max3A : f32 to vector<16xf32>
        %max3A_807 = arith.maximumf %add3A_805, %max3A_806 : vector<16xf32>
        %swap3A = arith.index_cast %scan3A_795 : i32 to index
        %swap3A_808 = arith.constant 0 : index
        %swap3A_809 = tpu.vector_load %arg9[%swap3A, %swap3A_808] {strides = array<i32>} : memref<120x128xf32, #tpu.memory_space<vmem>>, vector<16xf32>,
        tpu.vector_store %arg9[%swap3A, %swap3A_808], %max3A_807 {strides = array<i32>} : memref<120x128xf32, #tpu.memory_space<vmem>>, vector<16xf32>,
        %get3A_810 = arith.index_cast %scan3A_795 : i32 to index
        %get3A_811 = arith.constant 16 : index
        %get3A_812 = tpu.vector_load %arg9[%get3A_810, %get3A_811] {strides = array<i32>} : memref<120x128xf32, #tpu.memory_space<vmem>>, vector<16xf32>,
        %mul3A_813 = arith.mulf %gather3A, %get3A_37 : vector<16xf32>
        %add3A_814 = arith.addf %get3A_812, %mul3A_813 : vector<16xf32>
        %add3A_815 = arith.addf %add3A_814, %get3A_69 : vector<16xf32>
        %max3A_816 = arith.constant 0.000000e+00 : f32
        %max3A_817 = vector.broadcast %max3A_816 : f32 to vector<16xf32>
        %max3A_818 = arith.maximumf %add3A_815, %max3A_817 : vector<16xf32>
        %swap3A_819 = arith.index_cast %scan3A_795 : i32 to index
        %swap3A_820 = arith.constant 16 : index
        %swap3A_821 = tpu.vector_load %arg9[%swap3A_819, %swap3A_820] {strides = array<i32>} : memref<120x128xf32, #tpu.memory_space<vmem>>, vector<16xf32>,
        tpu.vector_store %arg9[%swap3A_819, %swap3A_820], %max3A_818 {strides = array<i32>} : memref<120x128xf32, #tpu.memory_space<vmem>>, vector<16xf32>,
        %get3A_822 = arith.index_cast %scan3A_795 : i32 to index
        %get3A_823 = arith.constant 32 : index
        %get3A_824 = tpu.vector_load %arg9[%get3A_822, %get3A_823] {strides = array<i32>} : memref<120x128xf32, #tpu.memory_space<vmem>>, vector<16xf32>,
        %mul3A_825 = arith.mulf %gather3A, %get3A_41 : vector<16xf32>
        %add3A_826 = arith.addf %get3A_824, %mul3A_825 : vector<16xf32>
        %add3A_827 = arith.addf %add3A_826, %get3A_73 : vector<16xf32>
        %max3A_828 = arith.constant 0.000000e+00 : f32
        %max3A_829 = vector.broadcast %max3A_828 : f32 to vector<16xf32>
        %max3A_830 = arith.maximumf %add3A_827, %max3A_829 : vector<16xf32>
        %swap3A_831 = arith.index_cast %scan3A_795 : i32 to index
        %swap3A_832 = arith.constant 32 : index
        %swap3A_833 = tpu.vector_load %arg9[%swap3A_831, %swap3A_832] {strides = array<i32>} : memref<120x128xf32, #tpu.memory_space<vmem>>, vector<16xf32>,
        tpu.vector_store %arg9[%swap3A_831, %swap3A_832], %max3A_830 {strides = array<i32>} : memref<120x128xf32, #tpu.memory_space<vmem>>, vector<16xf32>,
        %get3A_834 = arith.index_cast %scan3A_795 : i32 to index
        %get3A_835 = arith.constant 48 : index
        %get3A_836 = tpu.vector_load %arg9[%get3A_834, %get3A_835] {strides = array<i32>} : memref<120x128xf32, #tpu.memory_space<vmem>>, vector<16xf32>,
        %mul3A_837 = arith.mulf %gather3A, %get3A_45 : vector<16xf32>
        %add3A_838 = arith.addf %get3A_836, %mul3A_837 : vector<16xf32>
        %add3A_839 = arith.addf %add3A_838, %get3A_77 : vector<16xf32>
        %max3A_840 = arith.constant 0.000000e+00 : f32
        %max3A_841 = vector.broadcast %max3A_840 : f32 to vector<16xf32>
        %max3A_842 = arith.maximumf %add3A_839, %max3A_841 : vector<16xf32>
        %swap3A_843 = arith.index_cast %scan3A_795 : i32 to index
        %swap3A_844 = arith.constant 48 : index
        %swap3A_845 = tpu.vector_load %arg9[%swap3A_843, %swap3A_844] {strides = array<i32>} : memref<120x128xf32, #tpu.memory_space<vmem>>, vector<16xf32>,
        tpu.vector_store %arg9[%swap3A_843, %swap3A_844], %max3A_842 {strides = array<i32>} : memref<120x128xf32, #tpu.memory_space<vmem>>, vector<16xf32>,
        %get3A_846 = arith.index_cast %scan3A_795 : i32 to index
        %get3A_847 = arith.constant 64 : index
        %get3A_848 = tpu.vector_load %arg9[%get3A_846, %get3A_847] {strides = array<i32>} : memref<120x128xf32, #tpu.memory_space<vmem>>, vector<16xf32>,
        %mul3A_849 = arith.mulf %gather3A, %get3A_49 : vector<16xf32>
        %add3A_850 = arith.addf %get3A_848, %mul3A_849 : vector<16xf32>
        %add3A_851 = arith.addf %add3A_850, %get3A_81 : vector<16xf32>
        %max3A_852 = arith.constant 0.000000e+00 : f32
        %max3A_853 = vector.broadcast %max3A_852 : f32 to vector<16xf32>
        %max3A_854 = arith.maximumf %add3A_851, %max3A_853 : vector<16xf32>
        %swap3A_855 = arith.index_cast %scan3A_795 : i32 to index
        %swap3A_856 = arith.constant 64 : index
        %swap3A_857 = tpu.vector_load %arg9[%swap3A_855, %swap3A_856] {strides = array<i32>} : memref<120x128xf32, #tpu.memory_space<vmem>>, vector<16xf32>,
        tpu.vector_store %arg9[%swap3A_855, %swap3A_856], %max3A_854 {strides = array<i32>} : memref<120x128xf32, #tpu.memory_space<vmem>>, vector<16xf32>,
        %get3A_858 = arith.index_cast %scan3A_795 : i32 to index
        %get3A_859 = arith.constant 80 : index
        %get3A_860 = tpu.vector_load %arg9[%get3A_858, %get3A_859] {strides = array<i32>} : memref<120x128xf32, #tpu.memory_space<vmem>>, vector<16xf32>,
        %mul3A_861 = arith.mulf %gather3A, %get3A_53 : vector<16xf32>
        %add3A_862 = arith.addf %get3A_860, %mul3A_861 : vector<16xf32>
        %add3A_863 = arith.addf %add3A_862, %get3A_85 : vector<16xf32>
        %max3A_864 = arith.constant 0.000000e+00 : f32
        %max3A_865 = vector.broadcast %max3A_864 : f32 to vector<16xf32>
        %max3A_866 = arith.maximumf %add3A_863, %max3A_865 : vector<16xf32>
        %swap3A_867 = arith.index_cast %scan3A_795 : i32 to index
        %swap3A_868 = arith.constant 80 : index
        %swap3A_869 = tpu.vector_load %arg9[%swap3A_867, %swap3A_868] {strides = array<i32>} : memref<120x128xf32, #tpu.memory_space<vmem>>, vector<16xf32>,
        tpu.vector_store %arg9[%swap3A_867, %swap3A_868], %max3A_866 {strides = array<i32>} : memref<120x128xf32, #tpu.memory_space<vmem>>, vector<16xf32>,
        %get3A_870 = arith.index_cast %scan3A_795 : i32 to index
        %get3A_871 = arith.constant 96 : index
        %get3A_872 = tpu.vector_load %arg9[%get3A_870, %get3A_871] {strides = array<i32>} : memref<120x128xf32, #tpu.memory_space<vmem>>, vector<16xf32>,
        %mul3A_873 = arith.mulf %gather3A, %get3A_57 : vector<16xf32>
        %add3A_874 = arith.addf %get3A_872, %mul3A_873 : vector<16xf32>
        %add3A_875 = arith.addf %add3A_874, %get3A_89 : vector<16xf32>
        %max3A_876 = arith.constant 0.000000e+00 : f32
        %max3A_877 = vector.broadcast %max3A_876 : f32 to vector<16xf32>
        %max3A_878 = arith.maximumf %add3A_875, %max3A_877 : vector<16xf32>
        %swap3A_879 = arith.index_cast %scan3A_795 : i32 to index
        %swap3A_880 = arith.constant 96 : index
        %swap3A_881 = tpu.vector_load %arg9[%swap3A_879, %swap3A_880] {strides = array<i32>} : memref<120x128xf32, #tpu.memory_space<vmem>>, vector<16xf32>,
        tpu.vector_store %arg9[%swap3A_879, %swap3A_880], %max3A_878 {strides = array<i32>} : memref<120x128xf32, #tpu.memory_space<vmem>>, vector<16xf32>,
        %get3A_882 = arith.index_cast %scan3A_795 : i32 to index
        %get3A_883 = arith.constant 112 : index
        %get3A_884 = tpu.vector_load %arg9[%get3A_882, %get3A_883] {strides = array<i32>} : memref<120x128xf32, #tpu.memory_space<vmem>>, vector<16xf32>,
        %mul3A_885 = arith.mulf %gather3A, %get3A_61 : vector<16xf32>
        %add3A_886 = arith.addf %get3A_884, %mul3A_885 : vector<16xf32>
        %add3A_887 = arith.addf %add3A_886, %get3A_93 : vector<16xf32>
        %max3A_888 = arith.constant 0.000000e+00 : f32
        %max3A_889 = vector.broadcast %max3A_888 : f32 to vector<16xf32>
        %max3A_890 = arith.maximumf %add3A_887, %max3A_889 : vector<16xf32>
        %swap3A_891 = arith.index_cast %scan3A_795 : i32 to index
        %swap3A_892 = arith.constant 112 : index
        %swap3A_893 = tpu.vector_load %arg9[%swap3A_891, %swap3A_892] {strides = array<i32>} : memref<120x128xf32, #tpu.memory_space<vmem>>, vector<16xf32>,
        tpu.vector_store %arg9[%swap3A_891, %swap3A_892], %max3A_890 {strides = array<i32>} : memref<120x128xf32, #tpu.memory_space<vmem>>, vector<16xf32>,
        %scan3A_894 = arith.constant 0 : i32
        scf.yield %scan3A_894 : i32
      }
      %scan3A_541 = arith.constant 120 : i32
      %dma_start3A_542 = arith.constant 5 : i32
      %dma_start3A_543 = arith.constant 0 : i32
      %dma_start3A_544 = tpu.memref_slice %arg7[%dma_start3A_542, %dma_start3A_543] : memref<8x120xi32, #tpu.memory_space<vmem>> -> memref<1x120xi32, #tpu.memory_space<vmem>>
      %dma_start3A_545 = tpu.memref_squeeze %dma_start3A_544 : memref<1x120xi32, #tpu.memory_space<vmem>> -> memref<120xi32, #tpu.memory_space<vmem>>
      %dma_start3A_546 = arith.constant 0 : i32
      %dma_start3A_547 = arith.constant 0 : i32
      %dma_start3A_548 = tpu.memref_slice %arg23[%dma_start3A_546, %dma_start3A_547] : memref<10112x128xf32, #tpu.memory_space<vmem_shared>> -> memref<10112x128xf32, #tpu.memory_space<vmem_shared>>
      tpu.enqueue_indirect_dma source(%arg9 : memref<120x128xf32, #tpu.memory_space<vmem>>) target(%dma_start3A_548 : memref<10112x128xf32, #tpu.memory_space<vmem_shared>>) offsets(%dma_start3A_545 : memref<120xi32, #tpu.memory_space<vmem>>) semaphore(%arg16 : memref<!tpu.dma_semaphore, #tpu.memory_space<semaphore_mem>>) {add = true}
      %mul3A_549 = arith.constant 12 : i32
      %mul3A_550 = arith.muli %scan3A_206, %mul3A_549 : i32
      %add3A_551 = arith.constant 7 : i32
      %add3A_552 = arith.addi %mul3A_550, %add3A_551 : i32
      %ge3A_553 = arith.constant 2 : i32
      %ge3A_554 = arith.cmpi sge, %add3A_552, %ge3A_553 : i32
      %add3A_555 = arith.constant 1 : i32
      %add3A_556 = arith.addi %add3A_552, %add3A_555 : i32
      %lt3A_557 = arith.constant 84 : i32
      %lt3A_558 = arith.cmpi slt, %add3A_556, %lt3A_557 : i32
      %and3A_559 = arith.andi %ge3A_554, %lt3A_558 : i1
      %convert_element_type3A_560 = arith.extui %and3A_559 : i1 to i32
      %cond3A_561 = arith.constant 0 : i32
      %cond3A_562 = arith.cmpi ne, %convert_element_type3A_560, %cond3A_561 : i32
      scf.if %cond3A_562 {
        %dma_wait3A_795 = arith.constant 3 : i32
        %dma_wait3A_796 = arith.constant 0 : i32
        %dma_wait3A_797 = tpu.memref_slice %arg7[%dma_wait3A_795, %dma_wait3A_796] : memref<8x120xi32, #tpu.memory_space<vmem>> -> memref<1x120xi32, #tpu.memory_space<vmem>>
        %dma_wait3A_798 = tpu.memref_squeeze %dma_wait3A_797 : memref<1x120xi32, #tpu.memory_space<vmem>> -> memref<120xi32, #tpu.memory_space<vmem>>
        %dma_wait3A_799 = arith.constant 0 : i32
        %dma_wait3A_800 = arith.constant 0 : i32
        %dma_wait3A_801 = tpu.memref_slice %arg23[%dma_wait3A_799, %dma_wait3A_800] : memref<10112x128xf32, #tpu.memory_space<vmem_shared>> -> memref<10112x128xf32, #tpu.memory_space<vmem_shared>>
        tpu.wait_indirect_dma semaphore(%arg18 : memref<!tpu.dma_semaphore, #tpu.memory_space<semaphore_mem>>) src(%arg11 : memref<120x128xf32, #tpu.memory_space<vmem>>) dst(%dma_wait3A_801 : memref<10112x128xf32, #tpu.memory_space<vmem_shared>>)
      } else {
      }
      %add3A_563 = arith.constant 1 : i32
      %add3A_564 = arith.addi %add3A_552, %add3A_563 : i32
      %lt3A_565 = arith.constant 84 : i32
      %lt3A_566 = arith.cmpi slt, %add3A_564, %lt3A_565 : i32
      %convert_element_type3A_567 = arith.extui %lt3A_566 : i1 to i32
      %cond3A_568 = arith.constant 0 : i32
      %cond3A_569 = arith.cmpi ne, %convert_element_type3A_567, %cond3A_568 : i32
      scf.if %cond3A_569 {
        %add3A_795 = arith.constant 1 : i32
        %add3A_796 = arith.addi %add3A_552, %add3A_795 : i32
        %mul3A_797 = arith.constant 84 : i32
        %mul3A_798 = arith.muli %add3A, %mul3A_797 : i32
        %add3A_799 = arith.addi %mul3A_798, %add3A_796 : i32
        %mul3A_800 = arith.constant 2 : i32
        %mul3A_801 = arith.muli %mul3A_800, %add3A_799 : i32
        %mul3A_802 = arith.constant 120 : i32
        %mul3A_803 = arith.muli %add3A_799, %mul3A_802 : i32
        %dma_wait3A_804 = arith.constant 0 : i32
        %dma_wait3A_805 = arith.constant 0 : i32
        %dma_wait3A_806 = tpu.memref_slice %arg7[%dma_wait3A_804, %dma_wait3A_805] : memref<8x120xi32, #tpu.memory_space<vmem>> -> memref<2x120xi32, #tpu.memory_space<vmem>>
        %dma_wait3A_807 = arith.constant 0 : i32
        %dma_wait3A_808 = tpu.memref_slice %arg3[%mul3A_801, %dma_wait3A_807] : memref<5376x120xi32, #tpu.memory_space<hbm>> -> memref<2x120xi32, #tpu.memory_space<hbm>>
        %dma_wait3A_809 = arith.constant 0 : i32
        %dma_wait3A_810 = arith.constant 0 : i32
        %dma_wait3A_811 = tpu.memref_slice %arg7[%dma_wait3A_809, %dma_wait3A_810] : memref<8x120xi32, #tpu.memory_space<vmem>> -> memref<2x120xi32, #tpu.memory_space<vmem>>
        %dma_wait3A_812 = arith.constant 0 : i32
        %dma_wait3A_813 = tpu.memref_slice %arg3[%mul3A_801, %dma_wait3A_812] : memref<5376x120xi32, #tpu.memory_space<hbm>> -> memref<2x120xi32, #tpu.memory_space<hbm>>
        tpu.wait_dma2 semaphore(%arg19 : memref<!tpu.dma_semaphore, #tpu.memory_space<semaphore_mem>>) src(%dma_wait3A_813 : memref<2x120xi32, #tpu.memory_space<hbm>>) dst(%dma_wait3A_811 : memref<2x120xi32, #tpu.memory_space<vmem>>)
        %dma_wait3A_814 = arith.constant 0 : i32
        %dma_wait3A_815 = tpu.memref_slice %arg8[%dma_wait3A_814] : memref<480xf32, #tpu.memory_space<vmem>> -> memref<120xf32, #tpu.memory_space<vmem>>
        %dma_wait3A_816 = tpu.memref_slice %arg4[%mul3A_803] : memref<322560xf32, #tpu.memory_space<hbm>> -> memref<120xf32, #tpu.memory_space<hbm>>
        %dma_wait3A_817 = arith.constant 0 : i32
        %dma_wait3A_818 = tpu.memref_slice %arg8[%dma_wait3A_817] : memref<480xf32, #tpu.memory_space<vmem>> -> memref<120xf32, #tpu.memory_space<vmem>>
        %dma_wait3A_819 = tpu.memref_slice %arg4[%mul3A_803] : memref<322560xf32, #tpu.memory_space<hbm>> -> memref<120xf32, #tpu.memory_space<hbm>>
        tpu.wait_dma2 semaphore(%arg19 : memref<!tpu.dma_semaphore, #tpu.memory_space<semaphore_mem>>) src(%dma_wait3A_819 : memref<120xf32, #tpu.memory_space<hbm>>) dst(%dma_wait3A_818 : memref<120xf32, #tpu.memory_space<vmem>>)
        %dma_start3A_820 = arith.constant 0 : i32
        %dma_start3A_821 = arith.constant 0 : i32
        %dma_start3A_822 = tpu.memref_slice %arg7[%dma_start3A_820, %dma_start3A_821] : memref<8x120xi32, #tpu.memory_space<vmem>> -> memref<1x120xi32, #tpu.memory_space<vmem>>
        %dma_start3A_823 = tpu.memref_squeeze %dma_start3A_822 : memref<1x120xi32, #tpu.memory_space<vmem>> -> memref<120xi32, #tpu.memory_space<vmem>>
        %dma_start3A_824 = arith.constant 0 : i32
        %dma_start3A_825 = arith.constant 0 : i32
        %dma_start3A_826 = tpu.memref_slice %arg2[%dma_start3A_824, %dma_start3A_825] : memref<10000x128xf32, #tpu.memory_space<hbm>> -> memref<10000x128xf32, #tpu.memory_space<hbm>>
        tpu.enqueue_indirect_dma source(%dma_start3A_826 : memref<10000x128xf32, #tpu.memory_space<hbm>>) target(%arg11 : memref<120x128xf32, #tpu.memory_space<vmem>>) offsets(%dma_start3A_823 : memref<120xi32, #tpu.memory_space<vmem>>) semaphore(%arg15 : memref<!tpu.dma_semaphore, #tpu.memory_space<semaphore_mem>>)
      } else {
      }
      %dma_wait3A_570 = arith.constant 6 : i32
      %dma_wait3A_571 = arith.constant 0 : i32
      %dma_wait3A_572 = tpu.memref_slice %arg7[%dma_wait3A_570, %dma_wait3A_571] : memref<8x120xi32, #tpu.memory_space<vmem>> -> memref<1x120xi32, #tpu.memory_space<vmem>>
      %dma_wait3A_573 = tpu.memref_squeeze %dma_wait3A_572 : memref<1x120xi32, #tpu.memory_space<vmem>> -> memref<120xi32, #tpu.memory_space<vmem>>
      %dma_wait3A_574 = arith.constant 0 : i32
      %dma_wait3A_575 = arith.constant 0 : i32
      %dma_wait3A_576 = tpu.memref_slice %arg2[%dma_wait3A_574, %dma_wait3A_575] : memref<10000x128xf32, #tpu.memory_space<hbm>> -> memref<10000x128xf32, #tpu.memory_space<hbm>>
      tpu.wait_indirect_dma semaphore(%arg14 : memref<!tpu.dma_semaphore, #tpu.memory_space<semaphore_mem>>) src(%dma_wait3A_576 : memref<10000x128xf32, #tpu.memory_space<hbm>>) dst(%arg10 : memref<120x128xf32, #tpu.memory_space<vmem>>)
      %add3A_577 = arith.constant 2 : i32
      %add3A_578 = arith.addi %add3A_552, %add3A_577 : i32
      %lt3A_579 = arith.constant 84 : i32
      %lt3A_580 = arith.cmpi slt, %add3A_578, %lt3A_579 : i32
      %convert_element_type3A_581 = arith.extui %lt3A_580 : i1 to i32
      %cond3A_582 = arith.constant 0 : i32
      %cond3A_583 = arith.cmpi ne, %convert_element_type3A_581, %cond3A_582 : i32
      scf.if %cond3A_583 {
        %add3A_795 = arith.constant 2 : i32
        %add3A_796 = arith.addi %add3A_552, %add3A_795 : i32
        %mul3A_797 = arith.constant 84 : i32
        %mul3A_798 = arith.muli %add3A, %mul3A_797 : i32
        %add3A_799 = arith.addi %mul3A_798, %add3A_796 : i32
        %mul3A_800 = arith.constant 2 : i32
        %mul3A_801 = arith.muli %mul3A_800, %add3A_799 : i32
        %mul3A_802 = arith.constant 120 : i32
        %mul3A_803 = arith.muli %add3A_799, %mul3A_802 : i32
        %dma_start3A_804 = arith.constant 2 : i32
        %dma_start3A_805 = arith.constant 0 : i32
        %dma_start3A_806 = tpu.memref_slice %arg7[%dma_start3A_804, %dma_start3A_805] : memref<8x120xi32, #tpu.memory_space<vmem>> -> memref<2x120xi32, #tpu.memory_space<vmem>>
        %dma_start3A_807 = arith.constant 0 : i32
        %dma_start3A_808 = tpu.memref_slice %arg3[%mul3A_801, %dma_start3A_807] : memref<5376x120xi32, #tpu.memory_space<hbm>> -> memref<2x120xi32, #tpu.memory_space<hbm>>
        %dma_start3A_809 = arith.constant 2 : i32
        %dma_start3A_810 = arith.constant 0 : i32
        %dma_start3A_811 = tpu.memref_slice %arg7[%dma_start3A_809, %dma_start3A_810] : memref<8x120xi32, #tpu.memory_space<vmem>> -> memref<2x120xi32, #tpu.memory_space<vmem>>
        %dma_start3A_812 = arith.constant 0 : i32
        %dma_start3A_813 = tpu.memref_slice %arg3[%mul3A_801, %dma_start3A_812] : memref<5376x120xi32, #tpu.memory_space<hbm>> -> memref<2x120xi32, #tpu.memory_space<hbm>>
        tpu.enqueue_dma source(%dma_start3A_813 : memref<2x120xi32, #tpu.memory_space<hbm>>) target(%dma_start3A_811 : memref<2x120xi32, #tpu.memory_space<vmem>>) target_semaphore(%arg20 : memref<!tpu.dma_semaphore, #tpu.memory_space<semaphore_mem>>)
        %dma_start3A_814 = arith.constant 120 : i32
        %dma_start3A_815 = tpu.memref_slice %arg8[%dma_start3A_814] : memref<480xf32, #tpu.memory_space<vmem>> -> memref<120xf32, #tpu.memory_space<vmem>>
        %dma_start3A_816 = tpu.memref_slice %arg4[%mul3A_803] : memref<322560xf32, #tpu.memory_space<hbm>> -> memref<120xf32, #tpu.memory_space<hbm>>
        %dma_start3A_817 = arith.constant 120 : i32
        %dma_start3A_818 = tpu.memref_slice %arg8[%dma_start3A_817] : memref<480xf32, #tpu.memory_space<vmem>> -> memref<120xf32, #tpu.memory_space<vmem>>
        %dma_start3A_819 = tpu.memref_slice %arg4[%mul3A_803] : memref<322560xf32, #tpu.memory_space<hbm>> -> memref<120xf32, #tpu.memory_space<hbm>>
        tpu.enqueue_dma source(%dma_start3A_819 : memref<120xf32, #tpu.memory_space<hbm>>) target(%dma_start3A_818 : memref<120xf32, #tpu.memory_space<vmem>>) target_semaphore(%arg20 : memref<!tpu.dma_semaphore, #tpu.memory_space<semaphore_mem>>)
      } else {
      }
      %scan3A_584 = arith.constant 0 : i32
      %scan3A_585 = arith.constant 0 : i32
      %scan3A_586 = arith.constant 120 : i32
      %scan3A_587 = arith.addi %scan3A_585, %scan3A_586 : i32
      %scan3A_588 = arith.constant 1 : i32
      %scan3A_589 = scf.for %scan3A_795 = %scan3A_585 to %scan3A_587 step %scan3A_588 iter_args(%scan3A_796 = %scan3A_584) -> (i32)  : i32 {
        %broadcast_in_dim3A = arith.constant 360 : i32
        %broadcast_in_dim3A_797 = vector.broadcast %broadcast_in_dim3A : i32 to vector<16xi32>
        %add3A_798 = vector.broadcast %scan3A_795 : i32 to vector<16xi32>
        %add3A_799 = arith.addi %broadcast_in_dim3A_797, %add3A_798 : vector<16xi32>
        %gather3A = tpu.vector_load_idx %arg8[%add3A_799] : memref<480xf32, #tpu.memory_space<vmem>>[vector<16xi32>], vector<16xf32>,
        %get3A_800 = arith.index_cast %scan3A_795 : i32 to index
        %get3A_801 = arith.constant 0 : index
        %get3A_802 = tpu.vector_load %arg10[%get3A_800, %get3A_801] {strides = array<i32>} : memref<120x128xf32, #tpu.memory_space<vmem>>, vector<16xf32>,
        %mul3A_803 = arith.mulf %gather3A, %get3A_33 : vector<16xf32>
        %add3A_804 = arith.addf %get3A_802, %mul3A_803 : vector<16xf32>
        %add3A_805 = arith.addf %add3A_804, %get3A_65 : vector<16xf32>
        %max3A = arith.constant 0.000000e+00 : f32
        %max3A_806 = vector.broadcast %max3A : f32 to vector<16xf32>
        %max3A_807 = arith.maximumf %add3A_805, %max3A_806 : vector<16xf32>
        %swap3A = arith.index_cast %scan3A_795 : i32 to index
        %swap3A_808 = arith.constant 0 : index
        %swap3A_809 = tpu.vector_load %arg10[%swap3A, %swap3A_808] {strides = array<i32>} : memref<120x128xf32, #tpu.memory_space<vmem>>, vector<16xf32>,
        tpu.vector_store %arg10[%swap3A, %swap3A_808], %max3A_807 {strides = array<i32>} : memref<120x128xf32, #tpu.memory_space<vmem>>, vector<16xf32>,
        %get3A_810 = arith.index_cast %scan3A_795 : i32 to index
        %get3A_811 = arith.constant 16 : index
        %get3A_812 = tpu.vector_load %arg10[%get3A_810, %get3A_811] {strides = array<i32>} : memref<120x128xf32, #tpu.memory_space<vmem>>, vector<16xf32>,
        %mul3A_813 = arith.mulf %gather3A, %get3A_37 : vector<16xf32>
        %add3A_814 = arith.addf %get3A_812, %mul3A_813 : vector<16xf32>
        %add3A_815 = arith.addf %add3A_814, %get3A_69 : vector<16xf32>
        %max3A_816 = arith.constant 0.000000e+00 : f32
        %max3A_817 = vector.broadcast %max3A_816 : f32 to vector<16xf32>
        %max3A_818 = arith.maximumf %add3A_815, %max3A_817 : vector<16xf32>
        %swap3A_819 = arith.index_cast %scan3A_795 : i32 to index
        %swap3A_820 = arith.constant 16 : index
        %swap3A_821 = tpu.vector_load %arg10[%swap3A_819, %swap3A_820] {strides = array<i32>} : memref<120x128xf32, #tpu.memory_space<vmem>>, vector<16xf32>,
        tpu.vector_store %arg10[%swap3A_819, %swap3A_820], %max3A_818 {strides = array<i32>} : memref<120x128xf32, #tpu.memory_space<vmem>>, vector<16xf32>,
        %get3A_822 = arith.index_cast %scan3A_795 : i32 to index
        %get3A_823 = arith.constant 32 : index
        %get3A_824 = tpu.vector_load %arg10[%get3A_822, %get3A_823] {strides = array<i32>} : memref<120x128xf32, #tpu.memory_space<vmem>>, vector<16xf32>,
        %mul3A_825 = arith.mulf %gather3A, %get3A_41 : vector<16xf32>
        %add3A_826 = arith.addf %get3A_824, %mul3A_825 : vector<16xf32>
        %add3A_827 = arith.addf %add3A_826, %get3A_73 : vector<16xf32>
        %max3A_828 = arith.constant 0.000000e+00 : f32
        %max3A_829 = vector.broadcast %max3A_828 : f32 to vector<16xf32>
        %max3A_830 = arith.maximumf %add3A_827, %max3A_829 : vector<16xf32>
        %swap3A_831 = arith.index_cast %scan3A_795 : i32 to index
        %swap3A_832 = arith.constant 32 : index
        %swap3A_833 = tpu.vector_load %arg10[%swap3A_831, %swap3A_832] {strides = array<i32>} : memref<120x128xf32, #tpu.memory_space<vmem>>, vector<16xf32>,
        tpu.vector_store %arg10[%swap3A_831, %swap3A_832], %max3A_830 {strides = array<i32>} : memref<120x128xf32, #tpu.memory_space<vmem>>, vector<16xf32>,
        %get3A_834 = arith.index_cast %scan3A_795 : i32 to index
        %get3A_835 = arith.constant 48 : index
        %get3A_836 = tpu.vector_load %arg10[%get3A_834, %get3A_835] {strides = array<i32>} : memref<120x128xf32, #tpu.memory_space<vmem>>, vector<16xf32>,
        %mul3A_837 = arith.mulf %gather3A, %get3A_45 : vector<16xf32>
        %add3A_838 = arith.addf %get3A_836, %mul3A_837 : vector<16xf32>
        %add3A_839 = arith.addf %add3A_838, %get3A_77 : vector<16xf32>
        %max3A_840 = arith.constant 0.000000e+00 : f32
        %max3A_841 = vector.broadcast %max3A_840 : f32 to vector<16xf32>
        %max3A_842 = arith.maximumf %add3A_839, %max3A_841 : vector<16xf32>
        %swap3A_843 = arith.index_cast %scan3A_795 : i32 to index
        %swap3A_844 = arith.constant 48 : index
        %swap3A_845 = tpu.vector_load %arg10[%swap3A_843, %swap3A_844] {strides = array<i32>} : memref<120x128xf32, #tpu.memory_space<vmem>>, vector<16xf32>,
        tpu.vector_store %arg10[%swap3A_843, %swap3A_844], %max3A_842 {strides = array<i32>} : memref<120x128xf32, #tpu.memory_space<vmem>>, vector<16xf32>,
        %get3A_846 = arith.index_cast %scan3A_795 : i32 to index
        %get3A_847 = arith.constant 64 : index
        %get3A_848 = tpu.vector_load %arg10[%get3A_846, %get3A_847] {strides = array<i32>} : memref<120x128xf32, #tpu.memory_space<vmem>>, vector<16xf32>,
        %mul3A_849 = arith.mulf %gather3A, %get3A_49 : vector<16xf32>
        %add3A_850 = arith.addf %get3A_848, %mul3A_849 : vector<16xf32>
        %add3A_851 = arith.addf %add3A_850, %get3A_81 : vector<16xf32>
        %max3A_852 = arith.constant 0.000000e+00 : f32
        %max3A_853 = vector.broadcast %max3A_852 : f32 to vector<16xf32>
        %max3A_854 = arith.maximumf %add3A_851, %max3A_853 : vector<16xf32>
        %swap3A_855 = arith.index_cast %scan3A_795 : i32 to index
        %swap3A_856 = arith.constant 64 : index
        %swap3A_857 = tpu.vector_load %arg10[%swap3A_855, %swap3A_856] {strides = array<i32>} : memref<120x128xf32, #tpu.memory_space<vmem>>, vector<16xf32>,
        tpu.vector_store %arg10[%swap3A_855, %swap3A_856], %max3A_854 {strides = array<i32>} : memref<120x128xf32, #tpu.memory_space<vmem>>, vector<16xf32>,
        %get3A_858 = arith.index_cast %scan3A_795 : i32 to index
        %get3A_859 = arith.constant 80 : index
        %get3A_860 = tpu.vector_load %arg10[%get3A_858, %get3A_859] {strides = array<i32>} : memref<120x128xf32, #tpu.memory_space<vmem>>, vector<16xf32>,
        %mul3A_861 = arith.mulf %gather3A, %get3A_53 : vector<16xf32>
        %add3A_862 = arith.addf %get3A_860, %mul3A_861 : vector<16xf32>
        %add3A_863 = arith.addf %add3A_862, %get3A_85 : vector<16xf32>
        %max3A_864 = arith.constant 0.000000e+00 : f32
        %max3A_865 = vector.broadcast %max3A_864 : f32 to vector<16xf32>
        %max3A_866 = arith.maximumf %add3A_863, %max3A_865 : vector<16xf32>
        %swap3A_867 = arith.index_cast %scan3A_795 : i32 to index
        %swap3A_868 = arith.constant 80 : index
        %swap3A_869 = tpu.vector_load %arg10[%swap3A_867, %swap3A_868] {strides = array<i32>} : memref<120x128xf32, #tpu.memory_space<vmem>>, vector<16xf32>,
        tpu.vector_store %arg10[%swap3A_867, %swap3A_868], %max3A_866 {strides = array<i32>} : memref<120x128xf32, #tpu.memory_space<vmem>>, vector<16xf32>,
        %get3A_870 = arith.index_cast %scan3A_795 : i32 to index
        %get3A_871 = arith.constant 96 : index
        %get3A_872 = tpu.vector_load %arg10[%get3A_870, %get3A_871] {strides = array<i32>} : memref<120x128xf32, #tpu.memory_space<vmem>>, vector<16xf32>,
        %mul3A_873 = arith.mulf %gather3A, %get3A_57 : vector<16xf32>
        %add3A_874 = arith.addf %get3A_872, %mul3A_873 : vector<16xf32>
        %add3A_875 = arith.addf %add3A_874, %get3A_89 : vector<16xf32>
        %max3A_876 = arith.constant 0.000000e+00 : f32
        %max3A_877 = vector.broadcast %max3A_876 : f32 to vector<16xf32>
        %max3A_878 = arith.maximumf %add3A_875, %max3A_877 : vector<16xf32>
        %swap3A_879 = arith.index_cast %scan3A_795 : i32 to index
        %swap3A_880 = arith.constant 96 : index
        %swap3A_881 = tpu.vector_load %arg10[%swap3A_879, %swap3A_880] {strides = array<i32>} : memref<120x128xf32, #tpu.memory_space<vmem>>, vector<16xf32>,
        tpu.vector_store %arg10[%swap3A_879, %swap3A_880], %max3A_878 {strides = array<i32>} : memref<120x128xf32, #tpu.memory_space<vmem>>, vector<16xf32>,
        %get3A_882 = arith.index_cast %scan3A_795 : i32 to index
        %get3A_883 = arith.constant 112 : index
        %get3A_884 = tpu.vector_load %arg10[%get3A_882, %get3A_883] {strides = array<i32>} : memref<120x128xf32, #tpu.memory_space<vmem>>, vector<16xf32>,
        %mul3A_885 = arith.mulf %gather3A, %get3A_61 : vector<16xf32>
        %add3A_886 = arith.addf %get3A_884, %mul3A_885 : vector<16xf32>
        %add3A_887 = arith.addf %add3A_886, %get3A_93 : vector<16xf32>
        %max3A_888 = arith.constant 0.000000e+00 : f32
        %max3A_889 = vector.broadcast %max3A_888 : f32 to vector<16xf32>
        %max3A_890 = arith.maximumf %add3A_887, %max3A_889 : vector<16xf32>
        %swap3A_891 = arith.index_cast %scan3A_795 : i32 to index
        %swap3A_892 = arith.constant 112 : index
        %swap3A_893 = tpu.vector_load %arg10[%swap3A_891, %swap3A_892] {strides = array<i32>} : memref<120x128xf32, #tpu.memory_space<vmem>>, vector<16xf32>,
        tpu.vector_store %arg10[%swap3A_891, %swap3A_892], %max3A_890 {strides = array<i32>} : memref<120x128xf32, #tpu.memory_space<vmem>>, vector<16xf32>,
        %scan3A_894 = arith.constant 0 : i32
        scf.yield %scan3A_894 : i32
      }
      %scan3A_590 = arith.constant 120 : i32
      %dma_start3A_591 = arith.constant 7 : i32
      %dma_start3A_592 = arith.constant 0 : i32
      %dma_start3A_593 = tpu.memref_slice %arg7[%dma_start3A_591, %dma_start3A_592] : memref<8x120xi32, #tpu.memory_space<vmem>> -> memref<1x120xi32, #tpu.memory_space<vmem>>
      %dma_start3A_594 = tpu.memref_squeeze %dma_start3A_593 : memref<1x120xi32, #tpu.memory_space<vmem>> -> memref<120xi32, #tpu.memory_space<vmem>>
      %dma_start3A_595 = arith.constant 0 : i32
      %dma_start3A_596 = arith.constant 0 : i32
      %dma_start3A_597 = tpu.memref_slice %arg23[%dma_start3A_595, %dma_start3A_596] : memref<10112x128xf32, #tpu.memory_space<vmem_shared>> -> memref<10112x128xf32, #tpu.memory_space<vmem_shared>>
      tpu.enqueue_indirect_dma source(%arg10 : memref<120x128xf32, #tpu.memory_space<vmem>>) target(%dma_start3A_597 : memref<10112x128xf32, #tpu.memory_space<vmem_shared>>) offsets(%dma_start3A_594 : memref<120xi32, #tpu.memory_space<vmem>>) semaphore(%arg17 : memref<!tpu.dma_semaphore, #tpu.memory_space<semaphore_mem>>) {add = true}
      %mul3A_598 = arith.constant 12 : i32
      %mul3A_599 = arith.muli %scan3A_206, %mul3A_598 : i32
      %add3A_600 = arith.constant 8 : i32
      %add3A_601 = arith.addi %mul3A_599, %add3A_600 : i32
      %ge3A_602 = arith.constant 2 : i32
      %ge3A_603 = arith.cmpi sge, %add3A_601, %ge3A_602 : i32
      %add3A_604 = arith.constant 1 : i32
      %add3A_605 = arith.addi %add3A_601, %add3A_604 : i32
      %lt3A_606 = arith.constant 84 : i32
      %lt3A_607 = arith.cmpi slt, %add3A_605, %lt3A_606 : i32
      %and3A_608 = arith.andi %ge3A_603, %lt3A_607 : i1
      %convert_element_type3A_609 = arith.extui %and3A_608 : i1 to i32
      %cond3A_610 = arith.constant 0 : i32
      %cond3A_611 = arith.cmpi ne, %convert_element_type3A_609, %cond3A_610 : i32
      scf.if %cond3A_611 {
        %dma_wait3A_795 = arith.constant 5 : i32
        %dma_wait3A_796 = arith.constant 0 : i32
        %dma_wait3A_797 = tpu.memref_slice %arg7[%dma_wait3A_795, %dma_wait3A_796] : memref<8x120xi32, #tpu.memory_space<vmem>> -> memref<1x120xi32, #tpu.memory_space<vmem>>
        %dma_wait3A_798 = tpu.memref_squeeze %dma_wait3A_797 : memref<1x120xi32, #tpu.memory_space<vmem>> -> memref<120xi32, #tpu.memory_space<vmem>>
        %dma_wait3A_799 = arith.constant 0 : i32
        %dma_wait3A_800 = arith.constant 0 : i32
        %dma_wait3A_801 = tpu.memref_slice %arg23[%dma_wait3A_799, %dma_wait3A_800] : memref<10112x128xf32, #tpu.memory_space<vmem_shared>> -> memref<10112x128xf32, #tpu.memory_space<vmem_shared>>
        tpu.wait_indirect_dma semaphore(%arg16 : memref<!tpu.dma_semaphore, #tpu.memory_space<semaphore_mem>>) src(%arg9 : memref<120x128xf32, #tpu.memory_space<vmem>>) dst(%dma_wait3A_801 : memref<10112x128xf32, #tpu.memory_space<vmem_shared>>)
      } else {
      }
      %add3A_612 = arith.constant 1 : i32
      %add3A_613 = arith.addi %add3A_601, %add3A_612 : i32
      %lt3A_614 = arith.constant 84 : i32
      %lt3A_615 = arith.cmpi slt, %add3A_613, %lt3A_614 : i32
      %convert_element_type3A_616 = arith.extui %lt3A_615 : i1 to i32
      %cond3A_617 = arith.constant 0 : i32
      %cond3A_618 = arith.cmpi ne, %convert_element_type3A_616, %cond3A_617 : i32
      scf.if %cond3A_618 {
        %add3A_795 = arith.constant 1 : i32
        %add3A_796 = arith.addi %add3A_601, %add3A_795 : i32
        %mul3A_797 = arith.constant 84 : i32
        %mul3A_798 = arith.muli %add3A, %mul3A_797 : i32
        %add3A_799 = arith.addi %mul3A_798, %add3A_796 : i32
        %mul3A_800 = arith.constant 2 : i32
        %mul3A_801 = arith.muli %mul3A_800, %add3A_799 : i32
        %mul3A_802 = arith.constant 120 : i32
        %mul3A_803 = arith.muli %add3A_799, %mul3A_802 : i32
        %dma_wait3A_804 = arith.constant 2 : i32
        %dma_wait3A_805 = arith.constant 0 : i32
        %dma_wait3A_806 = tpu.memref_slice %arg7[%dma_wait3A_804, %dma_wait3A_805] : memref<8x120xi32, #tpu.memory_space<vmem>> -> memref<2x120xi32, #tpu.memory_space<vmem>>
        %dma_wait3A_807 = arith.constant 0 : i32
        %dma_wait3A_808 = tpu.memref_slice %arg3[%mul3A_801, %dma_wait3A_807] : memref<5376x120xi32, #tpu.memory_space<hbm>> -> memref<2x120xi32, #tpu.memory_space<hbm>>
        %dma_wait3A_809 = arith.constant 2 : i32
        %dma_wait3A_810 = arith.constant 0 : i32
        %dma_wait3A_811 = tpu.memref_slice %arg7[%dma_wait3A_809, %dma_wait3A_810] : memref<8x120xi32, #tpu.memory_space<vmem>> -> memref<2x120xi32, #tpu.memory_space<vmem>>
        %dma_wait3A_812 = arith.constant 0 : i32
        %dma_wait3A_813 = tpu.memref_slice %arg3[%mul3A_801, %dma_wait3A_812] : memref<5376x120xi32, #tpu.memory_space<hbm>> -> memref<2x120xi32, #tpu.memory_space<hbm>>
        tpu.wait_dma2 semaphore(%arg20 : memref<!tpu.dma_semaphore, #tpu.memory_space<semaphore_mem>>) src(%dma_wait3A_813 : memref<2x120xi32, #tpu.memory_space<hbm>>) dst(%dma_wait3A_811 : memref<2x120xi32, #tpu.memory_space<vmem>>)
        %dma_wait3A_814 = arith.constant 120 : i32
        %dma_wait3A_815 = tpu.memref_slice %arg8[%dma_wait3A_814] : memref<480xf32, #tpu.memory_space<vmem>> -> memref<120xf32, #tpu.memory_space<vmem>>
        %dma_wait3A_816 = tpu.memref_slice %arg4[%mul3A_803] : memref<322560xf32, #tpu.memory_space<hbm>> -> memref<120xf32, #tpu.memory_space<hbm>>
        %dma_wait3A_817 = arith.constant 120 : i32
        %dma_wait3A_818 = tpu.memref_slice %arg8[%dma_wait3A_817] : memref<480xf32, #tpu.memory_space<vmem>> -> memref<120xf32, #tpu.memory_space<vmem>>
        %dma_wait3A_819 = tpu.memref_slice %arg4[%mul3A_803] : memref<322560xf32, #tpu.memory_space<hbm>> -> memref<120xf32, #tpu.memory_space<hbm>>
        tpu.wait_dma2 semaphore(%arg20 : memref<!tpu.dma_semaphore, #tpu.memory_space<semaphore_mem>>) src(%dma_wait3A_819 : memref<120xf32, #tpu.memory_space<hbm>>) dst(%dma_wait3A_818 : memref<120xf32, #tpu.memory_space<vmem>>)
        %dma_start3A_820 = arith.constant 2 : i32
        %dma_start3A_821 = arith.constant 0 : i32
        %dma_start3A_822 = tpu.memref_slice %arg7[%dma_start3A_820, %dma_start3A_821] : memref<8x120xi32, #tpu.memory_space<vmem>> -> memref<1x120xi32, #tpu.memory_space<vmem>>
        %dma_start3A_823 = tpu.memref_squeeze %dma_start3A_822 : memref<1x120xi32, #tpu.memory_space<vmem>> -> memref<120xi32, #tpu.memory_space<vmem>>
        %dma_start3A_824 = arith.constant 0 : i32
        %dma_start3A_825 = arith.constant 0 : i32
        %dma_start3A_826 = tpu.memref_slice %arg2[%dma_start3A_824, %dma_start3A_825] : memref<10000x128xf32, #tpu.memory_space<hbm>> -> memref<10000x128xf32, #tpu.memory_space<hbm>>
        tpu.enqueue_indirect_dma source(%dma_start3A_826 : memref<10000x128xf32, #tpu.memory_space<hbm>>) target(%arg9 : memref<120x128xf32, #tpu.memory_space<vmem>>) offsets(%dma_start3A_823 : memref<120xi32, #tpu.memory_space<vmem>>) semaphore(%arg13 : memref<!tpu.dma_semaphore, #tpu.memory_space<semaphore_mem>>)
      } else {
      }
      %dma_wait3A_619 = arith.constant 0 : i32
      %dma_wait3A_620 = arith.constant 0 : i32
      %dma_wait3A_621 = tpu.memref_slice %arg7[%dma_wait3A_619, %dma_wait3A_620] : memref<8x120xi32, #tpu.memory_space<vmem>> -> memref<1x120xi32, #tpu.memory_space<vmem>>
      %dma_wait3A_622 = tpu.memref_squeeze %dma_wait3A_621 : memref<1x120xi32, #tpu.memory_space<vmem>> -> memref<120xi32, #tpu.memory_space<vmem>>
      %dma_wait3A_623 = arith.constant 0 : i32
      %dma_wait3A_624 = arith.constant 0 : i32
      %dma_wait3A_625 = tpu.memref_slice %arg2[%dma_wait3A_623, %dma_wait3A_624] : memref<10000x128xf32, #tpu.memory_space<hbm>> -> memref<10000x128xf32, #tpu.memory_space<hbm>>
      tpu.wait_indirect_dma semaphore(%arg15 : memref<!tpu.dma_semaphore, #tpu.memory_space<semaphore_mem>>) src(%dma_wait3A_625 : memref<10000x128xf32, #tpu.memory_space<hbm>>) dst(%arg11 : memref<120x128xf32, #tpu.memory_space<vmem>>)
      %add3A_626 = arith.constant 2 : i32
      %add3A_627 = arith.addi %add3A_601, %add3A_626 : i32
      %lt3A_628 = arith.constant 84 : i32
      %lt3A_629 = arith.cmpi slt, %add3A_627, %lt3A_628 : i32
      %convert_element_type3A_630 = arith.extui %lt3A_629 : i1 to i32
      %cond3A_631 = arith.constant 0 : i32
      %cond3A_632 = arith.cmpi ne, %convert_element_type3A_630, %cond3A_631 : i32
      scf.if %cond3A_632 {
        %add3A_795 = arith.constant 2 : i32
        %add3A_796 = arith.addi %add3A_601, %add3A_795 : i32
        %mul3A_797 = arith.constant 84 : i32
        %mul3A_798 = arith.muli %add3A, %mul3A_797 : i32
        %add3A_799 = arith.addi %mul3A_798, %add3A_796 : i32
        %mul3A_800 = arith.constant 2 : i32
        %mul3A_801 = arith.muli %mul3A_800, %add3A_799 : i32
        %mul3A_802 = arith.constant 120 : i32
        %mul3A_803 = arith.muli %add3A_799, %mul3A_802 : i32
        %dma_start3A_804 = arith.constant 4 : i32
        %dma_start3A_805 = arith.constant 0 : i32
        %dma_start3A_806 = tpu.memref_slice %arg7[%dma_start3A_804, %dma_start3A_805] : memref<8x120xi32, #tpu.memory_space<vmem>> -> memref<2x120xi32, #tpu.memory_space<vmem>>
        %dma_start3A_807 = arith.constant 0 : i32
        %dma_start3A_808 = tpu.memref_slice %arg3[%mul3A_801, %dma_start3A_807] : memref<5376x120xi32, #tpu.memory_space<hbm>> -> memref<2x120xi32, #tpu.memory_space<hbm>>
        %dma_start3A_809 = arith.constant 4 : i32
        %dma_start3A_810 = arith.constant 0 : i32
        %dma_start3A_811 = tpu.memref_slice %arg7[%dma_start3A_809, %dma_start3A_810] : memref<8x120xi32, #tpu.memory_space<vmem>> -> memref<2x120xi32, #tpu.memory_space<vmem>>
        %dma_start3A_812 = arith.constant 0 : i32
        %dma_start3A_813 = tpu.memref_slice %arg3[%mul3A_801, %dma_start3A_812] : memref<5376x120xi32, #tpu.memory_space<hbm>> -> memref<2x120xi32, #tpu.memory_space<hbm>>
        tpu.enqueue_dma source(%dma_start3A_813 : memref<2x120xi32, #tpu.memory_space<hbm>>) target(%dma_start3A_811 : memref<2x120xi32, #tpu.memory_space<vmem>>) target_semaphore(%arg21 : memref<!tpu.dma_semaphore, #tpu.memory_space<semaphore_mem>>)
        %dma_start3A_814 = arith.constant 240 : i32
        %dma_start3A_815 = tpu.memref_slice %arg8[%dma_start3A_814] : memref<480xf32, #tpu.memory_space<vmem>> -> memref<120xf32, #tpu.memory_space<vmem>>
        %dma_start3A_816 = tpu.memref_slice %arg4[%mul3A_803] : memref<322560xf32, #tpu.memory_space<hbm>> -> memref<120xf32, #tpu.memory_space<hbm>>
        %dma_start3A_817 = arith.constant 240 : i32
        %dma_start3A_818 = tpu.memref_slice %arg8[%dma_start3A_817] : memref<480xf32, #tpu.memory_space<vmem>> -> memref<120xf32, #tpu.memory_space<vmem>>
        %dma_start3A_819 = tpu.memref_slice %arg4[%mul3A_803] : memref<322560xf32, #tpu.memory_space<hbm>> -> memref<120xf32, #tpu.memory_space<hbm>>
        tpu.enqueue_dma source(%dma_start3A_819 : memref<120xf32, #tpu.memory_space<hbm>>) target(%dma_start3A_818 : memref<120xf32, #tpu.memory_space<vmem>>) target_semaphore(%arg21 : memref<!tpu.dma_semaphore, #tpu.memory_space<semaphore_mem>>)
      } else {
      }
      %scan3A_633 = arith.constant 0 : i32
      %scan3A_634 = arith.constant 0 : i32
      %scan3A_635 = arith.constant 120 : i32
      %scan3A_636 = arith.addi %scan3A_634, %scan3A_635 : i32
      %scan3A_637 = arith.constant 1 : i32
      %scan3A_638 = scf.for %scan3A_795 = %scan3A_634 to %scan3A_636 step %scan3A_637 iter_args(%scan3A_796 = %scan3A_633) -> (i32)  : i32 {
        %broadcast_in_dim3A = arith.constant 0 : i32
        %broadcast_in_dim3A_797 = vector.broadcast %broadcast_in_dim3A : i32 to vector<16xi32>
        %add3A_798 = vector.broadcast %scan3A_795 : i32 to vector<16xi32>
        %add3A_799 = arith.addi %broadcast_in_dim3A_797, %add3A_798 : vector<16xi32>
        %gather3A = tpu.vector_load_idx %arg8[%add3A_799] : memref<480xf32, #tpu.memory_space<vmem>>[vector<16xi32>], vector<16xf32>,
        %get3A_800 = arith.index_cast %scan3A_795 : i32 to index
        %get3A_801 = arith.constant 0 : index
        %get3A_802 = tpu.vector_load %arg11[%get3A_800, %get3A_801] {strides = array<i32>} : memref<120x128xf32, #tpu.memory_space<vmem>>, vector<16xf32>,
        %mul3A_803 = arith.mulf %gather3A, %get3A_33 : vector<16xf32>
        %add3A_804 = arith.addf %get3A_802, %mul3A_803 : vector<16xf32>
        %add3A_805 = arith.addf %add3A_804, %get3A_65 : vector<16xf32>
        %max3A = arith.constant 0.000000e+00 : f32
        %max3A_806 = vector.broadcast %max3A : f32 to vector<16xf32>
        %max3A_807 = arith.maximumf %add3A_805, %max3A_806 : vector<16xf32>
        %swap3A = arith.index_cast %scan3A_795 : i32 to index
        %swap3A_808 = arith.constant 0 : index
        %swap3A_809 = tpu.vector_load %arg11[%swap3A, %swap3A_808] {strides = array<i32>} : memref<120x128xf32, #tpu.memory_space<vmem>>, vector<16xf32>,
        tpu.vector_store %arg11[%swap3A, %swap3A_808], %max3A_807 {strides = array<i32>} : memref<120x128xf32, #tpu.memory_space<vmem>>, vector<16xf32>,
        %get3A_810 = arith.index_cast %scan3A_795 : i32 to index
        %get3A_811 = arith.constant 16 : index
        %get3A_812 = tpu.vector_load %arg11[%get3A_810, %get3A_811] {strides = array<i32>} : memref<120x128xf32, #tpu.memory_space<vmem>>, vector<16xf32>,
        %mul3A_813 = arith.mulf %gather3A, %get3A_37 : vector<16xf32>
        %add3A_814 = arith.addf %get3A_812, %mul3A_813 : vector<16xf32>
        %add3A_815 = arith.addf %add3A_814, %get3A_69 : vector<16xf32>
        %max3A_816 = arith.constant 0.000000e+00 : f32
        %max3A_817 = vector.broadcast %max3A_816 : f32 to vector<16xf32>
        %max3A_818 = arith.maximumf %add3A_815, %max3A_817 : vector<16xf32>
        %swap3A_819 = arith.index_cast %scan3A_795 : i32 to index
        %swap3A_820 = arith.constant 16 : index
        %swap3A_821 = tpu.vector_load %arg11[%swap3A_819, %swap3A_820] {strides = array<i32>} : memref<120x128xf32, #tpu.memory_space<vmem>>, vector<16xf32>,
        tpu.vector_store %arg11[%swap3A_819, %swap3A_820], %max3A_818 {strides = array<i32>} : memref<120x128xf32, #tpu.memory_space<vmem>>, vector<16xf32>,
        %get3A_822 = arith.index_cast %scan3A_795 : i32 to index
        %get3A_823 = arith.constant 32 : index
        %get3A_824 = tpu.vector_load %arg11[%get3A_822, %get3A_823] {strides = array<i32>} : memref<120x128xf32, #tpu.memory_space<vmem>>, vector<16xf32>,
        %mul3A_825 = arith.mulf %gather3A, %get3A_41 : vector<16xf32>
        %add3A_826 = arith.addf %get3A_824, %mul3A_825 : vector<16xf32>
        %add3A_827 = arith.addf %add3A_826, %get3A_73 : vector<16xf32>
        %max3A_828 = arith.constant 0.000000e+00 : f32
        %max3A_829 = vector.broadcast %max3A_828 : f32 to vector<16xf32>
        %max3A_830 = arith.maximumf %add3A_827, %max3A_829 : vector<16xf32>
        %swap3A_831 = arith.index_cast %scan3A_795 : i32 to index
        %swap3A_832 = arith.constant 32 : index
        %swap3A_833 = tpu.vector_load %arg11[%swap3A_831, %swap3A_832] {strides = array<i32>} : memref<120x128xf32, #tpu.memory_space<vmem>>, vector<16xf32>,
        tpu.vector_store %arg11[%swap3A_831, %swap3A_832], %max3A_830 {strides = array<i32>} : memref<120x128xf32, #tpu.memory_space<vmem>>, vector<16xf32>,
        %get3A_834 = arith.index_cast %scan3A_795 : i32 to index
        %get3A_835 = arith.constant 48 : index
        %get3A_836 = tpu.vector_load %arg11[%get3A_834, %get3A_835] {strides = array<i32>} : memref<120x128xf32, #tpu.memory_space<vmem>>, vector<16xf32>,
        %mul3A_837 = arith.mulf %gather3A, %get3A_45 : vector<16xf32>
        %add3A_838 = arith.addf %get3A_836, %mul3A_837 : vector<16xf32>
        %add3A_839 = arith.addf %add3A_838, %get3A_77 : vector<16xf32>
        %max3A_840 = arith.constant 0.000000e+00 : f32
        %max3A_841 = vector.broadcast %max3A_840 : f32 to vector<16xf32>
        %max3A_842 = arith.maximumf %add3A_839, %max3A_841 : vector<16xf32>
        %swap3A_843 = arith.index_cast %scan3A_795 : i32 to index
        %swap3A_844 = arith.constant 48 : index
        %swap3A_845 = tpu.vector_load %arg11[%swap3A_843, %swap3A_844] {strides = array<i32>} : memref<120x128xf32, #tpu.memory_space<vmem>>, vector<16xf32>,
        tpu.vector_store %arg11[%swap3A_843, %swap3A_844], %max3A_842 {strides = array<i32>} : memref<120x128xf32, #tpu.memory_space<vmem>>, vector<16xf32>,
        %get3A_846 = arith.index_cast %scan3A_795 : i32 to index
        %get3A_847 = arith.constant 64 : index
        %get3A_848 = tpu.vector_load %arg11[%get3A_846, %get3A_847] {strides = array<i32>} : memref<120x128xf32, #tpu.memory_space<vmem>>, vector<16xf32>,
        %mul3A_849 = arith.mulf %gather3A, %get3A_49 : vector<16xf32>
        %add3A_850 = arith.addf %get3A_848, %mul3A_849 : vector<16xf32>
        %add3A_851 = arith.addf %add3A_850, %get3A_81 : vector<16xf32>
        %max3A_852 = arith.constant 0.000000e+00 : f32
        %max3A_853 = vector.broadcast %max3A_852 : f32 to vector<16xf32>
        %max3A_854 = arith.maximumf %add3A_851, %max3A_853 : vector<16xf32>
        %swap3A_855 = arith.index_cast %scan3A_795 : i32 to index
        %swap3A_856 = arith.constant 64 : index
        %swap3A_857 = tpu.vector_load %arg11[%swap3A_855, %swap3A_856] {strides = array<i32>} : memref<120x128xf32, #tpu.memory_space<vmem>>, vector<16xf32>,
        tpu.vector_store %arg11[%swap3A_855, %swap3A_856], %max3A_854 {strides = array<i32>} : memref<120x128xf32, #tpu.memory_space<vmem>>, vector<16xf32>,
        %get3A_858 = arith.index_cast %scan3A_795 : i32 to index
        %get3A_859 = arith.constant 80 : index
        %get3A_860 = tpu.vector_load %arg11[%get3A_858, %get3A_859] {strides = array<i32>} : memref<120x128xf32, #tpu.memory_space<vmem>>, vector<16xf32>,
        %mul3A_861 = arith.mulf %gather3A, %get3A_53 : vector<16xf32>
        %add3A_862 = arith.addf %get3A_860, %mul3A_861 : vector<16xf32>
        %add3A_863 = arith.addf %add3A_862, %get3A_85 : vector<16xf32>
        %max3A_864 = arith.constant 0.000000e+00 : f32
        %max3A_865 = vector.broadcast %max3A_864 : f32 to vector<16xf32>
        %max3A_866 = arith.maximumf %add3A_863, %max3A_865 : vector<16xf32>
        %swap3A_867 = arith.index_cast %scan3A_795 : i32 to index
        %swap3A_868 = arith.constant 80 : index
        %swap3A_869 = tpu.vector_load %arg11[%swap3A_867, %swap3A_868] {strides = array<i32>} : memref<120x128xf32, #tpu.memory_space<vmem>>, vector<16xf32>,
        tpu.vector_store %arg11[%swap3A_867, %swap3A_868], %max3A_866 {strides = array<i32>} : memref<120x128xf32, #tpu.memory_space<vmem>>, vector<16xf32>,
        %get3A_870 = arith.index_cast %scan3A_795 : i32 to index
        %get3A_871 = arith.constant 96 : index
        %get3A_872 = tpu.vector_load %arg11[%get3A_870, %get3A_871] {strides = array<i32>} : memref<120x128xf32, #tpu.memory_space<vmem>>, vector<16xf32>,
        %mul3A_873 = arith.mulf %gather3A, %get3A_57 : vector<16xf32>
        %add3A_874 = arith.addf %get3A_872, %mul3A_873 : vector<16xf32>
        %add3A_875 = arith.addf %add3A_874, %get3A_89 : vector<16xf32>
        %max3A_876 = arith.constant 0.000000e+00 : f32
        %max3A_877 = vector.broadcast %max3A_876 : f32 to vector<16xf32>
        %max3A_878 = arith.maximumf %add3A_875, %max3A_877 : vector<16xf32>
        %swap3A_879 = arith.index_cast %scan3A_795 : i32 to index
        %swap3A_880 = arith.constant 96 : index
        %swap3A_881 = tpu.vector_load %arg11[%swap3A_879, %swap3A_880] {strides = array<i32>} : memref<120x128xf32, #tpu.memory_space<vmem>>, vector<16xf32>,
        tpu.vector_store %arg11[%swap3A_879, %swap3A_880], %max3A_878 {strides = array<i32>} : memref<120x128xf32, #tpu.memory_space<vmem>>, vector<16xf32>,
        %get3A_882 = arith.index_cast %scan3A_795 : i32 to index
        %get3A_883 = arith.constant 112 : index
        %get3A_884 = tpu.vector_load %arg11[%get3A_882, %get3A_883] {strides = array<i32>} : memref<120x128xf32, #tpu.memory_space<vmem>>, vector<16xf32>,
        %mul3A_885 = arith.mulf %gather3A, %get3A_61 : vector<16xf32>
        %add3A_886 = arith.addf %get3A_884, %mul3A_885 : vector<16xf32>
        %add3A_887 = arith.addf %add3A_886, %get3A_93 : vector<16xf32>
        %max3A_888 = arith.constant 0.000000e+00 : f32
        %max3A_889 = vector.broadcast %max3A_888 : f32 to vector<16xf32>
        %max3A_890 = arith.maximumf %add3A_887, %max3A_889 : vector<16xf32>
        %swap3A_891 = arith.index_cast %scan3A_795 : i32 to index
        %swap3A_892 = arith.constant 112 : index
        %swap3A_893 = tpu.vector_load %arg11[%swap3A_891, %swap3A_892] {strides = array<i32>} : memref<120x128xf32, #tpu.memory_space<vmem>>, vector<16xf32>,
        tpu.vector_store %arg11[%swap3A_891, %swap3A_892], %max3A_890 {strides = array<i32>} : memref<120x128xf32, #tpu.memory_space<vmem>>, vector<16xf32>,
        %scan3A_894 = arith.constant 0 : i32
        scf.yield %scan3A_894 : i32
      }
      %scan3A_639 = arith.constant 120 : i32
      %dma_start3A_640 = arith.constant 1 : i32
      %dma_start3A_641 = arith.constant 0 : i32
      %dma_start3A_642 = tpu.memref_slice %arg7[%dma_start3A_640, %dma_start3A_641] : memref<8x120xi32, #tpu.memory_space<vmem>> -> memref<1x120xi32, #tpu.memory_space<vmem>>
      %dma_start3A_643 = tpu.memref_squeeze %dma_start3A_642 : memref<1x120xi32, #tpu.memory_space<vmem>> -> memref<120xi32, #tpu.memory_space<vmem>>
      %dma_start3A_644 = arith.constant 0 : i32
      %dma_start3A_645 = arith.constant 0 : i32
      %dma_start3A_646 = tpu.memref_slice %arg23[%dma_start3A_644, %dma_start3A_645] : memref<10112x128xf32, #tpu.memory_space<vmem_shared>> -> memref<10112x128xf32, #tpu.memory_space<vmem_shared>>
      tpu.enqueue_indirect_dma source(%arg11 : memref<120x128xf32, #tpu.memory_space<vmem>>) target(%dma_start3A_646 : memref<10112x128xf32, #tpu.memory_space<vmem_shared>>) offsets(%dma_start3A_643 : memref<120xi32, #tpu.memory_space<vmem>>) semaphore(%arg18 : memref<!tpu.dma_semaphore, #tpu.memory_space<semaphore_mem>>) {add = true}
      %mul3A_647 = arith.constant 12 : i32
      %mul3A_648 = arith.muli %scan3A_206, %mul3A_647 : i32
      %add3A_649 = arith.constant 9 : i32
      %add3A_650 = arith.addi %mul3A_648, %add3A_649 : i32
      %ge3A_651 = arith.constant 2 : i32
      %ge3A_652 = arith.cmpi sge, %add3A_650, %ge3A_651 : i32
      %add3A_653 = arith.constant 1 : i32
      %add3A_654 = arith.addi %add3A_650, %add3A_653 : i32
      %lt3A_655 = arith.constant 84 : i32
      %lt3A_656 = arith.cmpi slt, %add3A_654, %lt3A_655 : i32
      %and3A_657 = arith.andi %ge3A_652, %lt3A_656 : i1
      %convert_element_type3A_658 = arith.extui %and3A_657 : i1 to i32
      %cond3A_659 = arith.constant 0 : i32
      %cond3A_660 = arith.cmpi ne, %convert_element_type3A_658, %cond3A_659 : i32
      scf.if %cond3A_660 {
        %dma_wait3A_795 = arith.constant 7 : i32
        %dma_wait3A_796 = arith.constant 0 : i32
        %dma_wait3A_797 = tpu.memref_slice %arg7[%dma_wait3A_795, %dma_wait3A_796] : memref<8x120xi32, #tpu.memory_space<vmem>> -> memref<1x120xi32, #tpu.memory_space<vmem>>
        %dma_wait3A_798 = tpu.memref_squeeze %dma_wait3A_797 : memref<1x120xi32, #tpu.memory_space<vmem>> -> memref<120xi32, #tpu.memory_space<vmem>>
        %dma_wait3A_799 = arith.constant 0 : i32
        %dma_wait3A_800 = arith.constant 0 : i32
        %dma_wait3A_801 = tpu.memref_slice %arg23[%dma_wait3A_799, %dma_wait3A_800] : memref<10112x128xf32, #tpu.memory_space<vmem_shared>> -> memref<10112x128xf32, #tpu.memory_space<vmem_shared>>
        tpu.wait_indirect_dma semaphore(%arg17 : memref<!tpu.dma_semaphore, #tpu.memory_space<semaphore_mem>>) src(%arg10 : memref<120x128xf32, #tpu.memory_space<vmem>>) dst(%dma_wait3A_801 : memref<10112x128xf32, #tpu.memory_space<vmem_shared>>)
      } else {
      }
      %add3A_661 = arith.constant 1 : i32
      %add3A_662 = arith.addi %add3A_650, %add3A_661 : i32
      %lt3A_663 = arith.constant 84 : i32
      %lt3A_664 = arith.cmpi slt, %add3A_662, %lt3A_663 : i32
      %convert_element_type3A_665 = arith.extui %lt3A_664 : i1 to i32
      %cond3A_666 = arith.constant 0 : i32
      %cond3A_667 = arith.cmpi ne, %convert_element_type3A_665, %cond3A_666 : i32
      scf.if %cond3A_667 {
        %add3A_795 = arith.constant 1 : i32
        %add3A_796 = arith.addi %add3A_650, %add3A_795 : i32
        %mul3A_797 = arith.constant 84 : i32
        %mul3A_798 = arith.muli %add3A, %mul3A_797 : i32
        %add3A_799 = arith.addi %mul3A_798, %add3A_796 : i32
        %mul3A_800 = arith.constant 2 : i32
        %mul3A_801 = arith.muli %mul3A_800, %add3A_799 : i32
        %mul3A_802 = arith.constant 120 : i32
        %mul3A_803 = arith.muli %add3A_799, %mul3A_802 : i32
        %dma_wait3A_804 = arith.constant 4 : i32
        %dma_wait3A_805 = arith.constant 0 : i32
        %dma_wait3A_806 = tpu.memref_slice %arg7[%dma_wait3A_804, %dma_wait3A_805] : memref<8x120xi32, #tpu.memory_space<vmem>> -> memref<2x120xi32, #tpu.memory_space<vmem>>
        %dma_wait3A_807 = arith.constant 0 : i32
        %dma_wait3A_808 = tpu.memref_slice %arg3[%mul3A_801, %dma_wait3A_807] : memref<5376x120xi32, #tpu.memory_space<hbm>> -> memref<2x120xi32, #tpu.memory_space<hbm>>
        %dma_wait3A_809 = arith.constant 4 : i32
        %dma_wait3A_810 = arith.constant 0 : i32
        %dma_wait3A_811 = tpu.memref_slice %arg7[%dma_wait3A_809, %dma_wait3A_810] : memref<8x120xi32, #tpu.memory_space<vmem>> -> memref<2x120xi32, #tpu.memory_space<vmem>>
        %dma_wait3A_812 = arith.constant 0 : i32
        %dma_wait3A_813 = tpu.memref_slice %arg3[%mul3A_801, %dma_wait3A_812] : memref<5376x120xi32, #tpu.memory_space<hbm>> -> memref<2x120xi32, #tpu.memory_space<hbm>>
        tpu.wait_dma2 semaphore(%arg21 : memref<!tpu.dma_semaphore, #tpu.memory_space<semaphore_mem>>) src(%dma_wait3A_813 : memref<2x120xi32, #tpu.memory_space<hbm>>) dst(%dma_wait3A_811 : memref<2x120xi32, #tpu.memory_space<vmem>>)
        %dma_wait3A_814 = arith.constant 240 : i32
        %dma_wait3A_815 = tpu.memref_slice %arg8[%dma_wait3A_814] : memref<480xf32, #tpu.memory_space<vmem>> -> memref<120xf32, #tpu.memory_space<vmem>>
        %dma_wait3A_816 = tpu.memref_slice %arg4[%mul3A_803] : memref<322560xf32, #tpu.memory_space<hbm>> -> memref<120xf32, #tpu.memory_space<hbm>>
        %dma_wait3A_817 = arith.constant 240 : i32
        %dma_wait3A_818 = tpu.memref_slice %arg8[%dma_wait3A_817] : memref<480xf32, #tpu.memory_space<vmem>> -> memref<120xf32, #tpu.memory_space<vmem>>
        %dma_wait3A_819 = tpu.memref_slice %arg4[%mul3A_803] : memref<322560xf32, #tpu.memory_space<hbm>> -> memref<120xf32, #tpu.memory_space<hbm>>
        tpu.wait_dma2 semaphore(%arg21 : memref<!tpu.dma_semaphore, #tpu.memory_space<semaphore_mem>>) src(%dma_wait3A_819 : memref<120xf32, #tpu.memory_space<hbm>>) dst(%dma_wait3A_818 : memref<120xf32, #tpu.memory_space<vmem>>)
        %dma_start3A_820 = arith.constant 4 : i32
        %dma_start3A_821 = arith.constant 0 : i32
        %dma_start3A_822 = tpu.memref_slice %arg7[%dma_start3A_820, %dma_start3A_821] : memref<8x120xi32, #tpu.memory_space<vmem>> -> memref<1x120xi32, #tpu.memory_space<vmem>>
        %dma_start3A_823 = tpu.memref_squeeze %dma_start3A_822 : memref<1x120xi32, #tpu.memory_space<vmem>> -> memref<120xi32, #tpu.memory_space<vmem>>
        %dma_start3A_824 = arith.constant 0 : i32
        %dma_start3A_825 = arith.constant 0 : i32
        %dma_start3A_826 = tpu.memref_slice %arg2[%dma_start3A_824, %dma_start3A_825] : memref<10000x128xf32, #tpu.memory_space<hbm>> -> memref<10000x128xf32, #tpu.memory_space<hbm>>
        tpu.enqueue_indirect_dma source(%dma_start3A_826 : memref<10000x128xf32, #tpu.memory_space<hbm>>) target(%arg10 : memref<120x128xf32, #tpu.memory_space<vmem>>) offsets(%dma_start3A_823 : memref<120xi32, #tpu.memory_space<vmem>>) semaphore(%arg14 : memref<!tpu.dma_semaphore, #tpu.memory_space<semaphore_mem>>)
      } else {
      }
      %dma_wait3A_668 = arith.constant 2 : i32
      %dma_wait3A_669 = arith.constant 0 : i32
      %dma_wait3A_670 = tpu.memref_slice %arg7[%dma_wait3A_668, %dma_wait3A_669] : memref<8x120xi32, #tpu.memory_space<vmem>> -> memref<1x120xi32, #tpu.memory_space<vmem>>
      %dma_wait3A_671 = tpu.memref_squeeze %dma_wait3A_670 : memref<1x120xi32, #tpu.memory_space<vmem>> -> memref<120xi32, #tpu.memory_space<vmem>>
      %dma_wait3A_672 = arith.constant 0 : i32
      %dma_wait3A_673 = arith.constant 0 : i32
      %dma_wait3A_674 = tpu.memref_slice %arg2[%dma_wait3A_672, %dma_wait3A_673] : memref<10000x128xf32, #tpu.memory_space<hbm>> -> memref<10000x128xf32, #tpu.memory_space<hbm>>
      tpu.wait_indirect_dma semaphore(%arg13 : memref<!tpu.dma_semaphore, #tpu.memory_space<semaphore_mem>>) src(%dma_wait3A_674 : memref<10000x128xf32, #tpu.memory_space<hbm>>) dst(%arg9 : memref<120x128xf32, #tpu.memory_space<vmem>>)
      %add3A_675 = arith.constant 2 : i32
      %add3A_676 = arith.addi %add3A_650, %add3A_675 : i32
      %lt3A_677 = arith.constant 84 : i32
      %lt3A_678 = arith.cmpi slt, %add3A_676, %lt3A_677 : i32
      %convert_element_type3A_679 = arith.extui %lt3A_678 : i1 to i32
      %cond3A_680 = arith.constant 0 : i32
      %cond3A_681 = arith.cmpi ne, %convert_element_type3A_679, %cond3A_680 : i32
      scf.if %cond3A_681 {
        %add3A_795 = arith.constant 2 : i32
        %add3A_796 = arith.addi %add3A_650, %add3A_795 : i32
        %mul3A_797 = arith.constant 84 : i32
        %mul3A_798 = arith.muli %add3A, %mul3A_797 : i32
        %add3A_799 = arith.addi %mul3A_798, %add3A_796 : i32
        %mul3A_800 = arith.constant 2 : i32
        %mul3A_801 = arith.muli %mul3A_800, %add3A_799 : i32
        %mul3A_802 = arith.constant 120 : i32
        %mul3A_803 = arith.muli %add3A_799, %mul3A_802 : i32
        %dma_start3A_804 = arith.constant 6 : i32
        %dma_start3A_805 = arith.constant 0 : i32
        %dma_start3A_806 = tpu.memref_slice %arg7[%dma_start3A_804, %dma_start3A_805] : memref<8x120xi32, #tpu.memory_space<vmem>> -> memref<2x120xi32, #tpu.memory_space<vmem>>
        %dma_start3A_807 = arith.constant 0 : i32
        %dma_start3A_808 = tpu.memref_slice %arg3[%mul3A_801, %dma_start3A_807] : memref<5376x120xi32, #tpu.memory_space<hbm>> -> memref<2x120xi32, #tpu.memory_space<hbm>>
        %dma_start3A_809 = arith.constant 6 : i32
        %dma_start3A_810 = arith.constant 0 : i32
        %dma_start3A_811 = tpu.memref_slice %arg7[%dma_start3A_809, %dma_start3A_810] : memref<8x120xi32, #tpu.memory_space<vmem>> -> memref<2x120xi32, #tpu.memory_space<vmem>>
        %dma_start3A_812 = arith.constant 0 : i32
        %dma_start3A_813 = tpu.memref_slice %arg3[%mul3A_801, %dma_start3A_812] : memref<5376x120xi32, #tpu.memory_space<hbm>> -> memref<2x120xi32, #tpu.memory_space<hbm>>
        tpu.enqueue_dma source(%dma_start3A_813 : memref<2x120xi32, #tpu.memory_space<hbm>>) target(%dma_start3A_811 : memref<2x120xi32, #tpu.memory_space<vmem>>) target_semaphore(%arg22 : memref<!tpu.dma_semaphore, #tpu.memory_space<semaphore_mem>>)
        %dma_start3A_814 = arith.constant 360 : i32
        %dma_start3A_815 = tpu.memref_slice %arg8[%dma_start3A_814] : memref<480xf32, #tpu.memory_space<vmem>> -> memref<120xf32, #tpu.memory_space<vmem>>
        %dma_start3A_816 = tpu.memref_slice %arg4[%mul3A_803] : memref<322560xf32, #tpu.memory_space<hbm>> -> memref<120xf32, #tpu.memory_space<hbm>>
        %dma_start3A_817 = arith.constant 360 : i32
        %dma_start3A_818 = tpu.memref_slice %arg8[%dma_start3A_817] : memref<480xf32, #tpu.memory_space<vmem>> -> memref<120xf32, #tpu.memory_space<vmem>>
        %dma_start3A_819 = tpu.memref_slice %arg4[%mul3A_803] : memref<322560xf32, #tpu.memory_space<hbm>> -> memref<120xf32, #tpu.memory_space<hbm>>
        tpu.enqueue_dma source(%dma_start3A_819 : memref<120xf32, #tpu.memory_space<hbm>>) target(%dma_start3A_818 : memref<120xf32, #tpu.memory_space<vmem>>) target_semaphore(%arg22 : memref<!tpu.dma_semaphore, #tpu.memory_space<semaphore_mem>>)
      } else {
      }
      %scan3A_682 = arith.constant 0 : i32
      %scan3A_683 = arith.constant 0 : i32
      %scan3A_684 = arith.constant 120 : i32
      %scan3A_685 = arith.addi %scan3A_683, %scan3A_684 : i32
      %scan3A_686 = arith.constant 1 : i32
      %scan3A_687 = scf.for %scan3A_795 = %scan3A_683 to %scan3A_685 step %scan3A_686 iter_args(%scan3A_796 = %scan3A_682) -> (i32)  : i32 {
        %broadcast_in_dim3A = arith.constant 120 : i32
        %broadcast_in_dim3A_797 = vector.broadcast %broadcast_in_dim3A : i32 to vector<16xi32>
        %add3A_798 = vector.broadcast %scan3A_795 : i32 to vector<16xi32>
        %add3A_799 = arith.addi %broadcast_in_dim3A_797, %add3A_798 : vector<16xi32>
        %gather3A = tpu.vector_load_idx %arg8[%add3A_799] : memref<480xf32, #tpu.memory_space<vmem>>[vector<16xi32>], vector<16xf32>,
        %get3A_800 = arith.index_cast %scan3A_795 : i32 to index
        %get3A_801 = arith.constant 0 : index
        %get3A_802 = tpu.vector_load %arg9[%get3A_800, %get3A_801] {strides = array<i32>} : memref<120x128xf32, #tpu.memory_space<vmem>>, vector<16xf32>,
        %mul3A_803 = arith.mulf %gather3A, %get3A_33 : vector<16xf32>
        %add3A_804 = arith.addf %get3A_802, %mul3A_803 : vector<16xf32>
        %add3A_805 = arith.addf %add3A_804, %get3A_65 : vector<16xf32>
        %max3A = arith.constant 0.000000e+00 : f32
        %max3A_806 = vector.broadcast %max3A : f32 to vector<16xf32>
        %max3A_807 = arith.maximumf %add3A_805, %max3A_806 : vector<16xf32>
        %swap3A = arith.index_cast %scan3A_795 : i32 to index
        %swap3A_808 = arith.constant 0 : index
        %swap3A_809 = tpu.vector_load %arg9[%swap3A, %swap3A_808] {strides = array<i32>} : memref<120x128xf32, #tpu.memory_space<vmem>>, vector<16xf32>,
        tpu.vector_store %arg9[%swap3A, %swap3A_808], %max3A_807 {strides = array<i32>} : memref<120x128xf32, #tpu.memory_space<vmem>>, vector<16xf32>,
        %get3A_810 = arith.index_cast %scan3A_795 : i32 to index
        %get3A_811 = arith.constant 16 : index
        %get3A_812 = tpu.vector_load %arg9[%get3A_810, %get3A_811] {strides = array<i32>} : memref<120x128xf32, #tpu.memory_space<vmem>>, vector<16xf32>,
        %mul3A_813 = arith.mulf %gather3A, %get3A_37 : vector<16xf32>
        %add3A_814 = arith.addf %get3A_812, %mul3A_813 : vector<16xf32>
        %add3A_815 = arith.addf %add3A_814, %get3A_69 : vector<16xf32>
        %max3A_816 = arith.constant 0.000000e+00 : f32
        %max3A_817 = vector.broadcast %max3A_816 : f32 to vector<16xf32>
        %max3A_818 = arith.maximumf %add3A_815, %max3A_817 : vector<16xf32>
        %swap3A_819 = arith.index_cast %scan3A_795 : i32 to index
        %swap3A_820 = arith.constant 16 : index
        %swap3A_821 = tpu.vector_load %arg9[%swap3A_819, %swap3A_820] {strides = array<i32>} : memref<120x128xf32, #tpu.memory_space<vmem>>, vector<16xf32>,
        tpu.vector_store %arg9[%swap3A_819, %swap3A_820], %max3A_818 {strides = array<i32>} : memref<120x128xf32, #tpu.memory_space<vmem>>, vector<16xf32>,
        %get3A_822 = arith.index_cast %scan3A_795 : i32 to index
        %get3A_823 = arith.constant 32 : index
        %get3A_824 = tpu.vector_load %arg9[%get3A_822, %get3A_823] {strides = array<i32>} : memref<120x128xf32, #tpu.memory_space<vmem>>, vector<16xf32>,
        %mul3A_825 = arith.mulf %gather3A, %get3A_41 : vector<16xf32>
        %add3A_826 = arith.addf %get3A_824, %mul3A_825 : vector<16xf32>
        %add3A_827 = arith.addf %add3A_826, %get3A_73 : vector<16xf32>
        %max3A_828 = arith.constant 0.000000e+00 : f32
        %max3A_829 = vector.broadcast %max3A_828 : f32 to vector<16xf32>
        %max3A_830 = arith.maximumf %add3A_827, %max3A_829 : vector<16xf32>
        %swap3A_831 = arith.index_cast %scan3A_795 : i32 to index
        %swap3A_832 = arith.constant 32 : index
        %swap3A_833 = tpu.vector_load %arg9[%swap3A_831, %swap3A_832] {strides = array<i32>} : memref<120x128xf32, #tpu.memory_space<vmem>>, vector<16xf32>,
        tpu.vector_store %arg9[%swap3A_831, %swap3A_832], %max3A_830 {strides = array<i32>} : memref<120x128xf32, #tpu.memory_space<vmem>>, vector<16xf32>,
        %get3A_834 = arith.index_cast %scan3A_795 : i32 to index
        %get3A_835 = arith.constant 48 : index
        %get3A_836 = tpu.vector_load %arg9[%get3A_834, %get3A_835] {strides = array<i32>} : memref<120x128xf32, #tpu.memory_space<vmem>>, vector<16xf32>,
        %mul3A_837 = arith.mulf %gather3A, %get3A_45 : vector<16xf32>
        %add3A_838 = arith.addf %get3A_836, %mul3A_837 : vector<16xf32>
        %add3A_839 = arith.addf %add3A_838, %get3A_77 : vector<16xf32>
        %max3A_840 = arith.constant 0.000000e+00 : f32
        %max3A_841 = vector.broadcast %max3A_840 : f32 to vector<16xf32>
        %max3A_842 = arith.maximumf %add3A_839, %max3A_841 : vector<16xf32>
        %swap3A_843 = arith.index_cast %scan3A_795 : i32 to index
        %swap3A_844 = arith.constant 48 : index
        %swap3A_845 = tpu.vector_load %arg9[%swap3A_843, %swap3A_844] {strides = array<i32>} : memref<120x128xf32, #tpu.memory_space<vmem>>, vector<16xf32>,
        tpu.vector_store %arg9[%swap3A_843, %swap3A_844], %max3A_842 {strides = array<i32>} : memref<120x128xf32, #tpu.memory_space<vmem>>, vector<16xf32>,
        %get3A_846 = arith.index_cast %scan3A_795 : i32 to index
        %get3A_847 = arith.constant 64 : index
        %get3A_848 = tpu.vector_load %arg9[%get3A_846, %get3A_847] {strides = array<i32>} : memref<120x128xf32, #tpu.memory_space<vmem>>, vector<16xf32>,
        %mul3A_849 = arith.mulf %gather3A, %get3A_49 : vector<16xf32>
        %add3A_850 = arith.addf %get3A_848, %mul3A_849 : vector<16xf32>
        %add3A_851 = arith.addf %add3A_850, %get3A_81 : vector<16xf32>
        %max3A_852 = arith.constant 0.000000e+00 : f32
        %max3A_853 = vector.broadcast %max3A_852 : f32 to vector<16xf32>
        %max3A_854 = arith.maximumf %add3A_851, %max3A_853 : vector<16xf32>
        %swap3A_855 = arith.index_cast %scan3A_795 : i32 to index
        %swap3A_856 = arith.constant 64 : index
        %swap3A_857 = tpu.vector_load %arg9[%swap3A_855, %swap3A_856] {strides = array<i32>} : memref<120x128xf32, #tpu.memory_space<vmem>>, vector<16xf32>,
        tpu.vector_store %arg9[%swap3A_855, %swap3A_856], %max3A_854 {strides = array<i32>} : memref<120x128xf32, #tpu.memory_space<vmem>>, vector<16xf32>,
        %get3A_858 = arith.index_cast %scan3A_795 : i32 to index
        %get3A_859 = arith.constant 80 : index
        %get3A_860 = tpu.vector_load %arg9[%get3A_858, %get3A_859] {strides = array<i32>} : memref<120x128xf32, #tpu.memory_space<vmem>>, vector<16xf32>,
        %mul3A_861 = arith.mulf %gather3A, %get3A_53 : vector<16xf32>
        %add3A_862 = arith.addf %get3A_860, %mul3A_861 : vector<16xf32>
        %add3A_863 = arith.addf %add3A_862, %get3A_85 : vector<16xf32>
        %max3A_864 = arith.constant 0.000000e+00 : f32
        %max3A_865 = vector.broadcast %max3A_864 : f32 to vector<16xf32>
        %max3A_866 = arith.maximumf %add3A_863, %max3A_865 : vector<16xf32>
        %swap3A_867 = arith.index_cast %scan3A_795 : i32 to index
        %swap3A_868 = arith.constant 80 : index
        %swap3A_869 = tpu.vector_load %arg9[%swap3A_867, %swap3A_868] {strides = array<i32>} : memref<120x128xf32, #tpu.memory_space<vmem>>, vector<16xf32>,
        tpu.vector_store %arg9[%swap3A_867, %swap3A_868], %max3A_866 {strides = array<i32>} : memref<120x128xf32, #tpu.memory_space<vmem>>, vector<16xf32>,
        %get3A_870 = arith.index_cast %scan3A_795 : i32 to index
        %get3A_871 = arith.constant 96 : index
        %get3A_872 = tpu.vector_load %arg9[%get3A_870, %get3A_871] {strides = array<i32>} : memref<120x128xf32, #tpu.memory_space<vmem>>, vector<16xf32>,
        %mul3A_873 = arith.mulf %gather3A, %get3A_57 : vector<16xf32>
        %add3A_874 = arith.addf %get3A_872, %mul3A_873 : vector<16xf32>
        %add3A_875 = arith.addf %add3A_874, %get3A_89 : vector<16xf32>
        %max3A_876 = arith.constant 0.000000e+00 : f32
        %max3A_877 = vector.broadcast %max3A_876 : f32 to vector<16xf32>
        %max3A_878 = arith.maximumf %add3A_875, %max3A_877 : vector<16xf32>
        %swap3A_879 = arith.index_cast %scan3A_795 : i32 to index
        %swap3A_880 = arith.constant 96 : index
        %swap3A_881 = tpu.vector_load %arg9[%swap3A_879, %swap3A_880] {strides = array<i32>} : memref<120x128xf32, #tpu.memory_space<vmem>>, vector<16xf32>,
        tpu.vector_store %arg9[%swap3A_879, %swap3A_880], %max3A_878 {strides = array<i32>} : memref<120x128xf32, #tpu.memory_space<vmem>>, vector<16xf32>,
        %get3A_882 = arith.index_cast %scan3A_795 : i32 to index
        %get3A_883 = arith.constant 112 : index
        %get3A_884 = tpu.vector_load %arg9[%get3A_882, %get3A_883] {strides = array<i32>} : memref<120x128xf32, #tpu.memory_space<vmem>>, vector<16xf32>,
        %mul3A_885 = arith.mulf %gather3A, %get3A_61 : vector<16xf32>
        %add3A_886 = arith.addf %get3A_884, %mul3A_885 : vector<16xf32>
        %add3A_887 = arith.addf %add3A_886, %get3A_93 : vector<16xf32>
        %max3A_888 = arith.constant 0.000000e+00 : f32
        %max3A_889 = vector.broadcast %max3A_888 : f32 to vector<16xf32>
        %max3A_890 = arith.maximumf %add3A_887, %max3A_889 : vector<16xf32>
        %swap3A_891 = arith.index_cast %scan3A_795 : i32 to index
        %swap3A_892 = arith.constant 112 : index
        %swap3A_893 = tpu.vector_load %arg9[%swap3A_891, %swap3A_892] {strides = array<i32>} : memref<120x128xf32, #tpu.memory_space<vmem>>, vector<16xf32>,
        tpu.vector_store %arg9[%swap3A_891, %swap3A_892], %max3A_890 {strides = array<i32>} : memref<120x128xf32, #tpu.memory_space<vmem>>, vector<16xf32>,
        %scan3A_894 = arith.constant 0 : i32
        scf.yield %scan3A_894 : i32
      }
      %scan3A_688 = arith.constant 120 : i32
      %dma_start3A_689 = arith.constant 3 : i32
      %dma_start3A_690 = arith.constant 0 : i32
      %dma_start3A_691 = tpu.memref_slice %arg7[%dma_start3A_689, %dma_start3A_690] : memref<8x120xi32, #tpu.memory_space<vmem>> -> memref<1x120xi32, #tpu.memory_space<vmem>>
      %dma_start3A_692 = tpu.memref_squeeze %dma_start3A_691 : memref<1x120xi32, #tpu.memory_space<vmem>> -> memref<120xi32, #tpu.memory_space<vmem>>
      %dma_start3A_693 = arith.constant 0 : i32
      %dma_start3A_694 = arith.constant 0 : i32
      %dma_start3A_695 = tpu.memref_slice %arg23[%dma_start3A_693, %dma_start3A_694] : memref<10112x128xf32, #tpu.memory_space<vmem_shared>> -> memref<10112x128xf32, #tpu.memory_space<vmem_shared>>
      tpu.enqueue_indirect_dma source(%arg9 : memref<120x128xf32, #tpu.memory_space<vmem>>) target(%dma_start3A_695 : memref<10112x128xf32, #tpu.memory_space<vmem_shared>>) offsets(%dma_start3A_692 : memref<120xi32, #tpu.memory_space<vmem>>) semaphore(%arg16 : memref<!tpu.dma_semaphore, #tpu.memory_space<semaphore_mem>>) {add = true}
      %mul3A_696 = arith.constant 12 : i32
      %mul3A_697 = arith.muli %scan3A_206, %mul3A_696 : i32
      %add3A_698 = arith.constant 10 : i32
      %add3A_699 = arith.addi %mul3A_697, %add3A_698 : i32
      %ge3A_700 = arith.constant 2 : i32
      %ge3A_701 = arith.cmpi sge, %add3A_699, %ge3A_700 : i32
      %add3A_702 = arith.constant 1 : i32
      %add3A_703 = arith.addi %add3A_699, %add3A_702 : i32
      %lt3A_704 = arith.constant 84 : i32
      %lt3A_705 = arith.cmpi slt, %add3A_703, %lt3A_704 : i32
      %and3A_706 = arith.andi %ge3A_701, %lt3A_705 : i1
      %convert_element_type3A_707 = arith.extui %and3A_706 : i1 to i32
      %cond3A_708 = arith.constant 0 : i32
      %cond3A_709 = arith.cmpi ne, %convert_element_type3A_707, %cond3A_708 : i32
      scf.if %cond3A_709 {
        %dma_wait3A_795 = arith.constant 1 : i32
        %dma_wait3A_796 = arith.constant 0 : i32
        %dma_wait3A_797 = tpu.memref_slice %arg7[%dma_wait3A_795, %dma_wait3A_796] : memref<8x120xi32, #tpu.memory_space<vmem>> -> memref<1x120xi32, #tpu.memory_space<vmem>>
        %dma_wait3A_798 = tpu.memref_squeeze %dma_wait3A_797 : memref<1x120xi32, #tpu.memory_space<vmem>> -> memref<120xi32, #tpu.memory_space<vmem>>
        %dma_wait3A_799 = arith.constant 0 : i32
        %dma_wait3A_800 = arith.constant 0 : i32
        %dma_wait3A_801 = tpu.memref_slice %arg23[%dma_wait3A_799, %dma_wait3A_800] : memref<10112x128xf32, #tpu.memory_space<vmem_shared>> -> memref<10112x128xf32, #tpu.memory_space<vmem_shared>>
        tpu.wait_indirect_dma semaphore(%arg18 : memref<!tpu.dma_semaphore, #tpu.memory_space<semaphore_mem>>) src(%arg11 : memref<120x128xf32, #tpu.memory_space<vmem>>) dst(%dma_wait3A_801 : memref<10112x128xf32, #tpu.memory_space<vmem_shared>>)
      } else {
      }
      %add3A_710 = arith.constant 1 : i32
      %add3A_711 = arith.addi %add3A_699, %add3A_710 : i32
      %lt3A_712 = arith.constant 84 : i32
      %lt3A_713 = arith.cmpi slt, %add3A_711, %lt3A_712 : i32
      %convert_element_type3A_714 = arith.extui %lt3A_713 : i1 to i32
      %cond3A_715 = arith.constant 0 : i32
      %cond3A_716 = arith.cmpi ne, %convert_element_type3A_714, %cond3A_715 : i32
      scf.if %cond3A_716 {
        %add3A_795 = arith.constant 1 : i32
        %add3A_796 = arith.addi %add3A_699, %add3A_795 : i32
        %mul3A_797 = arith.constant 84 : i32
        %mul3A_798 = arith.muli %add3A, %mul3A_797 : i32
        %add3A_799 = arith.addi %mul3A_798, %add3A_796 : i32
        %mul3A_800 = arith.constant 2 : i32
        %mul3A_801 = arith.muli %mul3A_800, %add3A_799 : i32
        %mul3A_802 = arith.constant 120 : i32
        %mul3A_803 = arith.muli %add3A_799, %mul3A_802 : i32
        %dma_wait3A_804 = arith.constant 6 : i32
        %dma_wait3A_805 = arith.constant 0 : i32
        %dma_wait3A_806 = tpu.memref_slice %arg7[%dma_wait3A_804, %dma_wait3A_805] : memref<8x120xi32, #tpu.memory_space<vmem>> -> memref<2x120xi32, #tpu.memory_space<vmem>>
        %dma_wait3A_807 = arith.constant 0 : i32
        %dma_wait3A_808 = tpu.memref_slice %arg3[%mul3A_801, %dma_wait3A_807] : memref<5376x120xi32, #tpu.memory_space<hbm>> -> memref<2x120xi32, #tpu.memory_space<hbm>>
        %dma_wait3A_809 = arith.constant 6 : i32
        %dma_wait3A_810 = arith.constant 0 : i32
        %dma_wait3A_811 = tpu.memref_slice %arg7[%dma_wait3A_809, %dma_wait3A_810] : memref<8x120xi32, #tpu.memory_space<vmem>> -> memref<2x120xi32, #tpu.memory_space<vmem>>
        %dma_wait3A_812 = arith.constant 0 : i32
        %dma_wait3A_813 = tpu.memref_slice %arg3[%mul3A_801, %dma_wait3A_812] : memref<5376x120xi32, #tpu.memory_space<hbm>> -> memref<2x120xi32, #tpu.memory_space<hbm>>
        tpu.wait_dma2 semaphore(%arg22 : memref<!tpu.dma_semaphore, #tpu.memory_space<semaphore_mem>>) src(%dma_wait3A_813 : memref<2x120xi32, #tpu.memory_space<hbm>>) dst(%dma_wait3A_811 : memref<2x120xi32, #tpu.memory_space<vmem>>)
        %dma_wait3A_814 = arith.constant 360 : i32
        %dma_wait3A_815 = tpu.memref_slice %arg8[%dma_wait3A_814] : memref<480xf32, #tpu.memory_space<vmem>> -> memref<120xf32, #tpu.memory_space<vmem>>
        %dma_wait3A_816 = tpu.memref_slice %arg4[%mul3A_803] : memref<322560xf32, #tpu.memory_space<hbm>> -> memref<120xf32, #tpu.memory_space<hbm>>
        %dma_wait3A_817 = arith.constant 360 : i32
        %dma_wait3A_818 = tpu.memref_slice %arg8[%dma_wait3A_817] : memref<480xf32, #tpu.memory_space<vmem>> -> memref<120xf32, #tpu.memory_space<vmem>>
        %dma_wait3A_819 = tpu.memref_slice %arg4[%mul3A_803] : memref<322560xf32, #tpu.memory_space<hbm>> -> memref<120xf32, #tpu.memory_space<hbm>>
        tpu.wait_dma2 semaphore(%arg22 : memref<!tpu.dma_semaphore, #tpu.memory_space<semaphore_mem>>) src(%dma_wait3A_819 : memref<120xf32, #tpu.memory_space<hbm>>) dst(%dma_wait3A_818 : memref<120xf32, #tpu.memory_space<vmem>>)
        %dma_start3A_820 = arith.constant 6 : i32
        %dma_start3A_821 = arith.constant 0 : i32
        %dma_start3A_822 = tpu.memref_slice %arg7[%dma_start3A_820, %dma_start3A_821] : memref<8x120xi32, #tpu.memory_space<vmem>> -> memref<1x120xi32, #tpu.memory_space<vmem>>
        %dma_start3A_823 = tpu.memref_squeeze %dma_start3A_822 : memref<1x120xi32, #tpu.memory_space<vmem>> -> memref<120xi32, #tpu.memory_space<vmem>>
        %dma_start3A_824 = arith.constant 0 : i32
        %dma_start3A_825 = arith.constant 0 : i32
        %dma_start3A_826 = tpu.memref_slice %arg2[%dma_start3A_824, %dma_start3A_825] : memref<10000x128xf32, #tpu.memory_space<hbm>> -> memref<10000x128xf32, #tpu.memory_space<hbm>>
        tpu.enqueue_indirect_dma source(%dma_start3A_826 : memref<10000x128xf32, #tpu.memory_space<hbm>>) target(%arg11 : memref<120x128xf32, #tpu.memory_space<vmem>>) offsets(%dma_start3A_823 : memref<120xi32, #tpu.memory_space<vmem>>) semaphore(%arg15 : memref<!tpu.dma_semaphore, #tpu.memory_space<semaphore_mem>>)
      } else {
      }
      %dma_wait3A_717 = arith.constant 4 : i32
      %dma_wait3A_718 = arith.constant 0 : i32
      %dma_wait3A_719 = tpu.memref_slice %arg7[%dma_wait3A_717, %dma_wait3A_718] : memref<8x120xi32, #tpu.memory_space<vmem>> -> memref<1x120xi32, #tpu.memory_space<vmem>>
      %dma_wait3A_720 = tpu.memref_squeeze %dma_wait3A_719 : memref<1x120xi32, #tpu.memory_space<vmem>> -> memref<120xi32, #tpu.memory_space<vmem>>
      %dma_wait3A_721 = arith.constant 0 : i32
      %dma_wait3A_722 = arith.constant 0 : i32
      %dma_wait3A_723 = tpu.memref_slice %arg2[%dma_wait3A_721, %dma_wait3A_722] : memref<10000x128xf32, #tpu.memory_space<hbm>> -> memref<10000x128xf32, #tpu.memory_space<hbm>>
      tpu.wait_indirect_dma semaphore(%arg14 : memref<!tpu.dma_semaphore, #tpu.memory_space<semaphore_mem>>) src(%dma_wait3A_723 : memref<10000x128xf32, #tpu.memory_space<hbm>>) dst(%arg10 : memref<120x128xf32, #tpu.memory_space<vmem>>)
      %add3A_724 = arith.constant 2 : i32
      %add3A_725 = arith.addi %add3A_699, %add3A_724 : i32
      %lt3A_726 = arith.constant 84 : i32
      %lt3A_727 = arith.cmpi slt, %add3A_725, %lt3A_726 : i32
      %convert_element_type3A_728 = arith.extui %lt3A_727 : i1 to i32
      %cond3A_729 = arith.constant 0 : i32
      %cond3A_730 = arith.cmpi ne, %convert_element_type3A_728, %cond3A_729 : i32
      scf.if %cond3A_730 {
        %add3A_795 = arith.constant 2 : i32
        %add3A_796 = arith.addi %add3A_699, %add3A_795 : i32
        %mul3A_797 = arith.constant 84 : i32
        %mul3A_798 = arith.muli %add3A, %mul3A_797 : i32
        %add3A_799 = arith.addi %mul3A_798, %add3A_796 : i32
        %mul3A_800 = arith.constant 2 : i32
        %mul3A_801 = arith.muli %mul3A_800, %add3A_799 : i32
        %mul3A_802 = arith.constant 120 : i32
        %mul3A_803 = arith.muli %add3A_799, %mul3A_802 : i32
        %dma_start3A_804 = arith.constant 0 : i32
        %dma_start3A_805 = arith.constant 0 : i32
        %dma_start3A_806 = tpu.memref_slice %arg7[%dma_start3A_804, %dma_start3A_805] : memref<8x120xi32, #tpu.memory_space<vmem>> -> memref<2x120xi32, #tpu.memory_space<vmem>>
        %dma_start3A_807 = arith.constant 0 : i32
        %dma_start3A_808 = tpu.memref_slice %arg3[%mul3A_801, %dma_start3A_807] : memref<5376x120xi32, #tpu.memory_space<hbm>> -> memref<2x120xi32, #tpu.memory_space<hbm>>
        %dma_start3A_809 = arith.constant 0 : i32
        %dma_start3A_810 = arith.constant 0 : i32
        %dma_start3A_811 = tpu.memref_slice %arg7[%dma_start3A_809, %dma_start3A_810] : memref<8x120xi32, #tpu.memory_space<vmem>> -> memref<2x120xi32, #tpu.memory_space<vmem>>
        %dma_start3A_812 = arith.constant 0 : i32
        %dma_start3A_813 = tpu.memref_slice %arg3[%mul3A_801, %dma_start3A_812] : memref<5376x120xi32, #tpu.memory_space<hbm>> -> memref<2x120xi32, #tpu.memory_space<hbm>>
        tpu.enqueue_dma source(%dma_start3A_813 : memref<2x120xi32, #tpu.memory_space<hbm>>) target(%dma_start3A_811 : memref<2x120xi32, #tpu.memory_space<vmem>>) target_semaphore(%arg19 : memref<!tpu.dma_semaphore, #tpu.memory_space<semaphore_mem>>)
        %dma_start3A_814 = arith.constant 0 : i32
        %dma_start3A_815 = tpu.memref_slice %arg8[%dma_start3A_814] : memref<480xf32, #tpu.memory_space<vmem>> -> memref<120xf32, #tpu.memory_space<vmem>>
        %dma_start3A_816 = tpu.memref_slice %arg4[%mul3A_803] : memref<322560xf32, #tpu.memory_space<hbm>> -> memref<120xf32, #tpu.memory_space<hbm>>
        %dma_start3A_817 = arith.constant 0 : i32
        %dma_start3A_818 = tpu.memref_slice %arg8[%dma_start3A_817] : memref<480xf32, #tpu.memory_space<vmem>> -> memref<120xf32, #tpu.memory_space<vmem>>
        %dma_start3A_819 = tpu.memref_slice %arg4[%mul3A_803] : memref<322560xf32, #tpu.memory_space<hbm>> -> memref<120xf32, #tpu.memory_space<hbm>>
        tpu.enqueue_dma source(%dma_start3A_819 : memref<120xf32, #tpu.memory_space<hbm>>) target(%dma_start3A_818 : memref<120xf32, #tpu.memory_space<vmem>>) target_semaphore(%arg19 : memref<!tpu.dma_semaphore, #tpu.memory_space<semaphore_mem>>)
      } else {
      }
      %scan3A_731 = arith.constant 0 : i32
      %scan3A_732 = arith.constant 0 : i32
      %scan3A_733 = arith.constant 120 : i32
      %scan3A_734 = arith.addi %scan3A_732, %scan3A_733 : i32
      %scan3A_735 = arith.constant 1 : i32
      %scan3A_736 = scf.for %scan3A_795 = %scan3A_732 to %scan3A_734 step %scan3A_735 iter_args(%scan3A_796 = %scan3A_731) -> (i32)  : i32 {
        %broadcast_in_dim3A = arith.constant 240 : i32
        %broadcast_in_dim3A_797 = vector.broadcast %broadcast_in_dim3A : i32 to vector<16xi32>
        %add3A_798 = vector.broadcast %scan3A_795 : i32 to vector<16xi32>
        %add3A_799 = arith.addi %broadcast_in_dim3A_797, %add3A_798 : vector<16xi32>
        %gather3A = tpu.vector_load_idx %arg8[%add3A_799] : memref<480xf32, #tpu.memory_space<vmem>>[vector<16xi32>], vector<16xf32>,
        %get3A_800 = arith.index_cast %scan3A_795 : i32 to index
        %get3A_801 = arith.constant 0 : index
        %get3A_802 = tpu.vector_load %arg10[%get3A_800, %get3A_801] {strides = array<i32>} : memref<120x128xf32, #tpu.memory_space<vmem>>, vector<16xf32>,
        %mul3A_803 = arith.mulf %gather3A, %get3A_33 : vector<16xf32>
        %add3A_804 = arith.addf %get3A_802, %mul3A_803 : vector<16xf32>
        %add3A_805 = arith.addf %add3A_804, %get3A_65 : vector<16xf32>
        %max3A = arith.constant 0.000000e+00 : f32
        %max3A_806 = vector.broadcast %max3A : f32 to vector<16xf32>
        %max3A_807 = arith.maximumf %add3A_805, %max3A_806 : vector<16xf32>
        %swap3A = arith.index_cast %scan3A_795 : i32 to index
        %swap3A_808 = arith.constant 0 : index
        %swap3A_809 = tpu.vector_load %arg10[%swap3A, %swap3A_808] {strides = array<i32>} : memref<120x128xf32, #tpu.memory_space<vmem>>, vector<16xf32>,
        tpu.vector_store %arg10[%swap3A, %swap3A_808], %max3A_807 {strides = array<i32>} : memref<120x128xf32, #tpu.memory_space<vmem>>, vector<16xf32>,
        %get3A_810 = arith.index_cast %scan3A_795 : i32 to index
        %get3A_811 = arith.constant 16 : index
        %get3A_812 = tpu.vector_load %arg10[%get3A_810, %get3A_811] {strides = array<i32>} : memref<120x128xf32, #tpu.memory_space<vmem>>, vector<16xf32>,
        %mul3A_813 = arith.mulf %gather3A, %get3A_37 : vector<16xf32>
        %add3A_814 = arith.addf %get3A_812, %mul3A_813 : vector<16xf32>
        %add3A_815 = arith.addf %add3A_814, %get3A_69 : vector<16xf32>
        %max3A_816 = arith.constant 0.000000e+00 : f32
        %max3A_817 = vector.broadcast %max3A_816 : f32 to vector<16xf32>
        %max3A_818 = arith.maximumf %add3A_815, %max3A_817 : vector<16xf32>
        %swap3A_819 = arith.index_cast %scan3A_795 : i32 to index
        %swap3A_820 = arith.constant 16 : index
        %swap3A_821 = tpu.vector_load %arg10[%swap3A_819, %swap3A_820] {strides = array<i32>} : memref<120x128xf32, #tpu.memory_space<vmem>>, vector<16xf32>,
        tpu.vector_store %arg10[%swap3A_819, %swap3A_820], %max3A_818 {strides = array<i32>} : memref<120x128xf32, #tpu.memory_space<vmem>>, vector<16xf32>,
        %get3A_822 = arith.index_cast %scan3A_795 : i32 to index
        %get3A_823 = arith.constant 32 : index
        %get3A_824 = tpu.vector_load %arg10[%get3A_822, %get3A_823] {strides = array<i32>} : memref<120x128xf32, #tpu.memory_space<vmem>>, vector<16xf32>,
        %mul3A_825 = arith.mulf %gather3A, %get3A_41 : vector<16xf32>
        %add3A_826 = arith.addf %get3A_824, %mul3A_825 : vector<16xf32>
        %add3A_827 = arith.addf %add3A_826, %get3A_73 : vector<16xf32>
        %max3A_828 = arith.constant 0.000000e+00 : f32
        %max3A_829 = vector.broadcast %max3A_828 : f32 to vector<16xf32>
        %max3A_830 = arith.maximumf %add3A_827, %max3A_829 : vector<16xf32>
        %swap3A_831 = arith.index_cast %scan3A_795 : i32 to index
        %swap3A_832 = arith.constant 32 : index
        %swap3A_833 = tpu.vector_load %arg10[%swap3A_831, %swap3A_832] {strides = array<i32>} : memref<120x128xf32, #tpu.memory_space<vmem>>, vector<16xf32>,
        tpu.vector_store %arg10[%swap3A_831, %swap3A_832], %max3A_830 {strides = array<i32>} : memref<120x128xf32, #tpu.memory_space<vmem>>, vector<16xf32>,
        %get3A_834 = arith.index_cast %scan3A_795 : i32 to index
        %get3A_835 = arith.constant 48 : index
        %get3A_836 = tpu.vector_load %arg10[%get3A_834, %get3A_835] {strides = array<i32>} : memref<120x128xf32, #tpu.memory_space<vmem>>, vector<16xf32>,
        %mul3A_837 = arith.mulf %gather3A, %get3A_45 : vector<16xf32>
        %add3A_838 = arith.addf %get3A_836, %mul3A_837 : vector<16xf32>
        %add3A_839 = arith.addf %add3A_838, %get3A_77 : vector<16xf32>
        %max3A_840 = arith.constant 0.000000e+00 : f32
        %max3A_841 = vector.broadcast %max3A_840 : f32 to vector<16xf32>
        %max3A_842 = arith.maximumf %add3A_839, %max3A_841 : vector<16xf32>
        %swap3A_843 = arith.index_cast %scan3A_795 : i32 to index
        %swap3A_844 = arith.constant 48 : index
        %swap3A_845 = tpu.vector_load %arg10[%swap3A_843, %swap3A_844] {strides = array<i32>} : memref<120x128xf32, #tpu.memory_space<vmem>>, vector<16xf32>,
        tpu.vector_store %arg10[%swap3A_843, %swap3A_844], %max3A_842 {strides = array<i32>} : memref<120x128xf32, #tpu.memory_space<vmem>>, vector<16xf32>,
        %get3A_846 = arith.index_cast %scan3A_795 : i32 to index
        %get3A_847 = arith.constant 64 : index
        %get3A_848 = tpu.vector_load %arg10[%get3A_846, %get3A_847] {strides = array<i32>} : memref<120x128xf32, #tpu.memory_space<vmem>>, vector<16xf32>,
        %mul3A_849 = arith.mulf %gather3A, %get3A_49 : vector<16xf32>
        %add3A_850 = arith.addf %get3A_848, %mul3A_849 : vector<16xf32>
        %add3A_851 = arith.addf %add3A_850, %get3A_81 : vector<16xf32>
        %max3A_852 = arith.constant 0.000000e+00 : f32
        %max3A_853 = vector.broadcast %max3A_852 : f32 to vector<16xf32>
        %max3A_854 = arith.maximumf %add3A_851, %max3A_853 : vector<16xf32>
        %swap3A_855 = arith.index_cast %scan3A_795 : i32 to index
        %swap3A_856 = arith.constant 64 : index
        %swap3A_857 = tpu.vector_load %arg10[%swap3A_855, %swap3A_856] {strides = array<i32>} : memref<120x128xf32, #tpu.memory_space<vmem>>, vector<16xf32>,
        tpu.vector_store %arg10[%swap3A_855, %swap3A_856], %max3A_854 {strides = array<i32>} : memref<120x128xf32, #tpu.memory_space<vmem>>, vector<16xf32>,
        %get3A_858 = arith.index_cast %scan3A_795 : i32 to index
        %get3A_859 = arith.constant 80 : index
        %get3A_860 = tpu.vector_load %arg10[%get3A_858, %get3A_859] {strides = array<i32>} : memref<120x128xf32, #tpu.memory_space<vmem>>, vector<16xf32>,
        %mul3A_861 = arith.mulf %gather3A, %get3A_53 : vector<16xf32>
        %add3A_862 = arith.addf %get3A_860, %mul3A_861 : vector<16xf32>
        %add3A_863 = arith.addf %add3A_862, %get3A_85 : vector<16xf32>
        %max3A_864 = arith.constant 0.000000e+00 : f32
        %max3A_865 = vector.broadcast %max3A_864 : f32 to vector<16xf32>
        %max3A_866 = arith.maximumf %add3A_863, %max3A_865 : vector<16xf32>
        %swap3A_867 = arith.index_cast %scan3A_795 : i32 to index
        %swap3A_868 = arith.constant 80 : index
        %swap3A_869 = tpu.vector_load %arg10[%swap3A_867, %swap3A_868] {strides = array<i32>} : memref<120x128xf32, #tpu.memory_space<vmem>>, vector<16xf32>,
        tpu.vector_store %arg10[%swap3A_867, %swap3A_868], %max3A_866 {strides = array<i32>} : memref<120x128xf32, #tpu.memory_space<vmem>>, vector<16xf32>,
        %get3A_870 = arith.index_cast %scan3A_795 : i32 to index
        %get3A_871 = arith.constant 96 : index
        %get3A_872 = tpu.vector_load %arg10[%get3A_870, %get3A_871] {strides = array<i32>} : memref<120x128xf32, #tpu.memory_space<vmem>>, vector<16xf32>,
        %mul3A_873 = arith.mulf %gather3A, %get3A_57 : vector<16xf32>
        %add3A_874 = arith.addf %get3A_872, %mul3A_873 : vector<16xf32>
        %add3A_875 = arith.addf %add3A_874, %get3A_89 : vector<16xf32>
        %max3A_876 = arith.constant 0.000000e+00 : f32
        %max3A_877 = vector.broadcast %max3A_876 : f32 to vector<16xf32>
        %max3A_878 = arith.maximumf %add3A_875, %max3A_877 : vector<16xf32>
        %swap3A_879 = arith.index_cast %scan3A_795 : i32 to index
        %swap3A_880 = arith.constant 96 : index
        %swap3A_881 = tpu.vector_load %arg10[%swap3A_879, %swap3A_880] {strides = array<i32>} : memref<120x128xf32, #tpu.memory_space<vmem>>, vector<16xf32>,
        tpu.vector_store %arg10[%swap3A_879, %swap3A_880], %max3A_878 {strides = array<i32>} : memref<120x128xf32, #tpu.memory_space<vmem>>, vector<16xf32>,
        %get3A_882 = arith.index_cast %scan3A_795 : i32 to index
        %get3A_883 = arith.constant 112 : index
        %get3A_884 = tpu.vector_load %arg10[%get3A_882, %get3A_883] {strides = array<i32>} : memref<120x128xf32, #tpu.memory_space<vmem>>, vector<16xf32>,
        %mul3A_885 = arith.mulf %gather3A, %get3A_61 : vector<16xf32>
        %add3A_886 = arith.addf %get3A_884, %mul3A_885 : vector<16xf32>
        %add3A_887 = arith.addf %add3A_886, %get3A_93 : vector<16xf32>
        %max3A_888 = arith.constant 0.000000e+00 : f32
        %max3A_889 = vector.broadcast %max3A_888 : f32 to vector<16xf32>
        %max3A_890 = arith.maximumf %add3A_887, %max3A_889 : vector<16xf32>
        %swap3A_891 = arith.index_cast %scan3A_795 : i32 to index
        %swap3A_892 = arith.constant 112 : index
        %swap3A_893 = tpu.vector_load %arg10[%swap3A_891, %swap3A_892] {strides = array<i32>} : memref<120x128xf32, #tpu.memory_space<vmem>>, vector<16xf32>,
        tpu.vector_store %arg10[%swap3A_891, %swap3A_892], %max3A_890 {strides = array<i32>} : memref<120x128xf32, #tpu.memory_space<vmem>>, vector<16xf32>,
        %scan3A_894 = arith.constant 0 : i32
        scf.yield %scan3A_894 : i32
      }
      %scan3A_737 = arith.constant 120 : i32
      %dma_start3A_738 = arith.constant 5 : i32
      %dma_start3A_739 = arith.constant 0 : i32
      %dma_start3A_740 = tpu.memref_slice %arg7[%dma_start3A_738, %dma_start3A_739] : memref<8x120xi32, #tpu.memory_space<vmem>> -> memref<1x120xi32, #tpu.memory_space<vmem>>
      %dma_start3A_741 = tpu.memref_squeeze %dma_start3A_740 : memref<1x120xi32, #tpu.memory_space<vmem>> -> memref<120xi32, #tpu.memory_space<vmem>>
      %dma_start3A_742 = arith.constant 0 : i32
      %dma_start3A_743 = arith.constant 0 : i32
      %dma_start3A_744 = tpu.memref_slice %arg23[%dma_start3A_742, %dma_start3A_743] : memref<10112x128xf32, #tpu.memory_space<vmem_shared>> -> memref<10112x128xf32, #tpu.memory_space<vmem_shared>>
      tpu.enqueue_indirect_dma source(%arg10 : memref<120x128xf32, #tpu.memory_space<vmem>>) target(%dma_start3A_744 : memref<10112x128xf32, #tpu.memory_space<vmem_shared>>) offsets(%dma_start3A_741 : memref<120xi32, #tpu.memory_space<vmem>>) semaphore(%arg17 : memref<!tpu.dma_semaphore, #tpu.memory_space<semaphore_mem>>) {add = true}
      %mul3A_745 = arith.constant 12 : i32
      %mul3A_746 = arith.muli %scan3A_206, %mul3A_745 : i32
      %add3A_747 = arith.constant 11 : i32
      %add3A_748 = arith.addi %mul3A_746, %add3A_747 : i32
      %ge3A_749 = arith.constant 2 : i32
      %ge3A_750 = arith.cmpi sge, %add3A_748, %ge3A_749 : i32
      %add3A_751 = arith.constant 1 : i32
      %add3A_752 = arith.addi %add3A_748, %add3A_751 : i32
      %lt3A_753 = arith.constant 84 : i32
      %lt3A_754 = arith.cmpi slt, %add3A_752, %lt3A_753 : i32
      %and3A_755 = arith.andi %ge3A_750, %lt3A_754 : i1
      %convert_element_type3A_756 = arith.extui %and3A_755 : i1 to i32
      %cond3A_757 = arith.constant 0 : i32
      %cond3A_758 = arith.cmpi ne, %convert_element_type3A_756, %cond3A_757 : i32
      scf.if %cond3A_758 {
        %dma_wait3A_795 = arith.constant 3 : i32
        %dma_wait3A_796 = arith.constant 0 : i32
        %dma_wait3A_797 = tpu.memref_slice %arg7[%dma_wait3A_795, %dma_wait3A_796] : memref<8x120xi32, #tpu.memory_space<vmem>> -> memref<1x120xi32, #tpu.memory_space<vmem>>
        %dma_wait3A_798 = tpu.memref_squeeze %dma_wait3A_797 : memref<1x120xi32, #tpu.memory_space<vmem>> -> memref<120xi32, #tpu.memory_space<vmem>>
        %dma_wait3A_799 = arith.constant 0 : i32
        %dma_wait3A_800 = arith.constant 0 : i32
        %dma_wait3A_801 = tpu.memref_slice %arg23[%dma_wait3A_799, %dma_wait3A_800] : memref<10112x128xf32, #tpu.memory_space<vmem_shared>> -> memref<10112x128xf32, #tpu.memory_space<vmem_shared>>
        tpu.wait_indirect_dma semaphore(%arg16 : memref<!tpu.dma_semaphore, #tpu.memory_space<semaphore_mem>>) src(%arg9 : memref<120x128xf32, #tpu.memory_space<vmem>>) dst(%dma_wait3A_801 : memref<10112x128xf32, #tpu.memory_space<vmem_shared>>)
      } else {
      }
      %add3A_759 = arith.constant 1 : i32
      %add3A_760 = arith.addi %add3A_748, %add3A_759 : i32
      %lt3A_761 = arith.constant 84 : i32
      %lt3A_762 = arith.cmpi slt, %add3A_760, %lt3A_761 : i32
      %convert_element_type3A_763 = arith.extui %lt3A_762 : i1 to i32
      %cond3A_764 = arith.constant 0 : i32
      %cond3A_765 = arith.cmpi ne, %convert_element_type3A_763, %cond3A_764 : i32
      scf.if %cond3A_765 {
        %add3A_795 = arith.constant 1 : i32
        %add3A_796 = arith.addi %add3A_748, %add3A_795 : i32
        %mul3A_797 = arith.constant 84 : i32
        %mul3A_798 = arith.muli %add3A, %mul3A_797 : i32
        %add3A_799 = arith.addi %mul3A_798, %add3A_796 : i32
        %mul3A_800 = arith.constant 2 : i32
        %mul3A_801 = arith.muli %mul3A_800, %add3A_799 : i32
        %mul3A_802 = arith.constant 120 : i32
        %mul3A_803 = arith.muli %add3A_799, %mul3A_802 : i32
        %dma_wait3A_804 = arith.constant 0 : i32
        %dma_wait3A_805 = arith.constant 0 : i32
        %dma_wait3A_806 = tpu.memref_slice %arg7[%dma_wait3A_804, %dma_wait3A_805] : memref<8x120xi32, #tpu.memory_space<vmem>> -> memref<2x120xi32, #tpu.memory_space<vmem>>
        %dma_wait3A_807 = arith.constant 0 : i32
        %dma_wait3A_808 = tpu.memref_slice %arg3[%mul3A_801, %dma_wait3A_807] : memref<5376x120xi32, #tpu.memory_space<hbm>> -> memref<2x120xi32, #tpu.memory_space<hbm>>
        %dma_wait3A_809 = arith.constant 0 : i32
        %dma_wait3A_810 = arith.constant 0 : i32
        %dma_wait3A_811 = tpu.memref_slice %arg7[%dma_wait3A_809, %dma_wait3A_810] : memref<8x120xi32, #tpu.memory_space<vmem>> -> memref<2x120xi32, #tpu.memory_space<vmem>>
        %dma_wait3A_812 = arith.constant 0 : i32
        %dma_wait3A_813 = tpu.memref_slice %arg3[%mul3A_801, %dma_wait3A_812] : memref<5376x120xi32, #tpu.memory_space<hbm>> -> memref<2x120xi32, #tpu.memory_space<hbm>>
        tpu.wait_dma2 semaphore(%arg19 : memref<!tpu.dma_semaphore, #tpu.memory_space<semaphore_mem>>) src(%dma_wait3A_813 : memref<2x120xi32, #tpu.memory_space<hbm>>) dst(%dma_wait3A_811 : memref<2x120xi32, #tpu.memory_space<vmem>>)
        %dma_wait3A_814 = arith.constant 0 : i32
        %dma_wait3A_815 = tpu.memref_slice %arg8[%dma_wait3A_814] : memref<480xf32, #tpu.memory_space<vmem>> -> memref<120xf32, #tpu.memory_space<vmem>>
        %dma_wait3A_816 = tpu.memref_slice %arg4[%mul3A_803] : memref<322560xf32, #tpu.memory_space<hbm>> -> memref<120xf32, #tpu.memory_space<hbm>>
        %dma_wait3A_817 = arith.constant 0 : i32
        %dma_wait3A_818 = tpu.memref_slice %arg8[%dma_wait3A_817] : memref<480xf32, #tpu.memory_space<vmem>> -> memref<120xf32, #tpu.memory_space<vmem>>
        %dma_wait3A_819 = tpu.memref_slice %arg4[%mul3A_803] : memref<322560xf32, #tpu.memory_space<hbm>> -> memref<120xf32, #tpu.memory_space<hbm>>
        tpu.wait_dma2 semaphore(%arg19 : memref<!tpu.dma_semaphore, #tpu.memory_space<semaphore_mem>>) src(%dma_wait3A_819 : memref<120xf32, #tpu.memory_space<hbm>>) dst(%dma_wait3A_818 : memref<120xf32, #tpu.memory_space<vmem>>)
        %dma_start3A_820 = arith.constant 0 : i32
        %dma_start3A_821 = arith.constant 0 : i32
        %dma_start3A_822 = tpu.memref_slice %arg7[%dma_start3A_820, %dma_start3A_821] : memref<8x120xi32, #tpu.memory_space<vmem>> -> memref<1x120xi32, #tpu.memory_space<vmem>>
        %dma_start3A_823 = tpu.memref_squeeze %dma_start3A_822 : memref<1x120xi32, #tpu.memory_space<vmem>> -> memref<120xi32, #tpu.memory_space<vmem>>
        %dma_start3A_824 = arith.constant 0 : i32
        %dma_start3A_825 = arith.constant 0 : i32
        %dma_start3A_826 = tpu.memref_slice %arg2[%dma_start3A_824, %dma_start3A_825] : memref<10000x128xf32, #tpu.memory_space<hbm>> -> memref<10000x128xf32, #tpu.memory_space<hbm>>
        tpu.enqueue_indirect_dma source(%dma_start3A_826 : memref<10000x128xf32, #tpu.memory_space<hbm>>) target(%arg9 : memref<120x128xf32, #tpu.memory_space<vmem>>) offsets(%dma_start3A_823 : memref<120xi32, #tpu.memory_space<vmem>>) semaphore(%arg13 : memref<!tpu.dma_semaphore, #tpu.memory_space<semaphore_mem>>)
      } else {
      }
      %dma_wait3A_766 = arith.constant 6 : i32
      %dma_wait3A_767 = arith.constant 0 : i32
      %dma_wait3A_768 = tpu.memref_slice %arg7[%dma_wait3A_766, %dma_wait3A_767] : memref<8x120xi32, #tpu.memory_space<vmem>> -> memref<1x120xi32, #tpu.memory_space<vmem>>
      %dma_wait3A_769 = tpu.memref_squeeze %dma_wait3A_768 : memref<1x120xi32, #tpu.memory_space<vmem>> -> memref<120xi32, #tpu.memory_space<vmem>>
      %dma_wait3A_770 = arith.constant 0 : i32
      %dma_wait3A_771 = arith.constant 0 : i32
      %dma_wait3A_772 = tpu.memref_slice %arg2[%dma_wait3A_770, %dma_wait3A_771] : memref<10000x128xf32, #tpu.memory_space<hbm>> -> memref<10000x128xf32, #tpu.memory_space<hbm>>
      tpu.wait_indirect_dma semaphore(%arg15 : memref<!tpu.dma_semaphore, #tpu.memory_space<semaphore_mem>>) src(%dma_wait3A_772 : memref<10000x128xf32, #tpu.memory_space<hbm>>) dst(%arg11 : memref<120x128xf32, #tpu.memory_space<vmem>>)
      %add3A_773 = arith.constant 2 : i32
      %add3A_774 = arith.addi %add3A_748, %add3A_773 : i32
      %lt3A_775 = arith.constant 84 : i32
      %lt3A_776 = arith.cmpi slt, %add3A_774, %lt3A_775 : i32
      %convert_element_type3A_777 = arith.extui %lt3A_776 : i1 to i32
      %cond3A_778 = arith.constant 0 : i32
      %cond3A_779 = arith.cmpi ne, %convert_element_type3A_777, %cond3A_778 : i32
      scf.if %cond3A_779 {
        %add3A_795 = arith.constant 2 : i32
        %add3A_796 = arith.addi %add3A_748, %add3A_795 : i32
        %mul3A_797 = arith.constant 84 : i32
        %mul3A_798 = arith.muli %add3A, %mul3A_797 : i32
        %add3A_799 = arith.addi %mul3A_798, %add3A_796 : i32
        %mul3A_800 = arith.constant 2 : i32
        %mul3A_801 = arith.muli %mul3A_800, %add3A_799 : i32
        %mul3A_802 = arith.constant 120 : i32
        %mul3A_803 = arith.muli %add3A_799, %mul3A_802 : i32
        %dma_start3A_804 = arith.constant 2 : i32
        %dma_start3A_805 = arith.constant 0 : i32
        %dma_start3A_806 = tpu.memref_slice %arg7[%dma_start3A_804, %dma_start3A_805] : memref<8x120xi32, #tpu.memory_space<vmem>> -> memref<2x120xi32, #tpu.memory_space<vmem>>
        %dma_start3A_807 = arith.constant 0 : i32
        %dma_start3A_808 = tpu.memref_slice %arg3[%mul3A_801, %dma_start3A_807] : memref<5376x120xi32, #tpu.memory_space<hbm>> -> memref<2x120xi32, #tpu.memory_space<hbm>>
        %dma_start3A_809 = arith.constant 2 : i32
        %dma_start3A_810 = arith.constant 0 : i32
        %dma_start3A_811 = tpu.memref_slice %arg7[%dma_start3A_809, %dma_start3A_810] : memref<8x120xi32, #tpu.memory_space<vmem>> -> memref<2x120xi32, #tpu.memory_space<vmem>>
        %dma_start3A_812 = arith.constant 0 : i32
        %dma_start3A_813 = tpu.memref_slice %arg3[%mul3A_801, %dma_start3A_812] : memref<5376x120xi32, #tpu.memory_space<hbm>> -> memref<2x120xi32, #tpu.memory_space<hbm>>
        tpu.enqueue_dma source(%dma_start3A_813 : memref<2x120xi32, #tpu.memory_space<hbm>>) target(%dma_start3A_811 : memref<2x120xi32, #tpu.memory_space<vmem>>) target_semaphore(%arg20 : memref<!tpu.dma_semaphore, #tpu.memory_space<semaphore_mem>>)
        %dma_start3A_814 = arith.constant 120 : i32
        %dma_start3A_815 = tpu.memref_slice %arg8[%dma_start3A_814] : memref<480xf32, #tpu.memory_space<vmem>> -> memref<120xf32, #tpu.memory_space<vmem>>
        %dma_start3A_816 = tpu.memref_slice %arg4[%mul3A_803] : memref<322560xf32, #tpu.memory_space<hbm>> -> memref<120xf32, #tpu.memory_space<hbm>>
        %dma_start3A_817 = arith.constant 120 : i32
        %dma_start3A_818 = tpu.memref_slice %arg8[%dma_start3A_817] : memref<480xf32, #tpu.memory_space<vmem>> -> memref<120xf32, #tpu.memory_space<vmem>>
        %dma_start3A_819 = tpu.memref_slice %arg4[%mul3A_803] : memref<322560xf32, #tpu.memory_space<hbm>> -> memref<120xf32, #tpu.memory_space<hbm>>
        tpu.enqueue_dma source(%dma_start3A_819 : memref<120xf32, #tpu.memory_space<hbm>>) target(%dma_start3A_818 : memref<120xf32, #tpu.memory_space<vmem>>) target_semaphore(%arg20 : memref<!tpu.dma_semaphore, #tpu.memory_space<semaphore_mem>>)
      } else {
      }
      %scan3A_780 = arith.constant 0 : i32
      %scan3A_781 = arith.constant 0 : i32
      %scan3A_782 = arith.constant 120 : i32
      %scan3A_783 = arith.addi %scan3A_781, %scan3A_782 : i32
      %scan3A_784 = arith.constant 1 : i32
      %scan3A_785 = scf.for %scan3A_795 = %scan3A_781 to %scan3A_783 step %scan3A_784 iter_args(%scan3A_796 = %scan3A_780) -> (i32)  : i32 {
        %broadcast_in_dim3A = arith.constant 360 : i32
        %broadcast_in_dim3A_797 = vector.broadcast %broadcast_in_dim3A : i32 to vector<16xi32>
        %add3A_798 = vector.broadcast %scan3A_795 : i32 to vector<16xi32>
        %add3A_799 = arith.addi %broadcast_in_dim3A_797, %add3A_798 : vector<16xi32>
        %gather3A = tpu.vector_load_idx %arg8[%add3A_799] : memref<480xf32, #tpu.memory_space<vmem>>[vector<16xi32>], vector<16xf32>,
        %get3A_800 = arith.index_cast %scan3A_795 : i32 to index
        %get3A_801 = arith.constant 0 : index
        %get3A_802 = tpu.vector_load %arg11[%get3A_800, %get3A_801] {strides = array<i32>} : memref<120x128xf32, #tpu.memory_space<vmem>>, vector<16xf32>,
        %mul3A_803 = arith.mulf %gather3A, %get3A_33 : vector<16xf32>
        %add3A_804 = arith.addf %get3A_802, %mul3A_803 : vector<16xf32>
        %add3A_805 = arith.addf %add3A_804, %get3A_65 : vector<16xf32>
        %max3A = arith.constant 0.000000e+00 : f32
        %max3A_806 = vector.broadcast %max3A : f32 to vector<16xf32>
        %max3A_807 = arith.maximumf %add3A_805, %max3A_806 : vector<16xf32>
        %swap3A = arith.index_cast %scan3A_795 : i32 to index
        %swap3A_808 = arith.constant 0 : index
        %swap3A_809 = tpu.vector_load %arg11[%swap3A, %swap3A_808] {strides = array<i32>} : memref<120x128xf32, #tpu.memory_space<vmem>>, vector<16xf32>,
        tpu.vector_store %arg11[%swap3A, %swap3A_808], %max3A_807 {strides = array<i32>} : memref<120x128xf32, #tpu.memory_space<vmem>>, vector<16xf32>,
        %get3A_810 = arith.index_cast %scan3A_795 : i32 to index
        %get3A_811 = arith.constant 16 : index
        %get3A_812 = tpu.vector_load %arg11[%get3A_810, %get3A_811] {strides = array<i32>} : memref<120x128xf32, #tpu.memory_space<vmem>>, vector<16xf32>,
        %mul3A_813 = arith.mulf %gather3A, %get3A_37 : vector<16xf32>
        %add3A_814 = arith.addf %get3A_812, %mul3A_813 : vector<16xf32>
        %add3A_815 = arith.addf %add3A_814, %get3A_69 : vector<16xf32>
        %max3A_816 = arith.constant 0.000000e+00 : f32
        %max3A_817 = vector.broadcast %max3A_816 : f32 to vector<16xf32>
        %max3A_818 = arith.maximumf %add3A_815, %max3A_817 : vector<16xf32>
        %swap3A_819 = arith.index_cast %scan3A_795 : i32 to index
        %swap3A_820 = arith.constant 16 : index
        %swap3A_821 = tpu.vector_load %arg11[%swap3A_819, %swap3A_820] {strides = array<i32>} : memref<120x128xf32, #tpu.memory_space<vmem>>, vector<16xf32>,
        tpu.vector_store %arg11[%swap3A_819, %swap3A_820], %max3A_818 {strides = array<i32>} : memref<120x128xf32, #tpu.memory_space<vmem>>, vector<16xf32>,
        %get3A_822 = arith.index_cast %scan3A_795 : i32 to index
        %get3A_823 = arith.constant 32 : index
        %get3A_824 = tpu.vector_load %arg11[%get3A_822, %get3A_823] {strides = array<i32>} : memref<120x128xf32, #tpu.memory_space<vmem>>, vector<16xf32>,
        %mul3A_825 = arith.mulf %gather3A, %get3A_41 : vector<16xf32>
        %add3A_826 = arith.addf %get3A_824, %mul3A_825 : vector<16xf32>
        %add3A_827 = arith.addf %add3A_826, %get3A_73 : vector<16xf32>
        %max3A_828 = arith.constant 0.000000e+00 : f32
        %max3A_829 = vector.broadcast %max3A_828 : f32 to vector<16xf32>
        %max3A_830 = arith.maximumf %add3A_827, %max3A_829 : vector<16xf32>
        %swap3A_831 = arith.index_cast %scan3A_795 : i32 to index
        %swap3A_832 = arith.constant 32 : index
        %swap3A_833 = tpu.vector_load %arg11[%swap3A_831, %swap3A_832] {strides = array<i32>} : memref<120x128xf32, #tpu.memory_space<vmem>>, vector<16xf32>,
        tpu.vector_store %arg11[%swap3A_831, %swap3A_832], %max3A_830 {strides = array<i32>} : memref<120x128xf32, #tpu.memory_space<vmem>>, vector<16xf32>,
        %get3A_834 = arith.index_cast %scan3A_795 : i32 to index
        %get3A_835 = arith.constant 48 : index
        %get3A_836 = tpu.vector_load %arg11[%get3A_834, %get3A_835] {strides = array<i32>} : memref<120x128xf32, #tpu.memory_space<vmem>>, vector<16xf32>,
        %mul3A_837 = arith.mulf %gather3A, %get3A_45 : vector<16xf32>
        %add3A_838 = arith.addf %get3A_836, %mul3A_837 : vector<16xf32>
        %add3A_839 = arith.addf %add3A_838, %get3A_77 : vector<16xf32>
        %max3A_840 = arith.constant 0.000000e+00 : f32
        %max3A_841 = vector.broadcast %max3A_840 : f32 to vector<16xf32>
        %max3A_842 = arith.maximumf %add3A_839, %max3A_841 : vector<16xf32>
        %swap3A_843 = arith.index_cast %scan3A_795 : i32 to index
        %swap3A_844 = arith.constant 48 : index
        %swap3A_845 = tpu.vector_load %arg11[%swap3A_843, %swap3A_844] {strides = array<i32>} : memref<120x128xf32, #tpu.memory_space<vmem>>, vector<16xf32>,
        tpu.vector_store %arg11[%swap3A_843, %swap3A_844], %max3A_842 {strides = array<i32>} : memref<120x128xf32, #tpu.memory_space<vmem>>, vector<16xf32>,
        %get3A_846 = arith.index_cast %scan3A_795 : i32 to index
        %get3A_847 = arith.constant 64 : index
        %get3A_848 = tpu.vector_load %arg11[%get3A_846, %get3A_847] {strides = array<i32>} : memref<120x128xf32, #tpu.memory_space<vmem>>, vector<16xf32>,
        %mul3A_849 = arith.mulf %gather3A, %get3A_49 : vector<16xf32>
        %add3A_850 = arith.addf %get3A_848, %mul3A_849 : vector<16xf32>
        %add3A_851 = arith.addf %add3A_850, %get3A_81 : vector<16xf32>
        %max3A_852 = arith.constant 0.000000e+00 : f32
        %max3A_853 = vector.broadcast %max3A_852 : f32 to vector<16xf32>
        %max3A_854 = arith.maximumf %add3A_851, %max3A_853 : vector<16xf32>
        %swap3A_855 = arith.index_cast %scan3A_795 : i32 to index
        %swap3A_856 = arith.constant 64 : index
        %swap3A_857 = tpu.vector_load %arg11[%swap3A_855, %swap3A_856] {strides = array<i32>} : memref<120x128xf32, #tpu.memory_space<vmem>>, vector<16xf32>,
        tpu.vector_store %arg11[%swap3A_855, %swap3A_856], %max3A_854 {strides = array<i32>} : memref<120x128xf32, #tpu.memory_space<vmem>>, vector<16xf32>,
        %get3A_858 = arith.index_cast %scan3A_795 : i32 to index
        %get3A_859 = arith.constant 80 : index
        %get3A_860 = tpu.vector_load %arg11[%get3A_858, %get3A_859] {strides = array<i32>} : memref<120x128xf32, #tpu.memory_space<vmem>>, vector<16xf32>,
        %mul3A_861 = arith.mulf %gather3A, %get3A_53 : vector<16xf32>
        %add3A_862 = arith.addf %get3A_860, %mul3A_861 : vector<16xf32>
        %add3A_863 = arith.addf %add3A_862, %get3A_85 : vector<16xf32>
        %max3A_864 = arith.constant 0.000000e+00 : f32
        %max3A_865 = vector.broadcast %max3A_864 : f32 to vector<16xf32>
        %max3A_866 = arith.maximumf %add3A_863, %max3A_865 : vector<16xf32>
        %swap3A_867 = arith.index_cast %scan3A_795 : i32 to index
        %swap3A_868 = arith.constant 80 : index
        %swap3A_869 = tpu.vector_load %arg11[%swap3A_867, %swap3A_868] {strides = array<i32>} : memref<120x128xf32, #tpu.memory_space<vmem>>, vector<16xf32>,
        tpu.vector_store %arg11[%swap3A_867, %swap3A_868], %max3A_866 {strides = array<i32>} : memref<120x128xf32, #tpu.memory_space<vmem>>, vector<16xf32>,
        %get3A_870 = arith.index_cast %scan3A_795 : i32 to index
        %get3A_871 = arith.constant 96 : index
        %get3A_872 = tpu.vector_load %arg11[%get3A_870, %get3A_871] {strides = array<i32>} : memref<120x128xf32, #tpu.memory_space<vmem>>, vector<16xf32>,
        %mul3A_873 = arith.mulf %gather3A, %get3A_57 : vector<16xf32>
        %add3A_874 = arith.addf %get3A_872, %mul3A_873 : vector<16xf32>
        %add3A_875 = arith.addf %add3A_874, %get3A_89 : vector<16xf32>
        %max3A_876 = arith.constant 0.000000e+00 : f32
        %max3A_877 = vector.broadcast %max3A_876 : f32 to vector<16xf32>
        %max3A_878 = arith.maximumf %add3A_875, %max3A_877 : vector<16xf32>
        %swap3A_879 = arith.index_cast %scan3A_795 : i32 to index
        %swap3A_880 = arith.constant 96 : index
        %swap3A_881 = tpu.vector_load %arg11[%swap3A_879, %swap3A_880] {strides = array<i32>} : memref<120x128xf32, #tpu.memory_space<vmem>>, vector<16xf32>,
        tpu.vector_store %arg11[%swap3A_879, %swap3A_880], %max3A_878 {strides = array<i32>} : memref<120x128xf32, #tpu.memory_space<vmem>>, vector<16xf32>,
        %get3A_882 = arith.index_cast %scan3A_795 : i32 to index
        %get3A_883 = arith.constant 112 : index
        %get3A_884 = tpu.vector_load %arg11[%get3A_882, %get3A_883] {strides = array<i32>} : memref<120x128xf32, #tpu.memory_space<vmem>>, vector<16xf32>,
        %mul3A_885 = arith.mulf %gather3A, %get3A_61 : vector<16xf32>
        %add3A_886 = arith.addf %get3A_884, %mul3A_885 : vector<16xf32>
        %add3A_887 = arith.addf %add3A_886, %get3A_93 : vector<16xf32>
        %max3A_888 = arith.constant 0.000000e+00 : f32
        %max3A_889 = vector.broadcast %max3A_888 : f32 to vector<16xf32>
        %max3A_890 = arith.maximumf %add3A_887, %max3A_889 : vector<16xf32>
        %swap3A_891 = arith.index_cast %scan3A_795 : i32 to index
        %swap3A_892 = arith.constant 112 : index
        %swap3A_893 = tpu.vector_load %arg11[%swap3A_891, %swap3A_892] {strides = array<i32>} : memref<120x128xf32, #tpu.memory_space<vmem>>, vector<16xf32>,
        tpu.vector_store %arg11[%swap3A_891, %swap3A_892], %max3A_890 {strides = array<i32>} : memref<120x128xf32, #tpu.memory_space<vmem>>, vector<16xf32>,
        %scan3A_894 = arith.constant 0 : i32
        scf.yield %scan3A_894 : i32
      }
      %scan3A_786 = arith.constant 120 : i32
      %dma_start3A_787 = arith.constant 7 : i32
      %dma_start3A_788 = arith.constant 0 : i32
      %dma_start3A_789 = tpu.memref_slice %arg7[%dma_start3A_787, %dma_start3A_788] : memref<8x120xi32, #tpu.memory_space<vmem>> -> memref<1x120xi32, #tpu.memory_space<vmem>>
      %dma_start3A_790 = tpu.memref_squeeze %dma_start3A_789 : memref<1x120xi32, #tpu.memory_space<vmem>> -> memref<120xi32, #tpu.memory_space<vmem>>
      %dma_start3A_791 = arith.constant 0 : i32
      %dma_start3A_792 = arith.constant 0 : i32
      %dma_start3A_793 = tpu.memref_slice %arg23[%dma_start3A_791, %dma_start3A_792] : memref<10112x128xf32, #tpu.memory_space<vmem_shared>> -> memref<10112x128xf32, #tpu.memory_space<vmem_shared>>
      tpu.enqueue_indirect_dma source(%arg11 : memref<120x128xf32, #tpu.memory_space<vmem>>) target(%dma_start3A_793 : memref<10112x128xf32, #tpu.memory_space<vmem_shared>>) offsets(%dma_start3A_790 : memref<120xi32, #tpu.memory_space<vmem>>) semaphore(%arg18 : memref<!tpu.dma_semaphore, #tpu.memory_space<semaphore_mem>>) {add = true}
      %scan3A_794 = arith.constant 0 : i32
      scf.yield %scan3A_794 : i32
    }
    %scan3A_177 = arith.constant 7 : i32
    %dma_wait3A_178 = arith.constant 3 : i32
    %dma_wait3A_179 = arith.constant 0 : i32
    %dma_wait3A_180 = tpu.memref_slice %arg7[%dma_wait3A_178, %dma_wait3A_179] : memref<8x120xi32, #tpu.memory_space<vmem>> -> memref<1x120xi32, #tpu.memory_space<vmem>>
    %dma_wait3A_181 = tpu.memref_squeeze %dma_wait3A_180 : memref<1x120xi32, #tpu.memory_space<vmem>> -> memref<120xi32, #tpu.memory_space<vmem>>
    %dma_wait3A_182 = arith.constant 0 : i32
    %dma_wait3A_183 = arith.constant 0 : i32
    %dma_wait3A_184 = tpu.memref_slice %arg23[%dma_wait3A_182, %dma_wait3A_183] : memref<10112x128xf32, #tpu.memory_space<vmem_shared>> -> memref<10112x128xf32, #tpu.memory_space<vmem_shared>>
    tpu.wait_indirect_dma semaphore(%arg16 : memref<!tpu.dma_semaphore, #tpu.memory_space<semaphore_mem>>) src(%arg9 : memref<120x128xf32, #tpu.memory_space<vmem>>) dst(%dma_wait3A_184 : memref<10112x128xf32, #tpu.memory_space<vmem_shared>>)
    %dma_wait3A_185 = arith.constant 5 : i32
    %dma_wait3A_186 = arith.constant 0 : i32
    %dma_wait3A_187 = tpu.memref_slice %arg7[%dma_wait3A_185, %dma_wait3A_186] : memref<8x120xi32, #tpu.memory_space<vmem>> -> memref<1x120xi32, #tpu.memory_space<vmem>>
    %dma_wait3A_188 = tpu.memref_squeeze %dma_wait3A_187 : memref<1x120xi32, #tpu.memory_space<vmem>> -> memref<120xi32, #tpu.memory_space<vmem>>
    %dma_wait3A_189 = arith.constant 0 : i32
    %dma_wait3A_190 = arith.constant 0 : i32
    %dma_wait3A_191 = tpu.memref_slice %arg23[%dma_wait3A_189, %dma_wait3A_190] : memref<10112x128xf32, #tpu.memory_space<vmem_shared>> -> memref<10112x128xf32, #tpu.memory_space<vmem_shared>>
    tpu.wait_indirect_dma semaphore(%arg17 : memref<!tpu.dma_semaphore, #tpu.memory_space<semaphore_mem>>) src(%arg10 : memref<120x128xf32, #tpu.memory_space<vmem>>) dst(%dma_wait3A_191 : memref<10112x128xf32, #tpu.memory_space<vmem_shared>>)
    %dma_wait3A_192 = arith.constant 7 : i32
    %dma_wait3A_193 = arith.constant 0 : i32
    %dma_wait3A_194 = tpu.memref_slice %arg7[%dma_wait3A_192, %dma_wait3A_193] : memref<8x120xi32, #tpu.memory_space<vmem>> -> memref<1x120xi32, #tpu.memory_space<vmem>>
    %dma_wait3A_195 = tpu.memref_squeeze %dma_wait3A_194 : memref<1x120xi32, #tpu.memory_space<vmem>> -> memref<120xi32, #tpu.memory_space<vmem>>
    %dma_wait3A_196 = arith.constant 0 : i32
    %dma_wait3A_197 = arith.constant 0 : i32
    %dma_wait3A_198 = tpu.memref_slice %arg23[%dma_wait3A_196, %dma_wait3A_197] : memref<10112x128xf32, #tpu.memory_space<vmem_shared>> -> memref<10112x128xf32, #tpu.memory_space<vmem_shared>>
    tpu.wait_indirect_dma semaphore(%arg18 : memref<!tpu.dma_semaphore, #tpu.memory_space<semaphore_mem>>) src(%arg11 : memref<120x128xf32, #tpu.memory_space<vmem>>) dst(%dma_wait3A_198 : memref<10112x128xf32, #tpu.memory_space<vmem_shared>>)
    %barrier3A_199 = arith.constant 0 : index
    tpu.barrier barrier_id(%barrier3A_199)
    %lt3A = arith.constant 15 : i32
    %lt3A_200 = arith.cmpi slt, %arg1, %lt3A : i32
    %convert_element_type3A = arith.extui %lt3A_200 : i1 to i32
    %cond3A = arith.constant 0 : i32
    %cond3A_201 = arith.cmpi ne, %convert_element_type3A, %cond3A : i32
    scf.if %cond3A_201 {
      %mul3A_206 = arith.constant 624 : i32
      %mul3A_207 = arith.muli %arg1, %mul3A_206 : i32
      %mul3A_208 = arith.constant 624 : i32
      %mul3A_209 = arith.muli %arg1, %mul3A_208 : i32
      "tpu.region"() ({
        %run_scoped3A = tpu.sem_alloc : memref<!tpu.dma_semaphore, #tpu.memory_space<semaphore_mem>>
        %dma_start3A_210 = arith.constant 0 : i32
        %dma_start3A_211 = tpu.memref_slice %arg6[%arg0, %mul3A_209, %dma_start3A_210] : memref<2x10000x128xf32, #tpu.memory_space<hbm>> -> memref<1x624x128xf32, #tpu.memory_space<hbm>>
        %dma_start3A_212 = tpu.memref_squeeze %dma_start3A_211 : memref<1x624x128xf32, #tpu.memory_space<hbm>> -> memref<624x128xf32, #tpu.memory_space<hbm>>
        %dma_start3A_213 = arith.constant 0 : i32
        %dma_start3A_214 = tpu.memref_slice %arg23[%mul3A_207, %dma_start3A_213] : memref<10112x128xf32, #tpu.memory_space<vmem_shared>> -> memref<624x128xf32, #tpu.memory_space<vmem_shared>>
        tpu.enqueue_dma source(%dma_start3A_214 : memref<624x128xf32, #tpu.memory_space<vmem_shared>>) target(%dma_start3A_212 : memref<624x128xf32, #tpu.memory_space<hbm>>) target_semaphore(%run_scoped3A : memref<!tpu.dma_semaphore, #tpu.memory_space<semaphore_mem>>)
        %dma_wait3A_215 = arith.constant 0 : i32
        %dma_wait3A_216 = tpu.memref_slice %arg6[%arg0, %mul3A_209, %dma_wait3A_215] : memref<2x10000x128xf32, #tpu.memory_space<hbm>> -> memref<1x624x128xf32, #tpu.memory_space<hbm>>
        %dma_wait3A_217 = tpu.memref_squeeze %dma_wait3A_216 : memref<1x624x128xf32, #tpu.memory_space<hbm>> -> memref<624x128xf32, #tpu.memory_space<hbm>>
        %dma_wait3A_218 = arith.constant 0 : i32
        %dma_wait3A_219 = tpu.memref_slice %arg23[%mul3A_207, %dma_wait3A_218] : memref<10112x128xf32, #tpu.memory_space<vmem_shared>> -> memref<624x128xf32, #tpu.memory_space<vmem_shared>>
        tpu.wait_dma2 semaphore(%run_scoped3A : memref<!tpu.dma_semaphore, #tpu.memory_space<semaphore_mem>>) src(%dma_wait3A_219 : memref<624x128xf32, #tpu.memory_space<vmem_shared>>) dst(%dma_wait3A_217 : memref<624x128xf32, #tpu.memory_space<hbm>>)
        tpu.yield
      }) : () -> ()
    } else {
    }
    %eq3A = arith.constant 15 : i32
    %eq3A_202 = arith.cmpi eq, %arg1, %eq3A : i32
    %convert_element_type3A_203 = arith.extui %eq3A_202 : i1 to i32
    %cond3A_204 = arith.constant 0 : i32
    %cond3A_205 = arith.cmpi ne, %convert_element_type3A_203, %cond3A_204 : i32
    scf.if %cond3A_205 {
      "tpu.region"() ({
        %run_scoped3A = tpu.sem_alloc : memref<!tpu.dma_semaphore, #tpu.memory_space<semaphore_mem>>
        %dma_start3A_206 = arith.constant 9360 : i32
        %dma_start3A_207 = arith.constant 0 : i32
        %dma_start3A_208 = tpu.memref_slice %arg6[%arg0, %dma_start3A_206, %dma_start3A_207] : memref<2x10000x128xf32, #tpu.memory_space<hbm>> -> memref<1x640x128xf32, #tpu.memory_space<hbm>>
        %dma_start3A_209 = tpu.memref_squeeze %dma_start3A_208 : memref<1x640x128xf32, #tpu.memory_space<hbm>> -> memref<640x128xf32, #tpu.memory_space<hbm>>
        %dma_start3A_210 = arith.constant 9360 : i32
        %dma_start3A_211 = arith.constant 0 : i32
        %dma_start3A_212 = tpu.memref_slice %arg23[%dma_start3A_210, %dma_start3A_211] : memref<10112x128xf32, #tpu.memory_space<vmem_shared>> -> memref<640x128xf32, #tpu.memory_space<vmem_shared>>
        tpu.enqueue_dma source(%dma_start3A_212 : memref<640x128xf32, #tpu.memory_space<vmem_shared>>) target(%dma_start3A_209 : memref<640x128xf32, #tpu.memory_space<hbm>>) target_semaphore(%run_scoped3A : memref<!tpu.dma_semaphore, #tpu.memory_space<semaphore_mem>>)
        %dma_wait3A_213 = arith.constant 9360 : i32
        %dma_wait3A_214 = arith.constant 0 : i32
        %dma_wait3A_215 = tpu.memref_slice %arg6[%arg0, %dma_wait3A_213, %dma_wait3A_214] : memref<2x10000x128xf32, #tpu.memory_space<hbm>> -> memref<1x640x128xf32, #tpu.memory_space<hbm>>
        %dma_wait3A_216 = tpu.memref_squeeze %dma_wait3A_215 : memref<1x640x128xf32, #tpu.memory_space<hbm>> -> memref<640x128xf32, #tpu.memory_space<hbm>>
        %dma_wait3A_217 = arith.constant 9360 : i32
        %dma_wait3A_218 = arith.constant 0 : i32
        %dma_wait3A_219 = tpu.memref_slice %arg23[%dma_wait3A_217, %dma_wait3A_218] : memref<10112x128xf32, #tpu.memory_space<vmem_shared>> -> memref<640x128xf32, #tpu.memory_space<vmem_shared>>
        tpu.wait_dma2 semaphore(%run_scoped3A : memref<!tpu.dma_semaphore, #tpu.memory_space<semaphore_mem>>) src(%dma_wait3A_219 : memref<640x128xf32, #tpu.memory_space<vmem_shared>>) dst(%dma_wait3A_216 : memref<640x128xf32, #tpu.memory_space<hbm>>)
        tpu.yield
      }) : () -> ()
    } else {
    }
    return
  }
}

</mosaic_0001>

<sc_bundles>
// kernel: _sc_layer.3.cloned.1.call-start
scs
__scs_entry_jumppad:
0x0: {  	(pc) =	sbr.rel $0x88, $3  }
0x1: {  	(tag) =	ssettag $0x0;
	lr =	simm.s32 $0x1  }
0x2: {  	[smem:$0x3F9D] =	sst lr;
	_ =	strace $0xD0000000  }
0x3: {  	_ = 	snop  }
0x4: {  	_ = 	snop  }
0x5: {  	_ = 	snop  }
0x6: {  	_ = 	snop  }
0x7: {  	_ = 	snop  }
__scs_overlays_trampoline_lowered:
0x8: {  	[smem:$0x3FAC] =	sst s0  }
0x9: {  	[smem:$0x3FAD] =	sst s1  }
0xa: {  	[smem:$0x3FAE] =	sst s2  }
0xb: {  	[smem:$0x3FAF] =	sst s3  }
0xc: {  	[smem:$0x3FB0] =	sst s4  }
0xd: {  	[smem:$0x3FB1] =	sst s5  }
0xe: {  	[smem:$0x3FB2] =	sst s6  }
0xf: {  	[smem:$0x3FB3] =	sst s7  }
0x10: {  	[smem:$0x3FB4] =	sst s8  }
0x11: {  	[smem:$0x3FB5] =	sst s9;
	s0 =	simm.s32 @!p0 $0x0  }
0x12: {  	s1 =	sld [smem:$0x3F9B];
	s0 =	simm.s32 @p0 $0x1  }
0x13: {  	[smem:$0x3FB6] =	sst s0;
	s0 =	simm.s32 @!p1 $0x0  }
0x14: {  	s2 =	sld [smem:$0x3F9A];
	s0 =	simm.s32 @p1 $0x1  }
0x15: {  	[smem:$0x3FB7] =	sst s0;
	s0 =	simm.s32 @!p2 $0x0  }
0x16: {  	s3 =	sld [smem:$0x3FDB];
	s0 =	simm.s32 @p2 $0x1  }
0x17: {  	s4 =	simm.s32 $0x1BF5;
	[smem:$0x3FB9] =	sst s0  }
0x18: {  	s0 =	sld [smem:$0x3F9C];
	_ =	swait.ge [sflag:s4], $0x0  }
0x19: {  	s7 =	sld [smem:$0x3F9D]  }
0x1a: {  	s8 =	sadd.s32 $0xFFFFE003, lr  }
0x1b: {  	s9 =	sadd.s32 $0xFFFFFEF7, lr;
	s5 =	simm.s32 $0xFFFFFFFF;
	p2 =	slt.u32 s8, $0xFFFFF086  }
0x1c: {  	p1 =	slt.u32 s9, $0xF7A;
	s5 =	simm.s32 @!p2 $0x0  }
0x1d: {  	s5 =	simm.s32 @p1 $0x1;
	p0 =	seq.s32 s7, s2  }
0x1e: {  	s7 =	smul.u32 @!p0 $0xF7A, s2;
	p2 =	seq.s32 @!p0 s5, $0x0  }
0x1f: {  	s9 =	smul.u32 $0xF7A, s1;
	s8 =	simm.s32 @!p0 $0x1BF5;
	p2 =	por !p2, p0  }
0x20: {  	[sflag:s8] =	ssyncset.s32 @!p0 $0xFFFFF086;
	s6 =	sadd.s32 @!p0 s3, s7;
	s7 =	simm.s32 @!p0 $0x108  }
0x21: {  	s3 =	sadd.s32 s3, s9;
	s6 =	sadd.s32 @!p0 $0x88, s6;
	s7 =	simm.s32 @p2 $0x1082  }
0x22: {  	[simem:s7], [sflag:s8] =	dma.local @!p0 [hbm:s6], $0xF7A  }
0x23: {  	s9 =	sor.u32 $0xD0000000, s2;
	s6 =	simm.s32 $0x108;
	_ =	swait.ge @!p0 [sflag:s8], $0x0  }
0x24: {  	s3 =	sadd.s32 $0x88, s3;
	s6 =	simm.s32 @!p1 $0x1082;
	[sflag:s4] =	ssyncset.s32 $0xFFFFF086  }
0x25: {  	[simem:s6], [sflag:s4] =	dma.local [hbm:s3], $0xF7A  }
0x26: {  	[smem:$0x3F9D] =	sst s1;
	(tag) =	ssettag s2;
	_ =	strace s9  }
0x27: {  	s1 =	sld [smem:$0x3FAD]  }
0x28: {  	s2 =	sld [smem:$0x3FAE]  }
0x29: {  	s4 =	sld [smem:$0x3FB0]  }
0x2a: {  	p0 =	seq.s32 s5, $0x0;
	s5 =	sld [smem:$0x3FB1]  }
0x2b: {  	s6 =	sld [smem:$0x3FB2]  }
0x2c: {  	s7 =	sld [smem:$0x3FB3]  }
0x2d: {  	s3 =	simm.s32 $0x108;
	s8 =	sld [smem:$0x3FB4]  }
0x2e: {  	s3 =	simm.s32 @!p0 $0x1082;
	s9 =	sld [smem:$0x3FB5]  }
0x2f: {  	lr =	sadd.s32 s0, s3;
	s0 =	sld [smem:$0x3FAC]  }
0x30: {  	s3 =	sld [smem:$0x3FAF]  }
0x31: {  	[smem:$0x3FB8] =	sst s10  }
0x32: {  	s10 =	sld [smem:$0x3FB6];
	_ =	sdelay $0x3  }
0x33: {  	p0 =	seq.s32 s10, $0x1;
	s10 =	sld [smem:$0x3FB8];
	_ =	sdelay $0x3  }
0x34: {  	[smem:$0x3FB8] =	sst s10  }
0x35: {  	s10 =	sld [smem:$0x3FB7];
	_ =	sdelay $0x3  }
0x36: {  	p1 =	seq.s32 s10, $0x1;
	s10 =	sld [smem:$0x3FB8];
	_ =	sdelay $0x3  }
0x37: {  	[smem:$0x3FB8] =	sst s10  }
0x38: {  	s10 =	sld [smem:$0x3FB9]  }
0x39: {  	_ = 	snop;
	(pc) =	sbr.ind lr, $3  }
0x3a: {  	_ = 	snop  }
0x3b: {  	_ = 	snop  }
0x3c: {  	p2 =	seq.s32 s10, $0x1;
	s10 =	sld [smem:$0x3FB8]  }
0x3d: {  	_ =	shalt  }
0x3e: {  	_ =	shalt  }
0x3f: {  	_ =	shalt  }
0x40: {  	_ =	shalt  }
0x41: {  	_ =	shalt  }
0x42: {  	_ =	shalt  }
0x43: {  	_ =	shalt  }
0x44: {  	_ =	shalt  }
0x45: {  	_ =	shalt  }
0x46: {  	_ =	shalt  }
0x47: {  	_ =	shalt  }
0x48: {  	_ =	shalt  }
0x49: {  	_ =	shalt  }
0x4a: {  	_ =	shalt  }
0x4b: {  	_ =	shalt  }
0x4c: {  	_ =	shalt  }
0x4d: {  	_ =	shalt  }
0x4e: {  	_ =	shalt  }
0x4f: {  	_ =	shalt  }
0x50: {  	_ =	shalt  }
0x51: {  	_ =	shalt  }
0x52: {  	_ =	shalt  }
0x53: {  	_ =	shalt  }
0x54: {  	_ =	shalt  }
0x55: {  	_ =	shalt  }
0x56: {  	_ =	shalt  }
0x57: {  	_ =	shalt  }
0x58: {  	_ =	shalt  }
0x59: {  	_ =	shalt  }
0x5a: {  	_ =	shalt  }
0x5b: {  	_ =	shalt  }
0x5c: {  	_ =	shalt  }
0x5d: {  	_ =	shalt  }
0x5e: {  	_ =	shalt  }
0x5f: {  	_ =	shalt  }
0x60: {  	_ =	shalt  }
0x61: {  	_ =	shalt  }
0x62: {  	_ =	shalt  }
0x63: {  	_ =	shalt  }
0x64: {  	_ =	shalt  }
0x65: {  	_ =	shalt  }
0x66: {  	_ =	shalt  }
0x67: {  	_ =	shalt  }
0x68: {  	_ =	shalt  }
0x69: {  	_ =	shalt  }
0x6a: {  	_ =	shalt  }
0x6b: {  	_ =	shalt  }
0x6c: {  	_ =	shalt  }
0x6d: {  	_ =	shalt  }
0x6e: {  	_ =	shalt  }
0x6f: {  	_ =	shalt  }
0x70: {  	_ =	shalt  }
0x71: {  	_ =	shalt  }
0x72: {  	_ =	shalt  }
0x73: {  	_ =	shalt  }
0x74: {  	_ =	shalt  }
0x75: {  	_ =	shalt  }
0x76: {  	_ =	shalt  }
0x77: {  	_ =	shalt  }
0x78: {  	_ =	shalt  }
0x79: {  	_ =	shalt  }
0x7a: {  	_ =	shalt  }
0x7b: {  	_ =	shalt  }
0x7c: {  	_ =	shalt  }
0x7d: {  	_ =	shalt  }
0x7e: {  	_ =	shalt  }
0x7f: {  	_ =	shalt  }
0x80: {  	_ =	shalt  }
0x81: {  	_ =	shalt  }
0x82: {  	_ =	shalt  }
0x83: {  	_ =	shalt  }
0x84: {  	_ =	shalt  }
0x85: {  	_ =	shalt  }
0x86: {  	_ =	shalt  }
0x87: {  	_ =	shalt  }
.Lfunc_end0:
.L_simem_size_0:
called_computation_lowered:
.L_overlay_start_0:
0x88: {  	s2 =	sld [smem:$0x3FD9]  }
0x89: {  	s3 =	sld [smem:$0x3FFE];
	_ =	sdelay $0x1  }
0x8a: {  	s1 =	srdreg.scid  }
0x8b: {  	s0 =	sand.u32 $0x1, s1  }
0x8c: {  	s17 =	sshll.u32 s0, $0xA;
	s2 =	sadd.s32 s3, s2  }
0x8d: {  	s2 =	sadd.s32 s2, s17  }
0x8e: {  	[smem:$0x3FC4] =	sst s2  }
0x8f: {  	_ = 	snop  }
0x90: {  	s2 =	sld [smem:$0x3FC9]  }
0x91: {  	s18 =	sld [smem:$0x3FC7]  }
0x92: {  	s4 =	sld [smem:$0x3FC6]  }
0x93: {  	s5 =	sld [smem:$0x3FD0];
	(tm) =	ssettm $0x1  }
0x94: {  	s6 =	sld [smem:$0x3FFB];
	_ =	sdelay $0x3  }
0x95: {  	_ =	strace s6  }
0x96: {  	s6 =	sld [smem:$0x3FFC];
	_ =	sdelay $0x3  }
0x97: {  	_ =	strace s6  }
0x98: {  	s6 =	sld [smem:$0x3FFD];
	_ =	sdelay $0x3  }
0x99: {  	_ =	strace s6  }
0x9a: {  	_ =	strace $0x8FFFFFFF  }
0x9b: {  	s19 =	sld [smem:$0x3FDB];
	_ =	sdelay $0x1  }
0x9c: {  	s7 =	simm.s32 $_scs_section_size  }
0x9d: {  	s8 =	simm.s32 $_size__tile_overlayer_lowered;
	s9 =	simm.s32 $_tile_overlayer_lowered  }
0x9e: {  	s22 =	simm.s32 $0x1BFF;
	s21 =	sshll.u32 s9, $0x1;
	s6 =	sadd.s32 s7, s19  }
0x9f: {  	s10 =	simm.s32 $0x0;
	s20 =	sshll.u32 s8, $0x1;
	s8 =	sadd.s32 s21, s6  }
0xa0: {  	[timem:s10], [sflag:s22] =	dma.local [hbm:s8], s20  }
0xa1: {  	_ =	swait.ge [sflag:s22], s20  }
0xa2: {  	s7 =	ssub.s32 $0x0, s20;
	[sflag:s22] =	ssyncset.done $0x0  }
0xa3: {  	[sflag:s22] =	ssyncadd.s32 s7;
	_ =	sdelay $0x1  }
0xa4: {  	s23 =	simm.s32 $0x1B8B  }
0xa5: {  	_ =	swait.ge [sflag:s23], $0x1  }
0xa6: {  	[sflag:s23] =	ssyncset.done $0x0  }
0xa7: {  	s25 =	simm.s32 $0x1B8E;
	s24 =	sld [smem:$0x3FFE];
	[sflag:s23] =	ssyncadd.s32 $0xFFFFFFFF  }
0xa8: {  	s26 =	simm.s32 $execute0_lowered;
	[smem:$0x3FD2] =	sst s25  }
0xa9: {  	s8 =	sshll.u32 s26, $0x1;
	_ =	strace $0x80000046;
	[dreg:$0x1] =	wrdreg $0xFFFFFFFF  }
0xaa: {  	s28 =	simm.s32 $_size_execute0_lowered;
	s6 =	sadd.s32 s6, s8;
	[dreg:$0x0] =	wrdreg $0x0  }
0xab: {  	s8 =	sshll.u32 s28, $0x1;
	[dreg:$0x2] =	wrdreg s6  }
0xac: {  	[dreg:$0x3] =	wrdreg s8  }
0xad: {  	[dreg:$0x4] =	wrdreg $0xC0  }
0xae: {  	_ =	task [dreg:s10], $0x5FFFF  }
0xaf: {  	[dreg:$0x1] =	wrdreg $0xFFFFFFFF  }
0xb0: {  	[dreg:$0x0] =	wrdreg $0x60  }
0xb1: {  	[dreg:$0x2] =	wrdreg s2  }
0xb2: {  	[dreg:$0x3] =	wrdreg s24  }
0xb3: {  	[dreg:$0x4] =	wrdreg s18  }
0xb4: {  	[dreg:$0x5] =	wrdreg s4  }
0xb5: {  	[dreg:$0x6] =	wrdreg s5  }
0xb6: {  	[dreg:$0x7] =	wrdreg $0xBB000  }
0xb7: {  	[dreg:$0x8] =	wrdreg $0x9  }
0xb8: {  	_ =	task.clear_ibuf [dreg:s10], $0x9FFFF;
	_ =	strace $0x90000046  }
0xb9: {  	s29 =	simm.s32 $0x9;
	_ =	strace $0x80000048  }
0xba: {  	_ =	swait.ge [sflag:s29], $0x1  }
0xbb: {  	[sflag:s29] =	ssyncadd.s32 $0xFFFFFFFF  }
0xbc: {  	_ =	strace $0x90000048  }
0xbd: {  	_ =	sfence  }
0xbe: {  	s30 =	sld [smem:$0x0];
	_ =	sdelay $0x2  }
0xbf: {  	s31 =	sshll.u32 s1, $0xD;
	s1 =	sshrl.u32 s1, $0x2  }
0xc0: {  	s3 =	sand.u32 $0x4000, s31;
	s1 =	sadd.s32 s1, s30  }
0xc1: {  	s0 =	sor.u32 s3, s0;
	s1 =	sshll.u32 s1, $0x11  }
0xc2: {  	s0 =	sor.u32 s1, s0  }
0xc3: {  	s0 =	sadd.s32 $0x8F2B, s0  }
0xc4: {  	[sflag:s0] =	ssyncadd.remote.s32 $0x1  }
0xc5: {  	_ =	sfence.sel $0xFFFF  }
0xc6: {  	[dreg:$0x0] =	wrdreg $0xFFFFFFFF;
	(pc) =	sbr.abs _section_cstart, $3  }
0xc7: {  	[dreg:$0x1] =	wrdreg $0xFFFFFFFF  }
0xc8: {  	_ =	task.clear_ibuf [dreg:s10], $0x2FFFF;
	_ =	strace $0x9FFFFFFF  }
0xc9: {  	(tm) =	ssettm $0x7FFFFFFF  }
tec
execute0_lowered:
.L_overlay_start_1:
0x0: {  	(tag) =	ssettag $0x1  }
0x1: {  	s1 =	rddreg [dreg:$0x0]  }
0x2: {  	s0 =	rddreg [dreg:$0x1]  }
0x3: {  	s2 =	rddreg [dreg:$0x2]  }
0x4: {  	s3 =	rddreg [dreg:$0x4]  }
0x5: {  	s5 =	rddreg [dreg:$0x5]  }
0x6: {  	s6 =	simm.s32 $0x0;
	s4 =	srdreg.scid;
	s11 =	stileid.u32  }
0x7: {  	s28 =	simm.s32 $0xA;
	s29 =	simm.s32 $0x280;
	s30 =	simm.s32 $0x5  }
0x8: {  	s31 =	simm.s32 $0x380;
	[smem:$0x7FF] =	sst s6;
	s18 =	smul.u32 $0x4F000, s11  }
0x9: {  	s4 =	sand.u32 $0x1, s4;
	s7 =	sadd.s32 $0x400, s0;
	s15 =	smul.u32 $0x4E000, s11  }
0xa: {  	p0 =	seq.s32 s11, $0xF;
	_ =	strace $0x80000047;
	s6 =	sshrl.u32 s18, $0x2  }
0xb: {  	s19 =	sshll.u32 s4, $0x4;
	s8 =	ssub.s32 $0x2, s4;
	s12 =	sadd.s32 s6, s5  }
0xc: {  	s4 =	smul.u32 $0x138800, s4;
	s21 =	sadd.s32 $0x3C00, s12;
	[dreg:$0x7] =	wrdreg s12  }
0xd: {  	s0 =	sor.u32 s11, s19;
	s10 =	sadd.s32 $0x7800, s12;
	[dreg:$0x8] =	wrdreg s21  }
0xe: {  	s9 =	sshrl.u32 s8, $0x1;
	s23 =	sadd.s32 $0xB400, s12;
	[dreg:$0x9] =	wrdreg s10  }
0xf: {  	s8 =	ssub.s32 s8, s9;
	s13 =	sadd.s32 $0xF000, s12;
	[dreg:$0xa] =	wrdreg s23  }
0x10: {  	s22 =	smul.u32 $0x4EC, s0;
	s12 =	sadd.s32 $0x10000, s12;
	[dreg:$0xb] =	wrdreg s13  }
0x11: {  	s20 =	smul.u32 $0xA80, s0;
	s18 =	smax.u32 s8, $0x1;
	[dreg:$0xc] =	wrdreg s12  }
0x12: {  	s24 =	smul.u32 $0x2760, s0;
	s9 =	sadd.s32 s2, s22;
	[dreg:$0x16] =	wrdreg s18  }
0x13: {  	s12 =	smul.u32 $0x54, s0;
	s25 =	sadd.s32 s7, s20;
	[dreg:$0xf] =	wrdreg s9  }
0x14: {  	s26 =	sadd.s32 $0x78, s24;
	[dreg:$0xe] =	wrdreg s25;
	s14 =	sadd.s32 $0x20, s25  }
0x15: {  	s8 =	simm.s32 $0x2;
	s0 =	sshrl.u32 s26, $0x3;
	[dreg:$0x10] =	wrdreg s14  }
0x16: {  	s10 =	smul.u32 $0x13800, s11;
	s0 =	sadd.s32 s2, s0;
	[dreg:$0xd] =	wrdreg s12  }
0x17: {  	s11 =	simm.s32 $0x100;
	s16 =	sadd.s32 $0x4, s12;
	[dreg:$0x11] =	wrdreg s0  }
0x18: {  	s13 =	simm.s32 $0x7;
	s17 =	sadd.s32 $0x5, s12;
	[dreg:$0x12] =	wrdreg s16  }
0x19: {  	s18 =	simm.s32 $0x4200;
	s19 =	sadd.s32 $0x6, s12;
	[dreg:$0x13] =	wrdreg s17  }
0x1a: {  	s9 =	simm.s32 $0x600;
	s20 =	sadd.s32 $0x7, s12;
	[dreg:$0x19] =	wrdreg s19  }
0x1b: {  	s6 =	sadd.s32 s10, s4;
	s21 =	sadd.s32 $0x8, s12;
	[dreg:$0x1a] =	wrdreg s20  }
0x1c: {  	s4 =	sshrl.u32 s4, $0x3;
	s22 =	sadd.s32 $0x9, s12;
	[dreg:$0x1b] =	wrdreg s21  }
0x1d: {  	s23 =	sadd.s32 $0xA, s12;
	s24 =	sadd.s32 $0xB, s12;
	[dreg:$0x1c] =	wrdreg s22  }
0x1e: {  	s25 =	sadd.s32 $0xC, s12;
	s26 =	sadd.s32 $0xD, s12;
	[dreg:$0x1d] =	wrdreg s23  }
0x1f: {  	s10 =	simm.s32 $0x400;
	s14 =	simm.s32 $0x3;
	[dreg:$0x1e] =	wrdreg s24  }
0x20: {  	s12 =	simm.s32 $0x0;
	s6 =	sshrl.u32 s6, $0x3;
	[dreg:$0x1f] =	wrdreg s25  }
0x21: {  	s0 =	sshrl.u32 s15, $0x2;
	[smem:$0x7FD] =	sst s26;
	s19 =	simm.s32 $0xB  }
0x22: {  	s16 =	simm.s32 $0x78;
	s17 =	simm.s32 $0x8;
	s21 =	simm.s32 $0x1  }
0x23: {  	s22 =	simm.s32 $0x200;
	s25 =	simm.s32 $0x9;
	s15 =	simm.s32 $0x7E00  }
0x24: {  	s20 =	simm.s32 $0x180;
	s6 =	sadd.s32 s3, s6;
	s3 =	sadd.s32 s3, s4  }
0x25: {  	s0 =	sadd.s32 s0, s5;
	[dreg:$0x14] =	wrdreg s6;
	s3 =	sadd.s32 $0x24900, s3  }
0x26: {  	s0 =	sshrl.u32 @!p0 s0, $0x3;
	[dreg:$0x15] =	wrdreg s3;
	s3 =	sadd.s32 $0x124800, s5  }
0x27: {  	s26 =	simm.s32 $0x4;
	[dreg:$0x18] =	wrdreg s0;
	s3 =	sshrl.u32 @p0 s3, $0x3  }
0x28: {  	v0 =	vimm.f32 $0.0e+00;
	s4 =	simm.s32 $0x300;
	s0 =	simm.s32 $0x6;
	[dreg:$0x17] =	wrdreg s3  }
.LBB2_1:
0x29: {  	[smem:$0x7FC] =	sst s12  }
0x2a: {  	s3 =	rddreg [dreg:$0x3];
	s6 =	simm.s32 $0x0;
	s24 =	simm.s32 $0xBA00  }
0x2b: {  	[tilespmem:s24], [sflag:$0xB] =	stream.linear.gather [hbm4b:s3+s6], $0x100, $0x38;
	[tilespmem:$0x1F700] =	vst v63  }
0x2c: {  	_ =	swait.ge [sflag:s19], $0x100  }
0x2d: {  	[sflag:s19] =	ssyncset.done $0x0  }
0x2e: {  	s3 =	simm.s32 $0x0;
	s6 =	simm.s32 $0x200;
	[sflag:s19] =	ssyncadd.s32 $0xFFFFFF00  }
.LBB2_2:
0x2f: {  	p1 =	sne.s32 s6, $0xEE00;
	[tilespmem:s3+$0x670] =	vst v0  }
0x30: {  	[tilespmem:s3+$0x600] =	vst v0  }
0x31: {  	[tilespmem:s3+$0x610] =	vst v0  }
.Ltmp0:
0x32: {  	[tilespmem:s3+$0x620] =	vst v0;
	(pc) =	sbr.rel @p1 .LBB2_2-.Ltmp0, $4  }
0x33: {  	[tilespmem:s3+$0x630] =	vst v0  }
0x34: {  	[tilespmem:s3+$0x640] =	vst v0  }
0x35: {  	[tilespmem:s3+$0x650] =	vst v0  }
0x36: {  	[tilespmem:s3+$0x660] =	vst v0;
	s3 =	sshra.s32 s6, $0x2;
	s6 =	sadd.s32 $0x200, s6  }
0x37: {  	[tilespmem:s3+$0x670] =	vst v0  }
0x38: {  	[tilespmem:s3+$0x600] =	vst v0  }
0x39: {  	[tilespmem:s3+$0x610] =	vst v0  }
0x3a: {  	[tilespmem:s3+$0x620] =	vst v0  }
0x3b: {  	[tilespmem:s3+$0x630] =	vst v0  }
0x3c: {  	[tilespmem:s3+$0x640] =	vst v0  }
0x3d: {  	[tilespmem:s3+$0x650] =	vst v0  }
0x3e: {  	[tilespmem:s3+$0x660] =	vst v0;
	s6 =	rddreg [dreg:$0x7]  }
0x3f: {  	[spmem:s6] =	stream.linear.scatter [tilespmem:s9], [sflag:$0xB], $0x3C00, $0x38;
	[tilespmem:$0x1F700] =	vst v63  }
0x40: {  	_ =	swait.ge [sflag:s19], $0x3C00  }
0x41: {  	[sflag:s19] =	ssyncset.done $0x0  }
0x42: {  	s12 =	rddreg [dreg:$0x8];
	[sflag:s19] =	ssyncadd.s32 $0xFFFFC400  }
0x43: {  	[spmem:s12] =	stream.linear.scatter [tilespmem:s9], [sflag:$0xB], $0x3C00, $0x38;
	[tilespmem:$0x1F700] =	vst v63  }
0x44: {  	_ =	swait.ge [sflag:s19], $0x3C00  }
0x45: {  	[sflag:s19] =	ssyncset.done $0x0  }
0x46: {  	s23 =	rddreg [dreg:$0x9];
	[sflag:s19] =	ssyncadd.s32 $0xFFFFC400  }
0x47: {  	[spmem:s23] =	stream.linear.scatter [tilespmem:s9], [sflag:$0xB], $0x3C00, $0x38;
	[tilespmem:$0x1F700] =	vst v63  }
0x48: {  	_ =	swait.ge [sflag:s19], $0x3C00  }
0x49: {  	[sflag:s19] =	ssyncset.done $0x0  }
0x4a: {  	s24 =	rddreg [dreg:$0xa];
	[sflag:s19] =	ssyncadd.s32 $0xFFFFC400  }
0x4b: {  	[spmem:s24] =	stream.linear.scatter [tilespmem:s9], [sflag:$0xB], $0x3C00, $0x38;
	[tilespmem:$0x1F700] =	vst v63  }
0x4c: {  	_ =	swait.ge [sflag:s19], $0x3C00  }
0x4d: {  	[sflag:s19] =	ssyncset.done $0x0  }
0x4e: {  	s6 =	rddreg [dreg:$0xb];
	[sflag:s19] =	ssyncadd.s32 $0xFFFFC400  }
0x4f: {  	[spmem:s6] =	stream.linear.scatter [tilespmem:s9], [sflag:$0xB], $0x3C00, $0x38;
	[tilespmem:$0x1F700] =	vst v63  }
0x50: {  	_ =	swait.ge [sflag:s19], $0x3C00  }
0x51: {  	[sflag:s19] =	ssyncset.done $0x0  }
0x52: {  	s12 =	rddreg [dreg:$0xc];
	[sflag:s19] =	ssyncadd.s32 $0xFFFFC400  }
0x53: {  	[spmem:s12] =	stream.linear.scatter [tilespmem:s9], [sflag:$0xB], $0x3C00, $0x38;
	[tilespmem:$0x1F700] =	vst v63  }
0x54: {  	_ =	swait.ge [sflag:s19], $0x3C00  }
0x55: {  	[sflag:s19] =	ssyncset.done $0x0  }
0x56: {  	[sflag:s19] =	ssyncadd.s32 $0xFFFFC400  }
0x57: {  	[bflag:$0x0] =	sbarrier.arrive $0xFFFF  }
0x58: {  	v1 =	vld [tilespmem:$0xBA00]  }
0x59: {  	v2 =	vld [tilespmem:$0xBA10]  }
0x5a: {  	v3 =	vld [tilespmem:$0xBA20]  }
0x5b: {  	v4 =	vld [tilespmem:$0xBA30]  }
0x5c: {  	v5 =	vld [tilespmem:$0xBA40]  }
0x5d: {  	v6 =	vld [tilespmem:$0xBA50]  }
0x5e: {  	v7 =	vld [tilespmem:$0xBA60]  }
0x5f: {  	v8 =	vld [tilespmem:$0xBA70]  }
0x60: {  	v9 =	vld [tilespmem:$0xBA80]  }
0x61: {  	v10 =	vld [tilespmem:$0xBA90]  }
0x62: {  	v11 =	vld [tilespmem:$0xBAA0]  }
0x63: {  	v12 =	vld [tilespmem:$0xBAB0]  }
0x64: {  	v13 =	vld [tilespmem:$0xBAC0]  }
0x65: {  	v14 =	vld [tilespmem:$0xBAD0]  }
0x66: {  	s3 =	simm.s32 $0x0;
	v15 =	vld [tilespmem:$0xBAE0];
	s6 =	rddreg [dreg:$0xe]  }
0x67: {  	v16 =	vld [tilespmem:$0xBAF0];
	[tilespmem:s3], [sflag:$0x7] =	stream.linear.gather [hbm4b:s6+s3], $0x100, $0x38  }
0x68: {  	s19 =	rddreg [dreg:$0xf]  }
0x69: {  	[tilespmem:s10], [sflag:$0x7] =	stream.linear.gather [hbm4b:s19+s3], $0x78, $0x38;
	[tilespmem:$0x1F700] =	vst v63  }
0x6a: {  	s23 =	rddreg [dreg:$0x10]  }
0x6b: {  	[tilespmem:s11], [sflag:$0x8] =	stream.linear.gather [hbm4b:s23+s3], $0x100, $0x38;
	[tilespmem:$0x1F700] =	vst v63  }
0x6c: {  	s12 =	simm.s32 $0x478;
	s24 =	rddreg [dreg:$0x11]  }
0x6d: {  	[tilespmem:s12], [sflag:$0x8] =	stream.linear.gather [hbm4b:s24+s3], $0x78, $0x38;
	[tilespmem:$0x1F700] =	vst v63  }
0x6e: {  	_ =	swait.ge [sflag:s13], $0x100  }
0x6f: {  	[sflag:s13] =	ssyncset.done $0x0  }
0x70: {  	[sflag:s13] =	ssyncadd.s32 $0xFFFFFF00  }
0x71: {  	_ =	swait.ge [sflag:s13], $0x78  }
0x72: {  	[sflag:s13] =	ssyncset.done $0x0  }
0x73: {  	s6 =	simm.s32 $0x0;
	[sflag:s13] =	ssyncadd.s32 $0xFFFFFF88  }
0x74: {  	[tilespmem:s9], [sflag:$0x1] =	stream.indirect.gather [hbm4b:s1+s16], $0x80, s3, s16, $0xb8;
	[tilespmem:$0x1F700] =	vst v63  }
.LBB2_4:
0x75: {  	p1 =	seq.s32 s6, $0x0  }
0x76: {  	s12 =	simm.s32 @!p1 $0x5  }
0x77: {  	_ =	swait.ge @!p1 [sflag:s12], $0x3C00  }
0x78: {  	[sflag:s12] =	ssyncset.done @!p1 $0x0  }
0x79: {  	[sflag:s12] =	ssyncadd.s32 @!p1 $0xFFFFC400  }
0x7a: {  	_ =	swait.ge [sflag:s17], $0x100  }
0x7b: {  	[sflag:s17] =	ssyncset.done $0x0  }
0x7c: {  	[sflag:s17] =	ssyncadd.s32 $0xFFFFFF00  }
0x7d: {  	s12 =	smul.u32 $0xC, s6;
	_ =	swait.ge [sflag:s17], $0x78  }
0x7e: {  	[sflag:s17] =	ssyncset.done $0x0;
	s19 =	rddreg [dreg:$0xd]  }
0x7f: {  	[sflag:s17] =	ssyncadd.s32 $0xFFFFFF88;
	s23 =	sadd.s32 s12, s19  }
0x80: {  	[tilespmem:s18], [sflag:$0x2] =	stream.indirect.gather [hbm4b:s1+s16], $0x80, s11, s16, $0xb8;
	[tilespmem:$0x1F700] =	vst v63  }
0x81: {  	s19 =	sadd.s32 $0x2, s23  }
0x82: {  	_ =	swait.ge [sflag:s21], $0x3C00;
	s24 =	sshll.u32 s19, $0x5  }
0x83: {  	v17 =	vmov s3;
	[sflag:s21] =	ssyncset.done $0x0;
	s24 =	sand.u32 $0x1FFFFFC0, s24  }
0x84: {  	s19 =	smul.u32 $0xF, s19;
	[sflag:s21] =	ssyncadd.s32 $0xFFFFC400;
	s24 =	sadd.s32 s7, s24  }
0x85: {  	[tilespmem:s22], [sflag:$0x9] =	stream.linear.gather [hbm4b:s24+s3], $0x100, $0x38;
	[tilespmem:$0x1F700] =	vst v63  }
0x86: {  	s19 =	sadd.s32 s2, s19;
	s24 =	simm.s32 $0x4F0  }
0x87: {  	[tilespmem:s24], [sflag:$0x9] =	stream.linear.gather [hbm4b:s19+s3], $0x78, $0x38;
	[tilespmem:$0x1F700] =	vst v63  }
0x88: {  	v17 =	vld.idx.msk [tilespmem:v17+s10+$0x0], $0xffff  }
0x89: {  	s24 =	simm.s32 $0x640  }
0x8a: {  	v19 =	vld [tilespmem:s24+$0xFFFFFFC0]  }
0x8b: {  	v18 =	vld [tilespmem:s24+$0xFFFFFFD0]  }
0x8c: {  	v20 =	vld [tilespmem:s24+$0xFFFFFFE0]  }
0x8d: {  	v21 =	vld [tilespmem:s24+$0xFFFFFFF0];
	v22 =	vmul.f32 v17, v1  }
0x8e: {  	v25 =	vld [tilespmem:s24+$0x0];
	v23 =	vmul.f32 v17, v2  }
0x8f: {  	v24 =	vmul.f32 v17, v3;
	v26 =	vmul.f32 v17, v4;
	v19 =	vadd.f32 v22, v19;
	v22 =	vld [tilespmem:s24+$0x10]  }
0x90: {  	v62 =	vld [tilespmem:s24+$0x20];
	v63 =	vmul.f32 v17, v6;
	v28 =	vmul.f32 v17, v7;
	v18 =	vadd.f32 v18, v23  }
0x91: {  	v27 =	vld [tilespmem:s24+$0x30];
	v23 =	vmul.f32 v17, v5;
	v20 =	vadd.f32 v20, v24;
	v19 =	vadd.f32 v19, v9  }
0x92: {  	v21 =	vadd.f32 v21, v26;
	v17 =	vmul.f32 v17, v8;
	v18 =	vadd.f32 v18, v10  }
0x93: {  	v20 =	vadd.f32 v20, v11;
	v23 =	vadd.f32 v25, v23;
	v19 =	vmax.f32 v19, $0.0e+00  }
0x94: {  	v21 =	vadd.f32 v21, v12;
	v18 =	vmax.f32 v18, $0.0e+00;
	[tilespmem:s24+$0xFFFFFFC0] =	vst v19;
	v19 =	vadd.f32 v22, v63  }
0x95: {  	v20 =	vmax.f32 v20, $0.0e+00;
	[tilespmem:s24+$0xFFFFFFD0] =	vst v18;
	v22 =	vadd.f32 v23, v13;
	v23 =	vadd.f32 v62, v28  }
0x96: {  	s19 =	simm.s32 $0x1;
	v21 =	vmax.f32 v21, $0.0e+00;
	[tilespmem:s24+$0xFFFFFFE0] =	vst v20;
	v18 =	vadd.f32 v19, v14;
	v19 =	vadd.f32 v27, v17  }
0x97: {  	[tilespmem:s24+$0xFFFFFFF0] =	vst v21;
	v17 =	vmov s19;
	s19 =	simm.s32 $0x2;
	v21 =	vmax.f32 v22, $0.0e+00;
	v20 =	vadd.f32 v23, v15  }
.LBB2_5:
0x98: {  	p2 =	sne.s32 s19, $0x77;
	[tilespmem:s24+$0x0] =	vst v21;
	v18 =	vmax.f32 v18, $0.0e+00;
	v19 =	vadd.f32 v19, v16  }
0x99: {  	[tilespmem:s24+$0x10] =	vst v18;
	v18 =	vmax.f32 v20, $0.0e+00  }
0x9a: {  	[tilespmem:s24+$0x20] =	vst v18;
	v18 =	vmax.f32 v19, $0.0e+00  }
0x9b: {  	[tilespmem:s24+$0x30] =	vst v18  }
0x9c: {  	s24 =	sadd.s32 $0x80, s24;
	v17 =	vld.idx.msk [tilespmem:v17+s10+$0x0], $0xffff  }
0x9d: {  	v18 =	vld [tilespmem:s24+$0xFFFFFFF0]  }
0x9e: {  	v19 =	vld [tilespmem:s24+$0xFFFFFFD0]  }
0x9f: {  	v20 =	vld [tilespmem:s24+$0xFFFFFFC0]  }
0xa0: {  	v21 =	vld [tilespmem:s24+$0xFFFFFFE0];
	_ =	sdelay $0x1  }
0xa1: {  	v22 =	vmul.f32 v17, v1;
	v23 =	vmul.f32 v17, v2  }
0xa2: {  	v24 =	vmul.f32 v17, v3;
	v25 =	vmul.f32 v17, v4;
	v26 =	vld [tilespmem:s24+$0x0]  }
0xa3: {  	v19 =	vadd.f32 v19, v23;
	v20 =	vadd.f32 v22, v20;
	v22 =	vmul.f32 v17, v5;
	v23 =	vld [tilespmem:s24+$0x10]  }
0xa4: {  	v18 =	vadd.f32 v18, v25;
	v21 =	vadd.f32 v21, v24;
	v24 =	vmul.f32 v17, v6;
	v25 =	vld [tilespmem:s24+$0x20]  }
0xa5: {  	v27 =	vmul.f32 v17, v7;
	v19 =	vadd.f32 v19, v10;
	v20 =	vadd.f32 v20, v9;
	v28 =	vld [tilespmem:s24+$0x30]  }
0xa6: {  	v18 =	vadd.f32 v18, v12;
	v17 =	vmul.f32 v17, v8;
	v21 =	vadd.f32 v21, v11  }
.Ltmp1:
0xa7: {  	v19 =	vmax.f32 v19, $0.0e+00;
	v20 =	vmax.f32 v20, $0.0e+00;
	v22 =	vadd.f32 v26, v22;
	(pc) =	sbr.rel @p2 .LBB2_5-.Ltmp1, $4  }
0xa8: {  	[tilespmem:s24+$0xFFFFFFC0] =	vst v20;
	v20 =	vmax.f32 v21, $0.0e+00;
	v21 =	vmax.f32 v18, $0.0e+00;
	v18 =	vadd.f32 v23, v24  }
0xa9: {  	[tilespmem:s24+$0xFFFFFFD0] =	vst v19;
	v22 =	vadd.f32 v22, v13;
	v23 =	vadd.f32 v25, v27  }
0xaa: {  	[tilespmem:s24+$0xFFFFFFE0] =	vst v20;
	v18 =	vadd.f32 v18, v14;
	v19 =	vadd.f32 v28, v17  }
0xab: {  	v17 =	vmov s19;
	s19 =	sadd.s32 $0x1, s19;
	[tilespmem:s24+$0xFFFFFFF0] =	vst v21;
	v21 =	vmax.f32 v22, $0.0e+00;
	v20 =	vadd.f32 v23, v15  }
0xac: {  	[tilespmem:s24+$0x0] =	vst v21;
	v18 =	vmax.f32 v18, $0.0e+00;
	v19 =	vadd.f32 v19, v16  }
0xad: {  	[tilespmem:s24+$0x10] =	vst v18;
	v18 =	vmax.f32 v20, $0.0e+00  }
0xae: {  	s19 =	sadd.s32 $0x80, s24;
	[tilespmem:s24+$0x20] =	vst v18;
	v18 =	vmax.f32 v19, $0.0e+00  }
0xaf: {  	v19 =	vld [tilespmem:s19+$0xFFFFFFC0];
	[tilespmem:s24+$0x30] =	vst v18  }
0xb0: {  	v17 =	vld.idx.msk [tilespmem:v17+s10+$0x0], $0xffff  }
0xb1: {  	v20 =	vld [tilespmem:s19+$0xFFFFFFE0]  }
0xb2: {  	v18 =	vld [tilespmem:s19+$0xFFFFFFD0]  }
0xb3: {  	v21 =	vld [tilespmem:s19+$0xFFFFFFF0];
	_ =	sdelay $0x1  }
0xb4: {  	v22 =	vmul.f32 v17, v1;
	v23 =	vmul.f32 v17, v2  }
0xb5: {  	v27 =	vld [tilespmem:s19+$0x30];
	v24 =	vmul.f32 v17, v3;
	v26 =	vmul.f32 v17, v4  }
0xb6: {  	v25 =	vld [tilespmem:s19+$0x0];
	v28 =	vmul.f32 v17, v7;
	v19 =	vadd.f32 v22, v19;
	v18 =	vadd.f32 v18, v23  }
0xb7: {  	v22 =	vld [tilespmem:s19+$0x10];
	v23 =	vmul.f32 v17, v5;
	v20 =	vadd.f32 v20, v24;
	v21 =	vadd.f32 v21, v26  }
0xb8: {  	v24 =	vld [tilespmem:s19+$0x20];
	v26 =	vmul.f32 v17, v6;
	v17 =	vmul.f32 v17, v8;
	v19 =	vadd.f32 v19, v9  }
0xb9: {  	v18 =	vadd.f32 v18, v10  }
0xba: {  	v20 =	vadd.f32 v20, v11;
	v17 =	vadd.f32 v27, v17;
	v19 =	vmax.f32 v19, $0.0e+00  }
0xbb: {  	v21 =	vadd.f32 v21, v12;
	v23 =	vadd.f32 v25, v23;
	v18 =	vmax.f32 v18, $0.0e+00;
	[tilespmem:s19+$0xFFFFFFC0] =	vst v19  }
0xbc: {  	v20 =	vmax.f32 v20, $0.0e+00;
	v17 =	vadd.f32 v17, v16;
	v19 =	vadd.f32 v22, v26;
	[tilespmem:s19+$0xFFFFFFD0] =	vst v18  }
0xbd: {  	v21 =	vmax.f32 v21, $0.0e+00;
	v18 =	vadd.f32 v23, v13;
	v22 =	vadd.f32 v24, v28;
	[tilespmem:s19+$0xFFFFFFE0] =	vst v20  }
0xbe: {  	[tilespmem:s19+$0xFFFFFFF0] =	vst v21;
	v17 =	vmax.f32 v17, $0.0e+00;
	v19 =	vadd.f32 v19, v14  }
0xbf: {  	v18 =	vmax.f32 v18, $0.0e+00;
	v20 =	vadd.f32 v22, v15;
	[tilespmem:s19+$0x30] =	vst v17  }
0xc0: {  	[tilespmem:s19+$0x0] =	vst v18;
	v18 =	vmax.f32 v19, $0.0e+00  }
0xc1: {  	[tilespmem:s19+$0x10] =	vst v18;
	v18 =	vmax.f32 v20, $0.0e+00  }
0xc2: {  	s24 =	simm.s32 $0x80;
	[tilespmem:s19+$0x20] =	vst v18;
	s19 =	simm.s32 @!p1 $0x6  }
0xc3: {  	[spmem:s5] =	stream.indirect.scatter.add.f32 [tilespmem:s9], [sflag:$0x4], $0x80, s24, s16, $0xb8;
	[tilespmem:$0x1F700] =	vst v63  }
0xc4: {  	_ =	swait.ge @!p1 [sflag:s19], $0x3C00  }
0xc5: {  	[sflag:s19] =	ssyncset.done @!p1 $0x0  }
0xc6: {  	[sflag:s19] =	ssyncadd.s32 @!p1 $0xFFFFC400  }
0xc7: {  	_ =	swait.ge [sflag:s25], $0x100  }
0xc8: {  	[sflag:s25] =	ssyncset.done $0x0  }
0xc9: {  	[sflag:s25] =	ssyncadd.s32 $0xFFFFFF00  }
0xca: {  	_ =	swait.ge [sflag:s25], $0x78  }
0xcb: {  	s19 =	simm.s32 $0x0;
	[sflag:s25] =	ssyncset.done $0x0  }
0xcc: {  	s23 =	sadd.s32 $0x3, s23;
	v17 =	vmov s19;
	[sflag:s25] =	ssyncadd.s32 $0xFFFFFF88  }
0xcd: {  	v17 =	vadd.s32 $0x78, v17;
	[tilespmem:s15], [sflag:$0x3] =	stream.indirect.gather [hbm4b:s1+s16], $0x80, s22, s16, $0xb8;
	[tilespmem:$0x1F700] =	vst v63  }
0xce: {  	s24 =	sshll.u32 s23, $0x5;
	v17 =	vbroadcast v17, $0x0;
	_ =	swait.ge [sflag:s8], $0x3C00  }
0xcf: {  	s24 =	sand.u32 $0x1FFFFFE0, s24;
	[sflag:s8] =	ssyncset.done $0x0  }
0xd0: {  	s23 =	smul.u32 $0xF, s23;
	s24 =	sadd.s32 s7, s24;
	[sflag:s8] =	ssyncadd.s32 $0xFFFFC400  }
0xd1: {  	[tilespmem:s4], [sflag:$0xA] =	stream.linear.gather [hbm4b:s24+s19], $0x100, $0x38;
	[tilespmem:$0x1F700] =	vst v63  }
0xd2: {  	s23 =	sadd.s32 s2, s23;
	s24 =	simm.s32 $0x568  }
0xd3: {  	[tilespmem:s24], [sflag:$0xA] =	stream.linear.gather [hbm4b:s23+s19], $0x78, $0x38;
	[tilespmem:$0x1F700] =	vst v63  }
0xd4: {  	v18 =	vld.idx.msk [tilespmem:v17+s10+$0x0], $0xffff  }
0xd5: {  	s23 =	simm.s32 $0x4240  }
0xd6: {  	v21 =	vld [tilespmem:s23+$0xFFFFFFC0]  }
0xd7: {  	v20 =	vld [tilespmem:s23+$0xFFFFFFD0]  }
0xd8: {  	v22 =	vld [tilespmem:s23+$0xFFFFFFE0]  }
0xd9: {  	v19 =	vld [tilespmem:s23+$0xFFFFFFF0];
	v23 =	vmul.f32 v18, v1  }
0xda: {  	v24 =	vmul.f32 v18, v2  }
0xdb: {  	v27 =	vld [tilespmem:s23+$0x0];
	v25 =	vmul.f32 v18, v3;
	v21 =	vadd.f32 v23, v21  }
0xdc: {  	v63 =	vld [tilespmem:s23+$0x10];
	v26 =	vmul.f32 v18, v4;
	v20 =	vadd.f32 v20, v24  }
0xdd: {  	s24 =	simm.s32 $0x1;
	v22 =	vadd.f32 v22, v25;
	v21 =	vadd.f32 v21, v9  }
0xde: {  	v17 =	vmov s24;
	v23 =	vadd.f32 v19, v26;
	v25 =	vadd.f32 v20, v10;
	v20 =	vld [tilespmem:s23+$0x20]  }
0xdf: {  	v24 =	vmul.f32 v18, v5;
	v26 =	vmul.f32 v18, v6;
	v30 =	vmax.f32 v21, $0.0e+00;
	v21 =	vld [tilespmem:s23+$0x30]  }
0xe0: {  	v19 =	vmul.f32 v18, v7;
	v22 =	vadd.f32 v22, v11;
	v29 =	vadd.f32 v23, v12  }
0xe1: {  	v18 =	vmul.f32 v18, v8;
	v24 =	vadd.f32 v27, v24;
	v26 =	vadd.f32 v63, v26  }
0xe2: {  	s24 =	simm.s32 $0x2;
	v23 =	vmax.f32 v25, $0.0e+00;
	v25 =	vmax.f32 v22, $0.0e+00;
	v22 =	vmax.f32 v29, $0.0e+00;
	[tilespmem:s23+$0xFFFFFFC0] =	vst v30  }
.LBB2_7:
0xe3: {  	p1 =	sne.s32 s24, $0x77;
	v17 =	vadd.s32 $0x78, v17;
	[tilespmem:s23+$0xFFFFFFD0] =	vst v23;
	v23 =	vadd.f32 v24, v13;
	v19 =	vadd.f32 v20, v19  }
0xe4: {  	v17 =	vbroadcast v17, $0x0;
	[tilespmem:s23+$0xFFFFFFE0] =	vst v25;
	v20 =	vadd.f32 v26, v14;
	v18 =	vadd.f32 v21, v18  }
0xe5: {  	[tilespmem:s23+$0xFFFFFFF0] =	vst v22;
	v21 =	vmax.f32 v23, $0.0e+00;
	v19 =	vadd.f32 v19, v15  }
0xe6: {  	[tilespmem:s23+$0x0] =	vst v21;
	v20 =	vmax.f32 v20, $0.0e+00;
	v18 =	vadd.f32 v18, v16  }
0xe7: {  	[tilespmem:s23+$0x10] =	vst v20;
	v19 =	vmax.f32 v19, $0.0e+00  }
0xe8: {  	[tilespmem:s23+$0x20] =	vst v19;
	v18 =	vmax.f32 v18, $0.0e+00  }
0xe9: {  	[tilespmem:s23+$0x30] =	vst v18  }
0xea: {  	s23 =	sadd.s32 $0x80, s23;
	v18 =	vld.idx.msk [tilespmem:v17+s10+$0x0], $0xffff  }
0xeb: {  	v19 =	vld [tilespmem:s23+$0xFFFFFFF0]  }
0xec: {  	v20 =	vld [tilespmem:s23+$0xFFFFFFD0]  }
0xed: {  	v21 =	vld [tilespmem:s23+$0xFFFFFFC0]  }
0xee: {  	v22 =	vld [tilespmem:s23+$0xFFFFFFE0];
	_ =	sdelay $0x1  }
0xef: {  	v23 =	vmul.f32 v18, v1;
	v24 =	vmul.f32 v18, v2  }
0xf0: {  	v17 =	vmov s24;
	v25 =	vmul.f32 v18, v3;
	v26 =	vmul.f32 v18, v4;
	v27 =	vld [tilespmem:s23+$0x0]  }
0xf1: {  	v21 =	vadd.f32 v23, v21;
	v23 =	vadd.f32 v20, v24;
	v24 =	vmul.f32 v18, v5;
	v28 =	vld [tilespmem:s23+$0x10]  }
.Ltmp2:
0xf2: {  	v22 =	vadd.f32 v22, v25;
	v25 =	vadd.f32 v19, v26;
	v26 =	vmul.f32 v18, v6;
	v20 =	vld [tilespmem:s23+$0x20];
	(pc) =	sbr.rel @p1 .LBB2_7-.Ltmp2, $4  }
0xf3: {  	v19 =	vmul.f32 v18, v7;
	v29 =	vadd.f32 v21, v9;
	v23 =	vadd.f32 v23, v10;
	v21 =	vld [tilespmem:s23+$0x30]  }
0xf4: {  	v18 =	vmul.f32 v18, v8;
	v22 =	vadd.f32 v22, v11;
	v30 =	vadd.f32 v25, v12  }
0xf5: {  	v25 =	vmax.f32 v29, $0.0e+00;
	v23 =	vmax.f32 v23, $0.0e+00;
	v24 =	vadd.f32 v27, v24  }
0xf6: {  	s24 =	sadd.s32 $0x1, s24;
	[tilespmem:s23+$0xFFFFFFC0] =	vst v25;
	v25 =	vmax.f32 v22, $0.0e+00;
	v22 =	vmax.f32 v30, $0.0e+00;
	v26 =	vadd.f32 v28, v26  }
0xf7: {  	v17 =	vadd.s32 $0x78, v17;
	[tilespmem:s23+$0xFFFFFFD0] =	vst v23;
	v23 =	vadd.f32 v24, v13;
	v19 =	vadd.f32 v20, v19  }
0xf8: {  	[tilespmem:s23+$0xFFFFFFE0] =	vst v25;
	v17 =	vbroadcast v17, $0x0;
	v20 =	vadd.f32 v26, v14;
	v18 =	vadd.f32 v21, v18  }
0xf9: {  	[tilespmem:s23+$0xFFFFFFF0] =	vst v22;
	v21 =	vmax.f32 v23, $0.0e+00;
	v19 =	vadd.f32 v19, v15  }
0xfa: {  	[tilespmem:s23+$0x0] =	vst v21;
	v20 =	vmax.f32 v20, $0.0e+00;
	v18 =	vadd.f32 v18, v16  }
0xfb: {  	[tilespmem:s23+$0x10] =	vst v20;
	v19 =	vmax.f32 v19, $0.0e+00  }
0xfc: {  	s19 =	sadd.s32 $0x80, s23;
	[tilespmem:s23+$0x20] =	vst v19;
	v18 =	vmax.f32 v18, $0.0e+00  }
0xfd: {  	v19 =	vld [tilespmem:s19+$0xFFFFFFC0];
	[tilespmem:s23+$0x30] =	vst v18  }
0xfe: {  	v17 =	vld.idx.msk [tilespmem:v17+s10+$0x0], $0xffff  }
0xff: {  	v20 =	vld [tilespmem:s19+$0xFFFFFFE0]  }
0x100: {  	v18 =	vld [tilespmem:s19+$0xFFFFFFD0]  }
0x101: {  	v21 =	vld [tilespmem:s19+$0xFFFFFFF0];
	_ =	sdelay $0x1  }
0x102: {  	v22 =	vmul.f32 v17, v1;
	v23 =	vmul.f32 v17, v2  }
0x103: {  	v27 =	vld [tilespmem:s19+$0x30];
	v24 =	vmul.f32 v17, v3;
	v26 =	vmul.f32 v17, v4  }
0x104: {  	v25 =	vld [tilespmem:s19+$0x0];
	v28 =	vmul.f32 v17, v7;
	v19 =	vadd.f32 v22, v19;
	v18 =	vadd.f32 v18, v23  }
0x105: {  	v22 =	vld [tilespmem:s19+$0x10];
	v23 =	vmul.f32 v17, v5;
	v20 =	vadd.f32 v20, v24;
	v21 =	vadd.f32 v21, v26  }
0x106: {  	v24 =	vld [tilespmem:s19+$0x20];
	v26 =	vmul.f32 v17, v6;
	v17 =	vmul.f32 v17, v8;
	v19 =	vadd.f32 v19, v9  }
0x107: {  	v18 =	vadd.f32 v18, v10  }
0x108: {  	v20 =	vadd.f32 v20, v11;
	v17 =	vadd.f32 v27, v17;
	v19 =	vmax.f32 v19, $0.0e+00  }
0x109: {  	v21 =	vadd.f32 v21, v12;
	v23 =	vadd.f32 v25, v23;
	v18 =	vmax.f32 v18, $0.0e+00;
	[tilespmem:s19+$0xFFFFFFC0] =	vst v19  }
0x10a: {  	v20 =	vmax.f32 v20, $0.0e+00;
	v17 =	vadd.f32 v17, v16;
	v19 =	vadd.f32 v22, v26;
	[tilespmem:s19+$0xFFFFFFD0] =	vst v18  }
0x10b: {  	v21 =	vmax.f32 v21, $0.0e+00;
	v18 =	vadd.f32 v23, v13;
	v22 =	vadd.f32 v24, v28;
	[tilespmem:s19+$0xFFFFFFE0] =	vst v20  }
0x10c: {  	[tilespmem:s19+$0xFFFFFFF0] =	vst v21;
	v17 =	vmax.f32 v17, $0.0e+00;
	v19 =	vadd.f32 v19, v14  }
0x10d: {  	v18 =	vmax.f32 v18, $0.0e+00;
	v20 =	vadd.f32 v22, v15;
	[tilespmem:s19+$0x30] =	vst v17  }
0x10e: {  	[tilespmem:s19+$0x0] =	vst v18;
	v18 =	vmax.f32 v19, $0.0e+00  }
0x10f: {  	[tilespmem:s19+$0x10] =	vst v18;
	v18 =	vmax.f32 v20, $0.0e+00  }
0x110: {  	[tilespmem:s19+$0x20] =	vst v18  }
0x111: {  	[spmem:s5] =	stream.indirect.scatter.add.f32 [tilespmem:s18], [sflag:$0x5], $0x80, s20, s16, $0xb8;
	[tilespmem:$0x1F700] =	vst v63  }
0x112: {  	_ =	swait.ge [sflag:s26], $0x3C00  }
0x113: {  	[sflag:s26] =	ssyncset.done $0x0  }
0x114: {  	[sflag:s26] =	ssyncadd.s32 $0xFFFFC400  }
0x115: {  	_ =	swait.ge [sflag:s28], $0x100  }
0x116: {  	[sflag:s28] =	ssyncset.done $0x0  }
0x117: {  	[sflag:s28] =	ssyncadd.s32 $0xFFFFFF00  }
0x118: {  	_ =	swait.ge [sflag:s28], $0x78  }
0x119: {  	s19 =	simm.s32 $0x0;
	[sflag:s28] =	ssyncset.done $0x0;
	s24 =	rddreg [dreg:$0x12]  }
0x11a: {  	v17 =	vmov s19;
	[sflag:s28] =	ssyncadd.s32 $0xFFFFFF88;
	s23 =	sadd.s32 s12, s24  }
0x11b: {  	v17 =	vadd.s32 $0xF0, v17;
	[tilespmem:s9], [sflag:$0x1] =	stream.indirect.gather [hbm4b:s1+s16], $0x80, s4, s16, $0xb8;
	[tilespmem:$0x1F700] =	vst v63  }
0x11c: {  	v17 =	vbroadcast v17, $0x0;
	s24 =	sshll.u32 s23, $0x5;
	_ =	swait.ge [sflag:s14], $0x3C00  }
0x11d: {  	s24 =	sand.u32 $0x1FFFFF80, s24;
	[sflag:s14] =	ssyncset.done $0x0  }
0x11e: {  	s23 =	smul.u32 $0xF, s23;
	s24 =	sadd.s32 s7, s24;
	[sflag:s14] =	ssyncadd.s32 $0xFFFFC400  }
0x11f: {  	[tilespmem:s19], [sflag:$0x7] =	stream.linear.gather [hbm4b:s24+s19], $0x100, $0x38;
	[tilespmem:$0x1F700] =	vst v63  }
0x120: {  	s23 =	sadd.s32 s2, s23  }
0x121: {  	[tilespmem:s10], [sflag:$0x7] =	stream.linear.gather [hbm4b:s23+s19], $0x78, $0x38;
	[tilespmem:$0x1F700] =	vst v63  }
0x122: {  	v18 =	vld.idx.msk [tilespmem:v17+s10+$0x0], $0xffff  }
0x123: {  	s23 =	simm.s32 $0x7E40  }
0x124: {  	v21 =	vld [tilespmem:s23+$0xFFFFFFC0]  }
0x125: {  	v20 =	vld [tilespmem:s23+$0xFFFFFFD0]  }
0x126: {  	v22 =	vld [tilespmem:s23+$0xFFFFFFE0]  }
0x127: {  	v19 =	vld [tilespmem:s23+$0xFFFFFFF0];
	v23 =	vmul.f32 v18, v1  }
0x128: {  	v24 =	vmul.f32 v18, v2  }
0x129: {  	v27 =	vld [tilespmem:s23+$0x0];
	v25 =	vmul.f32 v18, v3;
	v21 =	vadd.f32 v23, v21  }
0x12a: {  	v63 =	vld [tilespmem:s23+$0x10];
	v26 =	vmul.f32 v18, v4;
	v20 =	vadd.f32 v20, v24  }
0x12b: {  	s24 =	simm.s32 $0x1;
	v22 =	vadd.f32 v22, v25;
	v21 =	vadd.f32 v21, v9  }
0x12c: {  	v17 =	vmov s24;
	v23 =	vadd.f32 v19, v26;
	v25 =	vadd.f32 v20, v10;
	v20 =	vld [tilespmem:s23+$0x20]  }
0x12d: {  	v24 =	vmul.f32 v18, v5;
	v26 =	vmul.f32 v18, v6;
	v30 =	vmax.f32 v21, $0.0e+00;
	v21 =	vld [tilespmem:s23+$0x30]  }
0x12e: {  	v19 =	vmul.f32 v18, v7;
	v22 =	vadd.f32 v22, v11;
	v29 =	vadd.f32 v23, v12  }
0x12f: {  	v18 =	vmul.f32 v18, v8;
	v24 =	vadd.f32 v27, v24;
	v26 =	vadd.f32 v63, v26  }
0x130: {  	s24 =	simm.s32 $0x2;
	v23 =	vmax.f32 v25, $0.0e+00;
	v25 =	vmax.f32 v22, $0.0e+00;
	v22 =	vmax.f32 v29, $0.0e+00;
	[tilespmem:s23+$0xFFFFFFC0] =	vst v30  }
.LBB2_9:
0x131: {  	p1 =	sne.s32 s24, $0x77;
	v17 =	vadd.s32 $0xF0, v17;
	[tilespmem:s23+$0xFFFFFFD0] =	vst v23;
	v23 =	vadd.f32 v24, v13;
	v19 =	vadd.f32 v20, v19  }
0x132: {  	v17 =	vbroadcast v17, $0x0;
	[tilespmem:s23+$0xFFFFFFE0] =	vst v25;
	v20 =	vadd.f32 v26, v14;
	v18 =	vadd.f32 v21, v18  }
0x133: {  	[tilespmem:s23+$0xFFFFFFF0] =	vst v22;
	v21 =	vmax.f32 v23, $0.0e+00;
	v19 =	vadd.f32 v19, v15  }
0x134: {  	[tilespmem:s23+$0x0] =	vst v21;
	v20 =	vmax.f32 v20, $0.0e+00;
	v18 =	vadd.f32 v18, v16  }
0x135: {  	[tilespmem:s23+$0x10] =	vst v20;
	v19 =	vmax.f32 v19, $0.0e+00  }
0x136: {  	[tilespmem:s23+$0x20] =	vst v19;
	v18 =	vmax.f32 v18, $0.0e+00  }
0x137: {  	[tilespmem:s23+$0x30] =	vst v18  }
0x138: {  	s23 =	sadd.s32 $0x80, s23;
	v18 =	vld.idx.msk [tilespmem:v17+s10+$0x0], $0xffff  }
0x139: {  	v19 =	vld [tilespmem:s23+$0xFFFFFFF0]  }
0x13a: {  	v20 =	vld [tilespmem:s23+$0xFFFFFFD0]  }
0x13b: {  	v21 =	vld [tilespmem:s23+$0xFFFFFFC0]  }
0x13c: {  	v22 =	vld [tilespmem:s23+$0xFFFFFFE0];
	_ =	sdelay $0x1  }
0x13d: {  	v23 =	vmul.f32 v18, v1;
	v24 =	vmul.f32 v18, v2  }
0x13e: {  	v17 =	vmov s24;
	v25 =	vmul.f32 v18, v3;
	v26 =	vmul.f32 v18, v4;
	v27 =	vld [tilespmem:s23+$0x0]  }
0x13f: {  	v21 =	vadd.f32 v23, v21;
	v23 =	vadd.f32 v20, v24;
	v24 =	vmul.f32 v18, v5;
	v28 =	vld [tilespmem:s23+$0x10]  }
.Ltmp3:
0x140: {  	v22 =	vadd.f32 v22, v25;
	v25 =	vadd.f32 v19, v26;
	v26 =	vmul.f32 v18, v6;
	v20 =	vld [tilespmem:s23+$0x20];
	(pc) =	sbr.rel @p1 .LBB2_9-.Ltmp3, $4  }
0x141: {  	v19 =	vmul.f32 v18, v7;
	v29 =	vadd.f32 v21, v9;
	v23 =	vadd.f32 v23, v10;
	v21 =	vld [tilespmem:s23+$0x30]  }
0x142: {  	v18 =	vmul.f32 v18, v8;
	v22 =	vadd.f32 v22, v11;
	v30 =	vadd.f32 v25, v12  }
0x143: {  	v25 =	vmax.f32 v29, $0.0e+00;
	v23 =	vmax.f32 v23, $0.0e+00;
	v24 =	vadd.f32 v27, v24  }
0x144: {  	s24 =	sadd.s32 $0x1, s24;
	[tilespmem:s23+$0xFFFFFFC0] =	vst v25;
	v25 =	vmax.f32 v22, $0.0e+00;
	v22 =	vmax.f32 v30, $0.0e+00;
	v26 =	vadd.f32 v28, v26  }
0x145: {  	v17 =	vadd.s32 $0xF0, v17;
	[tilespmem:s23+$0xFFFFFFD0] =	vst v23;
	v23 =	vadd.f32 v24, v13;
	v19 =	vadd.f32 v20, v19  }
0x146: {  	[tilespmem:s23+$0xFFFFFFE0] =	vst v25;
	v17 =	vbroadcast v17, $0x0;
	v20 =	vadd.f32 v26, v14;
	v18 =	vadd.f32 v21, v18  }
0x147: {  	[tilespmem:s23+$0xFFFFFFF0] =	vst v22;
	v21 =	vmax.f32 v23, $0.0e+00;
	v19 =	vadd.f32 v19, v15  }
0x148: {  	[tilespmem:s23+$0x0] =	vst v21;
	v20 =	vmax.f32 v20, $0.0e+00;
	v18 =	vadd.f32 v18, v16  }
0x149: {  	[tilespmem:s23+$0x10] =	vst v20;
	v19 =	vmax.f32 v19, $0.0e+00  }
0x14a: {  	s19 =	sadd.s32 $0x80, s23;
	[tilespmem:s23+$0x20] =	vst v19;
	v18 =	vmax.f32 v18, $0.0e+00  }
0x14b: {  	v19 =	vld [tilespmem:s19+$0xFFFFFFC0];
	[tilespmem:s23+$0x30] =	vst v18  }
0x14c: {  	v17 =	vld.idx.msk [tilespmem:v17+s10+$0x0], $0xffff  }
0x14d: {  	v20 =	vld [tilespmem:s19+$0xFFFFFFE0]  }
0x14e: {  	v18 =	vld [tilespmem:s19+$0xFFFFFFD0]  }
0x14f: {  	v21 =	vld [tilespmem:s19+$0xFFFFFFF0];
	_ =	sdelay $0x1  }
0x150: {  	v22 =	vmul.f32 v17, v1;
	v23 =	vmul.f32 v17, v2  }
0x151: {  	v27 =	vld [tilespmem:s19+$0x30];
	v24 =	vmul.f32 v17, v3;
	v26 =	vmul.f32 v17, v4  }
0x152: {  	v25 =	vld [tilespmem:s19+$0x0];
	v28 =	vmul.f32 v17, v7;
	v19 =	vadd.f32 v22, v19;
	v18 =	vadd.f32 v18, v23  }
0x153: {  	v22 =	vld [tilespmem:s19+$0x10];
	v23 =	vmul.f32 v17, v5;
	v20 =	vadd.f32 v20, v24;
	v21 =	vadd.f32 v21, v26  }
0x154: {  	v24 =	vld [tilespmem:s19+$0x20];
	v26 =	vmul.f32 v17, v6;
	v17 =	vmul.f32 v17, v8;
	v19 =	vadd.f32 v19, v9  }
0x155: {  	v18 =	vadd.f32 v18, v10  }
0x156: {  	v20 =	vadd.f32 v20, v11;
	v17 =	vadd.f32 v27, v17;
	v19 =	vmax.f32 v19, $0.0e+00  }
0x157: {  	v21 =	vadd.f32 v21, v12;
	v23 =	vadd.f32 v25, v23;
	v18 =	vmax.f32 v18, $0.0e+00;
	[tilespmem:s19+$0xFFFFFFC0] =	vst v19  }
0x158: {  	v20 =	vmax.f32 v20, $0.0e+00;
	v17 =	vadd.f32 v17, v16;
	v19 =	vadd.f32 v22, v26;
	[tilespmem:s19+$0xFFFFFFD0] =	vst v18  }
0x159: {  	v21 =	vmax.f32 v21, $0.0e+00;
	v18 =	vadd.f32 v23, v13;
	v22 =	vadd.f32 v24, v28;
	[tilespmem:s19+$0xFFFFFFE0] =	vst v20  }
0x15a: {  	[tilespmem:s19+$0xFFFFFFF0] =	vst v21;
	v17 =	vmax.f32 v17, $0.0e+00;
	v19 =	vadd.f32 v19, v14  }
0x15b: {  	v18 =	vmax.f32 v18, $0.0e+00;
	v20 =	vadd.f32 v22, v15;
	[tilespmem:s19+$0x30] =	vst v17  }
0x15c: {  	[tilespmem:s19+$0x0] =	vst v18;
	v18 =	vmax.f32 v19, $0.0e+00  }
0x15d: {  	[tilespmem:s19+$0x10] =	vst v18;
	v18 =	vmax.f32 v20, $0.0e+00  }
0x15e: {  	[tilespmem:s19+$0x20] =	vst v18  }
0x15f: {  	[spmem:s5] =	stream.indirect.scatter.add.f32 [tilespmem:s15], [sflag:$0x6], $0x80, s29, s16, $0xb8;
	[tilespmem:$0x1F700] =	vst v63  }
0x160: {  	_ =	swait.ge [sflag:s30], $0x3C00  }
0x161: {  	[sflag:s30] =	ssyncset.done $0x0  }
0x162: {  	[sflag:s30] =	ssyncadd.s32 $0xFFFFC400  }
0x163: {  	_ =	swait.ge [sflag:s13], $0x100  }
0x164: {  	[sflag:s13] =	ssyncset.done $0x0  }
0x165: {  	[sflag:s13] =	ssyncadd.s32 $0xFFFFFF00  }
0x166: {  	_ =	swait.ge [sflag:s13], $0x78  }
0x167: {  	s19 =	simm.s32 $0x0;
	[sflag:s13] =	ssyncset.done $0x0;
	s24 =	rddreg [dreg:$0x13]  }
0x168: {  	v17 =	vmov s19;
	[sflag:s13] =	ssyncadd.s32 $0xFFFFFF88;
	s23 =	sadd.s32 s12, s24  }
0x169: {  	v17 =	vadd.s32 $0x168, v17;
	[tilespmem:s18], [sflag:$0x2] =	stream.indirect.gather [hbm4b:s1+s16], $0x80, s19, s16, $0xb8;
	[tilespmem:$0x1F700] =	vst v63  }
0x16a: {  	v17 =	vbroadcast v17, $0x0;
	s24 =	sshll.u32 s23, $0x5;
	_ =	swait.ge [sflag:s21], $0x3C00  }
0x16b: {  	s24 =	sand.u32 $0x1FFFFFA0, s24;
	[sflag:s21] =	ssyncset.done $0x0  }
0x16c: {  	s23 =	smul.u32 $0xF, s23;
	s24 =	sadd.s32 s7, s24;
	[sflag:s21] =	ssyncadd.s32 $0xFFFFC400  }
0x16d: {  	[tilespmem:s11], [sflag:$0x8] =	stream.linear.gather [hbm4b:s24+s19], $0x100, $0x38;
	[tilespmem:$0x1F700] =	vst v63  }
0x16e: {  	s23 =	sadd.s32 s2, s23;
	s24 =	simm.s32 $0x478  }
0x16f: {  	[tilespmem:s24], [sflag:$0x8] =	stream.linear.gather [hbm4b:s23+s19], $0x78, $0x38;
	[tilespmem:$0x1F700] =	vst v63  }
0x170: {  	v18 =	vld.idx.msk [tilespmem:v17+s10+$0x0], $0xffff  }
0x171: {  	s23 =	simm.s32 $0x640  }
0x172: {  	v21 =	vld [tilespmem:s23+$0xFFFFFFC0]  }
0x173: {  	v20 =	vld [tilespmem:s23+$0xFFFFFFD0]  }
0x174: {  	v22 =	vld [tilespmem:s23+$0xFFFFFFE0]  }
0x175: {  	v19 =	vld [tilespmem:s23+$0xFFFFFFF0];
	v23 =	vmul.f32 v18, v1  }
0x176: {  	v24 =	vmul.f32 v18, v2  }
0x177: {  	v27 =	vld [tilespmem:s23+$0x0];
	v25 =	vmul.f32 v18, v3;
	v21 =	vadd.f32 v23, v21  }
0x178: {  	v63 =	vld [tilespmem:s23+$0x10];
	v26 =	vmul.f32 v18, v4;
	v20 =	vadd.f32 v20, v24  }
0x179: {  	s24 =	simm.s32 $0x1;
	v22 =	vadd.f32 v22, v25;
	v21 =	vadd.f32 v21, v9  }
0x17a: {  	v17 =	vmov s24;
	v23 =	vadd.f32 v19, v26;
	v25 =	vadd.f32 v20, v10;
	v20 =	vld [tilespmem:s23+$0x20]  }
0x17b: {  	v24 =	vmul.f32 v18, v5;
	v26 =	vmul.f32 v18, v6;
	v30 =	vmax.f32 v21, $0.0e+00;
	v21 =	vld [tilespmem:s23+$0x30]  }
0x17c: {  	v19 =	vmul.f32 v18, v7;
	v22 =	vadd.f32 v22, v11;
	v29 =	vadd.f32 v23, v12  }
0x17d: {  	v18 =	vmul.f32 v18, v8;
	v24 =	vadd.f32 v27, v24;
	v26 =	vadd.f32 v63, v26  }
0x17e: {  	s24 =	simm.s32 $0x2;
	v23 =	vmax.f32 v25, $0.0e+00;
	v25 =	vmax.f32 v22, $0.0e+00;
	v22 =	vmax.f32 v29, $0.0e+00;
	[tilespmem:s23+$0xFFFFFFC0] =	vst v30  }
.LBB2_11:
0x17f: {  	p1 =	sne.s32 s24, $0x77;
	v17 =	vadd.s32 $0x168, v17;
	[tilespmem:s23+$0xFFFFFFD0] =	vst v23;
	v23 =	vadd.f32 v24, v13;
	v19 =	vadd.f32 v20, v19  }
0x180: {  	v17 =	vbroadcast v17, $0x0;
	[tilespmem:s23+$0xFFFFFFE0] =	vst v25;
	v20 =	vadd.f32 v26, v14;
	v18 =	vadd.f32 v21, v18  }
0x181: {  	[tilespmem:s23+$0xFFFFFFF0] =	vst v22;
	v21 =	vmax.f32 v23, $0.0e+00;
	v19 =	vadd.f32 v19, v15  }
0x182: {  	[tilespmem:s23+$0x0] =	vst v21;
	v20 =	vmax.f32 v20, $0.0e+00;
	v18 =	vadd.f32 v18, v16  }
0x183: {  	[tilespmem:s23+$0x10] =	vst v20;
	v19 =	vmax.f32 v19, $0.0e+00  }
0x184: {  	[tilespmem:s23+$0x20] =	vst v19;
	v18 =	vmax.f32 v18, $0.0e+00  }
0x185: {  	[tilespmem:s23+$0x30] =	vst v18  }
0x186: {  	s23 =	sadd.s32 $0x80, s23;
	v18 =	vld.idx.msk [tilespmem:v17+s10+$0x0], $0xffff  }
0x187: {  	v19 =	vld [tilespmem:s23+$0xFFFFFFF0]  }
0x188: {  	v20 =	vld [tilespmem:s23+$0xFFFFFFD0]  }
0x189: {  	v21 =	vld [tilespmem:s23+$0xFFFFFFC0]  }
0x18a: {  	v22 =	vld [tilespmem:s23+$0xFFFFFFE0];
	_ =	sdelay $0x1  }
0x18b: {  	v23 =	vmul.f32 v18, v1;
	v24 =	vmul.f32 v18, v2  }
0x18c: {  	v17 =	vmov s24;
	v25 =	vmul.f32 v18, v3;
	v26 =	vmul.f32 v18, v4;
	v27 =	vld [tilespmem:s23+$0x0]  }
0x18d: {  	v21 =	vadd.f32 v23, v21;
	v23 =	vadd.f32 v20, v24;
	v24 =	vmul.f32 v18, v5;
	v28 =	vld [tilespmem:s23+$0x10]  }
.Ltmp4:
0x18e: {  	v22 =	vadd.f32 v22, v25;
	v25 =	vadd.f32 v19, v26;
	v26 =	vmul.f32 v18, v6;
	v20 =	vld [tilespmem:s23+$0x20];
	(pc) =	sbr.rel @p1 .LBB2_11-.Ltmp4, $4  }
0x18f: {  	v19 =	vmul.f32 v18, v7;
	v29 =	vadd.f32 v21, v9;
	v23 =	vadd.f32 v23, v10;
	v21 =	vld [tilespmem:s23+$0x30]  }
0x190: {  	v18 =	vmul.f32 v18, v8;
	v22 =	vadd.f32 v22, v11;
	v30 =	vadd.f32 v25, v12  }
0x191: {  	v25 =	vmax.f32 v29, $0.0e+00;
	v23 =	vmax.f32 v23, $0.0e+00;
	v24 =	vadd.f32 v27, v24  }
0x192: {  	s24 =	sadd.s32 $0x1, s24;
	[tilespmem:s23+$0xFFFFFFC0] =	vst v25;
	v25 =	vmax.f32 v22, $0.0e+00;
	v22 =	vmax.f32 v30, $0.0e+00;
	v26 =	vadd.f32 v28, v26  }
0x193: {  	v17 =	vadd.s32 $0x168, v17;
	[tilespmem:s23+$0xFFFFFFD0] =	vst v23;
	v23 =	vadd.f32 v24, v13;
	v19 =	vadd.f32 v20, v19  }
0x194: {  	[tilespmem:s23+$0xFFFFFFE0] =	vst v25;
	v17 =	vbroadcast v17, $0x0;
	v20 =	vadd.f32 v26, v14;
	v18 =	vadd.f32 v21, v18  }
0x195: {  	[tilespmem:s23+$0xFFFFFFF0] =	vst v22;
	v21 =	vmax.f32 v23, $0.0e+00;
	v19 =	vadd.f32 v19, v15  }
0x196: {  	[tilespmem:s23+$0x0] =	vst v21;
	v20 =	vmax.f32 v20, $0.0e+00;
	v18 =	vadd.f32 v18, v16  }
0x197: {  	[tilespmem:s23+$0x10] =	vst v20;
	v19 =	vmax.f32 v19, $0.0e+00  }
0x198: {  	[tilespmem:s23+$0x20] =	vst v19;
	v18 =	vmax.f32 v18, $0.0e+00  }
0x199: {  	[tilespmem:s23+$0x30] =	vst v18  }
0x19a: {  	v17 =	vld.idx.msk [tilespmem:v17+s10+$0x0], $0xffff  }
0x19b: {  	s19 =	sadd.s32 $0x80, s23  }
0x19c: {  	v19 =	vld [tilespmem:s19+$0xFFFFFFC0]  }
0x19d: {  	v18 =	vld [tilespmem:s19+$0xFFFFFFD0]  }
0x19e: {  	v20 =	vld [tilespmem:s19+$0xFFFFFFE0]  }
0x19f: {  	v21 =	vld [tilespmem:s19+$0xFFFFFFF0];
	v22 =	vmul.f32 v17, v1  }
0x1a0: {  	v27 =	vld [tilespmem:s19+$0x30];
	v23 =	vmul.f32 v17, v2;
	v53 =	vmul.f32 v17, v3  }
0x1a1: {  	v25 =	vld [tilespmem:s19+$0x0];
	v54 =	vmul.f32 v17, v4;
	v56 =	vmul.f32 v17, v6;
	v19 =	vadd.f32 v22, v19  }
0x1a2: {  	v28 =	vmul.f32 v17, v7;
	v22 =	vld [tilespmem:s19+$0x10];
	v18 =	vadd.f32 v18, v23;
	v23 =	vmul.f32 v17, v5  }
0x1a3: {  	v55 =	vld [tilespmem:s19+$0x20];
	v20 =	vadd.f32 v20, v53;
	v17 =	vmul.f32 v17, v8;
	v19 =	vadd.f32 v19, v9  }
0x1a4: {  	v21 =	vadd.f32 v21, v54;
	v18 =	vadd.f32 v18, v10  }
0x1a5: {  	v20 =	vadd.f32 v20, v11;
	v17 =	vadd.f32 v27, v17;
	v19 =	vmax.f32 v19, $0.0e+00  }
0x1a6: {  	v21 =	vadd.f32 v21, v12;
	v23 =	vadd.f32 v25, v23;
	v18 =	vmax.f32 v18, $0.0e+00;
	[tilespmem:s19+$0xFFFFFFC0] =	vst v19  }
0x1a7: {  	v20 =	vmax.f32 v20, $0.0e+00;
	v17 =	vadd.f32 v17, v16;
	v19 =	vadd.f32 v22, v56;
	[tilespmem:s19+$0xFFFFFFD0] =	vst v18  }
0x1a8: {  	v21 =	vmax.f32 v21, $0.0e+00;
	v18 =	vadd.f32 v23, v13;
	v22 =	vadd.f32 v55, v28;
	[tilespmem:s19+$0xFFFFFFE0] =	vst v20  }
0x1a9: {  	[tilespmem:s19+$0xFFFFFFF0] =	vst v21;
	v17 =	vmax.f32 v17, $0.0e+00;
	v19 =	vadd.f32 v19, v14  }
0x1aa: {  	v18 =	vmax.f32 v18, $0.0e+00;
	v20 =	vadd.f32 v22, v15;
	[tilespmem:s19+$0x30] =	vst v17  }
0x1ab: {  	[tilespmem:s19+$0x0] =	vst v18;
	v18 =	vmax.f32 v19, $0.0e+00  }
0x1ac: {  	[tilespmem:s19+$0x10] =	vst v18;
	v18 =	vmax.f32 v20, $0.0e+00  }
0x1ad: {  	[tilespmem:s19+$0x20] =	vst v18  }
0x1ae: {  	[spmem:s5] =	stream.indirect.scatter.add.f32 [tilespmem:s9], [sflag:$0x4], $0x80, s31, s16, $0xb8;
	[tilespmem:$0x1F700] =	vst v63  }
0x1af: {  	_ =	swait.ge [sflag:s0], $0x3C00  }
0x1b0: {  	[sflag:s0] =	ssyncset.done $0x0  }
0x1b1: {  	[sflag:s0] =	ssyncadd.s32 $0xFFFFC400  }
0x1b2: {  	_ =	swait.ge [sflag:s17], $0x100  }
0x1b3: {  	[sflag:s17] =	ssyncset.done $0x0  }
0x1b4: {  	[sflag:s17] =	ssyncadd.s32 $0xFFFFFF00  }
0x1b5: {  	_ =	swait.ge [sflag:s17], $0x78  }
0x1b6: {  	[sflag:s17] =	ssyncset.done $0x0;
	s23 =	rddreg [dreg:$0x19]  }
0x1b7: {  	[sflag:s17] =	ssyncadd.s32 $0xFFFFFF88;
	s19 =	sadd.s32 s12, s23  }
0x1b8: {  	[tilespmem:s15], [sflag:$0x3] =	stream.indirect.gather [hbm4b:s1+s16], $0x80, s11, s16, $0xb8;
	[tilespmem:$0x1F700] =	vst v63  }
0x1b9: {  	s24 =	simm.s32 $0x0;
	s23 =	sshll.u32 s19, $0x5;
	_ =	swait.ge [sflag:s8], $0x3C00  }
0x1ba: {  	v17 =	vmov s24;
	s23 =	sand.u32 $0x1FFFFFC0, s23;
	[sflag:s8] =	ssyncset.done $0x0  }
0x1bb: {  	s19 =	smul.u32 $0xF, s19;
	s23 =	sadd.s32 s7, s23;
	[sflag:s8] =	ssyncadd.s32 $0xFFFFC400  }
0x1bc: {  	[tilespmem:s22], [sflag:$0x9] =	stream.linear.gather [hbm4b:s23+s24], $0x100, $0x38;
	[tilespmem:$0x1F700] =	vst v63  }
0x1bd: {  	s19 =	sadd.s32 s2, s19;
	s23 =	simm.s32 $0x4F0  }
0x1be: {  	[tilespmem:s23], [sflag:$0x9] =	stream.linear.gather [hbm4b:s19+s24], $0x78, $0x38;
	[tilespmem:$0x1F700] =	vst v63  }
0x1bf: {  	v17 =	vld.idx.msk [tilespmem:v17+s10+$0x0], $0xffff  }
0x1c0: {  	s23 =	simm.s32 $0x4240  }
0x1c1: {  	v19 =	vld [tilespmem:s23+$0xFFFFFFC0]  }
0x1c2: {  	v18 =	vld [tilespmem:s23+$0xFFFFFFD0]  }
0x1c3: {  	v20 =	vld [tilespmem:s23+$0xFFFFFFE0]  }
0x1c4: {  	v21 =	vld [tilespmem:s23+$0xFFFFFFF0];
	v22 =	vmul.f32 v17, v1  }
0x1c5: {  	v58 =	vld [tilespmem:s23+$0x0];
	v23 =	vmul.f32 v17, v2  }
0x1c6: {  	v57 =	vmul.f32 v17, v3;
	v59 =	vmul.f32 v17, v4;
	v19 =	vadd.f32 v22, v19;
	v22 =	vld [tilespmem:s23+$0x10]  }
0x1c7: {  	v60 =	vld [tilespmem:s23+$0x20];
	v61 =	vmul.f32 v17, v6;
	v63 =	vmul.f32 v17, v7;
	v18 =	vadd.f32 v18, v23  }
0x1c8: {  	v62 =	vld [tilespmem:s23+$0x30];
	v23 =	vmul.f32 v17, v5;
	v20 =	vadd.f32 v20, v57;
	v19 =	vadd.f32 v19, v9  }
0x1c9: {  	v21 =	vadd.f32 v21, v59;
	v17 =	vmul.f32 v17, v8;
	v18 =	vadd.f32 v18, v10  }
0x1ca: {  	v20 =	vadd.f32 v20, v11;
	v23 =	vadd.f32 v58, v23;
	v19 =	vmax.f32 v19, $0.0e+00  }
0x1cb: {  	v21 =	vadd.f32 v21, v12;
	v18 =	vmax.f32 v18, $0.0e+00;
	[tilespmem:s23+$0xFFFFFFC0] =	vst v19;
	v19 =	vadd.f32 v22, v61  }
0x1cc: {  	v20 =	vmax.f32 v20, $0.0e+00;
	[tilespmem:s23+$0xFFFFFFD0] =	vst v18;
	v22 =	vadd.f32 v23, v13;
	v23 =	vadd.f32 v60, v63  }
0x1cd: {  	s24 =	simm.s32 $0x1;
	v21 =	vmax.f32 v21, $0.0e+00;
	[tilespmem:s23+$0xFFFFFFE0] =	vst v20;
	v18 =	vadd.f32 v19, v14;
	v19 =	vadd.f32 v62, v17  }
0x1ce: {  	s19 =	simm.s32 $0x2;
	[tilespmem:s23+$0xFFFFFFF0] =	vst v21;
	v17 =	vmov s24;
	v21 =	vmax.f32 v22, $0.0e+00;
	v20 =	vadd.f32 v23, v15  }
.LBB2_13:
0x1cf: {  	p1 =	sne.s32 s19, $0x77;
	[tilespmem:s23+$0x0] =	vst v21;
	v18 =	vmax.f32 v18, $0.0e+00;
	v19 =	vadd.f32 v19, v16  }
0x1d0: {  	[tilespmem:s23+$0x10] =	vst v18;
	v18 =	vmax.f32 v20, $0.0e+00  }
0x1d1: {  	[tilespmem:s23+$0x20] =	vst v18;
	v18 =	vmax.f32 v19, $0.0e+00  }
0x1d2: {  	[tilespmem:s23+$0x30] =	vst v18  }
0x1d3: {  	s23 =	sadd.s32 $0x80, s23;
	v17 =	vld.idx.msk [tilespmem:v17+s10+$0x0], $0xffff  }
0x1d4: {  	v18 =	vld [tilespmem:s23+$0xFFFFFFF0]  }
0x1d5: {  	v19 =	vld [tilespmem:s23+$0xFFFFFFD0]  }
0x1d6: {  	v20 =	vld [tilespmem:s23+$0xFFFFFFC0]  }
0x1d7: {  	v21 =	vld [tilespmem:s23+$0xFFFFFFE0];
	_ =	sdelay $0x1  }
0x1d8: {  	v22 =	vmul.f32 v17, v1;
	v23 =	vmul.f32 v17, v2  }
0x1d9: {  	v24 =	vmul.f32 v17, v3;
	v25 =	vmul.f32 v17, v4;
	v26 =	vld [tilespmem:s23+$0x0]  }
0x1da: {  	v19 =	vadd.f32 v19, v23;
	v20 =	vadd.f32 v22, v20;
	v22 =	vmul.f32 v17, v5;
	v23 =	vld [tilespmem:s23+$0x10]  }
0x1db: {  	v18 =	vadd.f32 v18, v25;
	v21 =	vadd.f32 v21, v24;
	v24 =	vmul.f32 v17, v6;
	v25 =	vld [tilespmem:s23+$0x20]  }
0x1dc: {  	v27 =	vmul.f32 v17, v7;
	v19 =	vadd.f32 v19, v10;
	v20 =	vadd.f32 v20, v9;
	v28 =	vld [tilespmem:s23+$0x30]  }
0x1dd: {  	v18 =	vadd.f32 v18, v12;
	v17 =	vmul.f32 v17, v8;
	v21 =	vadd.f32 v21, v11  }
.Ltmp5:
0x1de: {  	v19 =	vmax.f32 v19, $0.0e+00;
	v20 =	vmax.f32 v20, $0.0e+00;
	v22 =	vadd.f32 v26, v22;
	(pc) =	sbr.rel @p1 .LBB2_13-.Ltmp5, $4  }
0x1df: {  	[tilespmem:s23+$0xFFFFFFC0] =	vst v20;
	v20 =	vmax.f32 v21, $0.0e+00;
	v21 =	vmax.f32 v18, $0.0e+00;
	v18 =	vadd.f32 v23, v24  }
0x1e0: {  	[tilespmem:s23+$0xFFFFFFD0] =	vst v19;
	v22 =	vadd.f32 v22, v13;
	v23 =	vadd.f32 v25, v27  }
0x1e1: {  	[tilespmem:s23+$0xFFFFFFE0] =	vst v20;
	v18 =	vadd.f32 v18, v14;
	v19 =	vadd.f32 v28, v17  }
0x1e2: {  	v17 =	vmov s19;
	s19 =	sadd.s32 $0x1, s19;
	[tilespmem:s23+$0xFFFFFFF0] =	vst v21;
	v21 =	vmax.f32 v22, $0.0e+00;
	v20 =	vadd.f32 v23, v15  }
0x1e3: {  	[tilespmem:s23+$0x0] =	vst v21;
	v18 =	vmax.f32 v18, $0.0e+00;
	v19 =	vadd.f32 v19, v16  }
0x1e4: {  	[tilespmem:s23+$0x10] =	vst v18;
	v18 =	vmax.f32 v20, $0.0e+00  }
0x1e5: {  	s19 =	sadd.s32 $0x80, s23;
	[tilespmem:s23+$0x20] =	vst v18;
	v18 =	vmax.f32 v19, $0.0e+00  }
0x1e6: {  	v19 =	vld [tilespmem:s19+$0xFFFFFFC0];
	[tilespmem:s23+$0x30] =	vst v18  }
0x1e7: {  	v17 =	vld.idx.msk [tilespmem:v17+s10+$0x0], $0xffff  }
0x1e8: {  	v20 =	vld [tilespmem:s19+$0xFFFFFFE0]  }
0x1e9: {  	v18 =	vld [tilespmem:s19+$0xFFFFFFD0]  }
0x1ea: {  	v21 =	vld [tilespmem:s19+$0xFFFFFFF0];
	_ =	sdelay $0x1  }
0x1eb: {  	v22 =	vmul.f32 v17, v1;
	v23 =	vmul.f32 v17, v2  }
0x1ec: {  	v27 =	vld [tilespmem:s19+$0x30];
	v24 =	vmul.f32 v17, v3;
	v26 =	vmul.f32 v17, v4  }
0x1ed: {  	v25 =	vld [tilespmem:s19+$0x0];
	v28 =	vmul.f32 v17, v7;
	v19 =	vadd.f32 v22, v19;
	v18 =	vadd.f32 v18, v23  }
0x1ee: {  	v22 =	vld [tilespmem:s19+$0x10];
	v23 =	vmul.f32 v17, v5;
	v20 =	vadd.f32 v20, v24;
	v21 =	vadd.f32 v21, v26  }
0x1ef: {  	v24 =	vld [tilespmem:s19+$0x20];
	v26 =	vmul.f32 v17, v6;
	v17 =	vmul.f32 v17, v8;
	v19 =	vadd.f32 v19, v9  }
0x1f0: {  	v18 =	vadd.f32 v18, v10  }
0x1f1: {  	v20 =	vadd.f32 v20, v11;
	v17 =	vadd.f32 v27, v17;
	v19 =	vmax.f32 v19, $0.0e+00  }
0x1f2: {  	v21 =	vadd.f32 v21, v12;
	v23 =	vadd.f32 v25, v23;
	v18 =	vmax.f32 v18, $0.0e+00;
	[tilespmem:s19+$0xFFFFFFC0] =	vst v19  }
0x1f3: {  	v20 =	vmax.f32 v20, $0.0e+00;
	v17 =	vadd.f32 v17, v16;
	v19 =	vadd.f32 v22, v26;
	[tilespmem:s19+$0xFFFFFFD0] =	vst v18  }
0x1f4: {  	v21 =	vmax.f32 v21, $0.0e+00;
	v18 =	vadd.f32 v23, v13;
	v22 =	vadd.f32 v24, v28;
	[tilespmem:s19+$0xFFFFFFE0] =	vst v20  }
0x1f5: {  	[tilespmem:s19+$0xFFFFFFF0] =	vst v21;
	v17 =	vmax.f32 v17, $0.0e+00;
	v19 =	vadd.f32 v19, v14  }
0x1f6: {  	v18 =	vmax.f32 v18, $0.0e+00;
	v20 =	vadd.f32 v22, v15;
	[tilespmem:s19+$0x30] =	vst v17  }
0x1f7: {  	[tilespmem:s19+$0x0] =	vst v18;
	v18 =	vmax.f32 v19, $0.0e+00  }
0x1f8: {  	[tilespmem:s19+$0x10] =	vst v18;
	v18 =	vmax.f32 v20, $0.0e+00  }
0x1f9: {  	s23 =	simm.s32 $0x80;
	[tilespmem:s19+$0x20] =	vst v18  }
0x1fa: {  	[spmem:s5] =	stream.indirect.scatter.add.f32 [tilespmem:s18], [sflag:$0x5], $0x80, s23, s16, $0xb8;
	[tilespmem:$0x1F700] =	vst v63  }
0x1fb: {  	_ =	swait.ge [sflag:s26], $0x3C00  }
0x1fc: {  	[sflag:s26] =	ssyncset.done $0x0  }
0x1fd: {  	[sflag:s26] =	ssyncadd.s32 $0xFFFFC400  }
0x1fe: {  	_ =	swait.ge [sflag:s25], $0x100  }
0x1ff: {  	[sflag:s25] =	ssyncset.done $0x0  }
0x200: {  	[sflag:s25] =	ssyncadd.s32 $0xFFFFFF00  }
0x201: {  	_ =	swait.ge [sflag:s25], $0x78  }
0x202: {  	s19 =	simm.s32 $0x0;
	[sflag:s25] =	ssyncset.done $0x0;
	s24 =	rddreg [dreg:$0x1a]  }
0x203: {  	v17 =	vmov s19;
	[sflag:s25] =	ssyncadd.s32 $0xFFFFFF88;
	s23 =	sadd.s32 s12, s24  }
0x204: {  	v17 =	vadd.s32 $0x78, v17;
	[tilespmem:s9], [sflag:$0x1] =	stream.indirect.gather [hbm4b:s1+s16], $0x80, s22, s16, $0xb8;
	[tilespmem:$0x1F700] =	vst v63  }
0x205: {  	v17 =	vbroadcast v17, $0x0;
	s24 =	sshll.u32 s23, $0x5;
	_ =	swait.ge [sflag:s14], $0x3C00  }
0x206: {  	s24 =	sand.u32 $0x1FFFFFE0, s24;
	[sflag:s14] =	ssyncset.done $0x0  }
0x207: {  	s23 =	smul.u32 $0xF, s23;
	s24 =	sadd.s32 s7, s24;
	[sflag:s14] =	ssyncadd.s32 $0xFFFFC400  }
0x208: {  	[tilespmem:s4], [sflag:$0xA] =	stream.linear.gather [hbm4b:s24+s19], $0x100, $0x38;
	[tilespmem:$0x1F700] =	vst v63  }
0x209: {  	s23 =	sadd.s32 s2, s23;
	s24 =	simm.s32 $0x568  }
0x20a: {  	[tilespmem:s24], [sflag:$0xA] =	stream.linear.gather [hbm4b:s23+s19], $0x78, $0x38;
	[tilespmem:$0x1F700] =	vst v63  }
0x20b: {  	v18 =	vld.idx.msk [tilespmem:v17+s10+$0x0], $0xffff  }
0x20c: {  	s23 =	simm.s32 $0x7E40  }
0x20d: {  	v21 =	vld [tilespmem:s23+$0xFFFFFFC0]  }
0x20e: {  	v20 =	vld [tilespmem:s23+$0xFFFFFFD0]  }
0x20f: {  	v22 =	vld [tilespmem:s23+$0xFFFFFFE0]  }
0x210: {  	v19 =	vld [tilespmem:s23+$0xFFFFFFF0];
	v23 =	vmul.f32 v18, v1  }
0x211: {  	v24 =	vmul.f32 v18, v2  }
0x212: {  	v27 =	vld [tilespmem:s23+$0x0];
	v25 =	vmul.f32 v18, v3;
	v21 =	vadd.f32 v23, v21  }
0x213: {  	v63 =	vld [tilespmem:s23+$0x10];
	v26 =	vmul.f32 v18, v4;
	v20 =	vadd.f32 v20, v24  }
0x214: {  	s24 =	simm.s32 $0x1;
	v22 =	vadd.f32 v22, v25;
	v21 =	vadd.f32 v21, v9  }
0x215: {  	v17 =	vmov s24;
	v23 =	vadd.f32 v19, v26;
	v25 =	vadd.f32 v20, v10;
	v20 =	vld [tilespmem:s23+$0x20]  }
0x216: {  	v24 =	vmul.f32 v18, v5;
	v26 =	vmul.f32 v18, v6;
	v30 =	vmax.f32 v21, $0.0e+00;
	v21 =	vld [tilespmem:s23+$0x30]  }
0x217: {  	v19 =	vmul.f32 v18, v7;
	v22 =	vadd.f32 v22, v11;
	v29 =	vadd.f32 v23, v12  }
0x218: {  	v18 =	vmul.f32 v18, v8;
	v24 =	vadd.f32 v27, v24;
	v26 =	vadd.f32 v63, v26  }
0x219: {  	s24 =	simm.s32 $0x2;
	v23 =	vmax.f32 v25, $0.0e+00;
	v25 =	vmax.f32 v22, $0.0e+00;
	v22 =	vmax.f32 v29, $0.0e+00;
	[tilespmem:s23+$0xFFFFFFC0] =	vst v30  }
.LBB2_15:
0x21a: {  	p1 =	sne.s32 s24, $0x77;
	v17 =	vadd.s32 $0x78, v17;
	[tilespmem:s23+$0xFFFFFFD0] =	vst v23;
	v23 =	vadd.f32 v24, v13;
	v19 =	vadd.f32 v20, v19  }
0x21b: {  	v17 =	vbroadcast v17, $0x0;
	[tilespmem:s23+$0xFFFFFFE0] =	vst v25;
	v20 =	vadd.f32 v26, v14;
	v18 =	vadd.f32 v21, v18  }
0x21c: {  	[tilespmem:s23+$0xFFFFFFF0] =	vst v22;
	v21 =	vmax.f32 v23, $0.0e+00;
	v19 =	vadd.f32 v19, v15  }
0x21d: {  	[tilespmem:s23+$0x0] =	vst v21;
	v20 =	vmax.f32 v20, $0.0e+00;
	v18 =	vadd.f32 v18, v16  }
0x21e: {  	[tilespmem:s23+$0x10] =	vst v20;
	v19 =	vmax.f32 v19, $0.0e+00  }
0x21f: {  	[tilespmem:s23+$0x20] =	vst v19;
	v18 =	vmax.f32 v18, $0.0e+00  }
0x220: {  	[tilespmem:s23+$0x30] =	vst v18  }
0x221: {  	s23 =	sadd.s32 $0x80, s23;
	v18 =	vld.idx.msk [tilespmem:v17+s10+$0x0], $0xffff  }
0x222: {  	v19 =	vld [tilespmem:s23+$0xFFFFFFF0]  }
0x223: {  	v20 =	vld [tilespmem:s23+$0xFFFFFFD0]  }
0x224: {  	v21 =	vld [tilespmem:s23+$0xFFFFFFC0]  }
0x225: {  	v22 =	vld [tilespmem:s23+$0xFFFFFFE0];
	_ =	sdelay $0x1  }
0x226: {  	v23 =	vmul.f32 v18, v1;
	v24 =	vmul.f32 v18, v2  }
0x227: {  	v17 =	vmov s24;
	v25 =	vmul.f32 v18, v3;
	v26 =	vmul.f32 v18, v4;
	v27 =	vld [tilespmem:s23+$0x0]  }
0x228: {  	v21 =	vadd.f32 v23, v21;
	v23 =	vadd.f32 v20, v24;
	v24 =	vmul.f32 v18, v5;
	v28 =	vld [tilespmem:s23+$0x10]  }
.Ltmp6:
0x229: {  	v22 =	vadd.f32 v22, v25;
	v25 =	vadd.f32 v19, v26;
	v26 =	vmul.f32 v18, v6;
	v20 =	vld [tilespmem:s23+$0x20];
	(pc) =	sbr.rel @p1 .LBB2_15-.Ltmp6, $4  }
0x22a: {  	v19 =	vmul.f32 v18, v7;
	v29 =	vadd.f32 v21, v9;
	v23 =	vadd.f32 v23, v10;
	v21 =	vld [tilespmem:s23+$0x30]  }
0x22b: {  	v18 =	vmul.f32 v18, v8;
	v22 =	vadd.f32 v22, v11;
	v30 =	vadd.f32 v25, v12  }
0x22c: {  	v25 =	vmax.f32 v29, $0.0e+00;
	v23 =	vmax.f32 v23, $0.0e+00;
	v24 =	vadd.f32 v27, v24  }
0x22d: {  	s24 =	sadd.s32 $0x1, s24;
	[tilespmem:s23+$0xFFFFFFC0] =	vst v25;
	v25 =	vmax.f32 v22, $0.0e+00;
	v22 =	vmax.f32 v30, $0.0e+00;
	v26 =	vadd.f32 v28, v26  }
0x22e: {  	v17 =	vadd.s32 $0x78, v17;
	[tilespmem:s23+$0xFFFFFFD0] =	vst v23;
	v23 =	vadd.f32 v24, v13;
	v19 =	vadd.f32 v20, v19  }
0x22f: {  	[tilespmem:s23+$0xFFFFFFE0] =	vst v25;
	v17 =	vbroadcast v17, $0x0;
	v20 =	vadd.f32 v26, v14;
	v18 =	vadd.f32 v21, v18  }
0x230: {  	[tilespmem:s23+$0xFFFFFFF0] =	vst v22;
	v21 =	vmax.f32 v23, $0.0e+00;
	v19 =	vadd.f32 v19, v15  }
0x231: {  	[tilespmem:s23+$0x0] =	vst v21;
	v20 =	vmax.f32 v20, $0.0e+00;
	v18 =	vadd.f32 v18, v16  }
0x232: {  	[tilespmem:s23+$0x10] =	vst v20;
	v19 =	vmax.f32 v19, $0.0e+00  }
0x233: {  	s19 =	sadd.s32 $0x80, s23;
	[tilespmem:s23+$0x20] =	vst v19;
	v18 =	vmax.f32 v18, $0.0e+00  }
0x234: {  	v19 =	vld [tilespmem:s19+$0xFFFFFFC0];
	[tilespmem:s23+$0x30] =	vst v18  }
0x235: {  	v17 =	vld.idx.msk [tilespmem:v17+s10+$0x0], $0xffff  }
0x236: {  	v20 =	vld [tilespmem:s19+$0xFFFFFFE0]  }
0x237: {  	v18 =	vld [tilespmem:s19+$0xFFFFFFD0]  }
0x238: {  	v21 =	vld [tilespmem:s19+$0xFFFFFFF0];
	_ =	sdelay $0x1  }
0x239: {  	v22 =	vmul.f32 v17, v1;
	v23 =	vmul.f32 v17, v2  }
0x23a: {  	v27 =	vld [tilespmem:s19+$0x30];
	v24 =	vmul.f32 v17, v3;
	v26 =	vmul.f32 v17, v4  }
0x23b: {  	v25 =	vld [tilespmem:s19+$0x0];
	v28 =	vmul.f32 v17, v7;
	v19 =	vadd.f32 v22, v19;
	v18 =	vadd.f32 v18, v23  }
0x23c: {  	v22 =	vld [tilespmem:s19+$0x10];
	v23 =	vmul.f32 v17, v5;
	v20 =	vadd.f32 v20, v24;
	v21 =	vadd.f32 v21, v26  }
0x23d: {  	v24 =	vld [tilespmem:s19+$0x20];
	v26 =	vmul.f32 v17, v6;
	v17 =	vmul.f32 v17, v8;
	v19 =	vadd.f32 v19, v9  }
0x23e: {  	v18 =	vadd.f32 v18, v10  }
0x23f: {  	v20 =	vadd.f32 v20, v11;
	v17 =	vadd.f32 v27, v17;
	v19 =	vmax.f32 v19, $0.0e+00  }
0x240: {  	v21 =	vadd.f32 v21, v12;
	v23 =	vadd.f32 v25, v23;
	v18 =	vmax.f32 v18, $0.0e+00;
	[tilespmem:s19+$0xFFFFFFC0] =	vst v19  }
0x241: {  	v20 =	vmax.f32 v20, $0.0e+00;
	v17 =	vadd.f32 v17, v16;
	v19 =	vadd.f32 v22, v26;
	[tilespmem:s19+$0xFFFFFFD0] =	vst v18  }
0x242: {  	v21 =	vmax.f32 v21, $0.0e+00;
	v18 =	vadd.f32 v23, v13;
	v22 =	vadd.f32 v24, v28;
	[tilespmem:s19+$0xFFFFFFE0] =	vst v20  }
0x243: {  	[tilespmem:s19+$0xFFFFFFF0] =	vst v21;
	v17 =	vmax.f32 v17, $0.0e+00;
	v19 =	vadd.f32 v19, v14  }
0x244: {  	v18 =	vmax.f32 v18, $0.0e+00;
	v20 =	vadd.f32 v22, v15;
	[tilespmem:s19+$0x30] =	vst v17  }
0x245: {  	[tilespmem:s19+$0x0] =	vst v18;
	v18 =	vmax.f32 v19, $0.0e+00  }
0x246: {  	[tilespmem:s19+$0x10] =	vst v18;
	v18 =	vmax.f32 v20, $0.0e+00  }
0x247: {  	[tilespmem:s19+$0x20] =	vst v18  }
0x248: {  	[spmem:s5] =	stream.indirect.scatter.add.f32 [tilespmem:s15], [sflag:$0x6], $0x80, s20, s16, $0xb8;
	[tilespmem:$0x1F700] =	vst v63  }
0x249: {  	_ =	swait.ge [sflag:s30], $0x3C00  }
0x24a: {  	[sflag:s30] =	ssyncset.done $0x0  }
0x24b: {  	[sflag:s30] =	ssyncadd.s32 $0xFFFFC400  }
0x24c: {  	_ =	swait.ge [sflag:s28], $0x100  }
0x24d: {  	[sflag:s28] =	ssyncset.done $0x0  }
0x24e: {  	[sflag:s28] =	ssyncadd.s32 $0xFFFFFF00  }
0x24f: {  	_ =	swait.ge [sflag:s28], $0x78  }
0x250: {  	s19 =	simm.s32 $0x0;
	[sflag:s28] =	ssyncset.done $0x0;
	s24 =	rddreg [dreg:$0x1b]  }
0x251: {  	v17 =	vmov s19;
	[sflag:s28] =	ssyncadd.s32 $0xFFFFFF88;
	s23 =	sadd.s32 s12, s24  }
0x252: {  	v17 =	vadd.s32 $0xF0, v17;
	[tilespmem:s18], [sflag:$0x2] =	stream.indirect.gather [hbm4b:s1+s16], $0x80, s4, s16, $0xb8;
	[tilespmem:$0x1F700] =	vst v63  }
0x253: {  	v17 =	vbroadcast v17, $0x0;
	s24 =	sshll.u32 s23, $0x5;
	_ =	swait.ge [sflag:s21], $0x3C00  }
0x254: {  	s24 =	sand.u32 $0x1FFFFF80, s24;
	[sflag:s21] =	ssyncset.done $0x0  }
0x255: {  	s23 =	smul.u32 $0xF, s23;
	s24 =	sadd.s32 s7, s24;
	[sflag:s21] =	ssyncadd.s32 $0xFFFFC400  }
0x256: {  	[tilespmem:s19], [sflag:$0x7] =	stream.linear.gather [hbm4b:s24+s19], $0x100, $0x38;
	[tilespmem:$0x1F700] =	vst v63  }
0x257: {  	s23 =	sadd.s32 s2, s23  }
0x258: {  	[tilespmem:s10], [sflag:$0x7] =	stream.linear.gather [hbm4b:s23+s19], $0x78, $0x38;
	[tilespmem:$0x1F700] =	vst v63  }
0x259: {  	v18 =	vld.idx.msk [tilespmem:v17+s10+$0x0], $0xffff  }
0x25a: {  	s23 =	simm.s32 $0x640  }
0x25b: {  	v21 =	vld [tilespmem:s23+$0xFFFFFFC0]  }
0x25c: {  	v20 =	vld [tilespmem:s23+$0xFFFFFFD0]  }
0x25d: {  	v22 =	vld [tilespmem:s23+$0xFFFFFFE0]  }
0x25e: {  	v19 =	vld [tilespmem:s23+$0xFFFFFFF0];
	v23 =	vmul.f32 v18, v1  }
0x25f: {  	v24 =	vmul.f32 v18, v2  }
0x260: {  	v27 =	vld [tilespmem:s23+$0x0];
	v25 =	vmul.f32 v18, v3;
	v21 =	vadd.f32 v23, v21  }
0x261: {  	v63 =	vld [tilespmem:s23+$0x10];
	v26 =	vmul.f32 v18, v4;
	v20 =	vadd.f32 v20, v24  }
0x262: {  	s24 =	simm.s32 $0x1;
	v22 =	vadd.f32 v22, v25;
	v21 =	vadd.f32 v21, v9  }
0x263: {  	v17 =	vmov s24;
	v23 =	vadd.f32 v19, v26;
	v25 =	vadd.f32 v20, v10;
	v20 =	vld [tilespmem:s23+$0x20]  }
0x264: {  	v24 =	vmul.f32 v18, v5;
	v26 =	vmul.f32 v18, v6;
	v30 =	vmax.f32 v21, $0.0e+00;
	v21 =	vld [tilespmem:s23+$0x30]  }
0x265: {  	v19 =	vmul.f32 v18, v7;
	v22 =	vadd.f32 v22, v11;
	v29 =	vadd.f32 v23, v12  }
0x266: {  	v18 =	vmul.f32 v18, v8;
	v24 =	vadd.f32 v27, v24;
	v26 =	vadd.f32 v63, v26  }
0x267: {  	s24 =	simm.s32 $0x2;
	v23 =	vmax.f32 v25, $0.0e+00;
	v25 =	vmax.f32 v22, $0.0e+00;
	v22 =	vmax.f32 v29, $0.0e+00;
	[tilespmem:s23+$0xFFFFFFC0] =	vst v30  }
.LBB2_17:
0x268: {  	p1 =	sne.s32 s24, $0x77;
	v17 =	vadd.s32 $0xF0, v17;
	[tilespmem:s23+$0xFFFFFFD0] =	vst v23;
	v23 =	vadd.f32 v24, v13;
	v19 =	vadd.f32 v20, v19  }
0x269: {  	v17 =	vbroadcast v17, $0x0;
	[tilespmem:s23+$0xFFFFFFE0] =	vst v25;
	v20 =	vadd.f32 v26, v14;
	v18 =	vadd.f32 v21, v18  }
0x26a: {  	[tilespmem:s23+$0xFFFFFFF0] =	vst v22;
	v21 =	vmax.f32 v23, $0.0e+00;
	v19 =	vadd.f32 v19, v15  }
0x26b: {  	[tilespmem:s23+$0x0] =	vst v21;
	v20 =	vmax.f32 v20, $0.0e+00;
	v18 =	vadd.f32 v18, v16  }
0x26c: {  	[tilespmem:s23+$0x10] =	vst v20;
	v19 =	vmax.f32 v19, $0.0e+00  }
0x26d: {  	[tilespmem:s23+$0x20] =	vst v19;
	v18 =	vmax.f32 v18, $0.0e+00  }
0x26e: {  	[tilespmem:s23+$0x30] =	vst v18  }
0x26f: {  	s23 =	sadd.s32 $0x80, s23;
	v18 =	vld.idx.msk [tilespmem:v17+s10+$0x0], $0xffff  }
0x270: {  	v19 =	vld [tilespmem:s23+$0xFFFFFFF0]  }
0x271: {  	v20 =	vld [tilespmem:s23+$0xFFFFFFD0]  }
0x272: {  	v21 =	vld [tilespmem:s23+$0xFFFFFFC0]  }
0x273: {  	v22 =	vld [tilespmem:s23+$0xFFFFFFE0];
	_ =	sdelay $0x1  }
0x274: {  	v23 =	vmul.f32 v18, v1;
	v24 =	vmul.f32 v18, v2  }
0x275: {  	v17 =	vmov s24;
	v25 =	vmul.f32 v18, v3;
	v26 =	vmul.f32 v18, v4;
	v27 =	vld [tilespmem:s23+$0x0]  }
0x276: {  	v21 =	vadd.f32 v23, v21;
	v23 =	vadd.f32 v20, v24;
	v24 =	vmul.f32 v18, v5;
	v28 =	vld [tilespmem:s23+$0x10]  }
.Ltmp7:
0x277: {  	v22 =	vadd.f32 v22, v25;
	v25 =	vadd.f32 v19, v26;
	v26 =	vmul.f32 v18, v6;
	v20 =	vld [tilespmem:s23+$0x20];
	(pc) =	sbr.rel @p1 .LBB2_17-.Ltmp7, $4  }
0x278: {  	v19 =	vmul.f32 v18, v7;
	v29 =	vadd.f32 v21, v9;
	v23 =	vadd.f32 v23, v10;
	v21 =	vld [tilespmem:s23+$0x30]  }
0x279: {  	v18 =	vmul.f32 v18, v8;
	v22 =	vadd.f32 v22, v11;
	v30 =	vadd.f32 v25, v12  }
0x27a: {  	v25 =	vmax.f32 v29, $0.0e+00;
	v23 =	vmax.f32 v23, $0.0e+00;
	v24 =	vadd.f32 v27, v24  }
0x27b: {  	s24 =	sadd.s32 $0x1, s24;
	[tilespmem:s23+$0xFFFFFFC0] =	vst v25;
	v25 =	vmax.f32 v22, $0.0e+00;
	v22 =	vmax.f32 v30, $0.0e+00;
	v26 =	vadd.f32 v28, v26  }
0x27c: {  	v17 =	vadd.s32 $0xF0, v17;
	[tilespmem:s23+$0xFFFFFFD0] =	vst v23;
	v23 =	vadd.f32 v24, v13;
	v19 =	vadd.f32 v20, v19  }
0x27d: {  	[tilespmem:s23+$0xFFFFFFE0] =	vst v25;
	v17 =	vbroadcast v17, $0x0;
	v20 =	vadd.f32 v26, v14;
	v18 =	vadd.f32 v21, v18  }
0x27e: {  	[tilespmem:s23+$0xFFFFFFF0] =	vst v22;
	v21 =	vmax.f32 v23, $0.0e+00;
	v19 =	vadd.f32 v19, v15  }
0x27f: {  	[tilespmem:s23+$0x0] =	vst v21;
	v20 =	vmax.f32 v20, $0.0e+00;
	v18 =	vadd.f32 v18, v16  }
0x280: {  	[tilespmem:s23+$0x10] =	vst v20;
	v19 =	vmax.f32 v19, $0.0e+00  }
0x281: {  	s19 =	sadd.s32 $0x80, s23;
	[tilespmem:s23+$0x20] =	vst v19;
	v18 =	vmax.f32 v18, $0.0e+00  }
0x282: {  	v19 =	vld [tilespmem:s19+$0xFFFFFFC0];
	[tilespmem:s23+$0x30] =	vst v18  }
0x283: {  	v17 =	vld.idx.msk [tilespmem:v17+s10+$0x0], $0xffff  }
0x284: {  	v20 =	vld [tilespmem:s19+$0xFFFFFFE0]  }
0x285: {  	v18 =	vld [tilespmem:s19+$0xFFFFFFD0]  }
0x286: {  	v21 =	vld [tilespmem:s19+$0xFFFFFFF0];
	_ =	sdelay $0x1  }
0x287: {  	v22 =	vmul.f32 v17, v1;
	v23 =	vmul.f32 v17, v2  }
0x288: {  	v27 =	vld [tilespmem:s19+$0x30];
	v24 =	vmul.f32 v17, v3;
	v26 =	vmul.f32 v17, v4  }
0x289: {  	v25 =	vld [tilespmem:s19+$0x0];
	v28 =	vmul.f32 v17, v7;
	v19 =	vadd.f32 v22, v19;
	v18 =	vadd.f32 v18, v23  }
0x28a: {  	v22 =	vld [tilespmem:s19+$0x10];
	v23 =	vmul.f32 v17, v5;
	v20 =	vadd.f32 v20, v24;
	v21 =	vadd.f32 v21, v26  }
0x28b: {  	v24 =	vld [tilespmem:s19+$0x20];
	v26 =	vmul.f32 v17, v6;
	v17 =	vmul.f32 v17, v8;
	v19 =	vadd.f32 v19, v9  }
0x28c: {  	v18 =	vadd.f32 v18, v10  }
0x28d: {  	v20 =	vadd.f32 v20, v11;
	v17 =	vadd.f32 v27, v17;
	v19 =	vmax.f32 v19, $0.0e+00  }
0x28e: {  	v21 =	vadd.f32 v21, v12;
	v23 =	vadd.f32 v25, v23;
	v18 =	vmax.f32 v18, $0.0e+00;
	[tilespmem:s19+$0xFFFFFFC0] =	vst v19  }
0x28f: {  	v20 =	vmax.f32 v20, $0.0e+00;
	v17 =	vadd.f32 v17, v16;
	v19 =	vadd.f32 v22, v26;
	[tilespmem:s19+$0xFFFFFFD0] =	vst v18  }
0x290: {  	v21 =	vmax.f32 v21, $0.0e+00;
	v18 =	vadd.f32 v23, v13;
	v22 =	vadd.f32 v24, v28;
	[tilespmem:s19+$0xFFFFFFE0] =	vst v20  }
0x291: {  	[tilespmem:s19+$0xFFFFFFF0] =	vst v21;
	v17 =	vmax.f32 v17, $0.0e+00;
	v19 =	vadd.f32 v19, v14  }
0x292: {  	v18 =	vmax.f32 v18, $0.0e+00;
	v20 =	vadd.f32 v22, v15;
	[tilespmem:s19+$0x30] =	vst v17  }
0x293: {  	[tilespmem:s19+$0x0] =	vst v18;
	v18 =	vmax.f32 v19, $0.0e+00  }
0x294: {  	[tilespmem:s19+$0x10] =	vst v18;
	v18 =	vmax.f32 v20, $0.0e+00  }
0x295: {  	[tilespmem:s19+$0x20] =	vst v18  }
0x296: {  	[spmem:s5] =	stream.indirect.scatter.add.f32 [tilespmem:s9], [sflag:$0x4], $0x80, s29, s16, $0xb8;
	[tilespmem:$0x1F700] =	vst v63  }
0x297: {  	_ =	swait.ge [sflag:s0], $0x3C00  }
0x298: {  	[sflag:s0] =	ssyncset.done $0x0  }
0x299: {  	[sflag:s0] =	ssyncadd.s32 $0xFFFFC400  }
0x29a: {  	_ =	swait.ge [sflag:s13], $0x100  }
0x29b: {  	[sflag:s13] =	ssyncset.done $0x0  }
0x29c: {  	[sflag:s13] =	ssyncadd.s32 $0xFFFFFF00  }
0x29d: {  	_ =	swait.ge [sflag:s13], $0x78  }
0x29e: {  	s19 =	simm.s32 $0x0;
	[sflag:s13] =	ssyncset.done $0x0;
	s24 =	rddreg [dreg:$0x1c]  }
0x29f: {  	v17 =	vmov s19;
	[sflag:s13] =	ssyncadd.s32 $0xFFFFFF88;
	s23 =	sadd.s32 s12, s24  }
0x2a0: {  	v17 =	vadd.s32 $0x168, v17;
	[tilespmem:s15], [sflag:$0x3] =	stream.indirect.gather [hbm4b:s1+s16], $0x80, s19, s16, $0xb8;
	[tilespmem:$0x1F700] =	vst v63  }
0x2a1: {  	v17 =	vbroadcast v17, $0x0;
	s24 =	sshll.u32 s23, $0x5;
	_ =	swait.ge [sflag:s8], $0x3C00  }
0x2a2: {  	s24 =	sand.u32 $0x1FFFFFA0, s24;
	[sflag:s8] =	ssyncset.done $0x0  }
0x2a3: {  	s23 =	smul.u32 $0xF, s23;
	s24 =	sadd.s32 s7, s24;
	[sflag:s8] =	ssyncadd.s32 $0xFFFFC400  }
0x2a4: {  	[tilespmem:s11], [sflag:$0x8] =	stream.linear.gather [hbm4b:s24+s19], $0x100, $0x38;
	[tilespmem:$0x1F700] =	vst v63  }
0x2a5: {  	s23 =	sadd.s32 s2, s23;
	s24 =	simm.s32 $0x478  }
0x2a6: {  	[tilespmem:s24], [sflag:$0x8] =	stream.linear.gather [hbm4b:s23+s19], $0x78, $0x38;
	[tilespmem:$0x1F700] =	vst v63  }
0x2a7: {  	v18 =	vld.idx.msk [tilespmem:v17+s10+$0x0], $0xffff  }
0x2a8: {  	s23 =	simm.s32 $0x4240  }
0x2a9: {  	v21 =	vld [tilespmem:s23+$0xFFFFFFC0]  }
0x2aa: {  	v20 =	vld [tilespmem:s23+$0xFFFFFFD0]  }
0x2ab: {  	v22 =	vld [tilespmem:s23+$0xFFFFFFE0]  }
0x2ac: {  	v19 =	vld [tilespmem:s23+$0xFFFFFFF0];
	v23 =	vmul.f32 v18, v1  }
0x2ad: {  	v24 =	vmul.f32 v18, v2  }
0x2ae: {  	v27 =	vld [tilespmem:s23+$0x0];
	v25 =	vmul.f32 v18, v3;
	v21 =	vadd.f32 v23, v21  }
0x2af: {  	v63 =	vld [tilespmem:s23+$0x10];
	v26 =	vmul.f32 v18, v4;
	v20 =	vadd.f32 v20, v24  }
0x2b0: {  	s24 =	simm.s32 $0x1;
	v22 =	vadd.f32 v22, v25;
	v21 =	vadd.f32 v21, v9  }
0x2b1: {  	v17 =	vmov s24;
	v23 =	vadd.f32 v19, v26;
	v25 =	vadd.f32 v20, v10;
	v20 =	vld [tilespmem:s23+$0x20]  }
0x2b2: {  	v24 =	vmul.f32 v18, v5;
	v26 =	vmul.f32 v18, v6;
	v30 =	vmax.f32 v21, $0.0e+00;
	v21 =	vld [tilespmem:s23+$0x30]  }
0x2b3: {  	v19 =	vmul.f32 v18, v7;
	v22 =	vadd.f32 v22, v11;
	v29 =	vadd.f32 v23, v12  }
0x2b4: {  	v18 =	vmul.f32 v18, v8;
	v24 =	vadd.f32 v27, v24;
	v26 =	vadd.f32 v63, v26  }
0x2b5: {  	s24 =	simm.s32 $0x2;
	v23 =	vmax.f32 v25, $0.0e+00;
	v25 =	vmax.f32 v22, $0.0e+00;
	v22 =	vmax.f32 v29, $0.0e+00;
	[tilespmem:s23+$0xFFFFFFC0] =	vst v30  }
.LBB2_19:
0x2b6: {  	p1 =	sne.s32 s24, $0x77;
	v17 =	vadd.s32 $0x168, v17;
	[tilespmem:s23+$0xFFFFFFD0] =	vst v23;
	v23 =	vadd.f32 v24, v13;
	v19 =	vadd.f32 v20, v19  }
0x2b7: {  	v17 =	vbroadcast v17, $0x0;
	[tilespmem:s23+$0xFFFFFFE0] =	vst v25;
	v20 =	vadd.f32 v26, v14;
	v18 =	vadd.f32 v21, v18  }
0x2b8: {  	[tilespmem:s23+$0xFFFFFFF0] =	vst v22;
	v21 =	vmax.f32 v23, $0.0e+00;
	v19 =	vadd.f32 v19, v15  }
0x2b9: {  	[tilespmem:s23+$0x0] =	vst v21;
	v20 =	vmax.f32 v20, $0.0e+00;
	v18 =	vadd.f32 v18, v16  }
0x2ba: {  	[tilespmem:s23+$0x10] =	vst v20;
	v19 =	vmax.f32 v19, $0.0e+00  }
0x2bb: {  	[tilespmem:s23+$0x20] =	vst v19;
	v18 =	vmax.f32 v18, $0.0e+00  }
0x2bc: {  	[tilespmem:s23+$0x30] =	vst v18  }
0x2bd: {  	s23 =	sadd.s32 $0x80, s23;
	v18 =	vld.idx.msk [tilespmem:v17+s10+$0x0], $0xffff  }
0x2be: {  	v19 =	vld [tilespmem:s23+$0xFFFFFFF0]  }
0x2bf: {  	v20 =	vld [tilespmem:s23+$0xFFFFFFD0]  }
0x2c0: {  	v21 =	vld [tilespmem:s23+$0xFFFFFFC0]  }
0x2c1: {  	v22 =	vld [tilespmem:s23+$0xFFFFFFE0];
	_ =	sdelay $0x1  }
0x2c2: {  	v23 =	vmul.f32 v18, v1;
	v24 =	vmul.f32 v18, v2  }
0x2c3: {  	v17 =	vmov s24;
	v25 =	vmul.f32 v18, v3;
	v26 =	vmul.f32 v18, v4;
	v27 =	vld [tilespmem:s23+$0x0]  }
0x2c4: {  	v21 =	vadd.f32 v23, v21;
	v23 =	vadd.f32 v20, v24;
	v24 =	vmul.f32 v18, v5;
	v28 =	vld [tilespmem:s23+$0x10]  }
.Ltmp8:
0x2c5: {  	v22 =	vadd.f32 v22, v25;
	v25 =	vadd.f32 v19, v26;
	v26 =	vmul.f32 v18, v6;
	v20 =	vld [tilespmem:s23+$0x20];
	(pc) =	sbr.rel @p1 .LBB2_19-.Ltmp8, $4  }
0x2c6: {  	v19 =	vmul.f32 v18, v7;
	v29 =	vadd.f32 v21, v9;
	v23 =	vadd.f32 v23, v10;
	v21 =	vld [tilespmem:s23+$0x30]  }
0x2c7: {  	v18 =	vmul.f32 v18, v8;
	v22 =	vadd.f32 v22, v11;
	v30 =	vadd.f32 v25, v12  }
0x2c8: {  	v25 =	vmax.f32 v29, $0.0e+00;
	v23 =	vmax.f32 v23, $0.0e+00;
	v24 =	vadd.f32 v27, v24  }
0x2c9: {  	s24 =	sadd.s32 $0x1, s24;
	[tilespmem:s23+$0xFFFFFFC0] =	vst v25;
	v25 =	vmax.f32 v22, $0.0e+00;
	v22 =	vmax.f32 v30, $0.0e+00;
	v26 =	vadd.f32 v28, v26  }
0x2ca: {  	v17 =	vadd.s32 $0x168, v17;
	[tilespmem:s23+$0xFFFFFFD0] =	vst v23;
	v23 =	vadd.f32 v24, v13;
	v19 =	vadd.f32 v20, v19  }
0x2cb: {  	[tilespmem:s23+$0xFFFFFFE0] =	vst v25;
	v17 =	vbroadcast v17, $0x0;
	v20 =	vadd.f32 v26, v14;
	v18 =	vadd.f32 v21, v18  }
0x2cc: {  	[tilespmem:s23+$0xFFFFFFF0] =	vst v22;
	v21 =	vmax.f32 v23, $0.0e+00;
	v19 =	vadd.f32 v19, v15  }
0x2cd: {  	[tilespmem:s23+$0x0] =	vst v21;
	v20 =	vmax.f32 v20, $0.0e+00;
	v18 =	vadd.f32 v18, v16  }
0x2ce: {  	[tilespmem:s23+$0x10] =	vst v20;
	v19 =	vmax.f32 v19, $0.0e+00  }
0x2cf: {  	[tilespmem:s23+$0x20] =	vst v19;
	v18 =	vmax.f32 v18, $0.0e+00  }
0x2d0: {  	[tilespmem:s23+$0x30] =	vst v18  }
0x2d1: {  	v17 =	vld.idx.msk [tilespmem:v17+s10+$0x0], $0xffff  }
0x2d2: {  	s19 =	sadd.s32 $0x80, s23  }
0x2d3: {  	v19 =	vld [tilespmem:s19+$0xFFFFFFC0]  }
0x2d4: {  	v18 =	vld [tilespmem:s19+$0xFFFFFFD0]  }
0x2d5: {  	v20 =	vld [tilespmem:s19+$0xFFFFFFE0]  }
0x2d6: {  	v21 =	vld [tilespmem:s19+$0xFFFFFFF0];
	v22 =	vmul.f32 v17, v1  }
0x2d7: {  	v27 =	vld [tilespmem:s19+$0x30];
	v23 =	vmul.f32 v17, v2;
	v53 =	vmul.f32 v17, v3  }
0x2d8: {  	v25 =	vld [tilespmem:s19+$0x0];
	v54 =	vmul.f32 v17, v4;
	v56 =	vmul.f32 v17, v6;
	v19 =	vadd.f32 v22, v19  }
0x2d9: {  	v28 =	vmul.f32 v17, v7;
	v22 =	vld [tilespmem:s19+$0x10];
	v18 =	vadd.f32 v18, v23;
	v23 =	vmul.f32 v17, v5  }
0x2da: {  	v55 =	vld [tilespmem:s19+$0x20];
	v20 =	vadd.f32 v20, v53;
	v17 =	vmul.f32 v17, v8;
	v19 =	vadd.f32 v19, v9  }
0x2db: {  	v21 =	vadd.f32 v21, v54;
	v18 =	vadd.f32 v18, v10  }
0x2dc: {  	v20 =	vadd.f32 v20, v11;
	v17 =	vadd.f32 v27, v17;
	v19 =	vmax.f32 v19, $0.0e+00  }
0x2dd: {  	v21 =	vadd.f32 v21, v12;
	v23 =	vadd.f32 v25, v23;
	v18 =	vmax.f32 v18, $0.0e+00;
	[tilespmem:s19+$0xFFFFFFC0] =	vst v19  }
0x2de: {  	v20 =	vmax.f32 v20, $0.0e+00;
	v17 =	vadd.f32 v17, v16;
	v19 =	vadd.f32 v22, v56;
	[tilespmem:s19+$0xFFFFFFD0] =	vst v18  }
0x2df: {  	v21 =	vmax.f32 v21, $0.0e+00;
	v18 =	vadd.f32 v23, v13;
	v22 =	vadd.f32 v55, v28;
	[tilespmem:s19+$0xFFFFFFE0] =	vst v20  }
0x2e0: {  	[tilespmem:s19+$0xFFFFFFF0] =	vst v21;
	v17 =	vmax.f32 v17, $0.0e+00;
	v19 =	vadd.f32 v19, v14  }
0x2e1: {  	v18 =	vmax.f32 v18, $0.0e+00;
	v20 =	vadd.f32 v22, v15;
	[tilespmem:s19+$0x30] =	vst v17  }
0x2e2: {  	[tilespmem:s19+$0x0] =	vst v18;
	v18 =	vmax.f32 v19, $0.0e+00  }
0x2e3: {  	[tilespmem:s19+$0x10] =	vst v18;
	v18 =	vmax.f32 v20, $0.0e+00  }
0x2e4: {  	[tilespmem:s19+$0x20] =	vst v18  }
0x2e5: {  	[spmem:s5] =	stream.indirect.scatter.add.f32 [tilespmem:s18], [sflag:$0x5], $0x80, s31, s16, $0xb8;
	[tilespmem:$0x1F700] =	vst v63  }
0x2e6: {  	_ =	swait.ge [sflag:s26], $0x3C00  }
0x2e7: {  	[sflag:s26] =	ssyncset.done $0x0  }
0x2e8: {  	[sflag:s26] =	ssyncadd.s32 $0xFFFFC400  }
0x2e9: {  	_ =	swait.ge [sflag:s17], $0x100  }
0x2ea: {  	[sflag:s17] =	ssyncset.done $0x0  }
0x2eb: {  	[sflag:s17] =	ssyncadd.s32 $0xFFFFFF00  }
0x2ec: {  	_ =	swait.ge [sflag:s17], $0x78  }
0x2ed: {  	[sflag:s17] =	ssyncset.done $0x0;
	s23 =	rddreg [dreg:$0x1d]  }
0x2ee: {  	[sflag:s17] =	ssyncadd.s32 $0xFFFFFF88;
	s19 =	sadd.s32 s12, s23  }
0x2ef: {  	[tilespmem:s9], [sflag:$0x1] =	stream.indirect.gather [hbm4b:s1+s16], $0x80, s11, s16, $0xb8;
	[tilespmem:$0x1F700] =	vst v63  }
0x2f0: {  	s24 =	simm.s32 $0x0;
	s23 =	sshll.u32 s19, $0x5;
	_ =	swait.ge [sflag:s14], $0x3C00  }
0x2f1: {  	v17 =	vmov s24;
	s23 =	sand.u32 $0x1FFFFFC0, s23;
	[sflag:s14] =	ssyncset.done $0x0  }
0x2f2: {  	s19 =	smul.u32 $0xF, s19;
	s23 =	sadd.s32 s7, s23;
	[sflag:s14] =	ssyncadd.s32 $0xFFFFC400  }
0x2f3: {  	[tilespmem:s22], [sflag:$0x9] =	stream.linear.gather [hbm4b:s23+s24], $0x100, $0x38;
	[tilespmem:$0x1F700] =	vst v63  }
0x2f4: {  	s19 =	sadd.s32 s2, s19;
	s23 =	simm.s32 $0x4F0  }
0x2f5: {  	[tilespmem:s23], [sflag:$0x9] =	stream.linear.gather [hbm4b:s19+s24], $0x78, $0x38;
	[tilespmem:$0x1F700] =	vst v63  }
0x2f6: {  	v17 =	vld.idx.msk [tilespmem:v17+s10+$0x0], $0xffff  }
0x2f7: {  	s23 =	simm.s32 $0x7E40  }
0x2f8: {  	v19 =	vld [tilespmem:s23+$0xFFFFFFC0]  }
0x2f9: {  	v18 =	vld [tilespmem:s23+$0xFFFFFFD0]  }
0x2fa: {  	v20 =	vld [tilespmem:s23+$0xFFFFFFE0]  }
0x2fb: {  	v21 =	vld [tilespmem:s23+$0xFFFFFFF0];
	v22 =	vmul.f32 v17, v1  }
0x2fc: {  	v58 =	vld [tilespmem:s23+$0x0];
	v23 =	vmul.f32 v17, v2  }
0x2fd: {  	v57 =	vmul.f32 v17, v3;
	v59 =	vmul.f32 v17, v4;
	v19 =	vadd.f32 v22, v19;
	v22 =	vld [tilespmem:s23+$0x10]  }
0x2fe: {  	v60 =	vld [tilespmem:s23+$0x20];
	v61 =	vmul.f32 v17, v6;
	v63 =	vmul.f32 v17, v7;
	v18 =	vadd.f32 v18, v23  }
0x2ff: {  	v62 =	vld [tilespmem:s23+$0x30];
	v23 =	vmul.f32 v17, v5;
	v20 =	vadd.f32 v20, v57;
	v19 =	vadd.f32 v19, v9  }
0x300: {  	v21 =	vadd.f32 v21, v59;
	v17 =	vmul.f32 v17, v8;
	v18 =	vadd.f32 v18, v10  }
0x301: {  	v20 =	vadd.f32 v20, v11;
	v23 =	vadd.f32 v58, v23;
	v19 =	vmax.f32 v19, $0.0e+00  }
0x302: {  	v21 =	vadd.f32 v21, v12;
	v18 =	vmax.f32 v18, $0.0e+00;
	[tilespmem:s23+$0xFFFFFFC0] =	vst v19;
	v19 =	vadd.f32 v22, v61  }
0x303: {  	v20 =	vmax.f32 v20, $0.0e+00;
	[tilespmem:s23+$0xFFFFFFD0] =	vst v18;
	v22 =	vadd.f32 v23, v13;
	v23 =	vadd.f32 v60, v63  }
0x304: {  	s24 =	simm.s32 $0x1;
	v21 =	vmax.f32 v21, $0.0e+00;
	[tilespmem:s23+$0xFFFFFFE0] =	vst v20;
	v18 =	vadd.f32 v19, v14;
	v19 =	vadd.f32 v62, v17  }
0x305: {  	s19 =	simm.s32 $0x2;
	[tilespmem:s23+$0xFFFFFFF0] =	vst v21;
	v17 =	vmov s24;
	v21 =	vmax.f32 v22, $0.0e+00;
	v20 =	vadd.f32 v23, v15  }
.LBB2_21:
0x306: {  	p1 =	sne.s32 s19, $0x77;
	[tilespmem:s23+$0x0] =	vst v21;
	v18 =	vmax.f32 v18, $0.0e+00;
	v19 =	vadd.f32 v19, v16  }
0x307: {  	[tilespmem:s23+$0x10] =	vst v18;
	v18 =	vmax.f32 v20, $0.0e+00  }
0x308: {  	[tilespmem:s23+$0x20] =	vst v18;
	v18 =	vmax.f32 v19, $0.0e+00  }
0x309: {  	[tilespmem:s23+$0x30] =	vst v18  }
0x30a: {  	s23 =	sadd.s32 $0x80, s23;
	v17 =	vld.idx.msk [tilespmem:v17+s10+$0x0], $0xffff  }
0x30b: {  	v18 =	vld [tilespmem:s23+$0xFFFFFFF0]  }
0x30c: {  	v19 =	vld [tilespmem:s23+$0xFFFFFFD0]  }
0x30d: {  	v20 =	vld [tilespmem:s23+$0xFFFFFFC0]  }
0x30e: {  	v21 =	vld [tilespmem:s23+$0xFFFFFFE0];
	_ =	sdelay $0x1  }
0x30f: {  	v22 =	vmul.f32 v17, v1;
	v23 =	vmul.f32 v17, v2  }
0x310: {  	v24 =	vmul.f32 v17, v3;
	v25 =	vmul.f32 v17, v4;
	v26 =	vld [tilespmem:s23+$0x0]  }
0x311: {  	v19 =	vadd.f32 v19, v23;
	v20 =	vadd.f32 v22, v20;
	v22 =	vmul.f32 v17, v5;
	v23 =	vld [tilespmem:s23+$0x10]  }
0x312: {  	v18 =	vadd.f32 v18, v25;
	v21 =	vadd.f32 v21, v24;
	v24 =	vmul.f32 v17, v6;
	v25 =	vld [tilespmem:s23+$0x20]  }
0x313: {  	v27 =	vmul.f32 v17, v7;
	v19 =	vadd.f32 v19, v10;
	v20 =	vadd.f32 v20, v9;
	v28 =	vld [tilespmem:s23+$0x30]  }
0x314: {  	v18 =	vadd.f32 v18, v12;
	v17 =	vmul.f32 v17, v8;
	v21 =	vadd.f32 v21, v11  }
.Ltmp9:
0x315: {  	v19 =	vmax.f32 v19, $0.0e+00;
	v20 =	vmax.f32 v20, $0.0e+00;
	v22 =	vadd.f32 v26, v22;
	(pc) =	sbr.rel @p1 .LBB2_21-.Ltmp9, $4  }
0x316: {  	[tilespmem:s23+$0xFFFFFFC0] =	vst v20;
	v20 =	vmax.f32 v21, $0.0e+00;
	v21 =	vmax.f32 v18, $0.0e+00;
	v18 =	vadd.f32 v23, v24  }
0x317: {  	[tilespmem:s23+$0xFFFFFFD0] =	vst v19;
	v22 =	vadd.f32 v22, v13;
	v23 =	vadd.f32 v25, v27  }
0x318: {  	[tilespmem:s23+$0xFFFFFFE0] =	vst v20;
	v18 =	vadd.f32 v18, v14;
	v19 =	vadd.f32 v28, v17  }
0x319: {  	v17 =	vmov s19;
	s19 =	sadd.s32 $0x1, s19;
	[tilespmem:s23+$0xFFFFFFF0] =	vst v21;
	v21 =	vmax.f32 v22, $0.0e+00;
	v20 =	vadd.f32 v23, v15  }
0x31a: {  	[tilespmem:s23+$0x0] =	vst v21;
	v18 =	vmax.f32 v18, $0.0e+00;
	v19 =	vadd.f32 v19, v16  }
0x31b: {  	[tilespmem:s23+$0x10] =	vst v18;
	v18 =	vmax.f32 v20, $0.0e+00  }
0x31c: {  	s19 =	sadd.s32 $0x80, s23;
	[tilespmem:s23+$0x20] =	vst v18;
	v18 =	vmax.f32 v19, $0.0e+00  }
0x31d: {  	v19 =	vld [tilespmem:s19+$0xFFFFFFC0];
	[tilespmem:s23+$0x30] =	vst v18  }
0x31e: {  	v17 =	vld.idx.msk [tilespmem:v17+s10+$0x0], $0xffff  }
0x31f: {  	v20 =	vld [tilespmem:s19+$0xFFFFFFE0]  }
0x320: {  	v18 =	vld [tilespmem:s19+$0xFFFFFFD0]  }
0x321: {  	v21 =	vld [tilespmem:s19+$0xFFFFFFF0];
	_ =	sdelay $0x1  }
0x322: {  	v22 =	vmul.f32 v17, v1;
	v23 =	vmul.f32 v17, v2  }
0x323: {  	v27 =	vld [tilespmem:s19+$0x30];
	v24 =	vmul.f32 v17, v3;
	v26 =	vmul.f32 v17, v4  }
0x324: {  	v25 =	vld [tilespmem:s19+$0x0];
	v28 =	vmul.f32 v17, v7;
	v19 =	vadd.f32 v22, v19;
	v18 =	vadd.f32 v18, v23  }
0x325: {  	v22 =	vld [tilespmem:s19+$0x10];
	v23 =	vmul.f32 v17, v5;
	v20 =	vadd.f32 v20, v24;
	v21 =	vadd.f32 v21, v26  }
0x326: {  	v24 =	vld [tilespmem:s19+$0x20];
	v26 =	vmul.f32 v17, v6;
	v17 =	vmul.f32 v17, v8;
	v19 =	vadd.f32 v19, v9  }
0x327: {  	v18 =	vadd.f32 v18, v10  }
0x328: {  	v20 =	vadd.f32 v20, v11;
	v17 =	vadd.f32 v27, v17;
	v19 =	vmax.f32 v19, $0.0e+00  }
0x329: {  	v21 =	vadd.f32 v21, v12;
	v23 =	vadd.f32 v25, v23;
	v18 =	vmax.f32 v18, $0.0e+00;
	[tilespmem:s19+$0xFFFFFFC0] =	vst v19  }
0x32a: {  	v20 =	vmax.f32 v20, $0.0e+00;
	v17 =	vadd.f32 v17, v16;
	v19 =	vadd.f32 v22, v26;
	[tilespmem:s19+$0xFFFFFFD0] =	vst v18  }
0x32b: {  	v21 =	vmax.f32 v21, $0.0e+00;
	v18 =	vadd.f32 v23, v13;
	v22 =	vadd.f32 v24, v28;
	[tilespmem:s19+$0xFFFFFFE0] =	vst v20  }
0x32c: {  	[tilespmem:s19+$0xFFFFFFF0] =	vst v21;
	v17 =	vmax.f32 v17, $0.0e+00;
	v19 =	vadd.f32 v19, v14  }
0x32d: {  	v18 =	vmax.f32 v18, $0.0e+00;
	v20 =	vadd.f32 v22, v15;
	[tilespmem:s19+$0x30] =	vst v17  }
0x32e: {  	[tilespmem:s19+$0x0] =	vst v18;
	v18 =	vmax.f32 v19, $0.0e+00  }
0x32f: {  	[tilespmem:s19+$0x10] =	vst v18;
	v18 =	vmax.f32 v20, $0.0e+00  }
0x330: {  	s23 =	simm.s32 $0x80;
	[tilespmem:s19+$0x20] =	vst v18  }
0x331: {  	[spmem:s5] =	stream.indirect.scatter.add.f32 [tilespmem:s15], [sflag:$0x6], $0x80, s23, s16, $0xb8;
	[tilespmem:$0x1F700] =	vst v63  }
0x332: {  	_ =	swait.ge [sflag:s30], $0x3C00  }
0x333: {  	[sflag:s30] =	ssyncset.done $0x0  }
0x334: {  	[sflag:s30] =	ssyncadd.s32 $0xFFFFC400  }
0x335: {  	_ =	swait.ge [sflag:s25], $0x100  }
0x336: {  	[sflag:s25] =	ssyncset.done $0x0  }
0x337: {  	[sflag:s25] =	ssyncadd.s32 $0xFFFFFF00  }
0x338: {  	_ =	swait.ge [sflag:s25], $0x78  }
0x339: {  	s19 =	simm.s32 $0x0;
	[sflag:s25] =	ssyncset.done $0x0;
	s24 =	rddreg [dreg:$0x1e]  }
0x33a: {  	v17 =	vmov s19;
	[sflag:s25] =	ssyncadd.s32 $0xFFFFFF88;
	s23 =	sadd.s32 s12, s24  }
0x33b: {  	v17 =	vadd.s32 $0x78, v17;
	[tilespmem:s18], [sflag:$0x2] =	stream.indirect.gather [hbm4b:s1+s16], $0x80, s22, s16, $0xb8;
	[tilespmem:$0x1F700] =	vst v63  }
0x33c: {  	v17 =	vbroadcast v17, $0x0;
	s24 =	sshll.u32 s23, $0x5;
	_ =	swait.ge [sflag:s21], $0x3C00  }
0x33d: {  	s24 =	sand.u32 $0x1FFFFFE0, s24;
	[sflag:s21] =	ssyncset.done $0x0  }
0x33e: {  	s23 =	smul.u32 $0xF, s23;
	s24 =	sadd.s32 s7, s24;
	[sflag:s21] =	ssyncadd.s32 $0xFFFFC400  }
0x33f: {  	[tilespmem:s4], [sflag:$0xA] =	stream.linear.gather [hbm4b:s24+s19], $0x100, $0x38;
	[tilespmem:$0x1F700] =	vst v63  }
0x340: {  	s23 =	sadd.s32 s2, s23;
	s24 =	simm.s32 $0x568  }
0x341: {  	[tilespmem:s24], [sflag:$0xA] =	stream.linear.gather [hbm4b:s23+s19], $0x78, $0x38;
	[tilespmem:$0x1F700] =	vst v63  }
0x342: {  	v18 =	vld.idx.msk [tilespmem:v17+s10+$0x0], $0xffff  }
0x343: {  	s23 =	simm.s32 $0x640  }
0x344: {  	v21 =	vld [tilespmem:s23+$0xFFFFFFC0]  }
0x345: {  	v20 =	vld [tilespmem:s23+$0xFFFFFFD0]  }
0x346: {  	v22 =	vld [tilespmem:s23+$0xFFFFFFE0]  }
0x347: {  	v19 =	vld [tilespmem:s23+$0xFFFFFFF0];
	v23 =	vmul.f32 v18, v1  }
0x348: {  	v24 =	vmul.f32 v18, v2  }
0x349: {  	v27 =	vld [tilespmem:s23+$0x0];
	v25 =	vmul.f32 v18, v3;
	v21 =	vadd.f32 v23, v21  }
0x34a: {  	v63 =	vld [tilespmem:s23+$0x10];
	v26 =	vmul.f32 v18, v4;
	v20 =	vadd.f32 v20, v24  }
0x34b: {  	s24 =	simm.s32 $0x1;
	v22 =	vadd.f32 v22, v25;
	v21 =	vadd.f32 v21, v9  }
0x34c: {  	v17 =	vmov s24;
	v23 =	vadd.f32 v19, v26;
	v25 =	vadd.f32 v20, v10;
	v20 =	vld [tilespmem:s23+$0x20]  }
0x34d: {  	v24 =	vmul.f32 v18, v5;
	v26 =	vmul.f32 v18, v6;
	v30 =	vmax.f32 v21, $0.0e+00;
	v21 =	vld [tilespmem:s23+$0x30]  }
0x34e: {  	v19 =	vmul.f32 v18, v7;
	v22 =	vadd.f32 v22, v11;
	v29 =	vadd.f32 v23, v12  }
0x34f: {  	v18 =	vmul.f32 v18, v8;
	v24 =	vadd.f32 v27, v24;
	v26 =	vadd.f32 v63, v26  }
0x350: {  	s24 =	simm.s32 $0x2;
	v23 =	vmax.f32 v25, $0.0e+00;
	v25 =	vmax.f32 v22, $0.0e+00;
	v22 =	vmax.f32 v29, $0.0e+00;
	[tilespmem:s23+$0xFFFFFFC0] =	vst v30  }
.LBB2_23:
0x351: {  	p1 =	sne.s32 s24, $0x77;
	v17 =	vadd.s32 $0x78, v17;
	[tilespmem:s23+$0xFFFFFFD0] =	vst v23;
	v23 =	vadd.f32 v24, v13;
	v19 =	vadd.f32 v20, v19  }
0x352: {  	v17 =	vbroadcast v17, $0x0;
	[tilespmem:s23+$0xFFFFFFE0] =	vst v25;
	v20 =	vadd.f32 v26, v14;
	v18 =	vadd.f32 v21, v18  }
0x353: {  	[tilespmem:s23+$0xFFFFFFF0] =	vst v22;
	v21 =	vmax.f32 v23, $0.0e+00;
	v19 =	vadd.f32 v19, v15  }
0x354: {  	[tilespmem:s23+$0x0] =	vst v21;
	v20 =	vmax.f32 v20, $0.0e+00;
	v18 =	vadd.f32 v18, v16  }
0x355: {  	[tilespmem:s23+$0x10] =	vst v20;
	v19 =	vmax.f32 v19, $0.0e+00  }
0x356: {  	[tilespmem:s23+$0x20] =	vst v19;
	v18 =	vmax.f32 v18, $0.0e+00  }
0x357: {  	[tilespmem:s23+$0x30] =	vst v18  }
0x358: {  	s23 =	sadd.s32 $0x80, s23;
	v18 =	vld.idx.msk [tilespmem:v17+s10+$0x0], $0xffff  }
0x359: {  	v19 =	vld [tilespmem:s23+$0xFFFFFFF0]  }
0x35a: {  	v20 =	vld [tilespmem:s23+$0xFFFFFFD0]  }
0x35b: {  	v21 =	vld [tilespmem:s23+$0xFFFFFFC0]  }
0x35c: {  	v22 =	vld [tilespmem:s23+$0xFFFFFFE0];
	_ =	sdelay $0x1  }
0x35d: {  	v23 =	vmul.f32 v18, v1;
	v24 =	vmul.f32 v18, v2  }
0x35e: {  	v17 =	vmov s24;
	v25 =	vmul.f32 v18, v3;
	v26 =	vmul.f32 v18, v4;
	v27 =	vld [tilespmem:s23+$0x0]  }
0x35f: {  	v21 =	vadd.f32 v23, v21;
	v23 =	vadd.f32 v20, v24;
	v24 =	vmul.f32 v18, v5;
	v28 =	vld [tilespmem:s23+$0x10]  }
.Ltmp10:
0x360: {  	v22 =	vadd.f32 v22, v25;
	v25 =	vadd.f32 v19, v26;
	v26 =	vmul.f32 v18, v6;
	v20 =	vld [tilespmem:s23+$0x20];
	(pc) =	sbr.rel @p1 .LBB2_23-.Ltmp10, $4  }
0x361: {  	v19 =	vmul.f32 v18, v7;
	v29 =	vadd.f32 v21, v9;
	v23 =	vadd.f32 v23, v10;
	v21 =	vld [tilespmem:s23+$0x30]  }
0x362: {  	v18 =	vmul.f32 v18, v8;
	v22 =	vadd.f32 v22, v11;
	v30 =	vadd.f32 v25, v12  }
0x363: {  	v25 =	vmax.f32 v29, $0.0e+00;
	v23 =	vmax.f32 v23, $0.0e+00;
	v24 =	vadd.f32 v27, v24  }
0x364: {  	s24 =	sadd.s32 $0x1, s24;
	[tilespmem:s23+$0xFFFFFFC0] =	vst v25;
	v25 =	vmax.f32 v22, $0.0e+00;
	v22 =	vmax.f32 v30, $0.0e+00;
	v26 =	vadd.f32 v28, v26  }
0x365: {  	v17 =	vadd.s32 $0x78, v17;
	[tilespmem:s23+$0xFFFFFFD0] =	vst v23;
	v23 =	vadd.f32 v24, v13;
	v19 =	vadd.f32 v20, v19  }
0x366: {  	[tilespmem:s23+$0xFFFFFFE0] =	vst v25;
	v17 =	vbroadcast v17, $0x0;
	v20 =	vadd.f32 v26, v14;
	v18 =	vadd.f32 v21, v18  }
0x367: {  	[tilespmem:s23+$0xFFFFFFF0] =	vst v22;
	v21 =	vmax.f32 v23, $0.0e+00;
	v19 =	vadd.f32 v19, v15  }
0x368: {  	[tilespmem:s23+$0x0] =	vst v21;
	v20 =	vmax.f32 v20, $0.0e+00;
	v18 =	vadd.f32 v18, v16  }
0x369: {  	[tilespmem:s23+$0x10] =	vst v20;
	v19 =	vmax.f32 v19, $0.0e+00  }
0x36a: {  	s19 =	sadd.s32 $0x80, s23;
	[tilespmem:s23+$0x20] =	vst v19;
	v18 =	vmax.f32 v18, $0.0e+00  }
0x36b: {  	v19 =	vld [tilespmem:s19+$0xFFFFFFC0];
	[tilespmem:s23+$0x30] =	vst v18  }
0x36c: {  	v17 =	vld.idx.msk [tilespmem:v17+s10+$0x0], $0xffff  }
0x36d: {  	v20 =	vld [tilespmem:s19+$0xFFFFFFE0]  }
0x36e: {  	v18 =	vld [tilespmem:s19+$0xFFFFFFD0]  }
0x36f: {  	v21 =	vld [tilespmem:s19+$0xFFFFFFF0];
	_ =	sdelay $0x1  }
0x370: {  	v22 =	vmul.f32 v17, v1;
	v23 =	vmul.f32 v17, v2  }
0x371: {  	v27 =	vld [tilespmem:s19+$0x30];
	v24 =	vmul.f32 v17, v3;
	v26 =	vmul.f32 v17, v4  }
0x372: {  	v25 =	vld [tilespmem:s19+$0x0];
	v28 =	vmul.f32 v17, v7;
	v19 =	vadd.f32 v22, v19;
	v18 =	vadd.f32 v18, v23  }
0x373: {  	v22 =	vld [tilespmem:s19+$0x10];
	v23 =	vmul.f32 v17, v5;
	v20 =	vadd.f32 v20, v24;
	v21 =	vadd.f32 v21, v26  }
0x374: {  	v24 =	vld [tilespmem:s19+$0x20];
	v26 =	vmul.f32 v17, v6;
	v17 =	vmul.f32 v17, v8;
	v19 =	vadd.f32 v19, v9  }
0x375: {  	v18 =	vadd.f32 v18, v10  }
0x376: {  	v20 =	vadd.f32 v20, v11;
	v17 =	vadd.f32 v27, v17;
	v19 =	vmax.f32 v19, $0.0e+00  }
0x377: {  	v21 =	vadd.f32 v21, v12;
	v23 =	vadd.f32 v25, v23;
	v18 =	vmax.f32 v18, $0.0e+00;
	[tilespmem:s19+$0xFFFFFFC0] =	vst v19  }
0x378: {  	v20 =	vmax.f32 v20, $0.0e+00;
	v17 =	vadd.f32 v17, v16;
	v19 =	vadd.f32 v22, v26;
	[tilespmem:s19+$0xFFFFFFD0] =	vst v18  }
0x379: {  	v21 =	vmax.f32 v21, $0.0e+00;
	v18 =	vadd.f32 v23, v13;
	v22 =	vadd.f32 v24, v28;
	[tilespmem:s19+$0xFFFFFFE0] =	vst v20  }
0x37a: {  	[tilespmem:s19+$0xFFFFFFF0] =	vst v21;
	v17 =	vmax.f32 v17, $0.0e+00;
	v19 =	vadd.f32 v19, v14  }
0x37b: {  	v18 =	vmax.f32 v18, $0.0e+00;
	v20 =	vadd.f32 v22, v15;
	[tilespmem:s19+$0x30] =	vst v17  }
0x37c: {  	[tilespmem:s19+$0x0] =	vst v18;
	v18 =	vmax.f32 v19, $0.0e+00  }
0x37d: {  	[tilespmem:s19+$0x10] =	vst v18;
	v18 =	vmax.f32 v20, $0.0e+00  }
0x37e: {  	[tilespmem:s19+$0x20] =	vst v18  }
0x37f: {  	[spmem:s5] =	stream.indirect.scatter.add.f32 [tilespmem:s9], [sflag:$0x4], $0x80, s20, s16, $0xb8;
	[tilespmem:$0x1F700] =	vst v63  }
0x380: {  	_ =	swait.ge [sflag:s0], $0x3C00  }
0x381: {  	[sflag:s0] =	ssyncset.done $0x0  }
0x382: {  	[sflag:s0] =	ssyncadd.s32 $0xFFFFC400  }
0x383: {  	_ =	swait.ge [sflag:s28], $0x100  }
0x384: {  	[sflag:s28] =	ssyncset.done $0x0  }
0x385: {  	[sflag:s28] =	ssyncadd.s32 $0xFFFFFF00  }
0x386: {  	_ =	swait.ge [sflag:s28], $0x78  }
0x387: {  	[sflag:s28] =	ssyncset.done $0x0  }
0x388: {  	[sflag:s28] =	ssyncadd.s32 $0xFFFFFF88  }
0x389: {  	[tilespmem:s15], [sflag:$0x3] =	stream.indirect.gather [hbm4b:s1+s16], $0x80, s4, s16, $0xb8;
	[tilespmem:$0x1F700] =	vst v63  }
0x38a: {  	s23 =	simm.s32 $0x0;
	_ =	swait.ge [sflag:s8], $0x3C00  }
0x38b: {  	p1 =	seq.s32 s6, $0x6;
	v17 =	vmov s23;
	s19 =	rddreg [dreg:$0x1f]  }
0x38c: {  	v17 =	vadd.s32 $0xF0, v17;
	s19 =	sadd.s32 @!p1 s12, s19  }
0x38d: {  	v17 =	vbroadcast v17, $0x0;
	s23 =	sshll.u32 @!p1 s19, $0x5  }
0x38e: {  	s24 =	simm.s32 @!p1 $0x0;
	[sflag:s8] =	ssyncset.done $0x0;
	s23 =	sand.u32 @!p1 $0x1FFFFF80, s23  }
0x38f: {  	[sflag:s8] =	ssyncadd.s32 $0xFFFFC400;
	s19 =	smul.u32 @!p1 $0xF, s19;
	s23 =	sadd.s32 @!p1 s7, s23  }
0x390: {  	[tilespmem:s24], [sflag:$0x7] =	stream.linear.gather @!p1 [hbm4b:s23+s24], $0x100, $0x38;
	[tilespmem:$0x1F700] =	vst v63  }
0x391: {  	s19 =	sadd.s32 @!p1 s2, s19;
	s23 =	simm.s32 @!p1 $0x400  }
0x392: {  	[tilespmem:s23], [sflag:$0x7] =	stream.linear.gather @!p1 [hbm4b:s19+s24], $0x78, $0x38;
	[tilespmem:$0x1F700] =	vst v63  }
0x393: {  	v18 =	vld.idx.msk [tilespmem:v17+s10+$0x0], $0xffff  }
0x394: {  	s23 =	simm.s32 $0x4240  }
0x395: {  	v21 =	vld [tilespmem:s23+$0xFFFFFFC0]  }
0x396: {  	v20 =	vld [tilespmem:s23+$0xFFFFFFD0]  }
0x397: {  	v22 =	vld [tilespmem:s23+$0xFFFFFFE0]  }
0x398: {  	v19 =	vld [tilespmem:s23+$0xFFFFFFF0];
	v23 =	vmul.f32 v18, v1  }
0x399: {  	v24 =	vmul.f32 v18, v2  }
0x39a: {  	v27 =	vld [tilespmem:s23+$0x0];
	v25 =	vmul.f32 v18, v3;
	v21 =	vadd.f32 v23, v21  }
0x39b: {  	v63 =	vld [tilespmem:s23+$0x10];
	v26 =	vmul.f32 v18, v4;
	v20 =	vadd.f32 v20, v24  }
0x39c: {  	s24 =	simm.s32 $0x1;
	v22 =	vadd.f32 v22, v25;
	v21 =	vadd.f32 v21, v9  }
0x39d: {  	v17 =	vmov s24;
	v23 =	vadd.f32 v19, v26;
	v25 =	vadd.f32 v20, v10;
	v20 =	vld [tilespmem:s23+$0x20]  }
0x39e: {  	v24 =	vmul.f32 v18, v5;
	v26 =	vmul.f32 v18, v6;
	v30 =	vmax.f32 v21, $0.0e+00;
	v21 =	vld [tilespmem:s23+$0x30]  }
0x39f: {  	v19 =	vmul.f32 v18, v7;
	v22 =	vadd.f32 v22, v11;
	v29 =	vadd.f32 v23, v12  }
0x3a0: {  	v18 =	vmul.f32 v18, v8;
	v24 =	vadd.f32 v27, v24;
	v26 =	vadd.f32 v63, v26  }
0x3a1: {  	s24 =	simm.s32 $0x2;
	v23 =	vmax.f32 v25, $0.0e+00;
	v25 =	vmax.f32 v22, $0.0e+00;
	v22 =	vmax.f32 v29, $0.0e+00;
	[tilespmem:s23+$0xFFFFFFC0] =	vst v30  }
.LBB2_25:
0x3a2: {  	p1 =	sne.s32 s24, $0x77;
	v17 =	vadd.s32 $0xF0, v17;
	[tilespmem:s23+$0xFFFFFFD0] =	vst v23;
	v23 =	vadd.f32 v24, v13;
	v19 =	vadd.f32 v20, v19  }
0x3a3: {  	v17 =	vbroadcast v17, $0x0;
	[tilespmem:s23+$0xFFFFFFE0] =	vst v25;
	v20 =	vadd.f32 v26, v14;
	v18 =	vadd.f32 v21, v18  }
0x3a4: {  	[tilespmem:s23+$0xFFFFFFF0] =	vst v22;
	v21 =	vmax.f32 v23, $0.0e+00;
	v19 =	vadd.f32 v19, v15  }
0x3a5: {  	[tilespmem:s23+$0x0] =	vst v21;
	v20 =	vmax.f32 v20, $0.0e+00;
	v18 =	vadd.f32 v18, v16  }
0x3a6: {  	[tilespmem:s23+$0x10] =	vst v20;
	v19 =	vmax.f32 v19, $0.0e+00  }
0x3a7: {  	[tilespmem:s23+$0x20] =	vst v19;
	v18 =	vmax.f32 v18, $0.0e+00  }
0x3a8: {  	[tilespmem:s23+$0x30] =	vst v18  }
0x3a9: {  	s23 =	sadd.s32 $0x80, s23;
	v18 =	vld.idx.msk [tilespmem:v17+s10+$0x0], $0xffff  }
0x3aa: {  	v19 =	vld [tilespmem:s23+$0xFFFFFFF0]  }
0x3ab: {  	v20 =	vld [tilespmem:s23+$0xFFFFFFD0]  }
0x3ac: {  	v21 =	vld [tilespmem:s23+$0xFFFFFFC0]  }
0x3ad: {  	v22 =	vld [tilespmem:s23+$0xFFFFFFE0];
	_ =	sdelay $0x1  }
0x3ae: {  	v23 =	vmul.f32 v18, v1;
	v24 =	vmul.f32 v18, v2  }
0x3af: {  	v17 =	vmov s24;
	v25 =	vmul.f32 v18, v3;
	v26 =	vmul.f32 v18, v4;
	v27 =	vld [tilespmem:s23+$0x0]  }
0x3b0: {  	v21 =	vadd.f32 v23, v21;
	v23 =	vadd.f32 v20, v24;
	v24 =	vmul.f32 v18, v5;
	v28 =	vld [tilespmem:s23+$0x10]  }
.Ltmp11:
0x3b1: {  	v22 =	vadd.f32 v22, v25;
	v25 =	vadd.f32 v19, v26;
	v26 =	vmul.f32 v18, v6;
	v20 =	vld [tilespmem:s23+$0x20];
	(pc) =	sbr.rel @p1 .LBB2_25-.Ltmp11, $4  }
0x3b2: {  	v19 =	vmul.f32 v18, v7;
	v29 =	vadd.f32 v21, v9;
	v23 =	vadd.f32 v23, v10;
	v21 =	vld [tilespmem:s23+$0x30]  }
0x3b3: {  	v18 =	vmul.f32 v18, v8;
	v22 =	vadd.f32 v22, v11;
	v30 =	vadd.f32 v25, v12  }
0x3b4: {  	v25 =	vmax.f32 v29, $0.0e+00;
	v23 =	vmax.f32 v23, $0.0e+00;
	v24 =	vadd.f32 v27, v24  }
0x3b5: {  	s24 =	sadd.s32 $0x1, s24;
	[tilespmem:s23+$0xFFFFFFC0] =	vst v25;
	v25 =	vmax.f32 v22, $0.0e+00;
	v22 =	vmax.f32 v30, $0.0e+00;
	v26 =	vadd.f32 v28, v26  }
0x3b6: {  	v17 =	vadd.s32 $0xF0, v17;
	[tilespmem:s23+$0xFFFFFFD0] =	vst v23;
	v23 =	vadd.f32 v24, v13;
	v19 =	vadd.f32 v20, v19  }
0x3b7: {  	[tilespmem:s23+$0xFFFFFFE0] =	vst v25;
	v17 =	vbroadcast v17, $0x0;
	v20 =	vadd.f32 v26, v14;
	v18 =	vadd.f32 v21, v18  }
0x3b8: {  	[tilespmem:s23+$0xFFFFFFF0] =	vst v22;
	v21 =	vmax.f32 v23, $0.0e+00;
	v19 =	vadd.f32 v19, v15  }
0x3b9: {  	[tilespmem:s23+$0x0] =	vst v21;
	v20 =	vmax.f32 v20, $0.0e+00;
	v18 =	vadd.f32 v18, v16  }
0x3ba: {  	[tilespmem:s23+$0x10] =	vst v20;
	v19 =	vmax.f32 v19, $0.0e+00  }
0x3bb: {  	s19 =	sadd.s32 $0x80, s23;
	[tilespmem:s23+$0x20] =	vst v19;
	v18 =	vmax.f32 v18, $0.0e+00  }
0x3bc: {  	v19 =	vld [tilespmem:s19+$0xFFFFFFC0];
	[tilespmem:s23+$0x30] =	vst v18  }
0x3bd: {  	v17 =	vld.idx.msk [tilespmem:v17+s10+$0x0], $0xffff  }
0x3be: {  	v20 =	vld [tilespmem:s19+$0xFFFFFFE0]  }
0x3bf: {  	v18 =	vld [tilespmem:s19+$0xFFFFFFD0]  }
0x3c0: {  	v21 =	vld [tilespmem:s19+$0xFFFFFFF0];
	_ =	sdelay $0x1  }
0x3c1: {  	v22 =	vmul.f32 v17, v1;
	v23 =	vmul.f32 v17, v2  }
0x3c2: {  	v27 =	vld [tilespmem:s19+$0x30];
	v24 =	vmul.f32 v17, v3;
	v26 =	vmul.f32 v17, v4  }
0x3c3: {  	v25 =	vld [tilespmem:s19+$0x0];
	v28 =	vmul.f32 v17, v7;
	v19 =	vadd.f32 v22, v19;
	v18 =	vadd.f32 v18, v23  }
0x3c4: {  	v22 =	vld [tilespmem:s19+$0x10];
	v23 =	vmul.f32 v17, v5;
	v20 =	vadd.f32 v20, v24;
	v21 =	vadd.f32 v21, v26  }
0x3c5: {  	v24 =	vld [tilespmem:s19+$0x20];
	v26 =	vmul.f32 v17, v6;
	v17 =	vmul.f32 v17, v8;
	v19 =	vadd.f32 v19, v9  }
0x3c6: {  	v18 =	vadd.f32 v18, v10  }
0x3c7: {  	v20 =	vadd.f32 v20, v11;
	v17 =	vadd.f32 v27, v17;
	v19 =	vmax.f32 v19, $0.0e+00  }
0x3c8: {  	v21 =	vadd.f32 v21, v12;
	v23 =	vadd.f32 v25, v23;
	v18 =	vmax.f32 v18, $0.0e+00;
	[tilespmem:s19+$0xFFFFFFC0] =	vst v19  }
0x3c9: {  	v20 =	vmax.f32 v20, $0.0e+00;
	v17 =	vadd.f32 v17, v16;
	v19 =	vadd.f32 v22, v26;
	[tilespmem:s19+$0xFFFFFFD0] =	vst v18  }
0x3ca: {  	v21 =	vmax.f32 v21, $0.0e+00;
	v18 =	vadd.f32 v23, v13;
	v22 =	vadd.f32 v24, v28;
	[tilespmem:s19+$0xFFFFFFE0] =	vst v20  }
0x3cb: {  	[tilespmem:s19+$0xFFFFFFF0] =	vst v21;
	v17 =	vmax.f32 v17, $0.0e+00;
	v19 =	vadd.f32 v19, v14  }
0x3cc: {  	v18 =	vmax.f32 v18, $0.0e+00;
	v20 =	vadd.f32 v22, v15;
	[tilespmem:s19+$0x30] =	vst v17  }
0x3cd: {  	[tilespmem:s19+$0x0] =	vst v18;
	v18 =	vmax.f32 v19, $0.0e+00  }
0x3ce: {  	p1 =	sne.s32 s6, $0x6;
	[tilespmem:s19+$0x10] =	vst v18;
	v18 =	vmax.f32 v20, $0.0e+00  }
0x3cf: {  	[tilespmem:s19+$0x20] =	vst v18;
	s19 =	simm.s32 @p1 $0x4  }
0x3d0: {  	[spmem:s5] =	stream.indirect.scatter.add.f32 [tilespmem:s18], [sflag:$0x5], $0x80, s29, s16, $0xb8;
	[tilespmem:$0x1F700] =	vst v63  }
0x3d1: {  	_ =	swait.ge @p1 [sflag:s19], $0x3C00  }
0x3d2: {  	[sflag:s19] =	ssyncset.done @p1 $0x0  }
0x3d3: {  	[sflag:s19] =	ssyncadd.s32 @p1 $0xFFFFC400;
	s19 =	simm.s32 @p1 $0x7  }
0x3d4: {  	_ =	swait.ge @p1 [sflag:s19], $0x100  }
0x3d5: {  	[sflag:s19] =	ssyncset.done @p1 $0x0  }
0x3d6: {  	[sflag:s19] =	ssyncadd.s32 @p1 $0xFFFFFF00  }
0x3d7: {  	_ =	swait.ge @p1 [sflag:s19], $0x78  }
0x3d8: {  	s24 =	simm.s32 @p1 $0x600;
	[sflag:s19] =	ssyncset.done @p1 $0x0  }
0x3d9: {  	s23 =	simm.s32 @p1 $0x0;
	[sflag:s19] =	ssyncadd.s32 @p1 $0xFFFFFF88;
	s19 =	simm.s32 @p1 $0x78  }
0x3da: {  	[tilespmem:s24], [sflag:$0x1] =	stream.indirect.gather @p1 [hbm4b:s1+s19], $0x80, s23, s19, $0xb8;
	[tilespmem:$0x1F700] =	vst v63  }
0x3db: {  	s19 =	simm.s32 @p1 $0x3  }
0x3dc: {  	_ =	swait.ge @p1 [sflag:s19], $0x3C00  }
0x3dd: {  	s24 =	sld [smem:$0x7FD];
	_ =	sdelay $0x2  }
0x3de: {  	s12 =	sadd.s32 @p1 s12, s24  }
0x3df: {  	[sflag:s19] =	ssyncset.done @p1 $0x0;
	s24 =	sshll.u32 @p1 s12, $0x5  }
0x3e0: {  	[sflag:s19] =	ssyncadd.s32 @p1 $0xFFFFC400;
	s19 =	sand.u32 @p1 $0x1FFFFFA0, s24;
	s24 =	simm.s32 $0x0  }
0x3e1: {  	s12 =	smul.u32 @p1 $0xF, s12;
	s19 =	sadd.s32 @p1 s7, s19;
	v17 =	vmov s24;
	s24 =	simm.s32 @p1 $0x100  }
0x3e2: {  	[tilespmem:s24], [sflag:$0x8] =	stream.linear.gather @p1 [hbm4b:s19+s23], $0x100, $0x38;
	v17 =	vadd.s32 $0x168, v17;
	[tilespmem:$0x1F700] =	vst v63  }
0x3e3: {  	s12 =	sadd.s32 @p1 s2, s12;
	s19 =	simm.s32 @p1 $0x478;
	v17 =	vbroadcast v17, $0x0  }
0x3e4: {  	[tilespmem:s19], [sflag:$0x8] =	stream.linear.gather @p1 [hbm4b:s12+s23], $0x78, $0x38;
	[tilespmem:$0x1F700] =	vst v63  }
0x3e5: {  	s12 =	simm.s32 @!p1 $0x3  }
0x3e6: {  	_ =	swait.ge @!p1 [sflag:s12], $0x3C00  }
0x3e7: {  	[sflag:s12] =	ssyncset.done @!p1 $0x0  }
0x3e8: {  	[sflag:s12] =	ssyncadd.s32 @!p1 $0xFFFFC400  }
0x3e9: {  	v18 =	vld.idx.msk [tilespmem:v17+s10+$0x0], $0xffff  }
0x3ea: {  	s12 =	simm.s32 $0x7E40  }
0x3eb: {  	v21 =	vld [tilespmem:s12+$0xFFFFFFC0]  }
0x3ec: {  	v20 =	vld [tilespmem:s12+$0xFFFFFFD0]  }
0x3ed: {  	v22 =	vld [tilespmem:s12+$0xFFFFFFE0]  }
0x3ee: {  	v19 =	vld [tilespmem:s12+$0xFFFFFFF0];
	v23 =	vmul.f32 v18, v1  }
0x3ef: {  	v24 =	vmul.f32 v18, v2  }
0x3f0: {  	v27 =	vld [tilespmem:s12+$0x0];
	v25 =	vmul.f32 v18, v3;
	v21 =	vadd.f32 v23, v21  }
0x3f1: {  	v63 =	vld [tilespmem:s12+$0x10];
	v26 =	vmul.f32 v18, v4;
	v20 =	vadd.f32 v20, v24  }
0x3f2: {  	s24 =	simm.s32 $0x1;
	v22 =	vadd.f32 v22, v25;
	v21 =	vadd.f32 v21, v9  }
0x3f3: {  	v17 =	vmov s24;
	v23 =	vadd.f32 v19, v26;
	v25 =	vadd.f32 v20, v10;
	v20 =	vld [tilespmem:s12+$0x20]  }
0x3f4: {  	v24 =	vmul.f32 v18, v5;
	v26 =	vmul.f32 v18, v6;
	v30 =	vmax.f32 v21, $0.0e+00;
	v21 =	vld [tilespmem:s12+$0x30]  }
0x3f5: {  	v19 =	vmul.f32 v18, v7;
	v22 =	vadd.f32 v22, v11;
	v29 =	vadd.f32 v23, v12  }
0x3f6: {  	v18 =	vmul.f32 v18, v8;
	v24 =	vadd.f32 v27, v24;
	v26 =	vadd.f32 v63, v26  }
0x3f7: {  	s23 =	simm.s32 $0x2;
	v23 =	vmax.f32 v25, $0.0e+00;
	v25 =	vmax.f32 v22, $0.0e+00;
	v22 =	vmax.f32 v29, $0.0e+00;
	[tilespmem:s12+$0xFFFFFFC0] =	vst v30  }
.LBB2_27:
0x3f8: {  	p1 =	sne.s32 s23, $0x77;
	v17 =	vadd.s32 $0x168, v17;
	[tilespmem:s12+$0xFFFFFFD0] =	vst v23;
	v23 =	vadd.f32 v24, v13;
	v19 =	vadd.f32 v20, v19  }
0x3f9: {  	v17 =	vbroadcast v17, $0x0;
	[tilespmem:s12+$0xFFFFFFE0] =	vst v25;
	v20 =	vadd.f32 v26, v14;
	v18 =	vadd.f32 v21, v18  }
0x3fa: {  	[tilespmem:s12+$0xFFFFFFF0] =	vst v22;
	v21 =	vmax.f32 v23, $0.0e+00;
	v19 =	vadd.f32 v19, v15  }
0x3fb: {  	[tilespmem:s12+$0x0] =	vst v21;
	v20 =	vmax.f32 v20, $0.0e+00;
	v18 =	vadd.f32 v18, v16  }
0x3fc: {  	[tilespmem:s12+$0x10] =	vst v20;
	v19 =	vmax.f32 v19, $0.0e+00  }
0x3fd: {  	[tilespmem:s12+$0x20] =	vst v19;
	v18 =	vmax.f32 v18, $0.0e+00  }
0x3fe: {  	[tilespmem:s12+$0x30] =	vst v18  }
0x3ff: {  	s12 =	sadd.s32 $0x80, s12;
	v18 =	vld.idx.msk [tilespmem:v17+s10+$0x0], $0xffff  }
0x400: {  	v19 =	vld [tilespmem:s12+$0xFFFFFFF0]  }
0x401: {  	v20 =	vld [tilespmem:s12+$0xFFFFFFD0]  }
0x402: {  	v21 =	vld [tilespmem:s12+$0xFFFFFFC0]  }
0x403: {  	v22 =	vld [tilespmem:s12+$0xFFFFFFE0];
	_ =	sdelay $0x1  }
0x404: {  	v23 =	vmul.f32 v18, v1;
	v24 =	vmul.f32 v18, v2  }
0x405: {  	v17 =	vmov s23;
	v25 =	vmul.f32 v18, v3;
	v26 =	vmul.f32 v18, v4;
	v27 =	vld [tilespmem:s12+$0x0]  }
0x406: {  	v21 =	vadd.f32 v23, v21;
	v23 =	vadd.f32 v20, v24;
	v24 =	vmul.f32 v18, v5;
	v28 =	vld [tilespmem:s12+$0x10]  }
.Ltmp12:
0x407: {  	v22 =	vadd.f32 v22, v25;
	v25 =	vadd.f32 v19, v26;
	v26 =	vmul.f32 v18, v6;
	v20 =	vld [tilespmem:s12+$0x20];
	(pc) =	sbr.rel @p1 .LBB2_27-.Ltmp12, $4  }
0x408: {  	v19 =	vmul.f32 v18, v7;
	v29 =	vadd.f32 v21, v9;
	v23 =	vadd.f32 v23, v10;
	v21 =	vld [tilespmem:s12+$0x30]  }
0x409: {  	v18 =	vmul.f32 v18, v8;
	v22 =	vadd.f32 v22, v11;
	v30 =	vadd.f32 v25, v12  }
0x40a: {  	v25 =	vmax.f32 v29, $0.0e+00;
	v23 =	vmax.f32 v23, $0.0e+00;
	v24 =	vadd.f32 v27, v24  }
0x40b: {  	s23 =	sadd.s32 $0x1, s23;
	[tilespmem:s12+$0xFFFFFFC0] =	vst v25;
	v25 =	vmax.f32 v22, $0.0e+00;
	v22 =	vmax.f32 v30, $0.0e+00;
	v26 =	vadd.f32 v28, v26  }
0x40c: {  	v17 =	vadd.s32 $0x168, v17;
	[tilespmem:s12+$0xFFFFFFD0] =	vst v23;
	v51 =	vadd.f32 v24, v13;
	v19 =	vadd.f32 v20, v19  }
0x40d: {  	[tilespmem:s12+$0xFFFFFFE0] =	vst v25;
	v17 =	vbroadcast v17, $0x0;
	v52 =	vadd.f32 v26, v14;
	v18 =	vadd.f32 v21, v18  }
0x40e: {  	[tilespmem:s12+$0xFFFFFFF0] =	vst v22;
	v53 =	vmax.f32 v51, $0.0e+00;
	v19 =	vadd.f32 v19, v15  }
0x40f: {  	[tilespmem:s12+$0x0] =	vst v53;
	v20 =	vmax.f32 v52, $0.0e+00;
	v18 =	vadd.f32 v18, v16  }
0x410: {  	[tilespmem:s12+$0x10] =	vst v20;
	v19 =	vmax.f32 v19, $0.0e+00  }
0x411: {  	[tilespmem:s12+$0x20] =	vst v19;
	v18 =	vmax.f32 v18, $0.0e+00  }
0x412: {  	[tilespmem:s12+$0x30] =	vst v18  }
0x413: {  	v17 =	vld.idx.msk [tilespmem:v17+s10+$0x0], $0xffff  }
0x414: {  	s24 =	sadd.s32 $0x80, s12  }
0x415: {  	v19 =	vld [tilespmem:s24+$0xFFFFFFC0]  }
0x416: {  	v18 =	vld [tilespmem:s24+$0xFFFFFFD0]  }
0x417: {  	v20 =	vld [tilespmem:s24+$0xFFFFFFE0]  }
0x418: {  	v21 =	vld [tilespmem:s24+$0xFFFFFFF0];
	v54 =	vmul.f32 v17, v1  }
0x419: {  	v27 =	vld [tilespmem:s24+$0x30];
	v55 =	vmul.f32 v17, v2;
	v56 =	vmul.f32 v17, v3  }
0x41a: {  	v25 =	vld [tilespmem:s24+$0x0];
	v57 =	vmul.f32 v17, v4;
	v59 =	vmul.f32 v17, v5;
	v19 =	vadd.f32 v54, v19  }
0x41b: {  	v58 =	vld [tilespmem:s24+$0x10];
	v61 =	vmul.f32 v17, v6;
	v28 =	vmul.f32 v17, v7;
	v18 =	vadd.f32 v18, v55  }
0x41c: {  	v60 =	vld [tilespmem:s24+$0x20];
	v17 =	vmul.f32 v17, v8;
	v20 =	vadd.f32 v20, v56;
	v19 =	vadd.f32 v19, v9  }
0x41d: {  	v21 =	vadd.f32 v21, v57;
	v18 =	vadd.f32 v18, v10  }
0x41e: {  	v17 =	vadd.f32 v27, v17;
	v20 =	vadd.f32 v20, v11;
	v19 =	vmax.f32 v19, $0.0e+00  }
0x41f: {  	v23 =	vadd.f32 v25, v59;
	v21 =	vadd.f32 v21, v12;
	v18 =	vmax.f32 v18, $0.0e+00;
	[tilespmem:s24+$0xFFFFFFC0] =	vst v19  }
0x420: {  	v17 =	vadd.f32 v17, v16;
	v20 =	vmax.f32 v20, $0.0e+00;
	v19 =	vadd.f32 v58, v61;
	[tilespmem:s24+$0xFFFFFFD0] =	vst v18  }
0x421: {  	s6 =	sadd.s32 $0x1, s6;
	v62 =	vadd.f32 v60, v28;
	v21 =	vmax.f32 v21, $0.0e+00;
	v18 =	vadd.f32 v23, v13;
	[tilespmem:s24+$0xFFFFFFE0] =	vst v20  }
0x422: {  	p1 =	sne.s32 s6, $0x7;
	v17 =	vmax.f32 v17, $0.0e+00;
	[tilespmem:s24+$0xFFFFFFF0] =	vst v21;
	v19 =	vadd.f32 v19, v14  }
.Ltmp13:
0x423: {  	v63 =	vadd.f32 v62, v15;
	[tilespmem:s24+$0x30] =	vst v17;
	v18 =	vmax.f32 v18, $0.0e+00;
	(pc) =	sbr.rel @p1 .LBB2_4-.Ltmp13, $4  }
0x424: {  	[tilespmem:s24+$0x0] =	vst v18;
	v18 =	vmax.f32 v19, $0.0e+00  }
0x425: {  	[tilespmem:s24+$0x10] =	vst v18;
	v18 =	vmax.f32 v63, $0.0e+00  }
0x426: {  	[tilespmem:s24+$0x20] =	vst v18  }
0x427: {  	[spmem:s5] =	stream.indirect.scatter.add.f32 [tilespmem:s15], [sflag:$0x6], $0x80, s31, s16, $0xb8;
	[tilespmem:$0x1F700] =	vst v63  }
0x428: {  	_ =	swait.ge [sflag:s26], $0x3C00  }
0x429: {  	[sflag:s26] =	ssyncset.done $0x0  }
0x42a: {  	[sflag:s26] =	ssyncadd.s32 $0xFFFFC400  }
0x42b: {  	_ =	swait.ge [sflag:s30], $0x3C00  }
0x42c: {  	[sflag:s30] =	ssyncset.done $0x0  }
0x42d: {  	[sflag:s30] =	ssyncadd.s32 $0xFFFFC400  }
0x42e: {  	_ =	swait.ge [sflag:s0], $0x3C00  }
0x42f: {  	[sflag:s0] =	ssyncset.done $0x0  }
0x430: {  	[sflag:s0] =	ssyncadd.s32 $0xFFFFC400  }
0x431: {  	[bflag:$0x0] =	sbarrier.arrive $0xFFFF  }
0x432: {  	s6 =	rddreg [dreg:$0x15]  }
0x433: {  	s3 =	simm.s32 @p0 $0x1FCB;
	s12 =	rddreg [dreg:$0x17]  }
0x434: {  	[hbm:s6], [sflag:s3] =	dma.local @p0 [spmem:s12], $0x2800  }
0x435: {  	s3 =	simm.s32 @p0 $0xB  }
0x436: {  	s6 =	stileid.u32;
	_ =	swait.ge @p0 [sflag:s3], $0x2800  }
0x437: {  	s6 =	sshll.u32 @!p0 s6, $0x6;
	[sflag:s3] =	ssyncset.done @p0 $0x0;
	s12 =	rddreg [dreg:$0x18]  }
0x438: {  	[sflag:s3] =	ssyncadd.s32 @p0 $0xFFFFD800;
	s3 =	sor.u32 @!p0 $0x1C0B, s6;
	s6 =	rddreg [dreg:$0x14]  }
0x439: {  	[hbm:s6], [sflag:s3] =	dma.local @!p0 [spmem:s12], $0x2700  }
0x43a: {  	s3 =	simm.s32 @!p0 $0xB  }
0x43b: {  	_ =	swait.ge @!p0 [sflag:s3], $0x2700  }
0x43c: {  	s23 =	sld [smem:$0x7FC];
	_ =	sdelay $0x2  }
0x43d: {  	s24 =	rddreg [dreg:$0x16];
	s12 =	sadd.s32 $0x1, s23  }
0x43e: {  	p1 =	sne.s32 s12, s24  }
.Ltmp14:
0x43f: {  	_ = 	snop;
	(pc) =	sbr.rel @p1 .LBB2_1-.Ltmp14, $3  }
0x440: {  	_ =	sdelay $0x1  }
0x441: {  	[sflag:s3] =	ssyncset.done @!p0 $0x0  }
0x442: {  	s19 =	simm.s32 $0xB;
	[sflag:s3] =	ssyncadd.s32 @!p0 $0xFFFFD900  }
0x443: {  	_ =	sfence.sel $0x180000  }
0x444: {  	[bflag:$0x0] =	sbarrier.arrive $0xFFFF  }
0x445: {  	_ =	strace $0x90000047  }
0x446: {  	s0 =	stileid.u32;
	[bflag:$0x2] =	sbarrier.arrive $0xFFFF  }
0x447: {  	p0 =	sne.s32 s0, $0x0;
	s0 =	rddreg [dreg:$0x6]  }
0x448: {  	s0 =	sadd.s32 @!p0 $0x100000, s0  }
0x449: {  	[sflag:s0] =	ssyncadd.tile.s32 @!p0 $0x1;
	_ =	shalt  }
.Lfunc_end2:
_tile_overlayer_lowered:
.L_overlay_start_2:
0x44a: {  	(tag) =	ssettag $0x2  }
0x44b: {  	s0 =	rddreg [dreg:$0x0];
	s2 =	stileid.u32  }
0x44c: {  	s1 =	rddreg [dreg:$0x1];
	p0 =	sne.s32 s2, $0x0  }
0x44d: {  	s3 =	rddreg [dreg:$0x2];
	[bflag:$0x3] =	sbarrier.arrive $0xFFFF;
	s2 =	simm.s32 @!p0 $0x1C0B  }
0x44e: {  	[timem:s3], [sflag:s2] =	dma.local @!p0 [hbm:s0], s1  }
0x44f: {  	s0 =	simm.s32 @!p0 $0xB  }
0x450: {  	_ =	swait.ge @!p0 [sflag:s0], s1  }
0x451: {  	s1 =	ssub.s32 @!p0 $0x0, s1;
	[sflag:s0] =	ssyncset.done @!p0 $0x0  }
0x452: {  	[sflag:s0] =	ssyncadd.s32 @!p0 s1  }
0x453: {  	[bflag:$0x3] =	sbarrier.arrive $0xFFFF  }
0x454: {  	_ =	shalt  }

</sc_bundles>
